<compile_context>
chip_gen: v7x
topology: tpu7x:2x2x1
jax: 0.10.2.dev20260603
libtpu: 0.0.44.dev20260713+nightly
codegen_flags: <defaults>
</compile_context>

<pallas_src>
import jax
import jax.numpy as jnp
from jax import lax
from jax.experimental import pallas as pl
from jax.experimental.pallas import tpu as pltpu
from jax.experimental.pallas import tpu_sc as plsc

B = 64
D = H = W = 64
OC = 2
NC = 2
NS = 16
NW = NC * NS
DW = D // NW
PH = DW * H
L = 16
GP = W // L
BC = 2
PR = 16

BT = 38
BS = B - BT
NCHUNK = BS // BC

DB = 8
ND = D // DB


def _sc_body(x_hbm, m_hbm, w_hbm, out_hbm,
             m_v, w0_v, w1_v, xa_v, xb_v, part_v, sema, semb):
    cid = lax.axis_index("c")
    sid = lax.axis_index("s")
    wid = sid * NC + cid
    ds = wid * DW

    pltpu.sync_copy(m_hbm.at[0, 0, pl.ds(ds, DW), :, :], m_v)
    pltpu.sync_copy(w_hbm.at[0, 0, pl.ds(ds, DW), :, :], w0_v)
    pltpu.sync_copy(w_hbm.at[1, 0, pl.ds(ds, DW), :, :], w1_v)

    def fold(ph, _):
        p = ph // H
        h = lax.rem(ph, H)
        for g in range(GP):
            sl = pl.ds(g * L, L)
            mv = m_v[p, h, sl]
            w0_v[p, h, sl] = w0_v[p, h, sl] * mv
            w1_v[p, h, sl] = w1_v[p, h, sl] * mv
        return 0

    lax.fori_loop(0, PH, fold, 0, unroll=2)

    bufs = (xa_v, xb_v)
    sems = (sema, semb)

    def start(c):
        pltpu.async_copy(
            x_hbm.at[pl.ds(BT + c * BC, BC), 0, pl.ds(ds, DW), :, :],
            bufs[c % 2], sems[c % 2])

    start(0)
    for c in range(NCHUNK):
        x_v = bufs[c % 2]
        pltpu.make_async_copy(
            x_hbm.at[pl.ds(BT + c * BC, BC), 0, pl.ds(ds, DW), :, :],
            x_v, sems[c % 2]).wait()
        if c + 1 < NCHUNK:
            start(c + 1)

        def row(ph, accs):
            p = ph // H
            h = lax.rem(ph, H)
            accs = list(accs)
            for g in range(GP):
                sl = pl.ds(g * L, L)
                w0v = w0_v[p, h, sl]
                w1v = w1_v[p, h, sl]
                for b in range(BC):
                    xv = x_v[b, p, h, sl]
                    xg = jnp.where(jnp.abs(xv) > 1e-8, xv, 0.0)
                    accs[2 * b] = accs[2 * b] + xg * w0v
                    accs[2 * b + 1] = accs[2 * b + 1] + xg * w1v
            return tuple(accs)

        z = jnp.zeros((L,), jnp.float32)
        accs = lax.fori_loop(0, PH, row, (z,) * (2 * BC))
        for b in range(BC):
            for o in range(OC):
                s = (c * BC + b) * OC + o
                part_v[s // 8, pl.ds((s % 8) * L, L)] = accs[2 * b + o]

    pltpu.sync_copy(part_v, out_hbm.at[wid])


def _combine_body(p_ref, b_ref, out_ref):
    t = jnp.sum(p_ref[...], axis=0)
    t = t.reshape(B * OC, L)
    out_ref[...] = jnp.sum(t, axis=1)[None, :] + b_ref[...]


def _tc_body(x_ref, m_ref, w_ref, b_ref, out_ref):
    d = pl.program_id(0)
    xv = x_ref[...]
    xg = jnp.where(jnp.abs(xv) > 1e-8, xv, 0.0) * m_ref[...]
    s0 = jnp.sum(xg * w_ref[0:1], axis=(1, 2, 3, 4))
    s1 = jnp.sum(xg * w_ref[1:2], axis=(1, 2, 3, 4))
    part = jnp.concatenate([s0[:, None], s1[:, None]], axis=1)

    @pl.when(d == 0)
    def _init():
        out_ref[...] = part + b_ref[...]

    @pl.when(d != 0)
    def _acc():
        out_ref[...] += part


def kernel(x, mask, weight, bias):
    mesh = plsc.VectorSubcoreMesh(core_axis_name="c", subcore_axis_name="s")
    partial = pl.kernel(
        _sc_body,
        out_type=jax.ShapeDtypeStruct((NW, PR, 128), jnp.float32),
        mesh=mesh,
        scratch_types=[
            pltpu.VMEM((DW, H, W), jnp.float32),
            pltpu.VMEM((DW, H, W), jnp.float32),
            pltpu.VMEM((DW, H, W), jnp.float32),
            pltpu.VMEM((BC, DW, H, W), jnp.float32),
            pltpu.VMEM((BC, DW, H, W), jnp.float32),
            pltpu.VMEM((PR, 128), jnp.float32),
            pltpu.SemaphoreType.DMA,
            pltpu.SemaphoreType.DMA,
        ],
        compiler_params=pltpu.CompilerParams(use_tc_tiling_on_sc=True),
    )(x, mask, weight)

    b2 = bias.reshape(1, OC)
    tc_out = pl.pallas_call(
        _tc_body,
        grid=(ND,),
        in_specs=[
            pl.BlockSpec((BT, 1, DB, H, W), lambda d: (0, 0, d, 0, 0)),
            pl.BlockSpec((1, 1, DB, H, W), lambda d: (0, 0, d, 0, 0)),
            pl.BlockSpec((OC, 1, DB, H, W), lambda d: (0, 0, d, 0, 0)),
            pl.BlockSpec((1, OC), lambda d: (0, 0)),
        ],
        out_specs=pl.BlockSpec((BT, OC), lambda d: (0, 0)),
        out_shape=jax.ShapeDtypeStruct((BT, OC), jnp.float32),
        compiler_params=pltpu.CompilerParams(
            dimension_semantics=("arbitrary",)),
    )(x, mask, weight, b2)

    bias_t = jnp.tile(bias, B).reshape(1, B * OC)
    sc_out = pl.pallas_call(
        _combine_body,
        out_shape=jax.ShapeDtypeStruct((1, B * OC), jnp.float32),
    )(partial, bias_t)
    return jnp.concatenate([tc_out, sc_out.reshape(B, OC)[:BS]], axis=0)

# --- scband reference (transcript-rebuilt; emitter-appended) ---
"""Pipeline reference for scband-optimized-classify-module-47270410059924 (READ-ONLY COPY).

The authoritative reference and input builder live on the scoring server;
editing this copy changes nothing except your own understanding.
"""

import jax, jax.numpy as jnp
import numpy as np

B = 64
D = H = W = 64
OC = 2

def setup_inputs(seed: int = 0) -> dict:
    key = jax.random.key(seed)
    k1, k2 = jax.random.split(key)
    x = jax.random.normal(k1, (B, 1, D, H, W), dtype=jnp.float32)
    mask = jnp.ones((1, 1, D, H, W), dtype=jnp.float32)
    weight = jax.random.normal(k2, (OC, 1, D, H, W), dtype=jnp.float32) * 0.01
    bias = jnp.zeros((OC,), dtype=jnp.float32)
    return {"x": x, "mask": mask, "weight": weight, "bias": bias}

def reference(x, mask, weight, bias):
    # Faithful to SparseConv3dFunction.forward: positions where (|x| > 1e-8) AND mask != 0
    # contribute x_value * weight[:, 0, d, h, w]; everything else contributes 0.
    # mask is 0/1, so multiplying by mask reproduces the gating exactly.
    gate = (jnp.abs(x) > 1e-8).astype(x.dtype)
    eff = x * mask * gate  # (B, 1, D, H, W)
    # output[b, c, 0, 0, 0] = sum_{d,h,w} eff[b, 0, d, h, w] * weight[c, 0, d, h, w]
    out = jnp.einsum('bcdhw,ocdhw->bo', eff, weight) + bias[None, :]
    # conv_output shape (B, OC, 1, 1, 1); nn.Flatten gives (B, OC)
    return out

if __name__ == "__main__":
    import jax
    _d = setup_inputs()
    print(jax.jit(kernel)(*tuple(_d.values())))

</pallas_src>

<mosaic_0001>
#map = affine_map<(d0, d1) -> (0, 0, 0, 0, 0)>
#map1 = affine_map<(d0, d1) -> (0, 0, 0)>
module attributes {stable_mosaic.version = 14 : i64} {
  func.func @_sc_body(%arg0: i32, %arg1: i32, %arg2: memref<64x1x64x64x64xf32, #tpu.memory_space<hbm>>, %arg3: memref<1x1x64x64x64xf32, #tpu.memory_space<hbm>>, %arg4: memref<2x1x64x64x64xf32, #tpu.memory_space<hbm>>, %arg5: memref<32x16x128xf32, #tpu.memory_space<hbm>>, %arg6: memref<2x64x64xf32, #tpu.memory_space<vmem>>, %arg7: memref<2x64x64xf32, #tpu.memory_space<vmem>>, %arg8: memref<2x64x64xf32, #tpu.memory_space<vmem>>, %arg9: memref<2x2x64x64xf32, #tpu.memory_space<vmem>>, %arg10: memref<2x2x64x64xf32, #tpu.memory_space<vmem>>, %arg11: memref<16x128xf32, #tpu.memory_space<vmem>>, %arg12: memref<!tpu.dma_semaphore, #tpu.memory_space<semaphore_mem>>, %arg13: memref<!tpu.dma_semaphore, #tpu.memory_space<semaphore_mem>>) attributes {dimension_semantics = [#tpu.dimension_semantics<core_parallel>, #tpu.dimension_semantics<subcore_parallel>], iteration_bounds = array<i64: 2, 16>, scalar_prefetch = 0 : i64, scratch_operands = 8 : i64, tpu.core_type = #tpu.core_type<sc_vector_subcore>, window_params = [{transform_indices = #map}, {transform_indices = #map}, {transform_indices = #map}, {transform_indices = #map1}]} {
    %mul3A = arith.constant 2 : i32
    %mul3A_0 = arith.muli %arg1, %mul3A : i32
    %add3A = arith.addi %mul3A_0, %arg0 : i32
    %mul3A_1 = arith.constant 2 : i32
    %mul3A_2 = arith.muli %add3A, %mul3A_1 : i32
    %run_scoped3A = arith.constant 0 : i32
    %run_scoped3A_3 = arith.constant 0 : i32
    "tpu.region"() ({
      %run_scoped3A_712 = tpu.sem_alloc : memref<!tpu.dma_semaphore, #tpu.memory_space<semaphore_mem>>
      %dma_start3A_713 = arith.constant 0 : i32
      %dma_start3A_714 = arith.constant 0 : i32
      %dma_start3A_715 = tpu.memref_slice %arg3[%run_scoped3A, %run_scoped3A_3, %mul3A_2, %dma_start3A_713, %dma_start3A_714] : memref<1x1x64x64x64xf32, #tpu.memory_space<hbm>> -> memref<1x1x2x64x64xf32, #tpu.memory_space<hbm>>
      %dma_start3A_716 = tpu.memref_squeeze %dma_start3A_715 : memref<1x1x2x64x64xf32, #tpu.memory_space<hbm>> -> memref<2x64x64xf32, #tpu.memory_space<hbm>>
      %dma_start3A_717 = arith.constant 0 : i32
      %dma_start3A_718 = arith.constant 0 : i32
      %dma_start3A_719 = tpu.memref_slice %arg3[%run_scoped3A, %run_scoped3A_3, %mul3A_2, %dma_start3A_717, %dma_start3A_718] : memref<1x1x64x64x64xf32, #tpu.memory_space<hbm>> -> memref<1x1x2x64x64xf32, #tpu.memory_space<hbm>>
      %dma_start3A_720 = tpu.memref_squeeze %dma_start3A_719 : memref<1x1x2x64x64xf32, #tpu.memory_space<hbm>> -> memref<2x64x64xf32, #tpu.memory_space<hbm>>
      tpu.enqueue_dma source(%dma_start3A_720 : memref<2x64x64xf32, #tpu.memory_space<hbm>>) target(%arg6 : memref<2x64x64xf32, #tpu.memory_space<vmem>>) target_semaphore(%run_scoped3A_712 : memref<!tpu.dma_semaphore, #tpu.memory_space<semaphore_mem>>)
      %dma_wait3A_721 = arith.constant 0 : i32
      %dma_wait3A_722 = arith.constant 0 : i32
      %dma_wait3A_723 = tpu.memref_slice %arg3[%run_scoped3A, %run_scoped3A_3, %mul3A_2, %dma_wait3A_721, %dma_wait3A_722] : memref<1x1x64x64x64xf32, #tpu.memory_space<hbm>> -> memref<1x1x2x64x64xf32, #tpu.memory_space<hbm>>
      %dma_wait3A_724 = tpu.memref_squeeze %dma_wait3A_723 : memref<1x1x2x64x64xf32, #tpu.memory_space<hbm>> -> memref<2x64x64xf32, #tpu.memory_space<hbm>>
      %dma_wait3A_725 = arith.constant 0 : i32
      %dma_wait3A_726 = arith.constant 0 : i32
      %dma_wait3A_727 = tpu.memref_slice %arg3[%run_scoped3A, %run_scoped3A_3, %mul3A_2, %dma_wait3A_725, %dma_wait3A_726] : memref<1x1x64x64x64xf32, #tpu.memory_space<hbm>> -> memref<1x1x2x64x64xf32, #tpu.memory_space<hbm>>
      %dma_wait3A_728 = tpu.memref_squeeze %dma_wait3A_727 : memref<1x1x2x64x64xf32, #tpu.memory_space<hbm>> -> memref<2x64x64xf32, #tpu.memory_space<hbm>>
      tpu.wait_dma2 semaphore(%run_scoped3A_712 : memref<!tpu.dma_semaphore, #tpu.memory_space<semaphore_mem>>) src(%dma_wait3A_728 : memref<2x64x64xf32, #tpu.memory_space<hbm>>) dst(%arg6 : memref<2x64x64xf32, #tpu.memory_space<vmem>>)
      tpu.yield
    }) : () -> ()
    %run_scoped3A_4 = arith.constant 0 : i32
    %run_scoped3A_5 = arith.constant 0 : i32
    "tpu.region"() ({
      %run_scoped3A_712 = tpu.sem_alloc : memref<!tpu.dma_semaphore, #tpu.memory_space<semaphore_mem>>
      %dma_start3A_713 = arith.constant 0 : i32
      %dma_start3A_714 = arith.constant 0 : i32
      %dma_start3A_715 = tpu.memref_slice %arg4[%run_scoped3A_4, %run_scoped3A_5, %mul3A_2, %dma_start3A_713, %dma_start3A_714] : memref<2x1x64x64x64xf32, #tpu.memory_space<hbm>> -> memref<1x1x2x64x64xf32, #tpu.memory_space<hbm>>
      %dma_start3A_716 = tpu.memref_squeeze %dma_start3A_715 : memref<1x1x2x64x64xf32, #tpu.memory_space<hbm>> -> memref<2x64x64xf32, #tpu.memory_space<hbm>>
      %dma_start3A_717 = arith.constant 0 : i32
      %dma_start3A_718 = arith.constant 0 : i32
      %dma_start3A_719 = tpu.memref_slice %arg4[%run_scoped3A_4, %run_scoped3A_5, %mul3A_2, %dma_start3A_717, %dma_start3A_718] : memref<2x1x64x64x64xf32, #tpu.memory_space<hbm>> -> memref<1x1x2x64x64xf32, #tpu.memory_space<hbm>>
      %dma_start3A_720 = tpu.memref_squeeze %dma_start3A_719 : memref<1x1x2x64x64xf32, #tpu.memory_space<hbm>> -> memref<2x64x64xf32, #tpu.memory_space<hbm>>
      tpu.enqueue_dma source(%dma_start3A_720 : memref<2x64x64xf32, #tpu.memory_space<hbm>>) target(%arg7 : memref<2x64x64xf32, #tpu.memory_space<vmem>>) target_semaphore(%run_scoped3A_712 : memref<!tpu.dma_semaphore, #tpu.memory_space<semaphore_mem>>)
      %dma_wait3A_721 = arith.constant 0 : i32
      %dma_wait3A_722 = arith.constant 0 : i32
      %dma_wait3A_723 = tpu.memref_slice %arg4[%run_scoped3A_4, %run_scoped3A_5, %mul3A_2, %dma_wait3A_721, %dma_wait3A_722] : memref<2x1x64x64x64xf32, #tpu.memory_space<hbm>> -> memref<1x1x2x64x64xf32, #tpu.memory_space<hbm>>
      %dma_wait3A_724 = tpu.memref_squeeze %dma_wait3A_723 : memref<1x1x2x64x64xf32, #tpu.memory_space<hbm>> -> memref<2x64x64xf32, #tpu.memory_space<hbm>>
      %dma_wait3A_725 = arith.constant 0 : i32
      %dma_wait3A_726 = arith.constant 0 : i32
      %dma_wait3A_727 = tpu.memref_slice %arg4[%run_scoped3A_4, %run_scoped3A_5, %mul3A_2, %dma_wait3A_725, %dma_wait3A_726] : memref<2x1x64x64x64xf32, #tpu.memory_space<hbm>> -> memref<1x1x2x64x64xf32, #tpu.memory_space<hbm>>
      %dma_wait3A_728 = tpu.memref_squeeze %dma_wait3A_727 : memref<1x1x2x64x64xf32, #tpu.memory_space<hbm>> -> memref<2x64x64xf32, #tpu.memory_space<hbm>>
      tpu.wait_dma2 semaphore(%run_scoped3A_712 : memref<!tpu.dma_semaphore, #tpu.memory_space<semaphore_mem>>) src(%dma_wait3A_728 : memref<2x64x64xf32, #tpu.memory_space<hbm>>) dst(%arg7 : memref<2x64x64xf32, #tpu.memory_space<vmem>>)
      tpu.yield
    }) : () -> ()
    %run_scoped3A_6 = arith.constant 1 : i32
    %run_scoped3A_7 = arith.constant 0 : i32
    "tpu.region"() ({
      %run_scoped3A_712 = tpu.sem_alloc : memref<!tpu.dma_semaphore, #tpu.memory_space<semaphore_mem>>
      %dma_start3A_713 = arith.constant 0 : i32
      %dma_start3A_714 = arith.constant 0 : i32
      %dma_start3A_715 = tpu.memref_slice %arg4[%run_scoped3A_6, %run_scoped3A_7, %mul3A_2, %dma_start3A_713, %dma_start3A_714] : memref<2x1x64x64x64xf32, #tpu.memory_space<hbm>> -> memref<1x1x2x64x64xf32, #tpu.memory_space<hbm>>
      %dma_start3A_716 = tpu.memref_squeeze %dma_start3A_715 : memref<1x1x2x64x64xf32, #tpu.memory_space<hbm>> -> memref<2x64x64xf32, #tpu.memory_space<hbm>>
      %dma_start3A_717 = arith.constant 0 : i32
      %dma_start3A_718 = arith.constant 0 : i32
      %dma_start3A_719 = tpu.memref_slice %arg4[%run_scoped3A_6, %run_scoped3A_7, %mul3A_2, %dma_start3A_717, %dma_start3A_718] : memref<2x1x64x64x64xf32, #tpu.memory_space<hbm>> -> memref<1x1x2x64x64xf32, #tpu.memory_space<hbm>>
      %dma_start3A_720 = tpu.memref_squeeze %dma_start3A_719 : memref<1x1x2x64x64xf32, #tpu.memory_space<hbm>> -> memref<2x64x64xf32, #tpu.memory_space<hbm>>
      tpu.enqueue_dma source(%dma_start3A_720 : memref<2x64x64xf32, #tpu.memory_space<hbm>>) target(%arg8 : memref<2x64x64xf32, #tpu.memory_space<vmem>>) target_semaphore(%run_scoped3A_712 : memref<!tpu.dma_semaphore, #tpu.memory_space<semaphore_mem>>)
      %dma_wait3A_721 = arith.constant 0 : i32
      %dma_wait3A_722 = arith.constant 0 : i32
      %dma_wait3A_723 = tpu.memref_slice %arg4[%run_scoped3A_6, %run_scoped3A_7, %mul3A_2, %dma_wait3A_721, %dma_wait3A_722] : memref<2x1x64x64x64xf32, #tpu.memory_space<hbm>> -> memref<1x1x2x64x64xf32, #tpu.memory_space<hbm>>
      %dma_wait3A_724 = tpu.memref_squeeze %dma_wait3A_723 : memref<1x1x2x64x64xf32, #tpu.memory_space<hbm>> -> memref<2x64x64xf32, #tpu.memory_space<hbm>>
      %dma_wait3A_725 = arith.constant 0 : i32
      %dma_wait3A_726 = arith.constant 0 : i32
      %dma_wait3A_727 = tpu.memref_slice %arg4[%run_scoped3A_6, %run_scoped3A_7, %mul3A_2, %dma_wait3A_725, %dma_wait3A_726] : memref<2x1x64x64x64xf32, #tpu.memory_space<hbm>> -> memref<1x1x2x64x64xf32, #tpu.memory_space<hbm>>
      %dma_wait3A_728 = tpu.memref_squeeze %dma_wait3A_727 : memref<1x1x2x64x64xf32, #tpu.memory_space<hbm>> -> memref<2x64x64xf32, #tpu.memory_space<hbm>>
      tpu.wait_dma2 semaphore(%run_scoped3A_712 : memref<!tpu.dma_semaphore, #tpu.memory_space<semaphore_mem>>) src(%dma_wait3A_728 : memref<2x64x64xf32, #tpu.memory_space<hbm>>) dst(%arg8 : memref<2x64x64xf32, #tpu.memory_space<vmem>>)
      tpu.yield
    }) : () -> ()
    %scan3A = arith.constant 0 : i32
    %scan3A_8 = arith.constant 0 : i32
    %scan3A_9 = arith.constant 128 : i32
    %scan3A_10 = arith.addi %scan3A_8, %scan3A_9 : i32
    %scan3A_11 = arith.constant 2 : i32
    %scan3A_12 = scf.for %scan3A_712 = %scan3A_8 to %scan3A_10 step %scan3A_11 iter_args(%scan3A_713 = %scan3A) -> (i32)  : i32 {
      %jit3A = arith.constant 64 : i32
      %div3A = arith.divsi %scan3A_712, %jit3A : i32
      %sign3A = arith.constant 0 : i32
      %sign3A_714 = arith.cmpi sgt, %scan3A_712, %sign3A : i32
      %sign3A_715 = arith.extui %sign3A_714 : i1 to i32
      %sign3A_716 = arith.constant 0 : i32
      %sign3A_717 = arith.cmpi slt, %scan3A_712, %sign3A_716 : i32
      %sign3A_718 = arith.extui %sign3A_717 : i1 to i32
      %sign3A_719 = arith.subi %sign3A_715, %sign3A_718 : i32
      %sign3A_720 = arith.constant 0 : i32
      %sign3A_721 = arith.cmpi sgt, %jit3A, %sign3A_720 : i32
      %sign3A_722 = arith.extui %sign3A_721 : i1 to i32
      %sign3A_723 = arith.constant 0 : i32
      %sign3A_724 = arith.cmpi slt, %jit3A, %sign3A_723 : i32
      %sign3A_725 = arith.extui %sign3A_724 : i1 to i32
      %sign3A_726 = arith.subi %sign3A_722, %sign3A_725 : i32
      %ne3A = arith.cmpi ne, %sign3A_719, %sign3A_726 : i32
      %rem3A = arith.remsi %scan3A_712, %jit3A : i32
      %ne3A_727 = arith.constant 0 : i32
      %ne3A_728 = arith.cmpi ne, %rem3A, %ne3A_727 : i32
      %and3A = arith.andi %ne3A, %ne3A_728 : i1
      %sub3A = arith.constant 1 : i32
      %sub3A_729 = arith.subi %div3A, %sub3A : i32
      %select_n3A = arith.select %and3A, %sub3A_729, %div3A : i32
      %rem3A_730 = arith.constant 64 : i32
      %rem3A_731 = arith.remsi %scan3A_712, %rem3A_730 : i32
      %get3A = arith.index_cast %select_n3A : i32 to index
      %get3A_732 = arith.index_cast %rem3A_731 : i32 to index
      %get3A_733 = arith.constant 0 : index
      %get3A_734 = tpu.vector_load %arg6[%get3A, %get3A_732, %get3A_733] {strides = array<i32>} : memref<2x64x64xf32, #tpu.memory_space<vmem>>, vector<1x1x16xf32>,
      %get3A_735 = vector.shape_cast %get3A_734 : vector<1x1x16xf32> to vector<16xf32>
      %get3A_736 = arith.index_cast %select_n3A : i32 to index
      %get3A_737 = arith.index_cast %rem3A_731 : i32 to index
      %get3A_738 = arith.constant 0 : index
      %get3A_739 = tpu.vector_load %arg7[%get3A_736, %get3A_737, %get3A_738] {strides = array<i32>} : memref<2x64x64xf32, #tpu.memory_space<vmem>>, vector<1x1x16xf32>,
      %get3A_740 = vector.shape_cast %get3A_739 : vector<1x1x16xf32> to vector<16xf32>
      %mul3A_741 = arith.mulf %get3A_740, %get3A_735 : vector<16xf32>
      %swap3A_742 = arith.index_cast %select_n3A : i32 to index
      %swap3A_743 = arith.index_cast %rem3A_731 : i32 to index
      %swap3A_744 = arith.constant 0 : index
      %swap3A_745 = tpu.vector_load %arg7[%swap3A_742, %swap3A_743, %swap3A_744] {strides = array<i32>} : memref<2x64x64xf32, #tpu.memory_space<vmem>>, vector<1x1x16xf32>,
      %swap3A_746 = vector.shape_cast %swap3A_745 : vector<1x1x16xf32> to vector<16xf32>
      %swap3A_747 = vector.shape_cast %mul3A_741 : vector<16xf32> to vector<1x1x16xf32>
      tpu.vector_store %arg7[%swap3A_742, %swap3A_743, %swap3A_744], %swap3A_747 {strides = array<i32>} : memref<2x64x64xf32, #tpu.memory_space<vmem>>, vector<1x1x16xf32>,
      %get3A_748 = arith.index_cast %select_n3A : i32 to index
      %get3A_749 = arith.index_cast %rem3A_731 : i32 to index
      %get3A_750 = arith.constant 0 : index
      %get3A_751 = tpu.vector_load %arg8[%get3A_748, %get3A_749, %get3A_750] {strides = array<i32>} : memref<2x64x64xf32, #tpu.memory_space<vmem>>, vector<1x1x16xf32>,
      %get3A_752 = vector.shape_cast %get3A_751 : vector<1x1x16xf32> to vector<16xf32>
      %mul3A_753 = arith.mulf %get3A_752, %get3A_735 : vector<16xf32>
      %swap3A_754 = arith.index_cast %select_n3A : i32 to index
      %swap3A_755 = arith.index_cast %rem3A_731 : i32 to index
      %swap3A_756 = arith.constant 0 : index
      %swap3A_757 = tpu.vector_load %arg8[%swap3A_754, %swap3A_755, %swap3A_756] {strides = array<i32>} : memref<2x64x64xf32, #tpu.memory_space<vmem>>, vector<1x1x16xf32>,
      %swap3A_758 = vector.shape_cast %swap3A_757 : vector<1x1x16xf32> to vector<16xf32>
      %swap3A_759 = vector.shape_cast %mul3A_753 : vector<16xf32> to vector<1x1x16xf32>
      tpu.vector_store %arg8[%swap3A_754, %swap3A_755, %swap3A_756], %swap3A_759 {strides = array<i32>} : memref<2x64x64xf32, #tpu.memory_space<vmem>>, vector<1x1x16xf32>,
      %get3A_760 = arith.index_cast %select_n3A : i32 to index
      %get3A_761 = arith.index_cast %rem3A_731 : i32 to index
      %get3A_762 = arith.constant 16 : index
      %get3A_763 = tpu.vector_load %arg6[%get3A_760, %get3A_761, %get3A_762] {strides = array<i32>} : memref<2x64x64xf32, #tpu.memory_space<vmem>>, vector<1x1x16xf32>,
      %get3A_764 = vector.shape_cast %get3A_763 : vector<1x1x16xf32> to vector<16xf32>
      %get3A_765 = arith.index_cast %select_n3A : i32 to index
      %get3A_766 = arith.index_cast %rem3A_731 : i32 to index
      %get3A_767 = arith.constant 16 : index
      %get3A_768 = tpu.vector_load %arg7[%get3A_765, %get3A_766, %get3A_767] {strides = array<i32>} : memref<2x64x64xf32, #tpu.memory_space<vmem>>, vector<1x1x16xf32>,
      %get3A_769 = vector.shape_cast %get3A_768 : vector<1x1x16xf32> to vector<16xf32>
      %mul3A_770 = arith.mulf %get3A_769, %get3A_764 : vector<16xf32>
      %swap3A_771 = arith.index_cast %select_n3A : i32 to index
      %swap3A_772 = arith.index_cast %rem3A_731 : i32 to index
      %swap3A_773 = arith.constant 16 : index
      %swap3A_774 = tpu.vector_load %arg7[%swap3A_771, %swap3A_772, %swap3A_773] {strides = array<i32>} : memref<2x64x64xf32, #tpu.memory_space<vmem>>, vector<1x1x16xf32>,
      %swap3A_775 = vector.shape_cast %swap3A_774 : vector<1x1x16xf32> to vector<16xf32>
      %swap3A_776 = vector.shape_cast %mul3A_770 : vector<16xf32> to vector<1x1x16xf32>
      tpu.vector_store %arg7[%swap3A_771, %swap3A_772, %swap3A_773], %swap3A_776 {strides = array<i32>} : memref<2x64x64xf32, #tpu.memory_space<vmem>>, vector<1x1x16xf32>,
      %get3A_777 = arith.index_cast %select_n3A : i32 to index
      %get3A_778 = arith.index_cast %rem3A_731 : i32 to index
      %get3A_779 = arith.constant 16 : index
      %get3A_780 = tpu.vector_load %arg8[%get3A_777, %get3A_778, %get3A_779] {strides = array<i32>} : memref<2x64x64xf32, #tpu.memory_space<vmem>>, vector<1x1x16xf32>,
      %get3A_781 = vector.shape_cast %get3A_780 : vector<1x1x16xf32> to vector<16xf32>
      %mul3A_782 = arith.mulf %get3A_781, %get3A_764 : vector<16xf32>
      %swap3A_783 = arith.index_cast %select_n3A : i32 to index
      %swap3A_784 = arith.index_cast %rem3A_731 : i32 to index
      %swap3A_785 = arith.constant 16 : index
      %swap3A_786 = tpu.vector_load %arg8[%swap3A_783, %swap3A_784, %swap3A_785] {strides = array<i32>} : memref<2x64x64xf32, #tpu.memory_space<vmem>>, vector<1x1x16xf32>,
      %swap3A_787 = vector.shape_cast %swap3A_786 : vector<1x1x16xf32> to vector<16xf32>
      %swap3A_788 = vector.shape_cast %mul3A_782 : vector<16xf32> to vector<1x1x16xf32>
      tpu.vector_store %arg8[%swap3A_783, %swap3A_784, %swap3A_785], %swap3A_788 {strides = array<i32>} : memref<2x64x64xf32, #tpu.memory_space<vmem>>, vector<1x1x16xf32>,
      %get3A_789 = arith.index_cast %select_n3A : i32 to index
      %get3A_790 = arith.index_cast %rem3A_731 : i32 to index
      %get3A_791 = arith.constant 32 : index
      %get3A_792 = tpu.vector_load %arg6[%get3A_789, %get3A_790, %get3A_791] {strides = array<i32>} : memref<2x64x64xf32, #tpu.memory_space<vmem>>, vector<1x1x16xf32>,
      %get3A_793 = vector.shape_cast %get3A_792 : vector<1x1x16xf32> to vector<16xf32>
      %get3A_794 = arith.index_cast %select_n3A : i32 to index
      %get3A_795 = arith.index_cast %rem3A_731 : i32 to index
      %get3A_796 = arith.constant 32 : index
      %get3A_797 = tpu.vector_load %arg7[%get3A_794, %get3A_795, %get3A_796] {strides = array<i32>} : memref<2x64x64xf32, #tpu.memory_space<vmem>>, vector<1x1x16xf32>,
      %get3A_798 = vector.shape_cast %get3A_797 : vector<1x1x16xf32> to vector<16xf32>
      %mul3A_799 = arith.mulf %get3A_798, %get3A_793 : vector<16xf32>
      %swap3A_800 = arith.index_cast %select_n3A : i32 to index
      %swap3A_801 = arith.index_cast %rem3A_731 : i32 to index
      %swap3A_802 = arith.constant 32 : index
      %swap3A_803 = tpu.vector_load %arg7[%swap3A_800, %swap3A_801, %swap3A_802] {strides = array<i32>} : memref<2x64x64xf32, #tpu.memory_space<vmem>>, vector<1x1x16xf32>,
      %swap3A_804 = vector.shape_cast %swap3A_803 : vector<1x1x16xf32> to vector<16xf32>
      %swap3A_805 = vector.shape_cast %mul3A_799 : vector<16xf32> to vector<1x1x16xf32>
      tpu.vector_store %arg7[%swap3A_800, %swap3A_801, %swap3A_802], %swap3A_805 {strides = array<i32>} : memref<2x64x64xf32, #tpu.memory_space<vmem>>, vector<1x1x16xf32>,
      %get3A_806 = arith.index_cast %select_n3A : i32 to index
      %get3A_807 = arith.index_cast %rem3A_731 : i32 to index
      %get3A_808 = arith.constant 32 : index
      %get3A_809 = tpu.vector_load %arg8[%get3A_806, %get3A_807, %get3A_808] {strides = array<i32>} : memref<2x64x64xf32, #tpu.memory_space<vmem>>, vector<1x1x16xf32>,
      %get3A_810 = vector.shape_cast %get3A_809 : vector<1x1x16xf32> to vector<16xf32>
      %mul3A_811 = arith.mulf %get3A_810, %get3A_793 : vector<16xf32>
      %swap3A_812 = arith.index_cast %select_n3A : i32 to index
      %swap3A_813 = arith.index_cast %rem3A_731 : i32 to index
      %swap3A_814 = arith.constant 32 : index
      %swap3A_815 = tpu.vector_load %arg8[%swap3A_812, %swap3A_813, %swap3A_814] {strides = array<i32>} : memref<2x64x64xf32, #tpu.memory_space<vmem>>, vector<1x1x16xf32>,
      %swap3A_816 = vector.shape_cast %swap3A_815 : vector<1x1x16xf32> to vector<16xf32>
      %swap3A_817 = vector.shape_cast %mul3A_811 : vector<16xf32> to vector<1x1x16xf32>
      tpu.vector_store %arg8[%swap3A_812, %swap3A_813, %swap3A_814], %swap3A_817 {strides = array<i32>} : memref<2x64x64xf32, #tpu.memory_space<vmem>>, vector<1x1x16xf32>,
      %get3A_818 = arith.index_cast %select_n3A : i32 to index
      %get3A_819 = arith.index_cast %rem3A_731 : i32 to index
      %get3A_820 = arith.constant 48 : index
      %get3A_821 = tpu.vector_load %arg6[%get3A_818, %get3A_819, %get3A_820] {strides = array<i32>} : memref<2x64x64xf32, #tpu.memory_space<vmem>>, vector<1x1x16xf32>,
      %get3A_822 = vector.shape_cast %get3A_821 : vector<1x1x16xf32> to vector<16xf32>
      %get3A_823 = arith.index_cast %select_n3A : i32 to index
      %get3A_824 = arith.index_cast %rem3A_731 : i32 to index
      %get3A_825 = arith.constant 48 : index
      %get3A_826 = tpu.vector_load %arg7[%get3A_823, %get3A_824, %get3A_825] {strides = array<i32>} : memref<2x64x64xf32, #tpu.memory_space<vmem>>, vector<1x1x16xf32>,
      %get3A_827 = vector.shape_cast %get3A_826 : vector<1x1x16xf32> to vector<16xf32>
      %mul3A_828 = arith.mulf %get3A_827, %get3A_822 : vector<16xf32>
      %swap3A_829 = arith.index_cast %select_n3A : i32 to index
      %swap3A_830 = arith.index_cast %rem3A_731 : i32 to index
      %swap3A_831 = arith.constant 48 : index
      %swap3A_832 = tpu.vector_load %arg7[%swap3A_829, %swap3A_830, %swap3A_831] {strides = array<i32>} : memref<2x64x64xf32, #tpu.memory_space<vmem>>, vector<1x1x16xf32>,
      %swap3A_833 = vector.shape_cast %swap3A_832 : vector<1x1x16xf32> to vector<16xf32>
      %swap3A_834 = vector.shape_cast %mul3A_828 : vector<16xf32> to vector<1x1x16xf32>
      tpu.vector_store %arg7[%swap3A_829, %swap3A_830, %swap3A_831], %swap3A_834 {strides = array<i32>} : memref<2x64x64xf32, #tpu.memory_space<vmem>>, vector<1x1x16xf32>,
      %get3A_835 = arith.index_cast %select_n3A : i32 to index
      %get3A_836 = arith.index_cast %rem3A_731 : i32 to index
      %get3A_837 = arith.constant 48 : index
      %get3A_838 = tpu.vector_load %arg8[%get3A_835, %get3A_836, %get3A_837] {strides = array<i32>} : memref<2x64x64xf32, #tpu.memory_space<vmem>>, vector<1x1x16xf32>,
      %get3A_839 = vector.shape_cast %get3A_838 : vector<1x1x16xf32> to vector<16xf32>
      %mul3A_840 = arith.mulf %get3A_839, %get3A_822 : vector<16xf32>
      %swap3A_841 = arith.index_cast %select_n3A : i32 to index
      %swap3A_842 = arith.index_cast %rem3A_731 : i32 to index
      %swap3A_843 = arith.constant 48 : index
      %swap3A_844 = tpu.vector_load %arg8[%swap3A_841, %swap3A_842, %swap3A_843] {strides = array<i32>} : memref<2x64x64xf32, #tpu.memory_space<vmem>>, vector<1x1x16xf32>,
      %swap3A_845 = vector.shape_cast %swap3A_844 : vector<1x1x16xf32> to vector<16xf32>
      %swap3A_846 = vector.shape_cast %mul3A_840 : vector<16xf32> to vector<1x1x16xf32>
      tpu.vector_store %arg8[%swap3A_841, %swap3A_842, %swap3A_843], %swap3A_846 {strides = array<i32>} : memref<2x64x64xf32, #tpu.memory_space<vmem>>, vector<1x1x16xf32>,
      %scan3A_847 = arith.constant 0 : i32
      %scan3A_848 = arith.constant 1 : i32
      %scan3A_849 = arith.addi %scan3A_712, %scan3A_848 : i32
      %jit3A_850 = arith.constant 64 : i32
      %div3A_851 = arith.divsi %scan3A_849, %jit3A_850 : i32
      %sign3A_852 = arith.constant 0 : i32
      %sign3A_853 = arith.cmpi sgt, %scan3A_849, %sign3A_852 : i32
      %sign3A_854 = arith.extui %sign3A_853 : i1 to i32
      %sign3A_855 = arith.constant 0 : i32
      %sign3A_856 = arith.cmpi slt, %scan3A_849, %sign3A_855 : i32
      %sign3A_857 = arith.extui %sign3A_856 : i1 to i32
      %sign3A_858 = arith.subi %sign3A_854, %sign3A_857 : i32
      %sign3A_859 = arith.constant 0 : i32
      %sign3A_860 = arith.cmpi sgt, %jit3A_850, %sign3A_859 : i32
      %sign3A_861 = arith.extui %sign3A_860 : i1 to i32
      %sign3A_862 = arith.constant 0 : i32
      %sign3A_863 = arith.cmpi slt, %jit3A_850, %sign3A_862 : i32
      %sign3A_864 = arith.extui %sign3A_863 : i1 to i32
      %sign3A_865 = arith.subi %sign3A_861, %sign3A_864 : i32
      %ne3A_866 = arith.cmpi ne, %sign3A_858, %sign3A_865 : i32
      %rem3A_867 = arith.remsi %scan3A_849, %jit3A_850 : i32
      %ne3A_868 = arith.constant 0 : i32
      %ne3A_869 = arith.cmpi ne, %rem3A_867, %ne3A_868 : i32
      %and3A_870 = arith.andi %ne3A_866, %ne3A_869 : i1
      %sub3A_871 = arith.constant 1 : i32
      %sub3A_872 = arith.subi %div3A_851, %sub3A_871 : i32
      %select_n3A_873 = arith.select %and3A_870, %sub3A_872, %div3A_851 : i32
      %rem3A_874 = arith.constant 64 : i32
      %rem3A_875 = arith.remsi %scan3A_849, %rem3A_874 : i32
      %get3A_876 = arith.index_cast %select_n3A_873 : i32 to index
      %get3A_877 = arith.index_cast %rem3A_875 : i32 to index
      %get3A_878 = arith.constant 0 : index
      %get3A_879 = tpu.vector_load %arg6[%get3A_876, %get3A_877, %get3A_878] {strides = array<i32>} : memref<2x64x64xf32, #tpu.memory_space<vmem>>, vector<1x1x16xf32>,
      %get3A_880 = vector.shape_cast %get3A_879 : vector<1x1x16xf32> to vector<16xf32>
      %get3A_881 = arith.index_cast %select_n3A_873 : i32 to index
      %get3A_882 = arith.index_cast %rem3A_875 : i32 to index
      %get3A_883 = arith.constant 0 : index
      %get3A_884 = tpu.vector_load %arg7[%get3A_881, %get3A_882, %get3A_883] {strides = array<i32>} : memref<2x64x64xf32, #tpu.memory_space<vmem>>, vector<1x1x16xf32>,
      %get3A_885 = vector.shape_cast %get3A_884 : vector<1x1x16xf32> to vector<16xf32>
      %mul3A_886 = arith.mulf %get3A_885, %get3A_880 : vector<16xf32>
      %swap3A_887 = arith.index_cast %select_n3A_873 : i32 to index
      %swap3A_888 = arith.index_cast %rem3A_875 : i32 to index
      %swap3A_889 = arith.constant 0 : index
      %swap3A_890 = tpu.vector_load %arg7[%swap3A_887, %swap3A_888, %swap3A_889] {strides = array<i32>} : memref<2x64x64xf32, #tpu.memory_space<vmem>>, vector<1x1x16xf32>,
      %swap3A_891 = vector.shape_cast %swap3A_890 : vector<1x1x16xf32> to vector<16xf32>
      %swap3A_892 = vector.shape_cast %mul3A_886 : vector<16xf32> to vector<1x1x16xf32>
      tpu.vector_store %arg7[%swap3A_887, %swap3A_888, %swap3A_889], %swap3A_892 {strides = array<i32>} : memref<2x64x64xf32, #tpu.memory_space<vmem>>, vector<1x1x16xf32>,
      %get3A_893 = arith.index_cast %select_n3A_873 : i32 to index
      %get3A_894 = arith.index_cast %rem3A_875 : i32 to index
      %get3A_895 = arith.constant 0 : index
      %get3A_896 = tpu.vector_load %arg8[%get3A_893, %get3A_894, %get3A_895] {strides = array<i32>} : memref<2x64x64xf32, #tpu.memory_space<vmem>>, vector<1x1x16xf32>,
      %get3A_897 = vector.shape_cast %get3A_896 : vector<1x1x16xf32> to vector<16xf32>
      %mul3A_898 = arith.mulf %get3A_897, %get3A_880 : vector<16xf32>
      %swap3A_899 = arith.index_cast %select_n3A_873 : i32 to index
      %swap3A_900 = arith.index_cast %rem3A_875 : i32 to index
      %swap3A_901 = arith.constant 0 : index
      %swap3A_902 = tpu.vector_load %arg8[%swap3A_899, %swap3A_900, %swap3A_901] {strides = array<i32>} : memref<2x64x64xf32, #tpu.memory_space<vmem>>, vector<1x1x16xf32>,
      %swap3A_903 = vector.shape_cast %swap3A_902 : vector<1x1x16xf32> to vector<16xf32>
      %swap3A_904 = vector.shape_cast %mul3A_898 : vector<16xf32> to vector<1x1x16xf32>
      tpu.vector_store %arg8[%swap3A_899, %swap3A_900, %swap3A_901], %swap3A_904 {strides = array<i32>} : memref<2x64x64xf32, #tpu.memory_space<vmem>>, vector<1x1x16xf32>,
      %get3A_905 = arith.index_cast %select_n3A_873 : i32 to index
      %get3A_906 = arith.index_cast %rem3A_875 : i32 to index
      %get3A_907 = arith.constant 16 : index
      %get3A_908 = tpu.vector_load %arg6[%get3A_905, %get3A_906, %get3A_907] {strides = array<i32>} : memref<2x64x64xf32, #tpu.memory_space<vmem>>, vector<1x1x16xf32>,
      %get3A_909 = vector.shape_cast %get3A_908 : vector<1x1x16xf32> to vector<16xf32>
      %get3A_910 = arith.index_cast %select_n3A_873 : i32 to index
      %get3A_911 = arith.index_cast %rem3A_875 : i32 to index
      %get3A_912 = arith.constant 16 : index
      %get3A_913 = tpu.vector_load %arg7[%get3A_910, %get3A_911, %get3A_912] {strides = array<i32>} : memref<2x64x64xf32, #tpu.memory_space<vmem>>, vector<1x1x16xf32>,
      %get3A_914 = vector.shape_cast %get3A_913 : vector<1x1x16xf32> to vector<16xf32>
      %mul3A_915 = arith.mulf %get3A_914, %get3A_909 : vector<16xf32>
      %swap3A_916 = arith.index_cast %select_n3A_873 : i32 to index
      %swap3A_917 = arith.index_cast %rem3A_875 : i32 to index
      %swap3A_918 = arith.constant 16 : index
      %swap3A_919 = tpu.vector_load %arg7[%swap3A_916, %swap3A_917, %swap3A_918] {strides = array<i32>} : memref<2x64x64xf32, #tpu.memory_space<vmem>>, vector<1x1x16xf32>,
      %swap3A_920 = vector.shape_cast %swap3A_919 : vector<1x1x16xf32> to vector<16xf32>
      %swap3A_921 = vector.shape_cast %mul3A_915 : vector<16xf32> to vector<1x1x16xf32>
      tpu.vector_store %arg7[%swap3A_916, %swap3A_917, %swap3A_918], %swap3A_921 {strides = array<i32>} : memref<2x64x64xf32, #tpu.memory_space<vmem>>, vector<1x1x16xf32>,
      %get3A_922 = arith.index_cast %select_n3A_873 : i32 to index
      %get3A_923 = arith.index_cast %rem3A_875 : i32 to index
      %get3A_924 = arith.constant 16 : index
      %get3A_925 = tpu.vector_load %arg8[%get3A_922, %get3A_923, %get3A_924] {strides = array<i32>} : memref<2x64x64xf32, #tpu.memory_space<vmem>>, vector<1x1x16xf32>,
      %get3A_926 = vector.shape_cast %get3A_925 : vector<1x1x16xf32> to vector<16xf32>
      %mul3A_927 = arith.mulf %get3A_926, %get3A_909 : vector<16xf32>
      %swap3A_928 = arith.index_cast %select_n3A_873 : i32 to index
      %swap3A_929 = arith.index_cast %rem3A_875 : i32 to index
      %swap3A_930 = arith.constant 16 : index
      %swap3A_931 = tpu.vector_load %arg8[%swap3A_928, %swap3A_929, %swap3A_930] {strides = array<i32>} : memref<2x64x64xf32, #tpu.memory_space<vmem>>, vector<1x1x16xf32>,
      %swap3A_932 = vector.shape_cast %swap3A_931 : vector<1x1x16xf32> to vector<16xf32>
      %swap3A_933 = vector.shape_cast %mul3A_927 : vector<16xf32> to vector<1x1x16xf32>
      tpu.vector_store %arg8[%swap3A_928, %swap3A_929, %swap3A_930], %swap3A_933 {strides = array<i32>} : memref<2x64x64xf32, #tpu.memory_space<vmem>>, vector<1x1x16xf32>,
      %get3A_934 = arith.index_cast %select_n3A_873 : i32 to index
      %get3A_935 = arith.index_cast %rem3A_875 : i32 to index
      %get3A_936 = arith.constant 32 : index
      %get3A_937 = tpu.vector_load %arg6[%get3A_934, %get3A_935, %get3A_936] {strides = array<i32>} : memref<2x64x64xf32, #tpu.memory_space<vmem>>, vector<1x1x16xf32>,
      %get3A_938 = vector.shape_cast %get3A_937 : vector<1x1x16xf32> to vector<16xf32>
      %get3A_939 = arith.index_cast %select_n3A_873 : i32 to index
      %get3A_940 = arith.index_cast %rem3A_875 : i32 to index
      %get3A_941 = arith.constant 32 : index
      %get3A_942 = tpu.vector_load %arg7[%get3A_939, %get3A_940, %get3A_941] {strides = array<i32>} : memref<2x64x64xf32, #tpu.memory_space<vmem>>, vector<1x1x16xf32>,
      %get3A_943 = vector.shape_cast %get3A_942 : vector<1x1x16xf32> to vector<16xf32>
      %mul3A_944 = arith.mulf %get3A_943, %get3A_938 : vector<16xf32>
      %swap3A_945 = arith.index_cast %select_n3A_873 : i32 to index
      %swap3A_946 = arith.index_cast %rem3A_875 : i32 to index
      %swap3A_947 = arith.constant 32 : index
      %swap3A_948 = tpu.vector_load %arg7[%swap3A_945, %swap3A_946, %swap3A_947] {strides = array<i32>} : memref<2x64x64xf32, #tpu.memory_space<vmem>>, vector<1x1x16xf32>,
      %swap3A_949 = vector.shape_cast %swap3A_948 : vector<1x1x16xf32> to vector<16xf32>
      %swap3A_950 = vector.shape_cast %mul3A_944 : vector<16xf32> to vector<1x1x16xf32>
      tpu.vector_store %arg7[%swap3A_945, %swap3A_946, %swap3A_947], %swap3A_950 {strides = array<i32>} : memref<2x64x64xf32, #tpu.memory_space<vmem>>, vector<1x1x16xf32>,
      %get3A_951 = arith.index_cast %select_n3A_873 : i32 to index
      %get3A_952 = arith.index_cast %rem3A_875 : i32 to index
      %get3A_953 = arith.constant 32 : index
      %get3A_954 = tpu.vector_load %arg8[%get3A_951, %get3A_952, %get3A_953] {strides = array<i32>} : memref<2x64x64xf32, #tpu.memory_space<vmem>>, vector<1x1x16xf32>,
      %get3A_955 = vector.shape_cast %get3A_954 : vector<1x1x16xf32> to vector<16xf32>
      %mul3A_956 = arith.mulf %get3A_955, %get3A_938 : vector<16xf32>
      %swap3A_957 = arith.index_cast %select_n3A_873 : i32 to index
      %swap3A_958 = arith.index_cast %rem3A_875 : i32 to index
      %swap3A_959 = arith.constant 32 : index
      %swap3A_960 = tpu.vector_load %arg8[%swap3A_957, %swap3A_958, %swap3A_959] {strides = array<i32>} : memref<2x64x64xf32, #tpu.memory_space<vmem>>, vector<1x1x16xf32>,
      %swap3A_961 = vector.shape_cast %swap3A_960 : vector<1x1x16xf32> to vector<16xf32>
      %swap3A_962 = vector.shape_cast %mul3A_956 : vector<16xf32> to vector<1x1x16xf32>
      tpu.vector_store %arg8[%swap3A_957, %swap3A_958, %swap3A_959], %swap3A_962 {strides = array<i32>} : memref<2x64x64xf32, #tpu.memory_space<vmem>>, vector<1x1x16xf32>,
      %get3A_963 = arith.index_cast %select_n3A_873 : i32 to index
      %get3A_964 = arith.index_cast %rem3A_875 : i32 to index
      %get3A_965 = arith.constant 48 : index
      %get3A_966 = tpu.vector_load %arg6[%get3A_963, %get3A_964, %get3A_965] {strides = array<i32>} : memref<2x64x64xf32, #tpu.memory_space<vmem>>, vector<1x1x16xf32>,
      %get3A_967 = vector.shape_cast %get3A_966 : vector<1x1x16xf32> to vector<16xf32>
      %get3A_968 = arith.index_cast %select_n3A_873 : i32 to index
      %get3A_969 = arith.index_cast %rem3A_875 : i32 to index
      %get3A_970 = arith.constant 48 : index
      %get3A_971 = tpu.vector_load %arg7[%get3A_968, %get3A_969, %get3A_970] {strides = array<i32>} : memref<2x64x64xf32, #tpu.memory_space<vmem>>, vector<1x1x16xf32>,
      %get3A_972 = vector.shape_cast %get3A_971 : vector<1x1x16xf32> to vector<16xf32>
      %mul3A_973 = arith.mulf %get3A_972, %get3A_967 : vector<16xf32>
      %swap3A_974 = arith.index_cast %select_n3A_873 : i32 to index
      %swap3A_975 = arith.index_cast %rem3A_875 : i32 to index
      %swap3A_976 = arith.constant 48 : index
      %swap3A_977 = tpu.vector_load %arg7[%swap3A_974, %swap3A_975, %swap3A_976] {strides = array<i32>} : memref<2x64x64xf32, #tpu.memory_space<vmem>>, vector<1x1x16xf32>,
      %swap3A_978 = vector.shape_cast %swap3A_977 : vector<1x1x16xf32> to vector<16xf32>
      %swap3A_979 = vector.shape_cast %mul3A_973 : vector<16xf32> to vector<1x1x16xf32>
      tpu.vector_store %arg7[%swap3A_974, %swap3A_975, %swap3A_976], %swap3A_979 {strides = array<i32>} : memref<2x64x64xf32, #tpu.memory_space<vmem>>, vector<1x1x16xf32>,
      %get3A_980 = arith.index_cast %select_n3A_873 : i32 to index
      %get3A_981 = arith.index_cast %rem3A_875 : i32 to index
      %get3A_982 = arith.constant 48 : index
      %get3A_983 = tpu.vector_load %arg8[%get3A_980, %get3A_981, %get3A_982] {strides = array<i32>} : memref<2x64x64xf32, #tpu.memory_space<vmem>>, vector<1x1x16xf32>,
      %get3A_984 = vector.shape_cast %get3A_983 : vector<1x1x16xf32> to vector<16xf32>
      %mul3A_985 = arith.mulf %get3A_984, %get3A_967 : vector<16xf32>
      %swap3A_986 = arith.index_cast %select_n3A_873 : i32 to index
      %swap3A_987 = arith.index_cast %rem3A_875 : i32 to index
      %swap3A_988 = arith.constant 48 : index
      %swap3A_989 = tpu.vector_load %arg8[%swap3A_986, %swap3A_987, %swap3A_988] {strides = array<i32>} : memref<2x64x64xf32, #tpu.memory_space<vmem>>, vector<1x1x16xf32>,
      %swap3A_990 = vector.shape_cast %swap3A_989 : vector<1x1x16xf32> to vector<16xf32>
      %swap3A_991 = vector.shape_cast %mul3A_985 : vector<16xf32> to vector<1x1x16xf32>
      tpu.vector_store %arg8[%swap3A_986, %swap3A_987, %swap3A_988], %swap3A_991 {strides = array<i32>} : memref<2x64x64xf32, #tpu.memory_space<vmem>>, vector<1x1x16xf32>,
      %scan3A_992 = arith.constant 0 : i32
      scf.yield %scan3A_992 : i32
    }
    %scan3A_13 = arith.constant 128 : i32
    %dma_start3A = arith.constant 0 : i32
    %dma_start3A_14 = arith.constant 38 : i32
    %dma_start3A_15 = arith.constant 0 : i32
    %dma_start3A_16 = arith.constant 0 : i32
    %dma_start3A_17 = tpu.memref_slice %arg2[%dma_start3A_14, %dma_start3A, %mul3A_2, %dma_start3A_15, %dma_start3A_16] : memref<64x1x64x64x64xf32, #tpu.memory_space<hbm>> -> memref<2x1x2x64x64xf32, #tpu.memory_space<hbm>>
    %dma_start3A_18 = tpu.memref_squeeze %dma_start3A_17 : memref<2x1x2x64x64xf32, #tpu.memory_space<hbm>> -> memref<2x2x64x64xf32, #tpu.memory_space<hbm>>
    %dma_start3A_19 = arith.constant 38 : i32
    %dma_start3A_20 = arith.constant 0 : i32
    %dma_start3A_21 = arith.constant 0 : i32
    %dma_start3A_22 = tpu.memref_slice %arg2[%dma_start3A_19, %dma_start3A, %mul3A_2, %dma_start3A_20, %dma_start3A_21] : memref<64x1x64x64x64xf32, #tpu.memory_space<hbm>> -> memref<2x1x2x64x64xf32, #tpu.memory_space<hbm>>
    %dma_start3A_23 = tpu.memref_squeeze %dma_start3A_22 : memref<2x1x2x64x64xf32, #tpu.memory_space<hbm>> -> memref<2x2x64x64xf32, #tpu.memory_space<hbm>>
    tpu.enqueue_dma source(%dma_start3A_23 : memref<2x2x64x64xf32, #tpu.memory_space<hbm>>) target(%arg9 : memref<2x2x64x64xf32, #tpu.memory_space<vmem>>) target_semaphore(%arg12 : memref<!tpu.dma_semaphore, #tpu.memory_space<semaphore_mem>>)
    %dma_wait3A = arith.constant 0 : i32
    %dma_wait3A_24 = arith.constant 38 : i32
    %dma_wait3A_25 = arith.constant 0 : i32
    %dma_wait3A_26 = arith.constant 0 : i32
    %dma_wait3A_27 = tpu.memref_slice %arg2[%dma_wait3A_24, %dma_wait3A, %mul3A_2, %dma_wait3A_25, %dma_wait3A_26] : memref<64x1x64x64x64xf32, #tpu.memory_space<hbm>> -> memref<2x1x2x64x64xf32, #tpu.memory_space<hbm>>
    %dma_wait3A_28 = tpu.memref_squeeze %dma_wait3A_27 : memref<2x1x2x64x64xf32, #tpu.memory_space<hbm>> -> memref<2x2x64x64xf32, #tpu.memory_space<hbm>>
    %dma_wait3A_29 = arith.constant 38 : i32
    %dma_wait3A_30 = arith.constant 0 : i32
    %dma_wait3A_31 = arith.constant 0 : i32
    %dma_wait3A_32 = tpu.memref_slice %arg2[%dma_wait3A_29, %dma_wait3A, %mul3A_2, %dma_wait3A_30, %dma_wait3A_31] : memref<64x1x64x64x64xf32, #tpu.memory_space<hbm>> -> memref<2x1x2x64x64xf32, #tpu.memory_space<hbm>>
    %dma_wait3A_33 = tpu.memref_squeeze %dma_wait3A_32 : memref<2x1x2x64x64xf32, #tpu.memory_space<hbm>> -> memref<2x2x64x64xf32, #tpu.memory_space<hbm>>
    tpu.wait_dma2 semaphore(%arg12 : memref<!tpu.dma_semaphore, #tpu.memory_space<semaphore_mem>>) src(%dma_wait3A_33 : memref<2x2x64x64xf32, #tpu.memory_space<hbm>>) dst(%arg9 : memref<2x2x64x64xf32, #tpu.memory_space<vmem>>)
    %dma_start3A_34 = arith.constant 0 : i32
    %dma_start3A_35 = arith.constant 40 : i32
    %dma_start3A_36 = arith.constant 0 : i32
    %dma_start3A_37 = arith.constant 0 : i32
    %dma_start3A_38 = tpu.memref_slice %arg2[%dma_start3A_35, %dma_start3A_34, %mul3A_2, %dma_start3A_36, %dma_start3A_37] : memref<64x1x64x64x64xf32, #tpu.memory_space<hbm>> -> memref<2x1x2x64x64xf32, #tpu.memory_space<hbm>>
    %dma_start3A_39 = tpu.memref_squeeze %dma_start3A_38 : memref<2x1x2x64x64xf32, #tpu.memory_space<hbm>> -> memref<2x2x64x64xf32, #tpu.memory_space<hbm>>
    %dma_start3A_40 = arith.constant 40 : i32
    %dma_start3A_41 = arith.constant 0 : i32
    %dma_start3A_42 = arith.constant 0 : i32
    %dma_start3A_43 = tpu.memref_slice %arg2[%dma_start3A_40, %dma_start3A_34, %mul3A_2, %dma_start3A_41, %dma_start3A_42] : memref<64x1x64x64x64xf32, #tpu.memory_space<hbm>> -> memref<2x1x2x64x64xf32, #tpu.memory_space<hbm>>
    %dma_start3A_44 = tpu.memref_squeeze %dma_start3A_43 : memref<2x1x2x64x64xf32, #tpu.memory_space<hbm>> -> memref<2x2x64x64xf32, #tpu.memory_space<hbm>>
    tpu.enqueue_dma source(%dma_start3A_44 : memref<2x2x64x64xf32, #tpu.memory_space<hbm>>) target(%arg10 : memref<2x2x64x64xf32, #tpu.memory_space<vmem>>) target_semaphore(%arg13 : memref<!tpu.dma_semaphore, #tpu.memory_space<semaphore_mem>>)
    %broadcast_in_dim3A = arith.constant 0.000000e+00 : f32
    %broadcast_in_dim3A_45 = vector.broadcast %broadcast_in_dim3A : f32 to vector<16xf32>
    %scan3A_46 = arith.constant 0 : i32
    %scan3A_47 = arith.constant 128 : i32
    %scan3A_48 = arith.addi %scan3A_46, %scan3A_47 : i32
    %scan3A_49 = arith.constant 1 : i32
    %scan3A_50:4 = scf.for %scan3A_712 = %scan3A_46 to %scan3A_48 step %scan3A_49 iter_args(%scan3A_713 = %broadcast_in_dim3A_45, %scan3A_714 = %broadcast_in_dim3A_45, %scan3A_715 = %broadcast_in_dim3A_45, %scan3A_716 = %broadcast_in_dim3A_45) -> (vector<16xf32>, vector<16xf32>, vector<16xf32>, vector<16xf32>)  : i32 {
      %jit3A = arith.constant 64 : i32
      %div3A = arith.divsi %scan3A_712, %jit3A : i32
      %sign3A = arith.constant 0 : i32
      %sign3A_717 = arith.cmpi sgt, %scan3A_712, %sign3A : i32
      %sign3A_718 = arith.extui %sign3A_717 : i1 to i32
      %sign3A_719 = arith.constant 0 : i32
      %sign3A_720 = arith.cmpi slt, %scan3A_712, %sign3A_719 : i32
      %sign3A_721 = arith.extui %sign3A_720 : i1 to i32
      %sign3A_722 = arith.subi %sign3A_718, %sign3A_721 : i32
      %sign3A_723 = arith.constant 0 : i32
      %sign3A_724 = arith.cmpi sgt, %jit3A, %sign3A_723 : i32
      %sign3A_725 = arith.extui %sign3A_724 : i1 to i32
      %sign3A_726 = arith.constant 0 : i32
      %sign3A_727 = arith.cmpi slt, %jit3A, %sign3A_726 : i32
      %sign3A_728 = arith.extui %sign3A_727 : i1 to i32
      %sign3A_729 = arith.subi %sign3A_725, %sign3A_728 : i32
      %ne3A = arith.cmpi ne, %sign3A_722, %sign3A_729 : i32
      %rem3A = arith.remsi %scan3A_712, %jit3A : i32
      %ne3A_730 = arith.constant 0 : i32
      %ne3A_731 = arith.cmpi ne, %rem3A, %ne3A_730 : i32
      %and3A = arith.andi %ne3A, %ne3A_731 : i1
      %sub3A = arith.constant 1 : i32
      %sub3A_732 = arith.subi %div3A, %sub3A : i32
      %select_n3A = arith.select %and3A, %sub3A_732, %div3A : i32
      %rem3A_733 = arith.constant 64 : i32
      %rem3A_734 = arith.remsi %scan3A_712, %rem3A_733 : i32
      %get3A = arith.index_cast %select_n3A : i32 to index
      %get3A_735 = arith.index_cast %rem3A_734 : i32 to index
      %get3A_736 = arith.constant 0 : index
      %get3A_737 = tpu.vector_load %arg7[%get3A, %get3A_735, %get3A_736] {strides = array<i32>} : memref<2x64x64xf32, #tpu.memory_space<vmem>>, vector<1x1x16xf32>,
      %get3A_738 = vector.shape_cast %get3A_737 : vector<1x1x16xf32> to vector<16xf32>
      %get3A_739 = arith.index_cast %select_n3A : i32 to index
      %get3A_740 = arith.index_cast %rem3A_734 : i32 to index
      %get3A_741 = arith.constant 0 : index
      %get3A_742 = tpu.vector_load %arg8[%get3A_739, %get3A_740, %get3A_741] {strides = array<i32>} : memref<2x64x64xf32, #tpu.memory_space<vmem>>, vector<1x1x16xf32>,
      %get3A_743 = vector.shape_cast %get3A_742 : vector<1x1x16xf32> to vector<16xf32>
      %get3A_744 = arith.constant 0 : i32
      %get3A_745 = arith.index_cast %get3A_744 : i32 to index
      %get3A_746 = arith.index_cast %select_n3A : i32 to index
      %get3A_747 = arith.index_cast %rem3A_734 : i32 to index
      %get3A_748 = arith.constant 0 : index
      %get3A_749 = tpu.vector_load %arg9[%get3A_745, %get3A_746, %get3A_747, %get3A_748] {strides = array<i32>} : memref<2x2x64x64xf32, #tpu.memory_space<vmem>>, vector<1x1x1x16xf32>,
      %get3A_750 = vector.shape_cast %get3A_749 : vector<1x1x1x16xf32> to vector<16xf32>
      %abs3A = math.absf %get3A_750 : vector<16xf32>
      %gt3A = arith.constant 9.99999993E-9 : f32
      %gt3A_751 = vector.broadcast %gt3A : f32 to vector<16xf32>
      %gt3A_752 = arith.cmpf ogt, %abs3A, %gt3A_751 : vector<16xf32>
      %jit3A_753 = arith.constant 0.000000e+00 : f32
      %broadcast_in_dim3A_754 = vector.broadcast %jit3A_753 : f32 to vector<16xf32>
      %select_n3A_755 = arith.select %gt3A_752, %get3A_750, %broadcast_in_dim3A_754 : vector<16xi1>, vector<16xf32>
      %mul3A_756 = arith.mulf %select_n3A_755, %get3A_738 : vector<16xf32>
      %add3A_757 = arith.addf %scan3A_713, %mul3A_756 : vector<16xf32>
      %mul3A_758 = arith.mulf %select_n3A_755, %get3A_743 : vector<16xf32>
      %add3A_759 = arith.addf %scan3A_714, %mul3A_758 : vector<16xf32>
      %get3A_760 = arith.constant 1 : i32
      %get3A_761 = arith.index_cast %get3A_760 : i32 to index
      %get3A_762 = arith.index_cast %select_n3A : i32 to index
      %get3A_763 = arith.index_cast %rem3A_734 : i32 to index
      %get3A_764 = arith.constant 0 : index
      %get3A_765 = tpu.vector_load %arg9[%get3A_761, %get3A_762, %get3A_763, %get3A_764] {strides = array<i32>} : memref<2x2x64x64xf32, #tpu.memory_space<vmem>>, vector<1x1x1x16xf32>,
      %get3A_766 = vector.shape_cast %get3A_765 : vector<1x1x1x16xf32> to vector<16xf32>
      %abs3A_767 = math.absf %get3A_766 : vector<16xf32>
      %gt3A_768 = arith.constant 9.99999993E-9 : f32
      %gt3A_769 = vector.broadcast %gt3A_768 : f32 to vector<16xf32>
      %gt3A_770 = arith.cmpf ogt, %abs3A_767, %gt3A_769 : vector<16xf32>
      %jit3A_771 = arith.constant 0.000000e+00 : f32
      %broadcast_in_dim3A_772 = vector.broadcast %jit3A_771 : f32 to vector<16xf32>
      %select_n3A_773 = arith.select %gt3A_770, %get3A_766, %broadcast_in_dim3A_772 : vector<16xi1>, vector<16xf32>
      %mul3A_774 = arith.mulf %select_n3A_773, %get3A_738 : vector<16xf32>
      %add3A_775 = arith.addf %scan3A_715, %mul3A_774 : vector<16xf32>
      %mul3A_776 = arith.mulf %select_n3A_773, %get3A_743 : vector<16xf32>
      %add3A_777 = arith.addf %scan3A_716, %mul3A_776 : vector<16xf32>
      %get3A_778 = arith.index_cast %select_n3A : i32 to index
      %get3A_779 = arith.index_cast %rem3A_734 : i32 to index
      %get3A_780 = arith.constant 16 : index
      %get3A_781 = tpu.vector_load %arg7[%get3A_778, %get3A_779, %get3A_780] {strides = array<i32>} : memref<2x64x64xf32, #tpu.memory_space<vmem>>, vector<1x1x16xf32>,
      %get3A_782 = vector.shape_cast %get3A_781 : vector<1x1x16xf32> to vector<16xf32>
      %get3A_783 = arith.index_cast %select_n3A : i32 to index
      %get3A_784 = arith.index_cast %rem3A_734 : i32 to index
      %get3A_785 = arith.constant 16 : index
      %get3A_786 = tpu.vector_load %arg8[%get3A_783, %get3A_784, %get3A_785] {strides = array<i32>} : memref<2x64x64xf32, #tpu.memory_space<vmem>>, vector<1x1x16xf32>,
      %get3A_787 = vector.shape_cast %get3A_786 : vector<1x1x16xf32> to vector<16xf32>
      %get3A_788 = arith.constant 0 : i32
      %get3A_789 = arith.index_cast %get3A_788 : i32 to index
      %get3A_790 = arith.index_cast %select_n3A : i32 to index
      %get3A_791 = arith.index_cast %rem3A_734 : i32 to index
      %get3A_792 = arith.constant 16 : index
      %get3A_793 = tpu.vector_load %arg9[%get3A_789, %get3A_790, %get3A_791, %get3A_792] {strides = array<i32>} : memref<2x2x64x64xf32, #tpu.memory_space<vmem>>, vector<1x1x1x16xf32>,
      %get3A_794 = vector.shape_cast %get3A_793 : vector<1x1x1x16xf32> to vector<16xf32>
      %abs3A_795 = math.absf %get3A_794 : vector<16xf32>
      %gt3A_796 = arith.constant 9.99999993E-9 : f32
      %gt3A_797 = vector.broadcast %gt3A_796 : f32 to vector<16xf32>
      %gt3A_798 = arith.cmpf ogt, %abs3A_795, %gt3A_797 : vector<16xf32>
      %jit3A_799 = arith.constant 0.000000e+00 : f32
      %broadcast_in_dim3A_800 = vector.broadcast %jit3A_799 : f32 to vector<16xf32>
      %select_n3A_801 = arith.select %gt3A_798, %get3A_794, %broadcast_in_dim3A_800 : vector<16xi1>, vector<16xf32>
      %mul3A_802 = arith.mulf %select_n3A_801, %get3A_782 : vector<16xf32>
      %add3A_803 = arith.addf %add3A_757, %mul3A_802 : vector<16xf32>
      %mul3A_804 = arith.mulf %select_n3A_801, %get3A_787 : vector<16xf32>
      %add3A_805 = arith.addf %add3A_759, %mul3A_804 : vector<16xf32>
      %get3A_806 = arith.constant 1 : i32
      %get3A_807 = arith.index_cast %get3A_806 : i32 to index
      %get3A_808 = arith.index_cast %select_n3A : i32 to index
      %get3A_809 = arith.index_cast %rem3A_734 : i32 to index
      %get3A_810 = arith.constant 16 : index
      %get3A_811 = tpu.vector_load %arg9[%get3A_807, %get3A_808, %get3A_809, %get3A_810] {strides = array<i32>} : memref<2x2x64x64xf32, #tpu.memory_space<vmem>>, vector<1x1x1x16xf32>,
      %get3A_812 = vector.shape_cast %get3A_811 : vector<1x1x1x16xf32> to vector<16xf32>
      %abs3A_813 = math.absf %get3A_812 : vector<16xf32>
      %gt3A_814 = arith.constant 9.99999993E-9 : f32
      %gt3A_815 = vector.broadcast %gt3A_814 : f32 to vector<16xf32>
      %gt3A_816 = arith.cmpf ogt, %abs3A_813, %gt3A_815 : vector<16xf32>
      %jit3A_817 = arith.constant 0.000000e+00 : f32
      %broadcast_in_dim3A_818 = vector.broadcast %jit3A_817 : f32 to vector<16xf32>
      %select_n3A_819 = arith.select %gt3A_816, %get3A_812, %broadcast_in_dim3A_818 : vector<16xi1>, vector<16xf32>
      %mul3A_820 = arith.mulf %select_n3A_819, %get3A_782 : vector<16xf32>
      %add3A_821 = arith.addf %add3A_775, %mul3A_820 : vector<16xf32>
      %mul3A_822 = arith.mulf %select_n3A_819, %get3A_787 : vector<16xf32>
      %add3A_823 = arith.addf %add3A_777, %mul3A_822 : vector<16xf32>
      %get3A_824 = arith.index_cast %select_n3A : i32 to index
      %get3A_825 = arith.index_cast %rem3A_734 : i32 to index
      %get3A_826 = arith.constant 32 : index
      %get3A_827 = tpu.vector_load %arg7[%get3A_824, %get3A_825, %get3A_826] {strides = array<i32>} : memref<2x64x64xf32, #tpu.memory_space<vmem>>, vector<1x1x16xf32>,
      %get3A_828 = vector.shape_cast %get3A_827 : vector<1x1x16xf32> to vector<16xf32>
      %get3A_829 = arith.index_cast %select_n3A : i32 to index
      %get3A_830 = arith.index_cast %rem3A_734 : i32 to index
      %get3A_831 = arith.constant 32 : index
      %get3A_832 = tpu.vector_load %arg8[%get3A_829, %get3A_830, %get3A_831] {strides = array<i32>} : memref<2x64x64xf32, #tpu.memory_space<vmem>>, vector<1x1x16xf32>,
      %get3A_833 = vector.shape_cast %get3A_832 : vector<1x1x16xf32> to vector<16xf32>
      %get3A_834 = arith.constant 0 : i32
      %get3A_835 = arith.index_cast %get3A_834 : i32 to index
      %get3A_836 = arith.index_cast %select_n3A : i32 to index
      %get3A_837 = arith.index_cast %rem3A_734 : i32 to index
      %get3A_838 = arith.constant 32 : index
      %get3A_839 = tpu.vector_load %arg9[%get3A_835, %get3A_836, %get3A_837, %get3A_838] {strides = array<i32>} : memref<2x2x64x64xf32, #tpu.memory_space<vmem>>, vector<1x1x1x16xf32>,
      %get3A_840 = vector.shape_cast %get3A_839 : vector<1x1x1x16xf32> to vector<16xf32>
      %abs3A_841 = math.absf %get3A_840 : vector<16xf32>
      %gt3A_842 = arith.constant 9.99999993E-9 : f32
      %gt3A_843 = vector.broadcast %gt3A_842 : f32 to vector<16xf32>
      %gt3A_844 = arith.cmpf ogt, %abs3A_841, %gt3A_843 : vector<16xf32>
      %jit3A_845 = arith.constant 0.000000e+00 : f32
      %broadcast_in_dim3A_846 = vector.broadcast %jit3A_845 : f32 to vector<16xf32>
      %select_n3A_847 = arith.select %gt3A_844, %get3A_840, %broadcast_in_dim3A_846 : vector<16xi1>, vector<16xf32>
      %mul3A_848 = arith.mulf %select_n3A_847, %get3A_828 : vector<16xf32>
      %add3A_849 = arith.addf %add3A_803, %mul3A_848 : vector<16xf32>
      %mul3A_850 = arith.mulf %select_n3A_847, %get3A_833 : vector<16xf32>
      %add3A_851 = arith.addf %add3A_805, %mul3A_850 : vector<16xf32>
      %get3A_852 = arith.constant 1 : i32
      %get3A_853 = arith.index_cast %get3A_852 : i32 to index
      %get3A_854 = arith.index_cast %select_n3A : i32 to index
      %get3A_855 = arith.index_cast %rem3A_734 : i32 to index
      %get3A_856 = arith.constant 32 : index
      %get3A_857 = tpu.vector_load %arg9[%get3A_853, %get3A_854, %get3A_855, %get3A_856] {strides = array<i32>} : memref<2x2x64x64xf32, #tpu.memory_space<vmem>>, vector<1x1x1x16xf32>,
      %get3A_858 = vector.shape_cast %get3A_857 : vector<1x1x1x16xf32> to vector<16xf32>
      %abs3A_859 = math.absf %get3A_858 : vector<16xf32>
      %gt3A_860 = arith.constant 9.99999993E-9 : f32
      %gt3A_861 = vector.broadcast %gt3A_860 : f32 to vector<16xf32>
      %gt3A_862 = arith.cmpf ogt, %abs3A_859, %gt3A_861 : vector<16xf32>
      %jit3A_863 = arith.constant 0.000000e+00 : f32
      %broadcast_in_dim3A_864 = vector.broadcast %jit3A_863 : f32 to vector<16xf32>
      %select_n3A_865 = arith.select %gt3A_862, %get3A_858, %broadcast_in_dim3A_864 : vector<16xi1>, vector<16xf32>
      %mul3A_866 = arith.mulf %select_n3A_865, %get3A_828 : vector<16xf32>
      %add3A_867 = arith.addf %add3A_821, %mul3A_866 : vector<16xf32>
      %mul3A_868 = arith.mulf %select_n3A_865, %get3A_833 : vector<16xf32>
      %add3A_869 = arith.addf %add3A_823, %mul3A_868 : vector<16xf32>
      %get3A_870 = arith.index_cast %select_n3A : i32 to index
      %get3A_871 = arith.index_cast %rem3A_734 : i32 to index
      %get3A_872 = arith.constant 48 : index
      %get3A_873 = tpu.vector_load %arg7[%get3A_870, %get3A_871, %get3A_872] {strides = array<i32>} : memref<2x64x64xf32, #tpu.memory_space<vmem>>, vector<1x1x16xf32>,
      %get3A_874 = vector.shape_cast %get3A_873 : vector<1x1x16xf32> to vector<16xf32>
      %get3A_875 = arith.index_cast %select_n3A : i32 to index
      %get3A_876 = arith.index_cast %rem3A_734 : i32 to index
      %get3A_877 = arith.constant 48 : index
      %get3A_878 = tpu.vector_load %arg8[%get3A_875, %get3A_876, %get3A_877] {strides = array<i32>} : memref<2x64x64xf32, #tpu.memory_space<vmem>>, vector<1x1x16xf32>,
      %get3A_879 = vector.shape_cast %get3A_878 : vector<1x1x16xf32> to vector<16xf32>
      %get3A_880 = arith.constant 0 : i32
      %get3A_881 = arith.index_cast %get3A_880 : i32 to index
      %get3A_882 = arith.index_cast %select_n3A : i32 to index
      %get3A_883 = arith.index_cast %rem3A_734 : i32 to index
      %get3A_884 = arith.constant 48 : index
      %get3A_885 = tpu.vector_load %arg9[%get3A_881, %get3A_882, %get3A_883, %get3A_884] {strides = array<i32>} : memref<2x2x64x64xf32, #tpu.memory_space<vmem>>, vector<1x1x1x16xf32>,
      %get3A_886 = vector.shape_cast %get3A_885 : vector<1x1x1x16xf32> to vector<16xf32>
      %abs3A_887 = math.absf %get3A_886 : vector<16xf32>
      %gt3A_888 = arith.constant 9.99999993E-9 : f32
      %gt3A_889 = vector.broadcast %gt3A_888 : f32 to vector<16xf32>
      %gt3A_890 = arith.cmpf ogt, %abs3A_887, %gt3A_889 : vector<16xf32>
      %jit3A_891 = arith.constant 0.000000e+00 : f32
      %broadcast_in_dim3A_892 = vector.broadcast %jit3A_891 : f32 to vector<16xf32>
      %select_n3A_893 = arith.select %gt3A_890, %get3A_886, %broadcast_in_dim3A_892 : vector<16xi1>, vector<16xf32>
      %mul3A_894 = arith.mulf %select_n3A_893, %get3A_874 : vector<16xf32>
      %add3A_895 = arith.addf %add3A_849, %mul3A_894 : vector<16xf32>
      %mul3A_896 = arith.mulf %select_n3A_893, %get3A_879 : vector<16xf32>
      %add3A_897 = arith.addf %add3A_851, %mul3A_896 : vector<16xf32>
      %get3A_898 = arith.constant 1 : i32
      %get3A_899 = arith.index_cast %get3A_898 : i32 to index
      %get3A_900 = arith.index_cast %select_n3A : i32 to index
      %get3A_901 = arith.index_cast %rem3A_734 : i32 to index
      %get3A_902 = arith.constant 48 : index
      %get3A_903 = tpu.vector_load %arg9[%get3A_899, %get3A_900, %get3A_901, %get3A_902] {strides = array<i32>} : memref<2x2x64x64xf32, #tpu.memory_space<vmem>>, vector<1x1x1x16xf32>,
      %get3A_904 = vector.shape_cast %get3A_903 : vector<1x1x1x16xf32> to vector<16xf32>
      %abs3A_905 = math.absf %get3A_904 : vector<16xf32>
      %gt3A_906 = arith.constant 9.99999993E-9 : f32
      %gt3A_907 = vector.broadcast %gt3A_906 : f32 to vector<16xf32>
      %gt3A_908 = arith.cmpf ogt, %abs3A_905, %gt3A_907 : vector<16xf32>
      %jit3A_909 = arith.constant 0.000000e+00 : f32
      %broadcast_in_dim3A_910 = vector.broadcast %jit3A_909 : f32 to vector<16xf32>
      %select_n3A_911 = arith.select %gt3A_908, %get3A_904, %broadcast_in_dim3A_910 : vector<16xi1>, vector<16xf32>
      %mul3A_912 = arith.mulf %select_n3A_911, %get3A_874 : vector<16xf32>
      %add3A_913 = arith.addf %add3A_867, %mul3A_912 : vector<16xf32>
      %mul3A_914 = arith.mulf %select_n3A_911, %get3A_879 : vector<16xf32>
      %add3A_915 = arith.addf %add3A_869, %mul3A_914 : vector<16xf32>
      scf.yield %add3A_895, %add3A_897, %add3A_913, %add3A_915 : vector<16xf32>, vector<16xf32>, vector<16xf32>, vector<16xf32>
    }
    %scan3A_51 = arith.constant 128 : i32
    %swap3A = arith.constant 0 : i32
    %swap3A_52 = arith.index_cast %swap3A : i32 to index
    %swap3A_53 = arith.constant 0 : index
    %swap3A_54 = tpu.vector_load %arg11[%swap3A_52, %swap3A_53] {strides = array<i32>} : memref<16x128xf32, #tpu.memory_space<vmem>>, vector<1x16xf32>,
    %swap3A_55 = vector.shape_cast %swap3A_54 : vector<1x16xf32> to vector<16xf32>
    %swap3A_56 = vector.shape_cast %scan3A_50#0 : vector<16xf32> to vector<1x16xf32>
    tpu.vector_store %arg11[%swap3A_52, %swap3A_53], %swap3A_56 {strides = array<i32>} : memref<16x128xf32, #tpu.memory_space<vmem>>, vector<1x16xf32>,
    %swap3A_57 = arith.constant 0 : i32
    %swap3A_58 = arith.index_cast %swap3A_57 : i32 to index
    %swap3A_59 = arith.constant 16 : index
    %swap3A_60 = tpu.vector_load %arg11[%swap3A_58, %swap3A_59] {strides = array<i32>} : memref<16x128xf32, #tpu.memory_space<vmem>>, vector<1x16xf32>,
    %swap3A_61 = vector.shape_cast %swap3A_60 : vector<1x16xf32> to vector<16xf32>
    %swap3A_62 = vector.shape_cast %scan3A_50#1 : vector<16xf32> to vector<1x16xf32>
    tpu.vector_store %arg11[%swap3A_58, %swap3A_59], %swap3A_62 {strides = array<i32>} : memref<16x128xf32, #tpu.memory_space<vmem>>, vector<1x16xf32>,
    %swap3A_63 = arith.constant 0 : i32
    %swap3A_64 = arith.index_cast %swap3A_63 : i32 to index
    %swap3A_65 = arith.constant 32 : index
    %swap3A_66 = tpu.vector_load %arg11[%swap3A_64, %swap3A_65] {strides = array<i32>} : memref<16x128xf32, #tpu.memory_space<vmem>>, vector<1x16xf32>,
    %swap3A_67 = vector.shape_cast %swap3A_66 : vector<1x16xf32> to vector<16xf32>
    %swap3A_68 = vector.shape_cast %scan3A_50#2 : vector<16xf32> to vector<1x16xf32>
    tpu.vector_store %arg11[%swap3A_64, %swap3A_65], %swap3A_68 {strides = array<i32>} : memref<16x128xf32, #tpu.memory_space<vmem>>, vector<1x16xf32>,
    %swap3A_69 = arith.constant 0 : i32
    %swap3A_70 = arith.index_cast %swap3A_69 : i32 to index
    %swap3A_71 = arith.constant 48 : index
    %swap3A_72 = tpu.vector_load %arg11[%swap3A_70, %swap3A_71] {strides = array<i32>} : memref<16x128xf32, #tpu.memory_space<vmem>>, vector<1x16xf32>,
    %swap3A_73 = vector.shape_cast %swap3A_72 : vector<1x16xf32> to vector<16xf32>
    %swap3A_74 = vector.shape_cast %scan3A_50#3 : vector<16xf32> to vector<1x16xf32>
    tpu.vector_store %arg11[%swap3A_70, %swap3A_71], %swap3A_74 {strides = array<i32>} : memref<16x128xf32, #tpu.memory_space<vmem>>, vector<1x16xf32>,
    %dma_wait3A_75 = arith.constant 0 : i32
    %dma_wait3A_76 = arith.constant 40 : i32
    %dma_wait3A_77 = arith.constant 0 : i32
    %dma_wait3A_78 = arith.constant 0 : i32
    %dma_wait3A_79 = tpu.memref_slice %arg2[%dma_wait3A_76, %dma_wait3A_75, %mul3A_2, %dma_wait3A_77, %dma_wait3A_78] : memref<64x1x64x64x64xf32, #tpu.memory_space<hbm>> -> memref<2x1x2x64x64xf32, #tpu.memory_space<hbm>>
    %dma_wait3A_80 = tpu.memref_squeeze %dma_wait3A_79 : memref<2x1x2x64x64xf32, #tpu.memory_space<hbm>> -> memref<2x2x64x64xf32, #tpu.memory_space<hbm>>
    %dma_wait3A_81 = arith.constant 40 : i32
    %dma_wait3A_82 = arith.constant 0 : i32
    %dma_wait3A_83 = arith.constant 0 : i32
    %dma_wait3A_84 = tpu.memref_slice %arg2[%dma_wait3A_81, %dma_wait3A_75, %mul3A_2, %dma_wait3A_82, %dma_wait3A_83] : memref<64x1x64x64x64xf32, #tpu.memory_space<hbm>> -> memref<2x1x2x64x64xf32, #tpu.memory_space<hbm>>
    %dma_wait3A_85 = tpu.memref_squeeze %dma_wait3A_84 : memref<2x1x2x64x64xf32, #tpu.memory_space<hbm>> -> memref<2x2x64x64xf32, #tpu.memory_space<hbm>>
    tpu.wait_dma2 semaphore(%arg13 : memref<!tpu.dma_semaphore, #tpu.memory_space<semaphore_mem>>) src(%dma_wait3A_85 : memref<2x2x64x64xf32, #tpu.memory_space<hbm>>) dst(%arg10 : memref<2x2x64x64xf32, #tpu.memory_space<vmem>>)
    %dma_start3A_86 = arith.constant 0 : i32
    %dma_start3A_87 = arith.constant 42 : i32
    %dma_start3A_88 = arith.constant 0 : i32
    %dma_start3A_89 = arith.constant 0 : i32
    %dma_start3A_90 = tpu.memref_slice %arg2[%dma_start3A_87, %dma_start3A_86, %mul3A_2, %dma_start3A_88, %dma_start3A_89] : memref<64x1x64x64x64xf32, #tpu.memory_space<hbm>> -> memref<2x1x2x64x64xf32, #tpu.memory_space<hbm>>
    %dma_start3A_91 = tpu.memref_squeeze %dma_start3A_90 : memref<2x1x2x64x64xf32, #tpu.memory_space<hbm>> -> memref<2x2x64x64xf32, #tpu.memory_space<hbm>>
    %dma_start3A_92 = arith.constant 42 : i32
    %dma_start3A_93 = arith.constant 0 : i32
    %dma_start3A_94 = arith.constant 0 : i32
    %dma_start3A_95 = tpu.memref_slice %arg2[%dma_start3A_92, %dma_start3A_86, %mul3A_2, %dma_start3A_93, %dma_start3A_94] : memref<64x1x64x64x64xf32, #tpu.memory_space<hbm>> -> memref<2x1x2x64x64xf32, #tpu.memory_space<hbm>>
    %dma_start3A_96 = tpu.memref_squeeze %dma_start3A_95 : memref<2x1x2x64x64xf32, #tpu.memory_space<hbm>> -> memref<2x2x64x64xf32, #tpu.memory_space<hbm>>
    tpu.enqueue_dma source(%dma_start3A_96 : memref<2x2x64x64xf32, #tpu.memory_space<hbm>>) target(%arg9 : memref<2x2x64x64xf32, #tpu.memory_space<vmem>>) target_semaphore(%arg12 : memref<!tpu.dma_semaphore, #tpu.memory_space<semaphore_mem>>)
    %broadcast_in_dim3A_97 = arith.constant 0.000000e+00 : f32
    %broadcast_in_dim3A_98 = vector.broadcast %broadcast_in_dim3A_97 : f32 to vector<16xf32>
    %scan3A_99 = arith.constant 0 : i32
    %scan3A_100 = arith.constant 128 : i32
    %scan3A_101 = arith.addi %scan3A_99, %scan3A_100 : i32
    %scan3A_102 = arith.constant 1 : i32
    %scan3A_103:4 = scf.for %scan3A_712 = %scan3A_99 to %scan3A_101 step %scan3A_102 iter_args(%scan3A_713 = %broadcast_in_dim3A_98, %scan3A_714 = %broadcast_in_dim3A_98, %scan3A_715 = %broadcast_in_dim3A_98, %scan3A_716 = %broadcast_in_dim3A_98) -> (vector<16xf32>, vector<16xf32>, vector<16xf32>, vector<16xf32>)  : i32 {
      %jit3A = arith.constant 64 : i32
      %div3A = arith.divsi %scan3A_712, %jit3A : i32
      %sign3A = arith.constant 0 : i32
      %sign3A_717 = arith.cmpi sgt, %scan3A_712, %sign3A : i32
      %sign3A_718 = arith.extui %sign3A_717 : i1 to i32
      %sign3A_719 = arith.constant 0 : i32
      %sign3A_720 = arith.cmpi slt, %scan3A_712, %sign3A_719 : i32
      %sign3A_721 = arith.extui %sign3A_720 : i1 to i32
      %sign3A_722 = arith.subi %sign3A_718, %sign3A_721 : i32
      %sign3A_723 = arith.constant 0 : i32
      %sign3A_724 = arith.cmpi sgt, %jit3A, %sign3A_723 : i32
      %sign3A_725 = arith.extui %sign3A_724 : i1 to i32
      %sign3A_726 = arith.constant 0 : i32
      %sign3A_727 = arith.cmpi slt, %jit3A, %sign3A_726 : i32
      %sign3A_728 = arith.extui %sign3A_727 : i1 to i32
      %sign3A_729 = arith.subi %sign3A_725, %sign3A_728 : i32
      %ne3A = arith.cmpi ne, %sign3A_722, %sign3A_729 : i32
      %rem3A = arith.remsi %scan3A_712, %jit3A : i32
      %ne3A_730 = arith.constant 0 : i32
      %ne3A_731 = arith.cmpi ne, %rem3A, %ne3A_730 : i32
      %and3A = arith.andi %ne3A, %ne3A_731 : i1
      %sub3A = arith.constant 1 : i32
      %sub3A_732 = arith.subi %div3A, %sub3A : i32
      %select_n3A = arith.select %and3A, %sub3A_732, %div3A : i32
      %rem3A_733 = arith.constant 64 : i32
      %rem3A_734 = arith.remsi %scan3A_712, %rem3A_733 : i32
      %get3A = arith.index_cast %select_n3A : i32 to index
      %get3A_735 = arith.index_cast %rem3A_734 : i32 to index
      %get3A_736 = arith.constant 0 : index
      %get3A_737 = tpu.vector_load %arg7[%get3A, %get3A_735, %get3A_736] {strides = array<i32>} : memref<2x64x64xf32, #tpu.memory_space<vmem>>, vector<1x1x16xf32>,
      %get3A_738 = vector.shape_cast %get3A_737 : vector<1x1x16xf32> to vector<16xf32>
      %get3A_739 = arith.index_cast %select_n3A : i32 to index
      %get3A_740 = arith.index_cast %rem3A_734 : i32 to index
      %get3A_741 = arith.constant 0 : index
      %get3A_742 = tpu.vector_load %arg8[%get3A_739, %get3A_740, %get3A_741] {strides = array<i32>} : memref<2x64x64xf32, #tpu.memory_space<vmem>>, vector<1x1x16xf32>,
      %get3A_743 = vector.shape_cast %get3A_742 : vector<1x1x16xf32> to vector<16xf32>
      %get3A_744 = arith.constant 0 : i32
      %get3A_745 = arith.index_cast %get3A_744 : i32 to index
      %get3A_746 = arith.index_cast %select_n3A : i32 to index
      %get3A_747 = arith.index_cast %rem3A_734 : i32 to index
      %get3A_748 = arith.constant 0 : index
      %get3A_749 = tpu.vector_load %arg10[%get3A_745, %get3A_746, %get3A_747, %get3A_748] {strides = array<i32>} : memref<2x2x64x64xf32, #tpu.memory_space<vmem>>, vector<1x1x1x16xf32>,
      %get3A_750 = vector.shape_cast %get3A_749 : vector<1x1x1x16xf32> to vector<16xf32>
      %abs3A = math.absf %get3A_750 : vector<16xf32>
      %gt3A = arith.constant 9.99999993E-9 : f32
      %gt3A_751 = vector.broadcast %gt3A : f32 to vector<16xf32>
      %gt3A_752 = arith.cmpf ogt, %abs3A, %gt3A_751 : vector<16xf32>
      %jit3A_753 = arith.constant 0.000000e+00 : f32
      %broadcast_in_dim3A_754 = vector.broadcast %jit3A_753 : f32 to vector<16xf32>
      %select_n3A_755 = arith.select %gt3A_752, %get3A_750, %broadcast_in_dim3A_754 : vector<16xi1>, vector<16xf32>
      %mul3A_756 = arith.mulf %select_n3A_755, %get3A_738 : vector<16xf32>
      %add3A_757 = arith.addf %scan3A_713, %mul3A_756 : vector<16xf32>
      %mul3A_758 = arith.mulf %select_n3A_755, %get3A_743 : vector<16xf32>
      %add3A_759 = arith.addf %scan3A_714, %mul3A_758 : vector<16xf32>
      %get3A_760 = arith.constant 1 : i32
      %get3A_761 = arith.index_cast %get3A_760 : i32 to index
      %get3A_762 = arith.index_cast %select_n3A : i32 to index
      %get3A_763 = arith.index_cast %rem3A_734 : i32 to index
      %get3A_764 = arith.constant 0 : index
      %get3A_765 = tpu.vector_load %arg10[%get3A_761, %get3A_762, %get3A_763, %get3A_764] {strides = array<i32>} : memref<2x2x64x64xf32, #tpu.memory_space<vmem>>, vector<1x1x1x16xf32>,
      %get3A_766 = vector.shape_cast %get3A_765 : vector<1x1x1x16xf32> to vector<16xf32>
      %abs3A_767 = math.absf %get3A_766 : vector<16xf32>
      %gt3A_768 = arith.constant 9.99999993E-9 : f32
      %gt3A_769 = vector.broadcast %gt3A_768 : f32 to vector<16xf32>
      %gt3A_770 = arith.cmpf ogt, %abs3A_767, %gt3A_769 : vector<16xf32>
      %jit3A_771 = arith.constant 0.000000e+00 : f32
      %broadcast_in_dim3A_772 = vector.broadcast %jit3A_771 : f32 to vector<16xf32>
      %select_n3A_773 = arith.select %gt3A_770, %get3A_766, %broadcast_in_dim3A_772 : vector<16xi1>, vector<16xf32>
      %mul3A_774 = arith.mulf %select_n3A_773, %get3A_738 : vector<16xf32>
      %add3A_775 = arith.addf %scan3A_715, %mul3A_774 : vector<16xf32>
      %mul3A_776 = arith.mulf %select_n3A_773, %get3A_743 : vector<16xf32>
      %add3A_777 = arith.addf %scan3A_716, %mul3A_776 : vector<16xf32>
      %get3A_778 = arith.index_cast %select_n3A : i32 to index
      %get3A_779 = arith.index_cast %rem3A_734 : i32 to index
      %get3A_780 = arith.constant 16 : index
      %get3A_781 = tpu.vector_load %arg7[%get3A_778, %get3A_779, %get3A_780] {strides = array<i32>} : memref<2x64x64xf32, #tpu.memory_space<vmem>>, vector<1x1x16xf32>,
      %get3A_782 = vector.shape_cast %get3A_781 : vector<1x1x16xf32> to vector<16xf32>
      %get3A_783 = arith.index_cast %select_n3A : i32 to index
      %get3A_784 = arith.index_cast %rem3A_734 : i32 to index
      %get3A_785 = arith.constant 16 : index
      %get3A_786 = tpu.vector_load %arg8[%get3A_783, %get3A_784, %get3A_785] {strides = array<i32>} : memref<2x64x64xf32, #tpu.memory_space<vmem>>, vector<1x1x16xf32>,
      %get3A_787 = vector.shape_cast %get3A_786 : vector<1x1x16xf32> to vector<16xf32>
      %get3A_788 = arith.constant 0 : i32
      %get3A_789 = arith.index_cast %get3A_788 : i32 to index
      %get3A_790 = arith.index_cast %select_n3A : i32 to index
      %get3A_791 = arith.index_cast %rem3A_734 : i32 to index
      %get3A_792 = arith.constant 16 : index
      %get3A_793 = tpu.vector_load %arg10[%get3A_789, %get3A_790, %get3A_791, %get3A_792] {strides = array<i32>} : memref<2x2x64x64xf32, #tpu.memory_space<vmem>>, vector<1x1x1x16xf32>,
      %get3A_794 = vector.shape_cast %get3A_793 : vector<1x1x1x16xf32> to vector<16xf32>
      %abs3A_795 = math.absf %get3A_794 : vector<16xf32>
      %gt3A_796 = arith.constant 9.99999993E-9 : f32
      %gt3A_797 = vector.broadcast %gt3A_796 : f32 to vector<16xf32>
      %gt3A_798 = arith.cmpf ogt, %abs3A_795, %gt3A_797 : vector<16xf32>
      %jit3A_799 = arith.constant 0.000000e+00 : f32
      %broadcast_in_dim3A_800 = vector.broadcast %jit3A_799 : f32 to vector<16xf32>
      %select_n3A_801 = arith.select %gt3A_798, %get3A_794, %broadcast_in_dim3A_800 : vector<16xi1>, vector<16xf32>
      %mul3A_802 = arith.mulf %select_n3A_801, %get3A_782 : vector<16xf32>
      %add3A_803 = arith.addf %add3A_757, %mul3A_802 : vector<16xf32>
      %mul3A_804 = arith.mulf %select_n3A_801, %get3A_787 : vector<16xf32>
      %add3A_805 = arith.addf %add3A_759, %mul3A_804 : vector<16xf32>
      %get3A_806 = arith.constant 1 : i32
      %get3A_807 = arith.index_cast %get3A_806 : i32 to index
      %get3A_808 = arith.index_cast %select_n3A : i32 to index
      %get3A_809 = arith.index_cast %rem3A_734 : i32 to index
      %get3A_810 = arith.constant 16 : index
      %get3A_811 = tpu.vector_load %arg10[%get3A_807, %get3A_808, %get3A_809, %get3A_810] {strides = array<i32>} : memref<2x2x64x64xf32, #tpu.memory_space<vmem>>, vector<1x1x1x16xf32>,
      %get3A_812 = vector.shape_cast %get3A_811 : vector<1x1x1x16xf32> to vector<16xf32>
      %abs3A_813 = math.absf %get3A_812 : vector<16xf32>
      %gt3A_814 = arith.constant 9.99999993E-9 : f32
      %gt3A_815 = vector.broadcast %gt3A_814 : f32 to vector<16xf32>
      %gt3A_816 = arith.cmpf ogt, %abs3A_813, %gt3A_815 : vector<16xf32>
      %jit3A_817 = arith.constant 0.000000e+00 : f32
      %broadcast_in_dim3A_818 = vector.broadcast %jit3A_817 : f32 to vector<16xf32>
      %select_n3A_819 = arith.select %gt3A_816, %get3A_812, %broadcast_in_dim3A_818 : vector<16xi1>, vector<16xf32>
      %mul3A_820 = arith.mulf %select_n3A_819, %get3A_782 : vector<16xf32>
      %add3A_821 = arith.addf %add3A_775, %mul3A_820 : vector<16xf32>
      %mul3A_822 = arith.mulf %select_n3A_819, %get3A_787 : vector<16xf32>
      %add3A_823 = arith.addf %add3A_777, %mul3A_822 : vector<16xf32>
      %get3A_824 = arith.index_cast %select_n3A : i32 to index
      %get3A_825 = arith.index_cast %rem3A_734 : i32 to index
      %get3A_826 = arith.constant 32 : index
      %get3A_827 = tpu.vector_load %arg7[%get3A_824, %get3A_825, %get3A_826] {strides = array<i32>} : memref<2x64x64xf32, #tpu.memory_space<vmem>>, vector<1x1x16xf32>,
      %get3A_828 = vector.shape_cast %get3A_827 : vector<1x1x16xf32> to vector<16xf32>
      %get3A_829 = arith.index_cast %select_n3A : i32 to index
      %get3A_830 = arith.index_cast %rem3A_734 : i32 to index
      %get3A_831 = arith.constant 32 : index
      %get3A_832 = tpu.vector_load %arg8[%get3A_829, %get3A_830, %get3A_831] {strides = array<i32>} : memref<2x64x64xf32, #tpu.memory_space<vmem>>, vector<1x1x16xf32>,
      %get3A_833 = vector.shape_cast %get3A_832 : vector<1x1x16xf32> to vector<16xf32>
      %get3A_834 = arith.constant 0 : i32
      %get3A_835 = arith.index_cast %get3A_834 : i32 to index
      %get3A_836 = arith.index_cast %select_n3A : i32 to index
      %get3A_837 = arith.index_cast %rem3A_734 : i32 to index
      %get3A_838 = arith.constant 32 : index
      %get3A_839 = tpu.vector_load %arg10[%get3A_835, %get3A_836, %get3A_837, %get3A_838] {strides = array<i32>} : memref<2x2x64x64xf32, #tpu.memory_space<vmem>>, vector<1x1x1x16xf32>,
      %get3A_840 = vector.shape_cast %get3A_839 : vector<1x1x1x16xf32> to vector<16xf32>
      %abs3A_841 = math.absf %get3A_840 : vector<16xf32>
      %gt3A_842 = arith.constant 9.99999993E-9 : f32
      %gt3A_843 = vector.broadcast %gt3A_842 : f32 to vector<16xf32>
      %gt3A_844 = arith.cmpf ogt, %abs3A_841, %gt3A_843 : vector<16xf32>
      %jit3A_845 = arith.constant 0.000000e+00 : f32
      %broadcast_in_dim3A_846 = vector.broadcast %jit3A_845 : f32 to vector<16xf32>
      %select_n3A_847 = arith.select %gt3A_844, %get3A_840, %broadcast_in_dim3A_846 : vector<16xi1>, vector<16xf32>
      %mul3A_848 = arith.mulf %select_n3A_847, %get3A_828 : vector<16xf32>
      %add3A_849 = arith.addf %add3A_803, %mul3A_848 : vector<16xf32>
      %mul3A_850 = arith.mulf %select_n3A_847, %get3A_833 : vector<16xf32>
      %add3A_851 = arith.addf %add3A_805, %mul3A_850 : vector<16xf32>
      %get3A_852 = arith.constant 1 : i32
      %get3A_853 = arith.index_cast %get3A_852 : i32 to index
      %get3A_854 = arith.index_cast %select_n3A : i32 to index
      %get3A_855 = arith.index_cast %rem3A_734 : i32 to index
      %get3A_856 = arith.constant 32 : index
      %get3A_857 = tpu.vector_load %arg10[%get3A_853, %get3A_854, %get3A_855, %get3A_856] {strides = array<i32>} : memref<2x2x64x64xf32, #tpu.memory_space<vmem>>, vector<1x1x1x16xf32>,
      %get3A_858 = vector.shape_cast %get3A_857 : vector<1x1x1x16xf32> to vector<16xf32>
      %abs3A_859 = math.absf %get3A_858 : vector<16xf32>
      %gt3A_860 = arith.constant 9.99999993E-9 : f32
      %gt3A_861 = vector.broadcast %gt3A_860 : f32 to vector<16xf32>
      %gt3A_862 = arith.cmpf ogt, %abs3A_859, %gt3A_861 : vector<16xf32>
      %jit3A_863 = arith.constant 0.000000e+00 : f32
      %broadcast_in_dim3A_864 = vector.broadcast %jit3A_863 : f32 to vector<16xf32>
      %select_n3A_865 = arith.select %gt3A_862, %get3A_858, %broadcast_in_dim3A_864 : vector<16xi1>, vector<16xf32>
      %mul3A_866 = arith.mulf %select_n3A_865, %get3A_828 : vector<16xf32>
      %add3A_867 = arith.addf %add3A_821, %mul3A_866 : vector<16xf32>
      %mul3A_868 = arith.mulf %select_n3A_865, %get3A_833 : vector<16xf32>
      %add3A_869 = arith.addf %add3A_823, %mul3A_868 : vector<16xf32>
      %get3A_870 = arith.index_cast %select_n3A : i32 to index
      %get3A_871 = arith.index_cast %rem3A_734 : i32 to index
      %get3A_872 = arith.constant 48 : index
      %get3A_873 = tpu.vector_load %arg7[%get3A_870, %get3A_871, %get3A_872] {strides = array<i32>} : memref<2x64x64xf32, #tpu.memory_space<vmem>>, vector<1x1x16xf32>,
      %get3A_874 = vector.shape_cast %get3A_873 : vector<1x1x16xf32> to vector<16xf32>
      %get3A_875 = arith.index_cast %select_n3A : i32 to index
      %get3A_876 = arith.index_cast %rem3A_734 : i32 to index
      %get3A_877 = arith.constant 48 : index
      %get3A_878 = tpu.vector_load %arg8[%get3A_875, %get3A_876, %get3A_877] {strides = array<i32>} : memref<2x64x64xf32, #tpu.memory_space<vmem>>, vector<1x1x16xf32>,
      %get3A_879 = vector.shape_cast %get3A_878 : vector<1x1x16xf32> to vector<16xf32>
      %get3A_880 = arith.constant 0 : i32
      %get3A_881 = arith.index_cast %get3A_880 : i32 to index
      %get3A_882 = arith.index_cast %select_n3A : i32 to index
      %get3A_883 = arith.index_cast %rem3A_734 : i32 to index
      %get3A_884 = arith.constant 48 : index
      %get3A_885 = tpu.vector_load %arg10[%get3A_881, %get3A_882, %get3A_883, %get3A_884] {strides = array<i32>} : memref<2x2x64x64xf32, #tpu.memory_space<vmem>>, vector<1x1x1x16xf32>,
      %get3A_886 = vector.shape_cast %get3A_885 : vector<1x1x1x16xf32> to vector<16xf32>
      %abs3A_887 = math.absf %get3A_886 : vector<16xf32>
      %gt3A_888 = arith.constant 9.99999993E-9 : f32
      %gt3A_889 = vector.broadcast %gt3A_888 : f32 to vector<16xf32>
      %gt3A_890 = arith.cmpf ogt, %abs3A_887, %gt3A_889 : vector<16xf32>
      %jit3A_891 = arith.constant 0.000000e+00 : f32
      %broadcast_in_dim3A_892 = vector.broadcast %jit3A_891 : f32 to vector<16xf32>
      %select_n3A_893 = arith.select %gt3A_890, %get3A_886, %broadcast_in_dim3A_892 : vector<16xi1>, vector<16xf32>
      %mul3A_894 = arith.mulf %select_n3A_893, %get3A_874 : vector<16xf32>
      %add3A_895 = arith.addf %add3A_849, %mul3A_894 : vector<16xf32>
      %mul3A_896 = arith.mulf %select_n3A_893, %get3A_879 : vector<16xf32>
      %add3A_897 = arith.addf %add3A_851, %mul3A_896 : vector<16xf32>
      %get3A_898 = arith.constant 1 : i32
      %get3A_899 = arith.index_cast %get3A_898 : i32 to index
      %get3A_900 = arith.index_cast %select_n3A : i32 to index
      %get3A_901 = arith.index_cast %rem3A_734 : i32 to index
      %get3A_902 = arith.constant 48 : index
      %get3A_903 = tpu.vector_load %arg10[%get3A_899, %get3A_900, %get3A_901, %get3A_902] {strides = array<i32>} : memref<2x2x64x64xf32, #tpu.memory_space<vmem>>, vector<1x1x1x16xf32>,
      %get3A_904 = vector.shape_cast %get3A_903 : vector<1x1x1x16xf32> to vector<16xf32>
      %abs3A_905 = math.absf %get3A_904 : vector<16xf32>
      %gt3A_906 = arith.constant 9.99999993E-9 : f32
      %gt3A_907 = vector.broadcast %gt3A_906 : f32 to vector<16xf32>
      %gt3A_908 = arith.cmpf ogt, %abs3A_905, %gt3A_907 : vector<16xf32>
      %jit3A_909 = arith.constant 0.000000e+00 : f32
      %broadcast_in_dim3A_910 = vector.broadcast %jit3A_909 : f32 to vector<16xf32>
      %select_n3A_911 = arith.select %gt3A_908, %get3A_904, %broadcast_in_dim3A_910 : vector<16xi1>, vector<16xf32>
      %mul3A_912 = arith.mulf %select_n3A_911, %get3A_874 : vector<16xf32>
      %add3A_913 = arith.addf %add3A_867, %mul3A_912 : vector<16xf32>
      %mul3A_914 = arith.mulf %select_n3A_911, %get3A_879 : vector<16xf32>
      %add3A_915 = arith.addf %add3A_869, %mul3A_914 : vector<16xf32>
      scf.yield %add3A_895, %add3A_897, %add3A_913, %add3A_915 : vector<16xf32>, vector<16xf32>, vector<16xf32>, vector<16xf32>
    }
    %scan3A_104 = arith.constant 128 : i32
    %swap3A_105 = arith.constant 0 : i32
    %swap3A_106 = arith.index_cast %swap3A_105 : i32 to index
    %swap3A_107 = arith.constant 64 : index
    %swap3A_108 = tpu.vector_load %arg11[%swap3A_106, %swap3A_107] {strides = array<i32>} : memref<16x128xf32, #tpu.memory_space<vmem>>, vector<1x16xf32>,
    %swap3A_109 = vector.shape_cast %swap3A_108 : vector<1x16xf32> to vector<16xf32>
    %swap3A_110 = vector.shape_cast %scan3A_103#0 : vector<16xf32> to vector<1x16xf32>
    tpu.vector_store %arg11[%swap3A_106, %swap3A_107], %swap3A_110 {strides = array<i32>} : memref<16x128xf32, #tpu.memory_space<vmem>>, vector<1x16xf32>,
    %swap3A_111 = arith.constant 0 : i32
    %swap3A_112 = arith.index_cast %swap3A_111 : i32 to index
    %swap3A_113 = arith.constant 80 : index
    %swap3A_114 = tpu.vector_load %arg11[%swap3A_112, %swap3A_113] {strides = array<i32>} : memref<16x128xf32, #tpu.memory_space<vmem>>, vector<1x16xf32>,
    %swap3A_115 = vector.shape_cast %swap3A_114 : vector<1x16xf32> to vector<16xf32>
    %swap3A_116 = vector.shape_cast %scan3A_103#1 : vector<16xf32> to vector<1x16xf32>
    tpu.vector_store %arg11[%swap3A_112, %swap3A_113], %swap3A_116 {strides = array<i32>} : memref<16x128xf32, #tpu.memory_space<vmem>>, vector<1x16xf32>,
    %swap3A_117 = arith.constant 0 : i32
    %swap3A_118 = arith.index_cast %swap3A_117 : i32 to index
    %swap3A_119 = arith.constant 96 : index
    %swap3A_120 = tpu.vector_load %arg11[%swap3A_118, %swap3A_119] {strides = array<i32>} : memref<16x128xf32, #tpu.memory_space<vmem>>, vector<1x16xf32>,
    %swap3A_121 = vector.shape_cast %swap3A_120 : vector<1x16xf32> to vector<16xf32>
    %swap3A_122 = vector.shape_cast %scan3A_103#2 : vector<16xf32> to vector<1x16xf32>
    tpu.vector_store %arg11[%swap3A_118, %swap3A_119], %swap3A_122 {strides = array<i32>} : memref<16x128xf32, #tpu.memory_space<vmem>>, vector<1x16xf32>,
    %swap3A_123 = arith.constant 0 : i32
    %swap3A_124 = arith.index_cast %swap3A_123 : i32 to index
    %swap3A_125 = arith.constant 112 : index
    %swap3A_126 = tpu.vector_load %arg11[%swap3A_124, %swap3A_125] {strides = array<i32>} : memref<16x128xf32, #tpu.memory_space<vmem>>, vector<1x16xf32>,
    %swap3A_127 = vector.shape_cast %swap3A_126 : vector<1x16xf32> to vector<16xf32>
    %swap3A_128 = vector.shape_cast %scan3A_103#3 : vector<16xf32> to vector<1x16xf32>
    tpu.vector_store %arg11[%swap3A_124, %swap3A_125], %swap3A_128 {strides = array<i32>} : memref<16x128xf32, #tpu.memory_space<vmem>>, vector<1x16xf32>,
    %dma_wait3A_129 = arith.constant 0 : i32
    %dma_wait3A_130 = arith.constant 42 : i32
    %dma_wait3A_131 = arith.constant 0 : i32
    %dma_wait3A_132 = arith.constant 0 : i32
    %dma_wait3A_133 = tpu.memref_slice %arg2[%dma_wait3A_130, %dma_wait3A_129, %mul3A_2, %dma_wait3A_131, %dma_wait3A_132] : memref<64x1x64x64x64xf32, #tpu.memory_space<hbm>> -> memref<2x1x2x64x64xf32, #tpu.memory_space<hbm>>
    %dma_wait3A_134 = tpu.memref_squeeze %dma_wait3A_133 : memref<2x1x2x64x64xf32, #tpu.memory_space<hbm>> -> memref<2x2x64x64xf32, #tpu.memory_space<hbm>>
    %dma_wait3A_135 = arith.constant 42 : i32
    %dma_wait3A_136 = arith.constant 0 : i32
    %dma_wait3A_137 = arith.constant 0 : i32
    %dma_wait3A_138 = tpu.memref_slice %arg2[%dma_wait3A_135, %dma_wait3A_129, %mul3A_2, %dma_wait3A_136, %dma_wait3A_137] : memref<64x1x64x64x64xf32, #tpu.memory_space<hbm>> -> memref<2x1x2x64x64xf32, #tpu.memory_space<hbm>>
    %dma_wait3A_139 = tpu.memref_squeeze %dma_wait3A_138 : memref<2x1x2x64x64xf32, #tpu.memory_space<hbm>> -> memref<2x2x64x64xf32, #tpu.memory_space<hbm>>
    tpu.wait_dma2 semaphore(%arg12 : memref<!tpu.dma_semaphore, #tpu.memory_space<semaphore_mem>>) src(%dma_wait3A_139 : memref<2x2x64x64xf32, #tpu.memory_space<hbm>>) dst(%arg9 : memref<2x2x64x64xf32, #tpu.memory_space<vmem>>)
    %dma_start3A_140 = arith.constant 0 : i32
    %dma_start3A_141 = arith.constant 44 : i32
    %dma_start3A_142 = arith.constant 0 : i32
    %dma_start3A_143 = arith.constant 0 : i32
    %dma_start3A_144 = tpu.memref_slice %arg2[%dma_start3A_141, %dma_start3A_140, %mul3A_2, %dma_start3A_142, %dma_start3A_143] : memref<64x1x64x64x64xf32, #tpu.memory_space<hbm>> -> memref<2x1x2x64x64xf32, #tpu.memory_space<hbm>>
    %dma_start3A_145 = tpu.memref_squeeze %dma_start3A_144 : memref<2x1x2x64x64xf32, #tpu.memory_space<hbm>> -> memref<2x2x64x64xf32, #tpu.memory_space<hbm>>
    %dma_start3A_146 = arith.constant 44 : i32
    %dma_start3A_147 = arith.constant 0 : i32
    %dma_start3A_148 = arith.constant 0 : i32
    %dma_start3A_149 = tpu.memref_slice %arg2[%dma_start3A_146, %dma_start3A_140, %mul3A_2, %dma_start3A_147, %dma_start3A_148] : memref<64x1x64x64x64xf32, #tpu.memory_space<hbm>> -> memref<2x1x2x64x64xf32, #tpu.memory_space<hbm>>
    %dma_start3A_150 = tpu.memref_squeeze %dma_start3A_149 : memref<2x1x2x64x64xf32, #tpu.memory_space<hbm>> -> memref<2x2x64x64xf32, #tpu.memory_space<hbm>>
    tpu.enqueue_dma source(%dma_start3A_150 : memref<2x2x64x64xf32, #tpu.memory_space<hbm>>) target(%arg10 : memref<2x2x64x64xf32, #tpu.memory_space<vmem>>) target_semaphore(%arg13 : memref<!tpu.dma_semaphore, #tpu.memory_space<semaphore_mem>>)
    %broadcast_in_dim3A_151 = arith.constant 0.000000e+00 : f32
    %broadcast_in_dim3A_152 = vector.broadcast %broadcast_in_dim3A_151 : f32 to vector<16xf32>
    %scan3A_153 = arith.constant 0 : i32
    %scan3A_154 = arith.constant 128 : i32
    %scan3A_155 = arith.addi %scan3A_153, %scan3A_154 : i32
    %scan3A_156 = arith.constant 1 : i32
    %scan3A_157:4 = scf.for %scan3A_712 = %scan3A_153 to %scan3A_155 step %scan3A_156 iter_args(%scan3A_713 = %broadcast_in_dim3A_152, %scan3A_714 = %broadcast_in_dim3A_152, %scan3A_715 = %broadcast_in_dim3A_152, %scan3A_716 = %broadcast_in_dim3A_152) -> (vector<16xf32>, vector<16xf32>, vector<16xf32>, vector<16xf32>)  : i32 {
      %jit3A = arith.constant 64 : i32
      %div3A = arith.divsi %scan3A_712, %jit3A : i32
      %sign3A = arith.constant 0 : i32
      %sign3A_717 = arith.cmpi sgt, %scan3A_712, %sign3A : i32
      %sign3A_718 = arith.extui %sign3A_717 : i1 to i32
      %sign3A_719 = arith.constant 0 : i32
      %sign3A_720 = arith.cmpi slt, %scan3A_712, %sign3A_719 : i32
      %sign3A_721 = arith.extui %sign3A_720 : i1 to i32
      %sign3A_722 = arith.subi %sign3A_718, %sign3A_721 : i32
      %sign3A_723 = arith.constant 0 : i32
      %sign3A_724 = arith.cmpi sgt, %jit3A, %sign3A_723 : i32
      %sign3A_725 = arith.extui %sign3A_724 : i1 to i32
      %sign3A_726 = arith.constant 0 : i32
      %sign3A_727 = arith.cmpi slt, %jit3A, %sign3A_726 : i32
      %sign3A_728 = arith.extui %sign3A_727 : i1 to i32
      %sign3A_729 = arith.subi %sign3A_725, %sign3A_728 : i32
      %ne3A = arith.cmpi ne, %sign3A_722, %sign3A_729 : i32
      %rem3A = arith.remsi %scan3A_712, %jit3A : i32
      %ne3A_730 = arith.constant 0 : i32
      %ne3A_731 = arith.cmpi ne, %rem3A, %ne3A_730 : i32
      %and3A = arith.andi %ne3A, %ne3A_731 : i1
      %sub3A = arith.constant 1 : i32
      %sub3A_732 = arith.subi %div3A, %sub3A : i32
      %select_n3A = arith.select %and3A, %sub3A_732, %div3A : i32
      %rem3A_733 = arith.constant 64 : i32
      %rem3A_734 = arith.remsi %scan3A_712, %rem3A_733 : i32
      %get3A = arith.index_cast %select_n3A : i32 to index
      %get3A_735 = arith.index_cast %rem3A_734 : i32 to index
      %get3A_736 = arith.constant 0 : index
      %get3A_737 = tpu.vector_load %arg7[%get3A, %get3A_735, %get3A_736] {strides = array<i32>} : memref<2x64x64xf32, #tpu.memory_space<vmem>>, vector<1x1x16xf32>,
      %get3A_738 = vector.shape_cast %get3A_737 : vector<1x1x16xf32> to vector<16xf32>
      %get3A_739 = arith.index_cast %select_n3A : i32 to index
      %get3A_740 = arith.index_cast %rem3A_734 : i32 to index
      %get3A_741 = arith.constant 0 : index
      %get3A_742 = tpu.vector_load %arg8[%get3A_739, %get3A_740, %get3A_741] {strides = array<i32>} : memref<2x64x64xf32, #tpu.memory_space<vmem>>, vector<1x1x16xf32>,
      %get3A_743 = vector.shape_cast %get3A_742 : vector<1x1x16xf32> to vector<16xf32>
      %get3A_744 = arith.constant 0 : i32
      %get3A_745 = arith.index_cast %get3A_744 : i32 to index
      %get3A_746 = arith.index_cast %select_n3A : i32 to index
      %get3A_747 = arith.index_cast %rem3A_734 : i32 to index
      %get3A_748 = arith.constant 0 : index
      %get3A_749 = tpu.vector_load %arg9[%get3A_745, %get3A_746, %get3A_747, %get3A_748] {strides = array<i32>} : memref<2x2x64x64xf32, #tpu.memory_space<vmem>>, vector<1x1x1x16xf32>,
      %get3A_750 = vector.shape_cast %get3A_749 : vector<1x1x1x16xf32> to vector<16xf32>
      %abs3A = math.absf %get3A_750 : vector<16xf32>
      %gt3A = arith.constant 9.99999993E-9 : f32
      %gt3A_751 = vector.broadcast %gt3A : f32 to vector<16xf32>
      %gt3A_752 = arith.cmpf ogt, %abs3A, %gt3A_751 : vector<16xf32>
      %jit3A_753 = arith.constant 0.000000e+00 : f32
      %broadcast_in_dim3A_754 = vector.broadcast %jit3A_753 : f32 to vector<16xf32>
      %select_n3A_755 = arith.select %gt3A_752, %get3A_750, %broadcast_in_dim3A_754 : vector<16xi1>, vector<16xf32>
      %mul3A_756 = arith.mulf %select_n3A_755, %get3A_738 : vector<16xf32>
      %add3A_757 = arith.addf %scan3A_713, %mul3A_756 : vector<16xf32>
      %mul3A_758 = arith.mulf %select_n3A_755, %get3A_743 : vector<16xf32>
      %add3A_759 = arith.addf %scan3A_714, %mul3A_758 : vector<16xf32>
      %get3A_760 = arith.constant 1 : i32
      %get3A_761 = arith.index_cast %get3A_760 : i32 to index
      %get3A_762 = arith.index_cast %select_n3A : i32 to index
      %get3A_763 = arith.index_cast %rem3A_734 : i32 to index
      %get3A_764 = arith.constant 0 : index
      %get3A_765 = tpu.vector_load %arg9[%get3A_761, %get3A_762, %get3A_763, %get3A_764] {strides = array<i32>} : memref<2x2x64x64xf32, #tpu.memory_space<vmem>>, vector<1x1x1x16xf32>,
      %get3A_766 = vector.shape_cast %get3A_765 : vector<1x1x1x16xf32> to vector<16xf32>
      %abs3A_767 = math.absf %get3A_766 : vector<16xf32>
      %gt3A_768 = arith.constant 9.99999993E-9 : f32
      %gt3A_769 = vector.broadcast %gt3A_768 : f32 to vector<16xf32>
      %gt3A_770 = arith.cmpf ogt, %abs3A_767, %gt3A_769 : vector<16xf32>
      %jit3A_771 = arith.constant 0.000000e+00 : f32
      %broadcast_in_dim3A_772 = vector.broadcast %jit3A_771 : f32 to vector<16xf32>
      %select_n3A_773 = arith.select %gt3A_770, %get3A_766, %broadcast_in_dim3A_772 : vector<16xi1>, vector<16xf32>
      %mul3A_774 = arith.mulf %select_n3A_773, %get3A_738 : vector<16xf32>
      %add3A_775 = arith.addf %scan3A_715, %mul3A_774 : vector<16xf32>
      %mul3A_776 = arith.mulf %select_n3A_773, %get3A_743 : vector<16xf32>
      %add3A_777 = arith.addf %scan3A_716, %mul3A_776 : vector<16xf32>
      %get3A_778 = arith.index_cast %select_n3A : i32 to index
      %get3A_779 = arith.index_cast %rem3A_734 : i32 to index
      %get3A_780 = arith.constant 16 : index
      %get3A_781 = tpu.vector_load %arg7[%get3A_778, %get3A_779, %get3A_780] {strides = array<i32>} : memref<2x64x64xf32, #tpu.memory_space<vmem>>, vector<1x1x16xf32>,
      %get3A_782 = vector.shape_cast %get3A_781 : vector<1x1x16xf32> to vector<16xf32>
      %get3A_783 = arith.index_cast %select_n3A : i32 to index
      %get3A_784 = arith.index_cast %rem3A_734 : i32 to index
      %get3A_785 = arith.constant 16 : index
      %get3A_786 = tpu.vector_load %arg8[%get3A_783, %get3A_784, %get3A_785] {strides = array<i32>} : memref<2x64x64xf32, #tpu.memory_space<vmem>>, vector<1x1x16xf32>,
      %get3A_787 = vector.shape_cast %get3A_786 : vector<1x1x16xf32> to vector<16xf32>
      %get3A_788 = arith.constant 0 : i32
      %get3A_789 = arith.index_cast %get3A_788 : i32 to index
      %get3A_790 = arith.index_cast %select_n3A : i32 to index
      %get3A_791 = arith.index_cast %rem3A_734 : i32 to index
      %get3A_792 = arith.constant 16 : index
      %get3A_793 = tpu.vector_load %arg9[%get3A_789, %get3A_790, %get3A_791, %get3A_792] {strides = array<i32>} : memref<2x2x64x64xf32, #tpu.memory_space<vmem>>, vector<1x1x1x16xf32>,
      %get3A_794 = vector.shape_cast %get3A_793 : vector<1x1x1x16xf32> to vector<16xf32>
      %abs3A_795 = math.absf %get3A_794 : vector<16xf32>
      %gt3A_796 = arith.constant 9.99999993E-9 : f32
      %gt3A_797 = vector.broadcast %gt3A_796 : f32 to vector<16xf32>
      %gt3A_798 = arith.cmpf ogt, %abs3A_795, %gt3A_797 : vector<16xf32>
      %jit3A_799 = arith.constant 0.000000e+00 : f32
      %broadcast_in_dim3A_800 = vector.broadcast %jit3A_799 : f32 to vector<16xf32>
      %select_n3A_801 = arith.select %gt3A_798, %get3A_794, %broadcast_in_dim3A_800 : vector<16xi1>, vector<16xf32>
      %mul3A_802 = arith.mulf %select_n3A_801, %get3A_782 : vector<16xf32>
      %add3A_803 = arith.addf %add3A_757, %mul3A_802 : vector<16xf32>
      %mul3A_804 = arith.mulf %select_n3A_801, %get3A_787 : vector<16xf32>
      %add3A_805 = arith.addf %add3A_759, %mul3A_804 : vector<16xf32>
      %get3A_806 = arith.constant 1 : i32
      %get3A_807 = arith.index_cast %get3A_806 : i32 to index
      %get3A_808 = arith.index_cast %select_n3A : i32 to index
      %get3A_809 = arith.index_cast %rem3A_734 : i32 to index
      %get3A_810 = arith.constant 16 : index
      %get3A_811 = tpu.vector_load %arg9[%get3A_807, %get3A_808, %get3A_809, %get3A_810] {strides = array<i32>} : memref<2x2x64x64xf32, #tpu.memory_space<vmem>>, vector<1x1x1x16xf32>,
      %get3A_812 = vector.shape_cast %get3A_811 : vector<1x1x1x16xf32> to vector<16xf32>
      %abs3A_813 = math.absf %get3A_812 : vector<16xf32>
      %gt3A_814 = arith.constant 9.99999993E-9 : f32
      %gt3A_815 = vector.broadcast %gt3A_814 : f32 to vector<16xf32>
      %gt3A_816 = arith.cmpf ogt, %abs3A_813, %gt3A_815 : vector<16xf32>
      %jit3A_817 = arith.constant 0.000000e+00 : f32
      %broadcast_in_dim3A_818 = vector.broadcast %jit3A_817 : f32 to vector<16xf32>
      %select_n3A_819 = arith.select %gt3A_816, %get3A_812, %broadcast_in_dim3A_818 : vector<16xi1>, vector<16xf32>
      %mul3A_820 = arith.mulf %select_n3A_819, %get3A_782 : vector<16xf32>
      %add3A_821 = arith.addf %add3A_775, %mul3A_820 : vector<16xf32>
      %mul3A_822 = arith.mulf %select_n3A_819, %get3A_787 : vector<16xf32>
      %add3A_823 = arith.addf %add3A_777, %mul3A_822 : vector<16xf32>
      %get3A_824 = arith.index_cast %select_n3A : i32 to index
      %get3A_825 = arith.index_cast %rem3A_734 : i32 to index
      %get3A_826 = arith.constant 32 : index
      %get3A_827 = tpu.vector_load %arg7[%get3A_824, %get3A_825, %get3A_826] {strides = array<i32>} : memref<2x64x64xf32, #tpu.memory_space<vmem>>, vector<1x1x16xf32>,
      %get3A_828 = vector.shape_cast %get3A_827 : vector<1x1x16xf32> to vector<16xf32>
      %get3A_829 = arith.index_cast %select_n3A : i32 to index
      %get3A_830 = arith.index_cast %rem3A_734 : i32 to index
      %get3A_831 = arith.constant 32 : index
      %get3A_832 = tpu.vector_load %arg8[%get3A_829, %get3A_830, %get3A_831] {strides = array<i32>} : memref<2x64x64xf32, #tpu.memory_space<vmem>>, vector<1x1x16xf32>,
      %get3A_833 = vector.shape_cast %get3A_832 : vector<1x1x16xf32> to vector<16xf32>
      %get3A_834 = arith.constant 0 : i32
      %get3A_835 = arith.index_cast %get3A_834 : i32 to index
      %get3A_836 = arith.index_cast %select_n3A : i32 to index
      %get3A_837 = arith.index_cast %rem3A_734 : i32 to index
      %get3A_838 = arith.constant 32 : index
      %get3A_839 = tpu.vector_load %arg9[%get3A_835, %get3A_836, %get3A_837, %get3A_838] {strides = array<i32>} : memref<2x2x64x64xf32, #tpu.memory_space<vmem>>, vector<1x1x1x16xf32>,
      %get3A_840 = vector.shape_cast %get3A_839 : vector<1x1x1x16xf32> to vector<16xf32>
      %abs3A_841 = math.absf %get3A_840 : vector<16xf32>
      %gt3A_842 = arith.constant 9.99999993E-9 : f32
      %gt3A_843 = vector.broadcast %gt3A_842 : f32 to vector<16xf32>
      %gt3A_844 = arith.cmpf ogt, %abs3A_841, %gt3A_843 : vector<16xf32>
      %jit3A_845 = arith.constant 0.000000e+00 : f32
      %broadcast_in_dim3A_846 = vector.broadcast %jit3A_845 : f32 to vector<16xf32>
      %select_n3A_847 = arith.select %gt3A_844, %get3A_840, %broadcast_in_dim3A_846 : vector<16xi1>, vector<16xf32>
      %mul3A_848 = arith.mulf %select_n3A_847, %get3A_828 : vector<16xf32>
      %add3A_849 = arith.addf %add3A_803, %mul3A_848 : vector<16xf32>
      %mul3A_850 = arith.mulf %select_n3A_847, %get3A_833 : vector<16xf32>
      %add3A_851 = arith.addf %add3A_805, %mul3A_850 : vector<16xf32>
      %get3A_852 = arith.constant 1 : i32
      %get3A_853 = arith.index_cast %get3A_852 : i32 to index
      %get3A_854 = arith.index_cast %select_n3A : i32 to index
      %get3A_855 = arith.index_cast %rem3A_734 : i32 to index
      %get3A_856 = arith.constant 32 : index
      %get3A_857 = tpu.vector_load %arg9[%get3A_853, %get3A_854, %get3A_855, %get3A_856] {strides = array<i32>} : memref<2x2x64x64xf32, #tpu.memory_space<vmem>>, vector<1x1x1x16xf32>,
      %get3A_858 = vector.shape_cast %get3A_857 : vector<1x1x1x16xf32> to vector<16xf32>
      %abs3A_859 = math.absf %get3A_858 : vector<16xf32>
      %gt3A_860 = arith.constant 9.99999993E-9 : f32
      %gt3A_861 = vector.broadcast %gt3A_860 : f32 to vector<16xf32>
      %gt3A_862 = arith.cmpf ogt, %abs3A_859, %gt3A_861 : vector<16xf32>
      %jit3A_863 = arith.constant 0.000000e+00 : f32
      %broadcast_in_dim3A_864 = vector.broadcast %jit3A_863 : f32 to vector<16xf32>
      %select_n3A_865 = arith.select %gt3A_862, %get3A_858, %broadcast_in_dim3A_864 : vector<16xi1>, vector<16xf32>
      %mul3A_866 = arith.mulf %select_n3A_865, %get3A_828 : vector<16xf32>
      %add3A_867 = arith.addf %add3A_821, %mul3A_866 : vector<16xf32>
      %mul3A_868 = arith.mulf %select_n3A_865, %get3A_833 : vector<16xf32>
      %add3A_869 = arith.addf %add3A_823, %mul3A_868 : vector<16xf32>
      %get3A_870 = arith.index_cast %select_n3A : i32 to index
      %get3A_871 = arith.index_cast %rem3A_734 : i32 to index
      %get3A_872 = arith.constant 48 : index
      %get3A_873 = tpu.vector_load %arg7[%get3A_870, %get3A_871, %get3A_872] {strides = array<i32>} : memref<2x64x64xf32, #tpu.memory_space<vmem>>, vector<1x1x16xf32>,
      %get3A_874 = vector.shape_cast %get3A_873 : vector<1x1x16xf32> to vector<16xf32>
      %get3A_875 = arith.index_cast %select_n3A : i32 to index
      %get3A_876 = arith.index_cast %rem3A_734 : i32 to index
      %get3A_877 = arith.constant 48 : index
      %get3A_878 = tpu.vector_load %arg8[%get3A_875, %get3A_876, %get3A_877] {strides = array<i32>} : memref<2x64x64xf32, #tpu.memory_space<vmem>>, vector<1x1x16xf32>,
      %get3A_879 = vector.shape_cast %get3A_878 : vector<1x1x16xf32> to vector<16xf32>
      %get3A_880 = arith.constant 0 : i32
      %get3A_881 = arith.index_cast %get3A_880 : i32 to index
      %get3A_882 = arith.index_cast %select_n3A : i32 to index
      %get3A_883 = arith.index_cast %rem3A_734 : i32 to index
      %get3A_884 = arith.constant 48 : index
      %get3A_885 = tpu.vector_load %arg9[%get3A_881, %get3A_882, %get3A_883, %get3A_884] {strides = array<i32>} : memref<2x2x64x64xf32, #tpu.memory_space<vmem>>, vector<1x1x1x16xf32>,
      %get3A_886 = vector.shape_cast %get3A_885 : vector<1x1x1x16xf32> to vector<16xf32>
      %abs3A_887 = math.absf %get3A_886 : vector<16xf32>
      %gt3A_888 = arith.constant 9.99999993E-9 : f32
      %gt3A_889 = vector.broadcast %gt3A_888 : f32 to vector<16xf32>
      %gt3A_890 = arith.cmpf ogt, %abs3A_887, %gt3A_889 : vector<16xf32>
      %jit3A_891 = arith.constant 0.000000e+00 : f32
      %broadcast_in_dim3A_892 = vector.broadcast %jit3A_891 : f32 to vector<16xf32>
      %select_n3A_893 = arith.select %gt3A_890, %get3A_886, %broadcast_in_dim3A_892 : vector<16xi1>, vector<16xf32>
      %mul3A_894 = arith.mulf %select_n3A_893, %get3A_874 : vector<16xf32>
      %add3A_895 = arith.addf %add3A_849, %mul3A_894 : vector<16xf32>
      %mul3A_896 = arith.mulf %select_n3A_893, %get3A_879 : vector<16xf32>
      %add3A_897 = arith.addf %add3A_851, %mul3A_896 : vector<16xf32>
      %get3A_898 = arith.constant 1 : i32
      %get3A_899 = arith.index_cast %get3A_898 : i32 to index
      %get3A_900 = arith.index_cast %select_n3A : i32 to index
      %get3A_901 = arith.index_cast %rem3A_734 : i32 to index
      %get3A_902 = arith.constant 48 : index
      %get3A_903 = tpu.vector_load %arg9[%get3A_899, %get3A_900, %get3A_901, %get3A_902] {strides = array<i32>} : memref<2x2x64x64xf32, #tpu.memory_space<vmem>>, vector<1x1x1x16xf32>,
      %get3A_904 = vector.shape_cast %get3A_903 : vector<1x1x1x16xf32> to vector<16xf32>
      %abs3A_905 = math.absf %get3A_904 : vector<16xf32>
      %gt3A_906 = arith.constant 9.99999993E-9 : f32
      %gt3A_907 = vector.broadcast %gt3A_906 : f32 to vector<16xf32>
      %gt3A_908 = arith.cmpf ogt, %abs3A_905, %gt3A_907 : vector<16xf32>
      %jit3A_909 = arith.constant 0.000000e+00 : f32
      %broadcast_in_dim3A_910 = vector.broadcast %jit3A_909 : f32 to vector<16xf32>
      %select_n3A_911 = arith.select %gt3A_908, %get3A_904, %broadcast_in_dim3A_910 : vector<16xi1>, vector<16xf32>
      %mul3A_912 = arith.mulf %select_n3A_911, %get3A_874 : vector<16xf32>
      %add3A_913 = arith.addf %add3A_867, %mul3A_912 : vector<16xf32>
      %mul3A_914 = arith.mulf %select_n3A_911, %get3A_879 : vector<16xf32>
      %add3A_915 = arith.addf %add3A_869, %mul3A_914 : vector<16xf32>
      scf.yield %add3A_895, %add3A_897, %add3A_913, %add3A_915 : vector<16xf32>, vector<16xf32>, vector<16xf32>, vector<16xf32>
    }
    %scan3A_158 = arith.constant 128 : i32
    %swap3A_159 = arith.constant 1 : i32
    %swap3A_160 = arith.index_cast %swap3A_159 : i32 to index
    %swap3A_161 = arith.constant 0 : index
    %swap3A_162 = tpu.vector_load %arg11[%swap3A_160, %swap3A_161] {strides = array<i32>} : memref<16x128xf32, #tpu.memory_space<vmem>>, vector<1x16xf32>,
    %swap3A_163 = vector.shape_cast %swap3A_162 : vector<1x16xf32> to vector<16xf32>
    %swap3A_164 = vector.shape_cast %scan3A_157#0 : vector<16xf32> to vector<1x16xf32>
    tpu.vector_store %arg11[%swap3A_160, %swap3A_161], %swap3A_164 {strides = array<i32>} : memref<16x128xf32, #tpu.memory_space<vmem>>, vector<1x16xf32>,
    %swap3A_165 = arith.constant 1 : i32
    %swap3A_166 = arith.index_cast %swap3A_165 : i32 to index
    %swap3A_167 = arith.constant 16 : index
    %swap3A_168 = tpu.vector_load %arg11[%swap3A_166, %swap3A_167] {strides = array<i32>} : memref<16x128xf32, #tpu.memory_space<vmem>>, vector<1x16xf32>,
    %swap3A_169 = vector.shape_cast %swap3A_168 : vector<1x16xf32> to vector<16xf32>
    %swap3A_170 = vector.shape_cast %scan3A_157#1 : vector<16xf32> to vector<1x16xf32>
    tpu.vector_store %arg11[%swap3A_166, %swap3A_167], %swap3A_170 {strides = array<i32>} : memref<16x128xf32, #tpu.memory_space<vmem>>, vector<1x16xf32>,
    %swap3A_171 = arith.constant 1 : i32
    %swap3A_172 = arith.index_cast %swap3A_171 : i32 to index
    %swap3A_173 = arith.constant 32 : index
    %swap3A_174 = tpu.vector_load %arg11[%swap3A_172, %swap3A_173] {strides = array<i32>} : memref<16x128xf32, #tpu.memory_space<vmem>>, vector<1x16xf32>,
    %swap3A_175 = vector.shape_cast %swap3A_174 : vector<1x16xf32> to vector<16xf32>
    %swap3A_176 = vector.shape_cast %scan3A_157#2 : vector<16xf32> to vector<1x16xf32>
    tpu.vector_store %arg11[%swap3A_172, %swap3A_173], %swap3A_176 {strides = array<i32>} : memref<16x128xf32, #tpu.memory_space<vmem>>, vector<1x16xf32>,
    %swap3A_177 = arith.constant 1 : i32
    %swap3A_178 = arith.index_cast %swap3A_177 : i32 to index
    %swap3A_179 = arith.constant 48 : index
    %swap3A_180 = tpu.vector_load %arg11[%swap3A_178, %swap3A_179] {strides = array<i32>} : memref<16x128xf32, #tpu.memory_space<vmem>>, vector<1x16xf32>,
    %swap3A_181 = vector.shape_cast %swap3A_180 : vector<1x16xf32> to vector<16xf32>
    %swap3A_182 = vector.shape_cast %scan3A_157#3 : vector<16xf32> to vector<1x16xf32>
    tpu.vector_store %arg11[%swap3A_178, %swap3A_179], %swap3A_182 {strides = array<i32>} : memref<16x128xf32, #tpu.memory_space<vmem>>, vector<1x16xf32>,
    %dma_wait3A_183 = arith.constant 0 : i32
    %dma_wait3A_184 = arith.constant 44 : i32
    %dma_wait3A_185 = arith.constant 0 : i32
    %dma_wait3A_186 = arith.constant 0 : i32
    %dma_wait3A_187 = tpu.memref_slice %arg2[%dma_wait3A_184, %dma_wait3A_183, %mul3A_2, %dma_wait3A_185, %dma_wait3A_186] : memref<64x1x64x64x64xf32, #tpu.memory_space<hbm>> -> memref<2x1x2x64x64xf32, #tpu.memory_space<hbm>>
    %dma_wait3A_188 = tpu.memref_squeeze %dma_wait3A_187 : memref<2x1x2x64x64xf32, #tpu.memory_space<hbm>> -> memref<2x2x64x64xf32, #tpu.memory_space<hbm>>
    %dma_wait3A_189 = arith.constant 44 : i32
    %dma_wait3A_190 = arith.constant 0 : i32
    %dma_wait3A_191 = arith.constant 0 : i32
    %dma_wait3A_192 = tpu.memref_slice %arg2[%dma_wait3A_189, %dma_wait3A_183, %mul3A_2, %dma_wait3A_190, %dma_wait3A_191] : memref<64x1x64x64x64xf32, #tpu.memory_space<hbm>> -> memref<2x1x2x64x64xf32, #tpu.memory_space<hbm>>
    %dma_wait3A_193 = tpu.memref_squeeze %dma_wait3A_192 : memref<2x1x2x64x64xf32, #tpu.memory_space<hbm>> -> memref<2x2x64x64xf32, #tpu.memory_space<hbm>>
    tpu.wait_dma2 semaphore(%arg13 : memref<!tpu.dma_semaphore, #tpu.memory_space<semaphore_mem>>) src(%dma_wait3A_193 : memref<2x2x64x64xf32, #tpu.memory_space<hbm>>) dst(%arg10 : memref<2x2x64x64xf32, #tpu.memory_space<vmem>>)
    %dma_start3A_194 = arith.constant 0 : i32
    %dma_start3A_195 = arith.constant 46 : i32
    %dma_start3A_196 = arith.constant 0 : i32
    %dma_start3A_197 = arith.constant 0 : i32
    %dma_start3A_198 = tpu.memref_slice %arg2[%dma_start3A_195, %dma_start3A_194, %mul3A_2, %dma_start3A_196, %dma_start3A_197] : memref<64x1x64x64x64xf32, #tpu.memory_space<hbm>> -> memref<2x1x2x64x64xf32, #tpu.memory_space<hbm>>
    %dma_start3A_199 = tpu.memref_squeeze %dma_start3A_198 : memref<2x1x2x64x64xf32, #tpu.memory_space<hbm>> -> memref<2x2x64x64xf32, #tpu.memory_space<hbm>>
    %dma_start3A_200 = arith.constant 46 : i32
    %dma_start3A_201 = arith.constant 0 : i32
    %dma_start3A_202 = arith.constant 0 : i32
    %dma_start3A_203 = tpu.memref_slice %arg2[%dma_start3A_200, %dma_start3A_194, %mul3A_2, %dma_start3A_201, %dma_start3A_202] : memref<64x1x64x64x64xf32, #tpu.memory_space<hbm>> -> memref<2x1x2x64x64xf32, #tpu.memory_space<hbm>>
    %dma_start3A_204 = tpu.memref_squeeze %dma_start3A_203 : memref<2x1x2x64x64xf32, #tpu.memory_space<hbm>> -> memref<2x2x64x64xf32, #tpu.memory_space<hbm>>
    tpu.enqueue_dma source(%dma_start3A_204 : memref<2x2x64x64xf32, #tpu.memory_space<hbm>>) target(%arg9 : memref<2x2x64x64xf32, #tpu.memory_space<vmem>>) target_semaphore(%arg12 : memref<!tpu.dma_semaphore, #tpu.memory_space<semaphore_mem>>)
    %broadcast_in_dim3A_205 = arith.constant 0.000000e+00 : f32
    %broadcast_in_dim3A_206 = vector.broadcast %broadcast_in_dim3A_205 : f32 to vector<16xf32>
    %scan3A_207 = arith.constant 0 : i32
    %scan3A_208 = arith.constant 128 : i32
    %scan3A_209 = arith.addi %scan3A_207, %scan3A_208 : i32
    %scan3A_210 = arith.constant 1 : i32
    %scan3A_211:4 = scf.for %scan3A_712 = %scan3A_207 to %scan3A_209 step %scan3A_210 iter_args(%scan3A_713 = %broadcast_in_dim3A_206, %scan3A_714 = %broadcast_in_dim3A_206, %scan3A_715 = %broadcast_in_dim3A_206, %scan3A_716 = %broadcast_in_dim3A_206) -> (vector<16xf32>, vector<16xf32>, vector<16xf32>, vector<16xf32>)  : i32 {
      %jit3A = arith.constant 64 : i32
      %div3A = arith.divsi %scan3A_712, %jit3A : i32
      %sign3A = arith.constant 0 : i32
      %sign3A_717 = arith.cmpi sgt, %scan3A_712, %sign3A : i32
      %sign3A_718 = arith.extui %sign3A_717 : i1 to i32
      %sign3A_719 = arith.constant 0 : i32
      %sign3A_720 = arith.cmpi slt, %scan3A_712, %sign3A_719 : i32
      %sign3A_721 = arith.extui %sign3A_720 : i1 to i32
      %sign3A_722 = arith.subi %sign3A_718, %sign3A_721 : i32
      %sign3A_723 = arith.constant 0 : i32
      %sign3A_724 = arith.cmpi sgt, %jit3A, %sign3A_723 : i32
      %sign3A_725 = arith.extui %sign3A_724 : i1 to i32
      %sign3A_726 = arith.constant 0 : i32
      %sign3A_727 = arith.cmpi slt, %jit3A, %sign3A_726 : i32
      %sign3A_728 = arith.extui %sign3A_727 : i1 to i32
      %sign3A_729 = arith.subi %sign3A_725, %sign3A_728 : i32
      %ne3A = arith.cmpi ne, %sign3A_722, %sign3A_729 : i32
      %rem3A = arith.remsi %scan3A_712, %jit3A : i32
      %ne3A_730 = arith.constant 0 : i32
      %ne3A_731 = arith.cmpi ne, %rem3A, %ne3A_730 : i32
      %and3A = arith.andi %ne3A, %ne3A_731 : i1
      %sub3A = arith.constant 1 : i32
      %sub3A_732 = arith.subi %div3A, %sub3A : i32
      %select_n3A = arith.select %and3A, %sub3A_732, %div3A : i32
      %rem3A_733 = arith.constant 64 : i32
      %rem3A_734 = arith.remsi %scan3A_712, %rem3A_733 : i32
      %get3A = arith.index_cast %select_n3A : i32 to index
      %get3A_735 = arith.index_cast %rem3A_734 : i32 to index
      %get3A_736 = arith.constant 0 : index
      %get3A_737 = tpu.vector_load %arg7[%get3A, %get3A_735, %get3A_736] {strides = array<i32>} : memref<2x64x64xf32, #tpu.memory_space<vmem>>, vector<1x1x16xf32>,
      %get3A_738 = vector.shape_cast %get3A_737 : vector<1x1x16xf32> to vector<16xf32>
      %get3A_739 = arith.index_cast %select_n3A : i32 to index
      %get3A_740 = arith.index_cast %rem3A_734 : i32 to index
      %get3A_741 = arith.constant 0 : index
      %get3A_742 = tpu.vector_load %arg8[%get3A_739, %get3A_740, %get3A_741] {strides = array<i32>} : memref<2x64x64xf32, #tpu.memory_space<vmem>>, vector<1x1x16xf32>,
      %get3A_743 = vector.shape_cast %get3A_742 : vector<1x1x16xf32> to vector<16xf32>
      %get3A_744 = arith.constant 0 : i32
      %get3A_745 = arith.index_cast %get3A_744 : i32 to index
      %get3A_746 = arith.index_cast %select_n3A : i32 to index
      %get3A_747 = arith.index_cast %rem3A_734 : i32 to index
      %get3A_748 = arith.constant 0 : index
      %get3A_749 = tpu.vector_load %arg10[%get3A_745, %get3A_746, %get3A_747, %get3A_748] {strides = array<i32>} : memref<2x2x64x64xf32, #tpu.memory_space<vmem>>, vector<1x1x1x16xf32>,
      %get3A_750 = vector.shape_cast %get3A_749 : vector<1x1x1x16xf32> to vector<16xf32>
      %abs3A = math.absf %get3A_750 : vector<16xf32>
      %gt3A = arith.constant 9.99999993E-9 : f32
      %gt3A_751 = vector.broadcast %gt3A : f32 to vector<16xf32>
      %gt3A_752 = arith.cmpf ogt, %abs3A, %gt3A_751 : vector<16xf32>
      %jit3A_753 = arith.constant 0.000000e+00 : f32
      %broadcast_in_dim3A_754 = vector.broadcast %jit3A_753 : f32 to vector<16xf32>
      %select_n3A_755 = arith.select %gt3A_752, %get3A_750, %broadcast_in_dim3A_754 : vector<16xi1>, vector<16xf32>
      %mul3A_756 = arith.mulf %select_n3A_755, %get3A_738 : vector<16xf32>
      %add3A_757 = arith.addf %scan3A_713, %mul3A_756 : vector<16xf32>
      %mul3A_758 = arith.mulf %select_n3A_755, %get3A_743 : vector<16xf32>
      %add3A_759 = arith.addf %scan3A_714, %mul3A_758 : vector<16xf32>
      %get3A_760 = arith.constant 1 : i32
      %get3A_761 = arith.index_cast %get3A_760 : i32 to index
      %get3A_762 = arith.index_cast %select_n3A : i32 to index
      %get3A_763 = arith.index_cast %rem3A_734 : i32 to index
      %get3A_764 = arith.constant 0 : index
      %get3A_765 = tpu.vector_load %arg10[%get3A_761, %get3A_762, %get3A_763, %get3A_764] {strides = array<i32>} : memref<2x2x64x64xf32, #tpu.memory_space<vmem>>, vector<1x1x1x16xf32>,
      %get3A_766 = vector.shape_cast %get3A_765 : vector<1x1x1x16xf32> to vector<16xf32>
      %abs3A_767 = math.absf %get3A_766 : vector<16xf32>
      %gt3A_768 = arith.constant 9.99999993E-9 : f32
      %gt3A_769 = vector.broadcast %gt3A_768 : f32 to vector<16xf32>
      %gt3A_770 = arith.cmpf ogt, %abs3A_767, %gt3A_769 : vector<16xf32>
      %jit3A_771 = arith.constant 0.000000e+00 : f32
      %broadcast_in_dim3A_772 = vector.broadcast %jit3A_771 : f32 to vector<16xf32>
      %select_n3A_773 = arith.select %gt3A_770, %get3A_766, %broadcast_in_dim3A_772 : vector<16xi1>, vector<16xf32>
      %mul3A_774 = arith.mulf %select_n3A_773, %get3A_738 : vector<16xf32>
      %add3A_775 = arith.addf %scan3A_715, %mul3A_774 : vector<16xf32>
      %mul3A_776 = arith.mulf %select_n3A_773, %get3A_743 : vector<16xf32>
      %add3A_777 = arith.addf %scan3A_716, %mul3A_776 : vector<16xf32>
      %get3A_778 = arith.index_cast %select_n3A : i32 to index
      %get3A_779 = arith.index_cast %rem3A_734 : i32 to index
      %get3A_780 = arith.constant 16 : index
      %get3A_781 = tpu.vector_load %arg7[%get3A_778, %get3A_779, %get3A_780] {strides = array<i32>} : memref<2x64x64xf32, #tpu.memory_space<vmem>>, vector<1x1x16xf32>,
      %get3A_782 = vector.shape_cast %get3A_781 : vector<1x1x16xf32> to vector<16xf32>
      %get3A_783 = arith.index_cast %select_n3A : i32 to index
      %get3A_784 = arith.index_cast %rem3A_734 : i32 to index
      %get3A_785 = arith.constant 16 : index
      %get3A_786 = tpu.vector_load %arg8[%get3A_783, %get3A_784, %get3A_785] {strides = array<i32>} : memref<2x64x64xf32, #tpu.memory_space<vmem>>, vector<1x1x16xf32>,
      %get3A_787 = vector.shape_cast %get3A_786 : vector<1x1x16xf32> to vector<16xf32>
      %get3A_788 = arith.constant 0 : i32
      %get3A_789 = arith.index_cast %get3A_788 : i32 to index
      %get3A_790 = arith.index_cast %select_n3A : i32 to index
      %get3A_791 = arith.index_cast %rem3A_734 : i32 to index
      %get3A_792 = arith.constant 16 : index
      %get3A_793 = tpu.vector_load %arg10[%get3A_789, %get3A_790, %get3A_791, %get3A_792] {strides = array<i32>} : memref<2x2x64x64xf32, #tpu.memory_space<vmem>>, vector<1x1x1x16xf32>,
      %get3A_794 = vector.shape_cast %get3A_793 : vector<1x1x1x16xf32> to vector<16xf32>
      %abs3A_795 = math.absf %get3A_794 : vector<16xf32>
      %gt3A_796 = arith.constant 9.99999993E-9 : f32
      %gt3A_797 = vector.broadcast %gt3A_796 : f32 to vector<16xf32>
      %gt3A_798 = arith.cmpf ogt, %abs3A_795, %gt3A_797 : vector<16xf32>
      %jit3A_799 = arith.constant 0.000000e+00 : f32
      %broadcast_in_dim3A_800 = vector.broadcast %jit3A_799 : f32 to vector<16xf32>
      %select_n3A_801 = arith.select %gt3A_798, %get3A_794, %broadcast_in_dim3A_800 : vector<16xi1>, vector<16xf32>
      %mul3A_802 = arith.mulf %select_n3A_801, %get3A_782 : vector<16xf32>
      %add3A_803 = arith.addf %add3A_757, %mul3A_802 : vector<16xf32>
      %mul3A_804 = arith.mulf %select_n3A_801, %get3A_787 : vector<16xf32>
      %add3A_805 = arith.addf %add3A_759, %mul3A_804 : vector<16xf32>
      %get3A_806 = arith.constant 1 : i32
      %get3A_807 = arith.index_cast %get3A_806 : i32 to index
      %get3A_808 = arith.index_cast %select_n3A : i32 to index
      %get3A_809 = arith.index_cast %rem3A_734 : i32 to index
      %get3A_810 = arith.constant 16 : index
      %get3A_811 = tpu.vector_load %arg10[%get3A_807, %get3A_808, %get3A_809, %get3A_810] {strides = array<i32>} : memref<2x2x64x64xf32, #tpu.memory_space<vmem>>, vector<1x1x1x16xf32>,
      %get3A_812 = vector.shape_cast %get3A_811 : vector<1x1x1x16xf32> to vector<16xf32>
      %abs3A_813 = math.absf %get3A_812 : vector<16xf32>
      %gt3A_814 = arith.constant 9.99999993E-9 : f32
      %gt3A_815 = vector.broadcast %gt3A_814 : f32 to vector<16xf32>
      %gt3A_816 = arith.cmpf ogt, %abs3A_813, %gt3A_815 : vector<16xf32>
      %jit3A_817 = arith.constant 0.000000e+00 : f32
      %broadcast_in_dim3A_818 = vector.broadcast %jit3A_817 : f32 to vector<16xf32>
      %select_n3A_819 = arith.select %gt3A_816, %get3A_812, %broadcast_in_dim3A_818 : vector<16xi1>, vector<16xf32>
      %mul3A_820 = arith.mulf %select_n3A_819, %get3A_782 : vector<16xf32>
      %add3A_821 = arith.addf %add3A_775, %mul3A_820 : vector<16xf32>
      %mul3A_822 = arith.mulf %select_n3A_819, %get3A_787 : vector<16xf32>
      %add3A_823 = arith.addf %add3A_777, %mul3A_822 : vector<16xf32>
      %get3A_824 = arith.index_cast %select_n3A : i32 to index
      %get3A_825 = arith.index_cast %rem3A_734 : i32 to index
      %get3A_826 = arith.constant 32 : index
      %get3A_827 = tpu.vector_load %arg7[%get3A_824, %get3A_825, %get3A_826] {strides = array<i32>} : memref<2x64x64xf32, #tpu.memory_space<vmem>>, vector<1x1x16xf32>,
      %get3A_828 = vector.shape_cast %get3A_827 : vector<1x1x16xf32> to vector<16xf32>
      %get3A_829 = arith.index_cast %select_n3A : i32 to index
      %get3A_830 = arith.index_cast %rem3A_734 : i32 to index
      %get3A_831 = arith.constant 32 : index
      %get3A_832 = tpu.vector_load %arg8[%get3A_829, %get3A_830, %get3A_831] {strides = array<i32>} : memref<2x64x64xf32, #tpu.memory_space<vmem>>, vector<1x1x16xf32>,
      %get3A_833 = vector.shape_cast %get3A_832 : vector<1x1x16xf32> to vector<16xf32>
      %get3A_834 = arith.constant 0 : i32
      %get3A_835 = arith.index_cast %get3A_834 : i32 to index
      %get3A_836 = arith.index_cast %select_n3A : i32 to index
      %get3A_837 = arith.index_cast %rem3A_734 : i32 to index
      %get3A_838 = arith.constant 32 : index
      %get3A_839 = tpu.vector_load %arg10[%get3A_835, %get3A_836, %get3A_837, %get3A_838] {strides = array<i32>} : memref<2x2x64x64xf32, #tpu.memory_space<vmem>>, vector<1x1x1x16xf32>,
      %get3A_840 = vector.shape_cast %get3A_839 : vector<1x1x1x16xf32> to vector<16xf32>
      %abs3A_841 = math.absf %get3A_840 : vector<16xf32>
      %gt3A_842 = arith.constant 9.99999993E-9 : f32
      %gt3A_843 = vector.broadcast %gt3A_842 : f32 to vector<16xf32>
      %gt3A_844 = arith.cmpf ogt, %abs3A_841, %gt3A_843 : vector<16xf32>
      %jit3A_845 = arith.constant 0.000000e+00 : f32
      %broadcast_in_dim3A_846 = vector.broadcast %jit3A_845 : f32 to vector<16xf32>
      %select_n3A_847 = arith.select %gt3A_844, %get3A_840, %broadcast_in_dim3A_846 : vector<16xi1>, vector<16xf32>
      %mul3A_848 = arith.mulf %select_n3A_847, %get3A_828 : vector<16xf32>
      %add3A_849 = arith.addf %add3A_803, %mul3A_848 : vector<16xf32>
      %mul3A_850 = arith.mulf %select_n3A_847, %get3A_833 : vector<16xf32>
      %add3A_851 = arith.addf %add3A_805, %mul3A_850 : vector<16xf32>
      %get3A_852 = arith.constant 1 : i32
      %get3A_853 = arith.index_cast %get3A_852 : i32 to index
      %get3A_854 = arith.index_cast %select_n3A : i32 to index
      %get3A_855 = arith.index_cast %rem3A_734 : i32 to index
      %get3A_856 = arith.constant 32 : index
      %get3A_857 = tpu.vector_load %arg10[%get3A_853, %get3A_854, %get3A_855, %get3A_856] {strides = array<i32>} : memref<2x2x64x64xf32, #tpu.memory_space<vmem>>, vector<1x1x1x16xf32>,
      %get3A_858 = vector.shape_cast %get3A_857 : vector<1x1x1x16xf32> to vector<16xf32>
      %abs3A_859 = math.absf %get3A_858 : vector<16xf32>
      %gt3A_860 = arith.constant 9.99999993E-9 : f32
      %gt3A_861 = vector.broadcast %gt3A_860 : f32 to vector<16xf32>
      %gt3A_862 = arith.cmpf ogt, %abs3A_859, %gt3A_861 : vector<16xf32>
      %jit3A_863 = arith.constant 0.000000e+00 : f32
      %broadcast_in_dim3A_864 = vector.broadcast %jit3A_863 : f32 to vector<16xf32>
      %select_n3A_865 = arith.select %gt3A_862, %get3A_858, %broadcast_in_dim3A_864 : vector<16xi1>, vector<16xf32>
      %mul3A_866 = arith.mulf %select_n3A_865, %get3A_828 : vector<16xf32>
      %add3A_867 = arith.addf %add3A_821, %mul3A_866 : vector<16xf32>
      %mul3A_868 = arith.mulf %select_n3A_865, %get3A_833 : vector<16xf32>
      %add3A_869 = arith.addf %add3A_823, %mul3A_868 : vector<16xf32>
      %get3A_870 = arith.index_cast %select_n3A : i32 to index
      %get3A_871 = arith.index_cast %rem3A_734 : i32 to index
      %get3A_872 = arith.constant 48 : index
      %get3A_873 = tpu.vector_load %arg7[%get3A_870, %get3A_871, %get3A_872] {strides = array<i32>} : memref<2x64x64xf32, #tpu.memory_space<vmem>>, vector<1x1x16xf32>,
      %get3A_874 = vector.shape_cast %get3A_873 : vector<1x1x16xf32> to vector<16xf32>
      %get3A_875 = arith.index_cast %select_n3A : i32 to index
      %get3A_876 = arith.index_cast %rem3A_734 : i32 to index
      %get3A_877 = arith.constant 48 : index
      %get3A_878 = tpu.vector_load %arg8[%get3A_875, %get3A_876, %get3A_877] {strides = array<i32>} : memref<2x64x64xf32, #tpu.memory_space<vmem>>, vector<1x1x16xf32>,
      %get3A_879 = vector.shape_cast %get3A_878 : vector<1x1x16xf32> to vector<16xf32>
      %get3A_880 = arith.constant 0 : i32
      %get3A_881 = arith.index_cast %get3A_880 : i32 to index
      %get3A_882 = arith.index_cast %select_n3A : i32 to index
      %get3A_883 = arith.index_cast %rem3A_734 : i32 to index
      %get3A_884 = arith.constant 48 : index
      %get3A_885 = tpu.vector_load %arg10[%get3A_881, %get3A_882, %get3A_883, %get3A_884] {strides = array<i32>} : memref<2x2x64x64xf32, #tpu.memory_space<vmem>>, vector<1x1x1x16xf32>,
      %get3A_886 = vector.shape_cast %get3A_885 : vector<1x1x1x16xf32> to vector<16xf32>
      %abs3A_887 = math.absf %get3A_886 : vector<16xf32>
      %gt3A_888 = arith.constant 9.99999993E-9 : f32
      %gt3A_889 = vector.broadcast %gt3A_888 : f32 to vector<16xf32>
      %gt3A_890 = arith.cmpf ogt, %abs3A_887, %gt3A_889 : vector<16xf32>
      %jit3A_891 = arith.constant 0.000000e+00 : f32
      %broadcast_in_dim3A_892 = vector.broadcast %jit3A_891 : f32 to vector<16xf32>
      %select_n3A_893 = arith.select %gt3A_890, %get3A_886, %broadcast_in_dim3A_892 : vector<16xi1>, vector<16xf32>
      %mul3A_894 = arith.mulf %select_n3A_893, %get3A_874 : vector<16xf32>
      %add3A_895 = arith.addf %add3A_849, %mul3A_894 : vector<16xf32>
      %mul3A_896 = arith.mulf %select_n3A_893, %get3A_879 : vector<16xf32>
      %add3A_897 = arith.addf %add3A_851, %mul3A_896 : vector<16xf32>
      %get3A_898 = arith.constant 1 : i32
      %get3A_899 = arith.index_cast %get3A_898 : i32 to index
      %get3A_900 = arith.index_cast %select_n3A : i32 to index
      %get3A_901 = arith.index_cast %rem3A_734 : i32 to index
      %get3A_902 = arith.constant 48 : index
      %get3A_903 = tpu.vector_load %arg10[%get3A_899, %get3A_900, %get3A_901, %get3A_902] {strides = array<i32>} : memref<2x2x64x64xf32, #tpu.memory_space<vmem>>, vector<1x1x1x16xf32>,
      %get3A_904 = vector.shape_cast %get3A_903 : vector<1x1x1x16xf32> to vector<16xf32>
      %abs3A_905 = math.absf %get3A_904 : vector<16xf32>
      %gt3A_906 = arith.constant 9.99999993E-9 : f32
      %gt3A_907 = vector.broadcast %gt3A_906 : f32 to vector<16xf32>
      %gt3A_908 = arith.cmpf ogt, %abs3A_905, %gt3A_907 : vector<16xf32>
      %jit3A_909 = arith.constant 0.000000e+00 : f32
      %broadcast_in_dim3A_910 = vector.broadcast %jit3A_909 : f32 to vector<16xf32>
      %select_n3A_911 = arith.select %gt3A_908, %get3A_904, %broadcast_in_dim3A_910 : vector<16xi1>, vector<16xf32>
      %mul3A_912 = arith.mulf %select_n3A_911, %get3A_874 : vector<16xf32>
      %add3A_913 = arith.addf %add3A_867, %mul3A_912 : vector<16xf32>
      %mul3A_914 = arith.mulf %select_n3A_911, %get3A_879 : vector<16xf32>
      %add3A_915 = arith.addf %add3A_869, %mul3A_914 : vector<16xf32>
      scf.yield %add3A_895, %add3A_897, %add3A_913, %add3A_915 : vector<16xf32>, vector<16xf32>, vector<16xf32>, vector<16xf32>
    }
    %scan3A_212 = arith.constant 128 : i32
    %swap3A_213 = arith.constant 1 : i32
    %swap3A_214 = arith.index_cast %swap3A_213 : i32 to index
    %swap3A_215 = arith.constant 64 : index
    %swap3A_216 = tpu.vector_load %arg11[%swap3A_214, %swap3A_215] {strides = array<i32>} : memref<16x128xf32, #tpu.memory_space<vmem>>, vector<1x16xf32>,
    %swap3A_217 = vector.shape_cast %swap3A_216 : vector<1x16xf32> to vector<16xf32>
    %swap3A_218 = vector.shape_cast %scan3A_211#0 : vector<16xf32> to vector<1x16xf32>
    tpu.vector_store %arg11[%swap3A_214, %swap3A_215], %swap3A_218 {strides = array<i32>} : memref<16x128xf32, #tpu.memory_space<vmem>>, vector<1x16xf32>,
    %swap3A_219 = arith.constant 1 : i32
    %swap3A_220 = arith.index_cast %swap3A_219 : i32 to index
    %swap3A_221 = arith.constant 80 : index
    %swap3A_222 = tpu.vector_load %arg11[%swap3A_220, %swap3A_221] {strides = array<i32>} : memref<16x128xf32, #tpu.memory_space<vmem>>, vector<1x16xf32>,
    %swap3A_223 = vector.shape_cast %swap3A_222 : vector<1x16xf32> to vector<16xf32>
    %swap3A_224 = vector.shape_cast %scan3A_211#1 : vector<16xf32> to vector<1x16xf32>
    tpu.vector_store %arg11[%swap3A_220, %swap3A_221], %swap3A_224 {strides = array<i32>} : memref<16x128xf32, #tpu.memory_space<vmem>>, vector<1x16xf32>,
    %swap3A_225 = arith.constant 1 : i32
    %swap3A_226 = arith.index_cast %swap3A_225 : i32 to index
    %swap3A_227 = arith.constant 96 : index
    %swap3A_228 = tpu.vector_load %arg11[%swap3A_226, %swap3A_227] {strides = array<i32>} : memref<16x128xf32, #tpu.memory_space<vmem>>, vector<1x16xf32>,
    %swap3A_229 = vector.shape_cast %swap3A_228 : vector<1x16xf32> to vector<16xf32>
    %swap3A_230 = vector.shape_cast %scan3A_211#2 : vector<16xf32> to vector<1x16xf32>
    tpu.vector_store %arg11[%swap3A_226, %swap3A_227], %swap3A_230 {strides = array<i32>} : memref<16x128xf32, #tpu.memory_space<vmem>>, vector<1x16xf32>,
    %swap3A_231 = arith.constant 1 : i32
    %swap3A_232 = arith.index_cast %swap3A_231 : i32 to index
    %swap3A_233 = arith.constant 112 : index
    %swap3A_234 = tpu.vector_load %arg11[%swap3A_232, %swap3A_233] {strides = array<i32>} : memref<16x128xf32, #tpu.memory_space<vmem>>, vector<1x16xf32>,
    %swap3A_235 = vector.shape_cast %swap3A_234 : vector<1x16xf32> to vector<16xf32>
    %swap3A_236 = vector.shape_cast %scan3A_211#3 : vector<16xf32> to vector<1x16xf32>
    tpu.vector_store %arg11[%swap3A_232, %swap3A_233], %swap3A_236 {strides = array<i32>} : memref<16x128xf32, #tpu.memory_space<vmem>>, vector<1x16xf32>,
    %dma_wait3A_237 = arith.constant 0 : i32
    %dma_wait3A_238 = arith.constant 46 : i32
    %dma_wait3A_239 = arith.constant 0 : i32
    %dma_wait3A_240 = arith.constant 0 : i32
    %dma_wait3A_241 = tpu.memref_slice %arg2[%dma_wait3A_238, %dma_wait3A_237, %mul3A_2, %dma_wait3A_239, %dma_wait3A_240] : memref<64x1x64x64x64xf32, #tpu.memory_space<hbm>> -> memref<2x1x2x64x64xf32, #tpu.memory_space<hbm>>
    %dma_wait3A_242 = tpu.memref_squeeze %dma_wait3A_241 : memref<2x1x2x64x64xf32, #tpu.memory_space<hbm>> -> memref<2x2x64x64xf32, #tpu.memory_space<hbm>>
    %dma_wait3A_243 = arith.constant 46 : i32
    %dma_wait3A_244 = arith.constant 0 : i32
    %dma_wait3A_245 = arith.constant 0 : i32
    %dma_wait3A_246 = tpu.memref_slice %arg2[%dma_wait3A_243, %dma_wait3A_237, %mul3A_2, %dma_wait3A_244, %dma_wait3A_245] : memref<64x1x64x64x64xf32, #tpu.memory_space<hbm>> -> memref<2x1x2x64x64xf32, #tpu.memory_space<hbm>>
    %dma_wait3A_247 = tpu.memref_squeeze %dma_wait3A_246 : memref<2x1x2x64x64xf32, #tpu.memory_space<hbm>> -> memref<2x2x64x64xf32, #tpu.memory_space<hbm>>
    tpu.wait_dma2 semaphore(%arg12 : memref<!tpu.dma_semaphore, #tpu.memory_space<semaphore_mem>>) src(%dma_wait3A_247 : memref<2x2x64x64xf32, #tpu.memory_space<hbm>>) dst(%arg9 : memref<2x2x64x64xf32, #tpu.memory_space<vmem>>)
    %dma_start3A_248 = arith.constant 0 : i32
    %dma_start3A_249 = arith.constant 48 : i32
    %dma_start3A_250 = arith.constant 0 : i32
    %dma_start3A_251 = arith.constant 0 : i32
    %dma_start3A_252 = tpu.memref_slice %arg2[%dma_start3A_249, %dma_start3A_248, %mul3A_2, %dma_start3A_250, %dma_start3A_251] : memref<64x1x64x64x64xf32, #tpu.memory_space<hbm>> -> memref<2x1x2x64x64xf32, #tpu.memory_space<hbm>>
    %dma_start3A_253 = tpu.memref_squeeze %dma_start3A_252 : memref<2x1x2x64x64xf32, #tpu.memory_space<hbm>> -> memref<2x2x64x64xf32, #tpu.memory_space<hbm>>
    %dma_start3A_254 = arith.constant 48 : i32
    %dma_start3A_255 = arith.constant 0 : i32
    %dma_start3A_256 = arith.constant 0 : i32
    %dma_start3A_257 = tpu.memref_slice %arg2[%dma_start3A_254, %dma_start3A_248, %mul3A_2, %dma_start3A_255, %dma_start3A_256] : memref<64x1x64x64x64xf32, #tpu.memory_space<hbm>> -> memref<2x1x2x64x64xf32, #tpu.memory_space<hbm>>
    %dma_start3A_258 = tpu.memref_squeeze %dma_start3A_257 : memref<2x1x2x64x64xf32, #tpu.memory_space<hbm>> -> memref<2x2x64x64xf32, #tpu.memory_space<hbm>>
    tpu.enqueue_dma source(%dma_start3A_258 : memref<2x2x64x64xf32, #tpu.memory_space<hbm>>) target(%arg10 : memref<2x2x64x64xf32, #tpu.memory_space<vmem>>) target_semaphore(%arg13 : memref<!tpu.dma_semaphore, #tpu.memory_space<semaphore_mem>>)
    %broadcast_in_dim3A_259 = arith.constant 0.000000e+00 : f32
    %broadcast_in_dim3A_260 = vector.broadcast %broadcast_in_dim3A_259 : f32 to vector<16xf32>
    %scan3A_261 = arith.constant 0 : i32
    %scan3A_262 = arith.constant 128 : i32
    %scan3A_263 = arith.addi %scan3A_261, %scan3A_262 : i32
    %scan3A_264 = arith.constant 1 : i32
    %scan3A_265:4 = scf.for %scan3A_712 = %scan3A_261 to %scan3A_263 step %scan3A_264 iter_args(%scan3A_713 = %broadcast_in_dim3A_260, %scan3A_714 = %broadcast_in_dim3A_260, %scan3A_715 = %broadcast_in_dim3A_260, %scan3A_716 = %broadcast_in_dim3A_260) -> (vector<16xf32>, vector<16xf32>, vector<16xf32>, vector<16xf32>)  : i32 {
      %jit3A = arith.constant 64 : i32
      %div3A = arith.divsi %scan3A_712, %jit3A : i32
      %sign3A = arith.constant 0 : i32
      %sign3A_717 = arith.cmpi sgt, %scan3A_712, %sign3A : i32
      %sign3A_718 = arith.extui %sign3A_717 : i1 to i32
      %sign3A_719 = arith.constant 0 : i32
      %sign3A_720 = arith.cmpi slt, %scan3A_712, %sign3A_719 : i32
      %sign3A_721 = arith.extui %sign3A_720 : i1 to i32
      %sign3A_722 = arith.subi %sign3A_718, %sign3A_721 : i32
      %sign3A_723 = arith.constant 0 : i32
      %sign3A_724 = arith.cmpi sgt, %jit3A, %sign3A_723 : i32
      %sign3A_725 = arith.extui %sign3A_724 : i1 to i32
      %sign3A_726 = arith.constant 0 : i32
      %sign3A_727 = arith.cmpi slt, %jit3A, %sign3A_726 : i32
      %sign3A_728 = arith.extui %sign3A_727 : i1 to i32
      %sign3A_729 = arith.subi %sign3A_725, %sign3A_728 : i32
      %ne3A = arith.cmpi ne, %sign3A_722, %sign3A_729 : i32
      %rem3A = arith.remsi %scan3A_712, %jit3A : i32
      %ne3A_730 = arith.constant 0 : i32
      %ne3A_731 = arith.cmpi ne, %rem3A, %ne3A_730 : i32
      %and3A = arith.andi %ne3A, %ne3A_731 : i1
      %sub3A = arith.constant 1 : i32
      %sub3A_732 = arith.subi %div3A, %sub3A : i32
      %select_n3A = arith.select %and3A, %sub3A_732, %div3A : i32
      %rem3A_733 = arith.constant 64 : i32
      %rem3A_734 = arith.remsi %scan3A_712, %rem3A_733 : i32
      %get3A = arith.index_cast %select_n3A : i32 to index
      %get3A_735 = arith.index_cast %rem3A_734 : i32 to index
      %get3A_736 = arith.constant 0 : index
      %get3A_737 = tpu.vector_load %arg7[%get3A, %get3A_735, %get3A_736] {strides = array<i32>} : memref<2x64x64xf32, #tpu.memory_space<vmem>>, vector<1x1x16xf32>,
      %get3A_738 = vector.shape_cast %get3A_737 : vector<1x1x16xf32> to vector<16xf32>
      %get3A_739 = arith.index_cast %select_n3A : i32 to index
      %get3A_740 = arith.index_cast %rem3A_734 : i32 to index
      %get3A_741 = arith.constant 0 : index
      %get3A_742 = tpu.vector_load %arg8[%get3A_739, %get3A_740, %get3A_741] {strides = array<i32>} : memref<2x64x64xf32, #tpu.memory_space<vmem>>, vector<1x1x16xf32>,
      %get3A_743 = vector.shape_cast %get3A_742 : vector<1x1x16xf32> to vector<16xf32>
      %get3A_744 = arith.constant 0 : i32
      %get3A_745 = arith.index_cast %get3A_744 : i32 to index
      %get3A_746 = arith.index_cast %select_n3A : i32 to index
      %get3A_747 = arith.index_cast %rem3A_734 : i32 to index
      %get3A_748 = arith.constant 0 : index
      %get3A_749 = tpu.vector_load %arg9[%get3A_745, %get3A_746, %get3A_747, %get3A_748] {strides = array<i32>} : memref<2x2x64x64xf32, #tpu.memory_space<vmem>>, vector<1x1x1x16xf32>,
      %get3A_750 = vector.shape_cast %get3A_749 : vector<1x1x1x16xf32> to vector<16xf32>
      %abs3A = math.absf %get3A_750 : vector<16xf32>
      %gt3A = arith.constant 9.99999993E-9 : f32
      %gt3A_751 = vector.broadcast %gt3A : f32 to vector<16xf32>
      %gt3A_752 = arith.cmpf ogt, %abs3A, %gt3A_751 : vector<16xf32>
      %jit3A_753 = arith.constant 0.000000e+00 : f32
      %broadcast_in_dim3A_754 = vector.broadcast %jit3A_753 : f32 to vector<16xf32>
      %select_n3A_755 = arith.select %gt3A_752, %get3A_750, %broadcast_in_dim3A_754 : vector<16xi1>, vector<16xf32>
      %mul3A_756 = arith.mulf %select_n3A_755, %get3A_738 : vector<16xf32>
      %add3A_757 = arith.addf %scan3A_713, %mul3A_756 : vector<16xf32>
      %mul3A_758 = arith.mulf %select_n3A_755, %get3A_743 : vector<16xf32>
      %add3A_759 = arith.addf %scan3A_714, %mul3A_758 : vector<16xf32>
      %get3A_760 = arith.constant 1 : i32
      %get3A_761 = arith.index_cast %get3A_760 : i32 to index
      %get3A_762 = arith.index_cast %select_n3A : i32 to index
      %get3A_763 = arith.index_cast %rem3A_734 : i32 to index
      %get3A_764 = arith.constant 0 : index
      %get3A_765 = tpu.vector_load %arg9[%get3A_761, %get3A_762, %get3A_763, %get3A_764] {strides = array<i32>} : memref<2x2x64x64xf32, #tpu.memory_space<vmem>>, vector<1x1x1x16xf32>,
      %get3A_766 = vector.shape_cast %get3A_765 : vector<1x1x1x16xf32> to vector<16xf32>
      %abs3A_767 = math.absf %get3A_766 : vector<16xf32>
      %gt3A_768 = arith.constant 9.99999993E-9 : f32
      %gt3A_769 = vector.broadcast %gt3A_768 : f32 to vector<16xf32>
      %gt3A_770 = arith.cmpf ogt, %abs3A_767, %gt3A_769 : vector<16xf32>
      %jit3A_771 = arith.constant 0.000000e+00 : f32
      %broadcast_in_dim3A_772 = vector.broadcast %jit3A_771 : f32 to vector<16xf32>
      %select_n3A_773 = arith.select %gt3A_770, %get3A_766, %broadcast_in_dim3A_772 : vector<16xi1>, vector<16xf32>
      %mul3A_774 = arith.mulf %select_n3A_773, %get3A_738 : vector<16xf32>
      %add3A_775 = arith.addf %scan3A_715, %mul3A_774 : vector<16xf32>
      %mul3A_776 = arith.mulf %select_n3A_773, %get3A_743 : vector<16xf32>
      %add3A_777 = arith.addf %scan3A_716, %mul3A_776 : vector<16xf32>
      %get3A_778 = arith.index_cast %select_n3A : i32 to index
      %get3A_779 = arith.index_cast %rem3A_734 : i32 to index
      %get3A_780 = arith.constant 16 : index
      %get3A_781 = tpu.vector_load %arg7[%get3A_778, %get3A_779, %get3A_780] {strides = array<i32>} : memref<2x64x64xf32, #tpu.memory_space<vmem>>, vector<1x1x16xf32>,
      %get3A_782 = vector.shape_cast %get3A_781 : vector<1x1x16xf32> to vector<16xf32>
      %get3A_783 = arith.index_cast %select_n3A : i32 to index
      %get3A_784 = arith.index_cast %rem3A_734 : i32 to index
      %get3A_785 = arith.constant 16 : index
      %get3A_786 = tpu.vector_load %arg8[%get3A_783, %get3A_784, %get3A_785] {strides = array<i32>} : memref<2x64x64xf32, #tpu.memory_space<vmem>>, vector<1x1x16xf32>,
      %get3A_787 = vector.shape_cast %get3A_786 : vector<1x1x16xf32> to vector<16xf32>
      %get3A_788 = arith.constant 0 : i32
      %get3A_789 = arith.index_cast %get3A_788 : i32 to index
      %get3A_790 = arith.index_cast %select_n3A : i32 to index
      %get3A_791 = arith.index_cast %rem3A_734 : i32 to index
      %get3A_792 = arith.constant 16 : index
      %get3A_793 = tpu.vector_load %arg9[%get3A_789, %get3A_790, %get3A_791, %get3A_792] {strides = array<i32>} : memref<2x2x64x64xf32, #tpu.memory_space<vmem>>, vector<1x1x1x16xf32>,
      %get3A_794 = vector.shape_cast %get3A_793 : vector<1x1x1x16xf32> to vector<16xf32>
      %abs3A_795 = math.absf %get3A_794 : vector<16xf32>
      %gt3A_796 = arith.constant 9.99999993E-9 : f32
      %gt3A_797 = vector.broadcast %gt3A_796 : f32 to vector<16xf32>
      %gt3A_798 = arith.cmpf ogt, %abs3A_795, %gt3A_797 : vector<16xf32>
      %jit3A_799 = arith.constant 0.000000e+00 : f32
      %broadcast_in_dim3A_800 = vector.broadcast %jit3A_799 : f32 to vector<16xf32>
      %select_n3A_801 = arith.select %gt3A_798, %get3A_794, %broadcast_in_dim3A_800 : vector<16xi1>, vector<16xf32>
      %mul3A_802 = arith.mulf %select_n3A_801, %get3A_782 : vector<16xf32>
      %add3A_803 = arith.addf %add3A_757, %mul3A_802 : vector<16xf32>
      %mul3A_804 = arith.mulf %select_n3A_801, %get3A_787 : vector<16xf32>
      %add3A_805 = arith.addf %add3A_759, %mul3A_804 : vector<16xf32>
      %get3A_806 = arith.constant 1 : i32
      %get3A_807 = arith.index_cast %get3A_806 : i32 to index
      %get3A_808 = arith.index_cast %select_n3A : i32 to index
      %get3A_809 = arith.index_cast %rem3A_734 : i32 to index
      %get3A_810 = arith.constant 16 : index
      %get3A_811 = tpu.vector_load %arg9[%get3A_807, %get3A_808, %get3A_809, %get3A_810] {strides = array<i32>} : memref<2x2x64x64xf32, #tpu.memory_space<vmem>>, vector<1x1x1x16xf32>,
      %get3A_812 = vector.shape_cast %get3A_811 : vector<1x1x1x16xf32> to vector<16xf32>
      %abs3A_813 = math.absf %get3A_812 : vector<16xf32>
      %gt3A_814 = arith.constant 9.99999993E-9 : f32
      %gt3A_815 = vector.broadcast %gt3A_814 : f32 to vector<16xf32>
      %gt3A_816 = arith.cmpf ogt, %abs3A_813, %gt3A_815 : vector<16xf32>
      %jit3A_817 = arith.constant 0.000000e+00 : f32
      %broadcast_in_dim3A_818 = vector.broadcast %jit3A_817 : f32 to vector<16xf32>
      %select_n3A_819 = arith.select %gt3A_816, %get3A_812, %broadcast_in_dim3A_818 : vector<16xi1>, vector<16xf32>
      %mul3A_820 = arith.mulf %select_n3A_819, %get3A_782 : vector<16xf32>
      %add3A_821 = arith.addf %add3A_775, %mul3A_820 : vector<16xf32>
      %mul3A_822 = arith.mulf %select_n3A_819, %get3A_787 : vector<16xf32>
      %add3A_823 = arith.addf %add3A_777, %mul3A_822 : vector<16xf32>
      %get3A_824 = arith.index_cast %select_n3A : i32 to index
      %get3A_825 = arith.index_cast %rem3A_734 : i32 to index
      %get3A_826 = arith.constant 32 : index
      %get3A_827 = tpu.vector_load %arg7[%get3A_824, %get3A_825, %get3A_826] {strides = array<i32>} : memref<2x64x64xf32, #tpu.memory_space<vmem>>, vector<1x1x16xf32>,
      %get3A_828 = vector.shape_cast %get3A_827 : vector<1x1x16xf32> to vector<16xf32>
      %get3A_829 = arith.index_cast %select_n3A : i32 to index
      %get3A_830 = arith.index_cast %rem3A_734 : i32 to index
      %get3A_831 = arith.constant 32 : index
      %get3A_832 = tpu.vector_load %arg8[%get3A_829, %get3A_830, %get3A_831] {strides = array<i32>} : memref<2x64x64xf32, #tpu.memory_space<vmem>>, vector<1x1x16xf32>,
      %get3A_833 = vector.shape_cast %get3A_832 : vector<1x1x16xf32> to vector<16xf32>
      %get3A_834 = arith.constant 0 : i32
      %get3A_835 = arith.index_cast %get3A_834 : i32 to index
      %get3A_836 = arith.index_cast %select_n3A : i32 to index
      %get3A_837 = arith.index_cast %rem3A_734 : i32 to index
      %get3A_838 = arith.constant 32 : index
      %get3A_839 = tpu.vector_load %arg9[%get3A_835, %get3A_836, %get3A_837, %get3A_838] {strides = array<i32>} : memref<2x2x64x64xf32, #tpu.memory_space<vmem>>, vector<1x1x1x16xf32>,
      %get3A_840 = vector.shape_cast %get3A_839 : vector<1x1x1x16xf32> to vector<16xf32>
      %abs3A_841 = math.absf %get3A_840 : vector<16xf32>
      %gt3A_842 = arith.constant 9.99999993E-9 : f32
      %gt3A_843 = vector.broadcast %gt3A_842 : f32 to vector<16xf32>
      %gt3A_844 = arith.cmpf ogt, %abs3A_841, %gt3A_843 : vector<16xf32>
      %jit3A_845 = arith.constant 0.000000e+00 : f32
      %broadcast_in_dim3A_846 = vector.broadcast %jit3A_845 : f32 to vector<16xf32>
      %select_n3A_847 = arith.select %gt3A_844, %get3A_840, %broadcast_in_dim3A_846 : vector<16xi1>, vector<16xf32>
      %mul3A_848 = arith.mulf %select_n3A_847, %get3A_828 : vector<16xf32>
      %add3A_849 = arith.addf %add3A_803, %mul3A_848 : vector<16xf32>
      %mul3A_850 = arith.mulf %select_n3A_847, %get3A_833 : vector<16xf32>
      %add3A_851 = arith.addf %add3A_805, %mul3A_850 : vector<16xf32>
      %get3A_852 = arith.constant 1 : i32
      %get3A_853 = arith.index_cast %get3A_852 : i32 to index
      %get3A_854 = arith.index_cast %select_n3A : i32 to index
      %get3A_855 = arith.index_cast %rem3A_734 : i32 to index
      %get3A_856 = arith.constant 32 : index
      %get3A_857 = tpu.vector_load %arg9[%get3A_853, %get3A_854, %get3A_855, %get3A_856] {strides = array<i32>} : memref<2x2x64x64xf32, #tpu.memory_space<vmem>>, vector<1x1x1x16xf32>,
      %get3A_858 = vector.shape_cast %get3A_857 : vector<1x1x1x16xf32> to vector<16xf32>
      %abs3A_859 = math.absf %get3A_858 : vector<16xf32>
      %gt3A_860 = arith.constant 9.99999993E-9 : f32
      %gt3A_861 = vector.broadcast %gt3A_860 : f32 to vector<16xf32>
      %gt3A_862 = arith.cmpf ogt, %abs3A_859, %gt3A_861 : vector<16xf32>
      %jit3A_863 = arith.constant 0.000000e+00 : f32
      %broadcast_in_dim3A_864 = vector.broadcast %jit3A_863 : f32 to vector<16xf32>
      %select_n3A_865 = arith.select %gt3A_862, %get3A_858, %broadcast_in_dim3A_864 : vector<16xi1>, vector<16xf32>
      %mul3A_866 = arith.mulf %select_n3A_865, %get3A_828 : vector<16xf32>
      %add3A_867 = arith.addf %add3A_821, %mul3A_866 : vector<16xf32>
      %mul3A_868 = arith.mulf %select_n3A_865, %get3A_833 : vector<16xf32>
      %add3A_869 = arith.addf %add3A_823, %mul3A_868 : vector<16xf32>
      %get3A_870 = arith.index_cast %select_n3A : i32 to index
      %get3A_871 = arith.index_cast %rem3A_734 : i32 to index
      %get3A_872 = arith.constant 48 : index
      %get3A_873 = tpu.vector_load %arg7[%get3A_870, %get3A_871, %get3A_872] {strides = array<i32>} : memref<2x64x64xf32, #tpu.memory_space<vmem>>, vector<1x1x16xf32>,
      %get3A_874 = vector.shape_cast %get3A_873 : vector<1x1x16xf32> to vector<16xf32>
      %get3A_875 = arith.index_cast %select_n3A : i32 to index
      %get3A_876 = arith.index_cast %rem3A_734 : i32 to index
      %get3A_877 = arith.constant 48 : index
      %get3A_878 = tpu.vector_load %arg8[%get3A_875, %get3A_876, %get3A_877] {strides = array<i32>} : memref<2x64x64xf32, #tpu.memory_space<vmem>>, vector<1x1x16xf32>,
      %get3A_879 = vector.shape_cast %get3A_878 : vector<1x1x16xf32> to vector<16xf32>
      %get3A_880 = arith.constant 0 : i32
      %get3A_881 = arith.index_cast %get3A_880 : i32 to index
      %get3A_882 = arith.index_cast %select_n3A : i32 to index
      %get3A_883 = arith.index_cast %rem3A_734 : i32 to index
      %get3A_884 = arith.constant 48 : index
      %get3A_885 = tpu.vector_load %arg9[%get3A_881, %get3A_882, %get3A_883, %get3A_884] {strides = array<i32>} : memref<2x2x64x64xf32, #tpu.memory_space<vmem>>, vector<1x1x1x16xf32>,
      %get3A_886 = vector.shape_cast %get3A_885 : vector<1x1x1x16xf32> to vector<16xf32>
      %abs3A_887 = math.absf %get3A_886 : vector<16xf32>
      %gt3A_888 = arith.constant 9.99999993E-9 : f32
      %gt3A_889 = vector.broadcast %gt3A_888 : f32 to vector<16xf32>
      %gt3A_890 = arith.cmpf ogt, %abs3A_887, %gt3A_889 : vector<16xf32>
      %jit3A_891 = arith.constant 0.000000e+00 : f32
      %broadcast_in_dim3A_892 = vector.broadcast %jit3A_891 : f32 to vector<16xf32>
      %select_n3A_893 = arith.select %gt3A_890, %get3A_886, %broadcast_in_dim3A_892 : vector<16xi1>, vector<16xf32>
      %mul3A_894 = arith.mulf %select_n3A_893, %get3A_874 : vector<16xf32>
      %add3A_895 = arith.addf %add3A_849, %mul3A_894 : vector<16xf32>
      %mul3A_896 = arith.mulf %select_n3A_893, %get3A_879 : vector<16xf32>
      %add3A_897 = arith.addf %add3A_851, %mul3A_896 : vector<16xf32>
      %get3A_898 = arith.constant 1 : i32
      %get3A_899 = arith.index_cast %get3A_898 : i32 to index
      %get3A_900 = arith.index_cast %select_n3A : i32 to index
      %get3A_901 = arith.index_cast %rem3A_734 : i32 to index
      %get3A_902 = arith.constant 48 : index
      %get3A_903 = tpu.vector_load %arg9[%get3A_899, %get3A_900, %get3A_901, %get3A_902] {strides = array<i32>} : memref<2x2x64x64xf32, #tpu.memory_space<vmem>>, vector<1x1x1x16xf32>,
      %get3A_904 = vector.shape_cast %get3A_903 : vector<1x1x1x16xf32> to vector<16xf32>
      %abs3A_905 = math.absf %get3A_904 : vector<16xf32>
      %gt3A_906 = arith.constant 9.99999993E-9 : f32
      %gt3A_907 = vector.broadcast %gt3A_906 : f32 to vector<16xf32>
      %gt3A_908 = arith.cmpf ogt, %abs3A_905, %gt3A_907 : vector<16xf32>
      %jit3A_909 = arith.constant 0.000000e+00 : f32
      %broadcast_in_dim3A_910 = vector.broadcast %jit3A_909 : f32 to vector<16xf32>
      %select_n3A_911 = arith.select %gt3A_908, %get3A_904, %broadcast_in_dim3A_910 : vector<16xi1>, vector<16xf32>
      %mul3A_912 = arith.mulf %select_n3A_911, %get3A_874 : vector<16xf32>
      %add3A_913 = arith.addf %add3A_867, %mul3A_912 : vector<16xf32>
      %mul3A_914 = arith.mulf %select_n3A_911, %get3A_879 : vector<16xf32>
      %add3A_915 = arith.addf %add3A_869, %mul3A_914 : vector<16xf32>
      scf.yield %add3A_895, %add3A_897, %add3A_913, %add3A_915 : vector<16xf32>, vector<16xf32>, vector<16xf32>, vector<16xf32>
    }
    %scan3A_266 = arith.constant 128 : i32
    %swap3A_267 = arith.constant 2 : i32
    %swap3A_268 = arith.index_cast %swap3A_267 : i32 to index
    %swap3A_269 = arith.constant 0 : index
    %swap3A_270 = tpu.vector_load %arg11[%swap3A_268, %swap3A_269] {strides = array<i32>} : memref<16x128xf32, #tpu.memory_space<vmem>>, vector<1x16xf32>,
    %swap3A_271 = vector.shape_cast %swap3A_270 : vector<1x16xf32> to vector<16xf32>
    %swap3A_272 = vector.shape_cast %scan3A_265#0 : vector<16xf32> to vector<1x16xf32>
    tpu.vector_store %arg11[%swap3A_268, %swap3A_269], %swap3A_272 {strides = array<i32>} : memref<16x128xf32, #tpu.memory_space<vmem>>, vector<1x16xf32>,
    %swap3A_273 = arith.constant 2 : i32
    %swap3A_274 = arith.index_cast %swap3A_273 : i32 to index
    %swap3A_275 = arith.constant 16 : index
    %swap3A_276 = tpu.vector_load %arg11[%swap3A_274, %swap3A_275] {strides = array<i32>} : memref<16x128xf32, #tpu.memory_space<vmem>>, vector<1x16xf32>,
    %swap3A_277 = vector.shape_cast %swap3A_276 : vector<1x16xf32> to vector<16xf32>
    %swap3A_278 = vector.shape_cast %scan3A_265#1 : vector<16xf32> to vector<1x16xf32>
    tpu.vector_store %arg11[%swap3A_274, %swap3A_275], %swap3A_278 {strides = array<i32>} : memref<16x128xf32, #tpu.memory_space<vmem>>, vector<1x16xf32>,
    %swap3A_279 = arith.constant 2 : i32
    %swap3A_280 = arith.index_cast %swap3A_279 : i32 to index
    %swap3A_281 = arith.constant 32 : index
    %swap3A_282 = tpu.vector_load %arg11[%swap3A_280, %swap3A_281] {strides = array<i32>} : memref<16x128xf32, #tpu.memory_space<vmem>>, vector<1x16xf32>,
    %swap3A_283 = vector.shape_cast %swap3A_282 : vector<1x16xf32> to vector<16xf32>
    %swap3A_284 = vector.shape_cast %scan3A_265#2 : vector<16xf32> to vector<1x16xf32>
    tpu.vector_store %arg11[%swap3A_280, %swap3A_281], %swap3A_284 {strides = array<i32>} : memref<16x128xf32, #tpu.memory_space<vmem>>, vector<1x16xf32>,
    %swap3A_285 = arith.constant 2 : i32
    %swap3A_286 = arith.index_cast %swap3A_285 : i32 to index
    %swap3A_287 = arith.constant 48 : index
    %swap3A_288 = tpu.vector_load %arg11[%swap3A_286, %swap3A_287] {strides = array<i32>} : memref<16x128xf32, #tpu.memory_space<vmem>>, vector<1x16xf32>,
    %swap3A_289 = vector.shape_cast %swap3A_288 : vector<1x16xf32> to vector<16xf32>
    %swap3A_290 = vector.shape_cast %scan3A_265#3 : vector<16xf32> to vector<1x16xf32>
    tpu.vector_store %arg11[%swap3A_286, %swap3A_287], %swap3A_290 {strides = array<i32>} : memref<16x128xf32, #tpu.memory_space<vmem>>, vector<1x16xf32>,
    %dma_wait3A_291 = arith.constant 0 : i32
    %dma_wait3A_292 = arith.constant 48 : i32
    %dma_wait3A_293 = arith.constant 0 : i32
    %dma_wait3A_294 = arith.constant 0 : i32
    %dma_wait3A_295 = tpu.memref_slice %arg2[%dma_wait3A_292, %dma_wait3A_291, %mul3A_2, %dma_wait3A_293, %dma_wait3A_294] : memref<64x1x64x64x64xf32, #tpu.memory_space<hbm>> -> memref<2x1x2x64x64xf32, #tpu.memory_space<hbm>>
    %dma_wait3A_296 = tpu.memref_squeeze %dma_wait3A_295 : memref<2x1x2x64x64xf32, #tpu.memory_space<hbm>> -> memref<2x2x64x64xf32, #tpu.memory_space<hbm>>
    %dma_wait3A_297 = arith.constant 48 : i32
    %dma_wait3A_298 = arith.constant 0 : i32
    %dma_wait3A_299 = arith.constant 0 : i32
    %dma_wait3A_300 = tpu.memref_slice %arg2[%dma_wait3A_297, %dma_wait3A_291, %mul3A_2, %dma_wait3A_298, %dma_wait3A_299] : memref<64x1x64x64x64xf32, #tpu.memory_space<hbm>> -> memref<2x1x2x64x64xf32, #tpu.memory_space<hbm>>
    %dma_wait3A_301 = tpu.memref_squeeze %dma_wait3A_300 : memref<2x1x2x64x64xf32, #tpu.memory_space<hbm>> -> memref<2x2x64x64xf32, #tpu.memory_space<hbm>>
    tpu.wait_dma2 semaphore(%arg13 : memref<!tpu.dma_semaphore, #tpu.memory_space<semaphore_mem>>) src(%dma_wait3A_301 : memref<2x2x64x64xf32, #tpu.memory_space<hbm>>) dst(%arg10 : memref<2x2x64x64xf32, #tpu.memory_space<vmem>>)
    %dma_start3A_302 = arith.constant 0 : i32
    %dma_start3A_303 = arith.constant 50 : i32
    %dma_start3A_304 = arith.constant 0 : i32
    %dma_start3A_305 = arith.constant 0 : i32
    %dma_start3A_306 = tpu.memref_slice %arg2[%dma_start3A_303, %dma_start3A_302, %mul3A_2, %dma_start3A_304, %dma_start3A_305] : memref<64x1x64x64x64xf32, #tpu.memory_space<hbm>> -> memref<2x1x2x64x64xf32, #tpu.memory_space<hbm>>
    %dma_start3A_307 = tpu.memref_squeeze %dma_start3A_306 : memref<2x1x2x64x64xf32, #tpu.memory_space<hbm>> -> memref<2x2x64x64xf32, #tpu.memory_space<hbm>>
    %dma_start3A_308 = arith.constant 50 : i32
    %dma_start3A_309 = arith.constant 0 : i32
    %dma_start3A_310 = arith.constant 0 : i32
    %dma_start3A_311 = tpu.memref_slice %arg2[%dma_start3A_308, %dma_start3A_302, %mul3A_2, %dma_start3A_309, %dma_start3A_310] : memref<64x1x64x64x64xf32, #tpu.memory_space<hbm>> -> memref<2x1x2x64x64xf32, #tpu.memory_space<hbm>>
    %dma_start3A_312 = tpu.memref_squeeze %dma_start3A_311 : memref<2x1x2x64x64xf32, #tpu.memory_space<hbm>> -> memref<2x2x64x64xf32, #tpu.memory_space<hbm>>
    tpu.enqueue_dma source(%dma_start3A_312 : memref<2x2x64x64xf32, #tpu.memory_space<hbm>>) target(%arg9 : memref<2x2x64x64xf32, #tpu.memory_space<vmem>>) target_semaphore(%arg12 : memref<!tpu.dma_semaphore, #tpu.memory_space<semaphore_mem>>)
    %broadcast_in_dim3A_313 = arith.constant 0.000000e+00 : f32
    %broadcast_in_dim3A_314 = vector.broadcast %broadcast_in_dim3A_313 : f32 to vector<16xf32>
    %scan3A_315 = arith.constant 0 : i32
    %scan3A_316 = arith.constant 128 : i32
    %scan3A_317 = arith.addi %scan3A_315, %scan3A_316 : i32
    %scan3A_318 = arith.constant 1 : i32
    %scan3A_319:4 = scf.for %scan3A_712 = %scan3A_315 to %scan3A_317 step %scan3A_318 iter_args(%scan3A_713 = %broadcast_in_dim3A_314, %scan3A_714 = %broadcast_in_dim3A_314, %scan3A_715 = %broadcast_in_dim3A_314, %scan3A_716 = %broadcast_in_dim3A_314) -> (vector<16xf32>, vector<16xf32>, vector<16xf32>, vector<16xf32>)  : i32 {
      %jit3A = arith.constant 64 : i32
      %div3A = arith.divsi %scan3A_712, %jit3A : i32
      %sign3A = arith.constant 0 : i32
      %sign3A_717 = arith.cmpi sgt, %scan3A_712, %sign3A : i32
      %sign3A_718 = arith.extui %sign3A_717 : i1 to i32
      %sign3A_719 = arith.constant 0 : i32
      %sign3A_720 = arith.cmpi slt, %scan3A_712, %sign3A_719 : i32
      %sign3A_721 = arith.extui %sign3A_720 : i1 to i32
      %sign3A_722 = arith.subi %sign3A_718, %sign3A_721 : i32
      %sign3A_723 = arith.constant 0 : i32
      %sign3A_724 = arith.cmpi sgt, %jit3A, %sign3A_723 : i32
      %sign3A_725 = arith.extui %sign3A_724 : i1 to i32
      %sign3A_726 = arith.constant 0 : i32
      %sign3A_727 = arith.cmpi slt, %jit3A, %sign3A_726 : i32
      %sign3A_728 = arith.extui %sign3A_727 : i1 to i32
      %sign3A_729 = arith.subi %sign3A_725, %sign3A_728 : i32
      %ne3A = arith.cmpi ne, %sign3A_722, %sign3A_729 : i32
      %rem3A = arith.remsi %scan3A_712, %jit3A : i32
      %ne3A_730 = arith.constant 0 : i32
      %ne3A_731 = arith.cmpi ne, %rem3A, %ne3A_730 : i32
      %and3A = arith.andi %ne3A, %ne3A_731 : i1
      %sub3A = arith.constant 1 : i32
      %sub3A_732 = arith.subi %div3A, %sub3A : i32
      %select_n3A = arith.select %and3A, %sub3A_732, %div3A : i32
      %rem3A_733 = arith.constant 64 : i32
      %rem3A_734 = arith.remsi %scan3A_712, %rem3A_733 : i32
      %get3A = arith.index_cast %select_n3A : i32 to index
      %get3A_735 = arith.index_cast %rem3A_734 : i32 to index
      %get3A_736 = arith.constant 0 : index
      %get3A_737 = tpu.vector_load %arg7[%get3A, %get3A_735, %get3A_736] {strides = array<i32>} : memref<2x64x64xf32, #tpu.memory_space<vmem>>, vector<1x1x16xf32>,
      %get3A_738 = vector.shape_cast %get3A_737 : vector<1x1x16xf32> to vector<16xf32>
      %get3A_739 = arith.index_cast %select_n3A : i32 to index
      %get3A_740 = arith.index_cast %rem3A_734 : i32 to index
      %get3A_741 = arith.constant 0 : index
      %get3A_742 = tpu.vector_load %arg8[%get3A_739, %get3A_740, %get3A_741] {strides = array<i32>} : memref<2x64x64xf32, #tpu.memory_space<vmem>>, vector<1x1x16xf32>,
      %get3A_743 = vector.shape_cast %get3A_742 : vector<1x1x16xf32> to vector<16xf32>
      %get3A_744 = arith.constant 0 : i32
      %get3A_745 = arith.index_cast %get3A_744 : i32 to index
      %get3A_746 = arith.index_cast %select_n3A : i32 to index
      %get3A_747 = arith.index_cast %rem3A_734 : i32 to index
      %get3A_748 = arith.constant 0 : index
      %get3A_749 = tpu.vector_load %arg10[%get3A_745, %get3A_746, %get3A_747, %get3A_748] {strides = array<i32>} : memref<2x2x64x64xf32, #tpu.memory_space<vmem>>, vector<1x1x1x16xf32>,
      %get3A_750 = vector.shape_cast %get3A_749 : vector<1x1x1x16xf32> to vector<16xf32>
      %abs3A = math.absf %get3A_750 : vector<16xf32>
      %gt3A = arith.constant 9.99999993E-9 : f32
      %gt3A_751 = vector.broadcast %gt3A : f32 to vector<16xf32>
      %gt3A_752 = arith.cmpf ogt, %abs3A, %gt3A_751 : vector<16xf32>
      %jit3A_753 = arith.constant 0.000000e+00 : f32
      %broadcast_in_dim3A_754 = vector.broadcast %jit3A_753 : f32 to vector<16xf32>
      %select_n3A_755 = arith.select %gt3A_752, %get3A_750, %broadcast_in_dim3A_754 : vector<16xi1>, vector<16xf32>
      %mul3A_756 = arith.mulf %select_n3A_755, %get3A_738 : vector<16xf32>
      %add3A_757 = arith.addf %scan3A_713, %mul3A_756 : vector<16xf32>
      %mul3A_758 = arith.mulf %select_n3A_755, %get3A_743 : vector<16xf32>
      %add3A_759 = arith.addf %scan3A_714, %mul3A_758 : vector<16xf32>
      %get3A_760 = arith.constant 1 : i32
      %get3A_761 = arith.index_cast %get3A_760 : i32 to index
      %get3A_762 = arith.index_cast %select_n3A : i32 to index
      %get3A_763 = arith.index_cast %rem3A_734 : i32 to index
      %get3A_764 = arith.constant 0 : index
      %get3A_765 = tpu.vector_load %arg10[%get3A_761, %get3A_762, %get3A_763, %get3A_764] {strides = array<i32>} : memref<2x2x64x64xf32, #tpu.memory_space<vmem>>, vector<1x1x1x16xf32>,
      %get3A_766 = vector.shape_cast %get3A_765 : vector<1x1x1x16xf32> to vector<16xf32>
      %abs3A_767 = math.absf %get3A_766 : vector<16xf32>
      %gt3A_768 = arith.constant 9.99999993E-9 : f32
      %gt3A_769 = vector.broadcast %gt3A_768 : f32 to vector<16xf32>
      %gt3A_770 = arith.cmpf ogt, %abs3A_767, %gt3A_769 : vector<16xf32>
      %jit3A_771 = arith.constant 0.000000e+00 : f32
      %broadcast_in_dim3A_772 = vector.broadcast %jit3A_771 : f32 to vector<16xf32>
      %select_n3A_773 = arith.select %gt3A_770, %get3A_766, %broadcast_in_dim3A_772 : vector<16xi1>, vector<16xf32>
      %mul3A_774 = arith.mulf %select_n3A_773, %get3A_738 : vector<16xf32>
      %add3A_775 = arith.addf %scan3A_715, %mul3A_774 : vector<16xf32>
      %mul3A_776 = arith.mulf %select_n3A_773, %get3A_743 : vector<16xf32>
      %add3A_777 = arith.addf %scan3A_716, %mul3A_776 : vector<16xf32>
      %get3A_778 = arith.index_cast %select_n3A : i32 to index
      %get3A_779 = arith.index_cast %rem3A_734 : i32 to index
      %get3A_780 = arith.constant 16 : index
      %get3A_781 = tpu.vector_load %arg7[%get3A_778, %get3A_779, %get3A_780] {strides = array<i32>} : memref<2x64x64xf32, #tpu.memory_space<vmem>>, vector<1x1x16xf32>,
      %get3A_782 = vector.shape_cast %get3A_781 : vector<1x1x16xf32> to vector<16xf32>
      %get3A_783 = arith.index_cast %select_n3A : i32 to index
      %get3A_784 = arith.index_cast %rem3A_734 : i32 to index
      %get3A_785 = arith.constant 16 : index
      %get3A_786 = tpu.vector_load %arg8[%get3A_783, %get3A_784, %get3A_785] {strides = array<i32>} : memref<2x64x64xf32, #tpu.memory_space<vmem>>, vector<1x1x16xf32>,
      %get3A_787 = vector.shape_cast %get3A_786 : vector<1x1x16xf32> to vector<16xf32>
      %get3A_788 = arith.constant 0 : i32
      %get3A_789 = arith.index_cast %get3A_788 : i32 to index
      %get3A_790 = arith.index_cast %select_n3A : i32 to index
      %get3A_791 = arith.index_cast %rem3A_734 : i32 to index
      %get3A_792 = arith.constant 16 : index
      %get3A_793 = tpu.vector_load %arg10[%get3A_789, %get3A_790, %get3A_791, %get3A_792] {strides = array<i32>} : memref<2x2x64x64xf32, #tpu.memory_space<vmem>>, vector<1x1x1x16xf32>,
      %get3A_794 = vector.shape_cast %get3A_793 : vector<1x1x1x16xf32> to vector<16xf32>
      %abs3A_795 = math.absf %get3A_794 : vector<16xf32>
      %gt3A_796 = arith.constant 9.99999993E-9 : f32
      %gt3A_797 = vector.broadcast %gt3A_796 : f32 to vector<16xf32>
      %gt3A_798 = arith.cmpf ogt, %abs3A_795, %gt3A_797 : vector<16xf32>
      %jit3A_799 = arith.constant 0.000000e+00 : f32
      %broadcast_in_dim3A_800 = vector.broadcast %jit3A_799 : f32 to vector<16xf32>
      %select_n3A_801 = arith.select %gt3A_798, %get3A_794, %broadcast_in_dim3A_800 : vector<16xi1>, vector<16xf32>
      %mul3A_802 = arith.mulf %select_n3A_801, %get3A_782 : vector<16xf32>
      %add3A_803 = arith.addf %add3A_757, %mul3A_802 : vector<16xf32>
      %mul3A_804 = arith.mulf %select_n3A_801, %get3A_787 : vector<16xf32>
      %add3A_805 = arith.addf %add3A_759, %mul3A_804 : vector<16xf32>
      %get3A_806 = arith.constant 1 : i32
      %get3A_807 = arith.index_cast %get3A_806 : i32 to index
      %get3A_808 = arith.index_cast %select_n3A : i32 to index
      %get3A_809 = arith.index_cast %rem3A_734 : i32 to index
      %get3A_810 = arith.constant 16 : index
      %get3A_811 = tpu.vector_load %arg10[%get3A_807, %get3A_808, %get3A_809, %get3A_810] {strides = array<i32>} : memref<2x2x64x64xf32, #tpu.memory_space<vmem>>, vector<1x1x1x16xf32>,
      %get3A_812 = vector.shape_cast %get3A_811 : vector<1x1x1x16xf32> to vector<16xf32>
      %abs3A_813 = math.absf %get3A_812 : vector<16xf32>
      %gt3A_814 = arith.constant 9.99999993E-9 : f32
      %gt3A_815 = vector.broadcast %gt3A_814 : f32 to vector<16xf32>
      %gt3A_816 = arith.cmpf ogt, %abs3A_813, %gt3A_815 : vector<16xf32>
      %jit3A_817 = arith.constant 0.000000e+00 : f32
      %broadcast_in_dim3A_818 = vector.broadcast %jit3A_817 : f32 to vector<16xf32>
      %select_n3A_819 = arith.select %gt3A_816, %get3A_812, %broadcast_in_dim3A_818 : vector<16xi1>, vector<16xf32>
      %mul3A_820 = arith.mulf %select_n3A_819, %get3A_782 : vector<16xf32>
      %add3A_821 = arith.addf %add3A_775, %mul3A_820 : vector<16xf32>
      %mul3A_822 = arith.mulf %select_n3A_819, %get3A_787 : vector<16xf32>
      %add3A_823 = arith.addf %add3A_777, %mul3A_822 : vector<16xf32>
      %get3A_824 = arith.index_cast %select_n3A : i32 to index
      %get3A_825 = arith.index_cast %rem3A_734 : i32 to index
      %get3A_826 = arith.constant 32 : index
      %get3A_827 = tpu.vector_load %arg7[%get3A_824, %get3A_825, %get3A_826] {strides = array<i32>} : memref<2x64x64xf32, #tpu.memory_space<vmem>>, vector<1x1x16xf32>,
      %get3A_828 = vector.shape_cast %get3A_827 : vector<1x1x16xf32> to vector<16xf32>
      %get3A_829 = arith.index_cast %select_n3A : i32 to index
      %get3A_830 = arith.index_cast %rem3A_734 : i32 to index
      %get3A_831 = arith.constant 32 : index
      %get3A_832 = tpu.vector_load %arg8[%get3A_829, %get3A_830, %get3A_831] {strides = array<i32>} : memref<2x64x64xf32, #tpu.memory_space<vmem>>, vector<1x1x16xf32>,
      %get3A_833 = vector.shape_cast %get3A_832 : vector<1x1x16xf32> to vector<16xf32>
      %get3A_834 = arith.constant 0 : i32
      %get3A_835 = arith.index_cast %get3A_834 : i32 to index
      %get3A_836 = arith.index_cast %select_n3A : i32 to index
      %get3A_837 = arith.index_cast %rem3A_734 : i32 to index
      %get3A_838 = arith.constant 32 : index
      %get3A_839 = tpu.vector_load %arg10[%get3A_835, %get3A_836, %get3A_837, %get3A_838] {strides = array<i32>} : memref<2x2x64x64xf32, #tpu.memory_space<vmem>>, vector<1x1x1x16xf32>,
      %get3A_840 = vector.shape_cast %get3A_839 : vector<1x1x1x16xf32> to vector<16xf32>
      %abs3A_841 = math.absf %get3A_840 : vector<16xf32>
      %gt3A_842 = arith.constant 9.99999993E-9 : f32
      %gt3A_843 = vector.broadcast %gt3A_842 : f32 to vector<16xf32>
      %gt3A_844 = arith.cmpf ogt, %abs3A_841, %gt3A_843 : vector<16xf32>
      %jit3A_845 = arith.constant 0.000000e+00 : f32
      %broadcast_in_dim3A_846 = vector.broadcast %jit3A_845 : f32 to vector<16xf32>
      %select_n3A_847 = arith.select %gt3A_844, %get3A_840, %broadcast_in_dim3A_846 : vector<16xi1>, vector<16xf32>
      %mul3A_848 = arith.mulf %select_n3A_847, %get3A_828 : vector<16xf32>
      %add3A_849 = arith.addf %add3A_803, %mul3A_848 : vector<16xf32>
      %mul3A_850 = arith.mulf %select_n3A_847, %get3A_833 : vector<16xf32>
      %add3A_851 = arith.addf %add3A_805, %mul3A_850 : vector<16xf32>
      %get3A_852 = arith.constant 1 : i32
      %get3A_853 = arith.index_cast %get3A_852 : i32 to index
      %get3A_854 = arith.index_cast %select_n3A : i32 to index
      %get3A_855 = arith.index_cast %rem3A_734 : i32 to index
      %get3A_856 = arith.constant 32 : index
      %get3A_857 = tpu.vector_load %arg10[%get3A_853, %get3A_854, %get3A_855, %get3A_856] {strides = array<i32>} : memref<2x2x64x64xf32, #tpu.memory_space<vmem>>, vector<1x1x1x16xf32>,
      %get3A_858 = vector.shape_cast %get3A_857 : vector<1x1x1x16xf32> to vector<16xf32>
      %abs3A_859 = math.absf %get3A_858 : vector<16xf32>
      %gt3A_860 = arith.constant 9.99999993E-9 : f32
      %gt3A_861 = vector.broadcast %gt3A_860 : f32 to vector<16xf32>
      %gt3A_862 = arith.cmpf ogt, %abs3A_859, %gt3A_861 : vector<16xf32>
      %jit3A_863 = arith.constant 0.000000e+00 : f32
      %broadcast_in_dim3A_864 = vector.broadcast %jit3A_863 : f32 to vector<16xf32>
      %select_n3A_865 = arith.select %gt3A_862, %get3A_858, %broadcast_in_dim3A_864 : vector<16xi1>, vector<16xf32>
      %mul3A_866 = arith.mulf %select_n3A_865, %get3A_828 : vector<16xf32>
      %add3A_867 = arith.addf %add3A_821, %mul3A_866 : vector<16xf32>
      %mul3A_868 = arith.mulf %select_n3A_865, %get3A_833 : vector<16xf32>
      %add3A_869 = arith.addf %add3A_823, %mul3A_868 : vector<16xf32>
      %get3A_870 = arith.index_cast %select_n3A : i32 to index
      %get3A_871 = arith.index_cast %rem3A_734 : i32 to index
      %get3A_872 = arith.constant 48 : index
      %get3A_873 = tpu.vector_load %arg7[%get3A_870, %get3A_871, %get3A_872] {strides = array<i32>} : memref<2x64x64xf32, #tpu.memory_space<vmem>>, vector<1x1x16xf32>,
      %get3A_874 = vector.shape_cast %get3A_873 : vector<1x1x16xf32> to vector<16xf32>
      %get3A_875 = arith.index_cast %select_n3A : i32 to index
      %get3A_876 = arith.index_cast %rem3A_734 : i32 to index
      %get3A_877 = arith.constant 48 : index
      %get3A_878 = tpu.vector_load %arg8[%get3A_875, %get3A_876, %get3A_877] {strides = array<i32>} : memref<2x64x64xf32, #tpu.memory_space<vmem>>, vector<1x1x16xf32>,
      %get3A_879 = vector.shape_cast %get3A_878 : vector<1x1x16xf32> to vector<16xf32>
      %get3A_880 = arith.constant 0 : i32
      %get3A_881 = arith.index_cast %get3A_880 : i32 to index
      %get3A_882 = arith.index_cast %select_n3A : i32 to index
      %get3A_883 = arith.index_cast %rem3A_734 : i32 to index
      %get3A_884 = arith.constant 48 : index
      %get3A_885 = tpu.vector_load %arg10[%get3A_881, %get3A_882, %get3A_883, %get3A_884] {strides = array<i32>} : memref<2x2x64x64xf32, #tpu.memory_space<vmem>>, vector<1x1x1x16xf32>,
      %get3A_886 = vector.shape_cast %get3A_885 : vector<1x1x1x16xf32> to vector<16xf32>
      %abs3A_887 = math.absf %get3A_886 : vector<16xf32>
      %gt3A_888 = arith.constant 9.99999993E-9 : f32
      %gt3A_889 = vector.broadcast %gt3A_888 : f32 to vector<16xf32>
      %gt3A_890 = arith.cmpf ogt, %abs3A_887, %gt3A_889 : vector<16xf32>
      %jit3A_891 = arith.constant 0.000000e+00 : f32
      %broadcast_in_dim3A_892 = vector.broadcast %jit3A_891 : f32 to vector<16xf32>
      %select_n3A_893 = arith.select %gt3A_890, %get3A_886, %broadcast_in_dim3A_892 : vector<16xi1>, vector<16xf32>
      %mul3A_894 = arith.mulf %select_n3A_893, %get3A_874 : vector<16xf32>
      %add3A_895 = arith.addf %add3A_849, %mul3A_894 : vector<16xf32>
      %mul3A_896 = arith.mulf %select_n3A_893, %get3A_879 : vector<16xf32>
      %add3A_897 = arith.addf %add3A_851, %mul3A_896 : vector<16xf32>
      %get3A_898 = arith.constant 1 : i32
      %get3A_899 = arith.index_cast %get3A_898 : i32 to index
      %get3A_900 = arith.index_cast %select_n3A : i32 to index
      %get3A_901 = arith.index_cast %rem3A_734 : i32 to index
      %get3A_902 = arith.constant 48 : index
      %get3A_903 = tpu.vector_load %arg10[%get3A_899, %get3A_900, %get3A_901, %get3A_902] {strides = array<i32>} : memref<2x2x64x64xf32, #tpu.memory_space<vmem>>, vector<1x1x1x16xf32>,
      %get3A_904 = vector.shape_cast %get3A_903 : vector<1x1x1x16xf32> to vector<16xf32>
      %abs3A_905 = math.absf %get3A_904 : vector<16xf32>
      %gt3A_906 = arith.constant 9.99999993E-9 : f32
      %gt3A_907 = vector.broadcast %gt3A_906 : f32 to vector<16xf32>
      %gt3A_908 = arith.cmpf ogt, %abs3A_905, %gt3A_907 : vector<16xf32>
      %jit3A_909 = arith.constant 0.000000e+00 : f32
      %broadcast_in_dim3A_910 = vector.broadcast %jit3A_909 : f32 to vector<16xf32>
      %select_n3A_911 = arith.select %gt3A_908, %get3A_904, %broadcast_in_dim3A_910 : vector<16xi1>, vector<16xf32>
      %mul3A_912 = arith.mulf %select_n3A_911, %get3A_874 : vector<16xf32>
      %add3A_913 = arith.addf %add3A_867, %mul3A_912 : vector<16xf32>
      %mul3A_914 = arith.mulf %select_n3A_911, %get3A_879 : vector<16xf32>
      %add3A_915 = arith.addf %add3A_869, %mul3A_914 : vector<16xf32>
      scf.yield %add3A_895, %add3A_897, %add3A_913, %add3A_915 : vector<16xf32>, vector<16xf32>, vector<16xf32>, vector<16xf32>
    }
    %scan3A_320 = arith.constant 128 : i32
    %swap3A_321 = arith.constant 2 : i32
    %swap3A_322 = arith.index_cast %swap3A_321 : i32 to index
    %swap3A_323 = arith.constant 64 : index
    %swap3A_324 = tpu.vector_load %arg11[%swap3A_322, %swap3A_323] {strides = array<i32>} : memref<16x128xf32, #tpu.memory_space<vmem>>, vector<1x16xf32>,
    %swap3A_325 = vector.shape_cast %swap3A_324 : vector<1x16xf32> to vector<16xf32>
    %swap3A_326 = vector.shape_cast %scan3A_319#0 : vector<16xf32> to vector<1x16xf32>
    tpu.vector_store %arg11[%swap3A_322, %swap3A_323], %swap3A_326 {strides = array<i32>} : memref<16x128xf32, #tpu.memory_space<vmem>>, vector<1x16xf32>,
    %swap3A_327 = arith.constant 2 : i32
    %swap3A_328 = arith.index_cast %swap3A_327 : i32 to index
    %swap3A_329 = arith.constant 80 : index
    %swap3A_330 = tpu.vector_load %arg11[%swap3A_328, %swap3A_329] {strides = array<i32>} : memref<16x128xf32, #tpu.memory_space<vmem>>, vector<1x16xf32>,
    %swap3A_331 = vector.shape_cast %swap3A_330 : vector<1x16xf32> to vector<16xf32>
    %swap3A_332 = vector.shape_cast %scan3A_319#1 : vector<16xf32> to vector<1x16xf32>
    tpu.vector_store %arg11[%swap3A_328, %swap3A_329], %swap3A_332 {strides = array<i32>} : memref<16x128xf32, #tpu.memory_space<vmem>>, vector<1x16xf32>,
    %swap3A_333 = arith.constant 2 : i32
    %swap3A_334 = arith.index_cast %swap3A_333 : i32 to index
    %swap3A_335 = arith.constant 96 : index
    %swap3A_336 = tpu.vector_load %arg11[%swap3A_334, %swap3A_335] {strides = array<i32>} : memref<16x128xf32, #tpu.memory_space<vmem>>, vector<1x16xf32>,
    %swap3A_337 = vector.shape_cast %swap3A_336 : vector<1x16xf32> to vector<16xf32>
    %swap3A_338 = vector.shape_cast %scan3A_319#2 : vector<16xf32> to vector<1x16xf32>
    tpu.vector_store %arg11[%swap3A_334, %swap3A_335], %swap3A_338 {strides = array<i32>} : memref<16x128xf32, #tpu.memory_space<vmem>>, vector<1x16xf32>,
    %swap3A_339 = arith.constant 2 : i32
    %swap3A_340 = arith.index_cast %swap3A_339 : i32 to index
    %swap3A_341 = arith.constant 112 : index
    %swap3A_342 = tpu.vector_load %arg11[%swap3A_340, %swap3A_341] {strides = array<i32>} : memref<16x128xf32, #tpu.memory_space<vmem>>, vector<1x16xf32>,
    %swap3A_343 = vector.shape_cast %swap3A_342 : vector<1x16xf32> to vector<16xf32>
    %swap3A_344 = vector.shape_cast %scan3A_319#3 : vector<16xf32> to vector<1x16xf32>
    tpu.vector_store %arg11[%swap3A_340, %swap3A_341], %swap3A_344 {strides = array<i32>} : memref<16x128xf32, #tpu.memory_space<vmem>>, vector<1x16xf32>,
    %dma_wait3A_345 = arith.constant 0 : i32
    %dma_wait3A_346 = arith.constant 50 : i32
    %dma_wait3A_347 = arith.constant 0 : i32
    %dma_wait3A_348 = arith.constant 0 : i32
    %dma_wait3A_349 = tpu.memref_slice %arg2[%dma_wait3A_346, %dma_wait3A_345, %mul3A_2, %dma_wait3A_347, %dma_wait3A_348] : memref<64x1x64x64x64xf32, #tpu.memory_space<hbm>> -> memref<2x1x2x64x64xf32, #tpu.memory_space<hbm>>
    %dma_wait3A_350 = tpu.memref_squeeze %dma_wait3A_349 : memref<2x1x2x64x64xf32, #tpu.memory_space<hbm>> -> memref<2x2x64x64xf32, #tpu.memory_space<hbm>>
    %dma_wait3A_351 = arith.constant 50 : i32
    %dma_wait3A_352 = arith.constant 0 : i32
    %dma_wait3A_353 = arith.constant 0 : i32
    %dma_wait3A_354 = tpu.memref_slice %arg2[%dma_wait3A_351, %dma_wait3A_345, %mul3A_2, %dma_wait3A_352, %dma_wait3A_353] : memref<64x1x64x64x64xf32, #tpu.memory_space<hbm>> -> memref<2x1x2x64x64xf32, #tpu.memory_space<hbm>>
    %dma_wait3A_355 = tpu.memref_squeeze %dma_wait3A_354 : memref<2x1x2x64x64xf32, #tpu.memory_space<hbm>> -> memref<2x2x64x64xf32, #tpu.memory_space<hbm>>
    tpu.wait_dma2 semaphore(%arg12 : memref<!tpu.dma_semaphore, #tpu.memory_space<semaphore_mem>>) src(%dma_wait3A_355 : memref<2x2x64x64xf32, #tpu.memory_space<hbm>>) dst(%arg9 : memref<2x2x64x64xf32, #tpu.memory_space<vmem>>)
    %dma_start3A_356 = arith.constant 0 : i32
    %dma_start3A_357 = arith.constant 52 : i32
    %dma_start3A_358 = arith.constant 0 : i32
    %dma_start3A_359 = arith.constant 0 : i32
    %dma_start3A_360 = tpu.memref_slice %arg2[%dma_start3A_357, %dma_start3A_356, %mul3A_2, %dma_start3A_358, %dma_start3A_359] : memref<64x1x64x64x64xf32, #tpu.memory_space<hbm>> -> memref<2x1x2x64x64xf32, #tpu.memory_space<hbm>>
    %dma_start3A_361 = tpu.memref_squeeze %dma_start3A_360 : memref<2x1x2x64x64xf32, #tpu.memory_space<hbm>> -> memref<2x2x64x64xf32, #tpu.memory_space<hbm>>
    %dma_start3A_362 = arith.constant 52 : i32
    %dma_start3A_363 = arith.constant 0 : i32
    %dma_start3A_364 = arith.constant 0 : i32
    %dma_start3A_365 = tpu.memref_slice %arg2[%dma_start3A_362, %dma_start3A_356, %mul3A_2, %dma_start3A_363, %dma_start3A_364] : memref<64x1x64x64x64xf32, #tpu.memory_space<hbm>> -> memref<2x1x2x64x64xf32, #tpu.memory_space<hbm>>
    %dma_start3A_366 = tpu.memref_squeeze %dma_start3A_365 : memref<2x1x2x64x64xf32, #tpu.memory_space<hbm>> -> memref<2x2x64x64xf32, #tpu.memory_space<hbm>>
    tpu.enqueue_dma source(%dma_start3A_366 : memref<2x2x64x64xf32, #tpu.memory_space<hbm>>) target(%arg10 : memref<2x2x64x64xf32, #tpu.memory_space<vmem>>) target_semaphore(%arg13 : memref<!tpu.dma_semaphore, #tpu.memory_space<semaphore_mem>>)
    %broadcast_in_dim3A_367 = arith.constant 0.000000e+00 : f32
    %broadcast_in_dim3A_368 = vector.broadcast %broadcast_in_dim3A_367 : f32 to vector<16xf32>
    %scan3A_369 = arith.constant 0 : i32
    %scan3A_370 = arith.constant 128 : i32
    %scan3A_371 = arith.addi %scan3A_369, %scan3A_370 : i32
    %scan3A_372 = arith.constant 1 : i32
    %scan3A_373:4 = scf.for %scan3A_712 = %scan3A_369 to %scan3A_371 step %scan3A_372 iter_args(%scan3A_713 = %broadcast_in_dim3A_368, %scan3A_714 = %broadcast_in_dim3A_368, %scan3A_715 = %broadcast_in_dim3A_368, %scan3A_716 = %broadcast_in_dim3A_368) -> (vector<16xf32>, vector<16xf32>, vector<16xf32>, vector<16xf32>)  : i32 {
      %jit3A = arith.constant 64 : i32
      %div3A = arith.divsi %scan3A_712, %jit3A : i32
      %sign3A = arith.constant 0 : i32
      %sign3A_717 = arith.cmpi sgt, %scan3A_712, %sign3A : i32
      %sign3A_718 = arith.extui %sign3A_717 : i1 to i32
      %sign3A_719 = arith.constant 0 : i32
      %sign3A_720 = arith.cmpi slt, %scan3A_712, %sign3A_719 : i32
      %sign3A_721 = arith.extui %sign3A_720 : i1 to i32
      %sign3A_722 = arith.subi %sign3A_718, %sign3A_721 : i32
      %sign3A_723 = arith.constant 0 : i32
      %sign3A_724 = arith.cmpi sgt, %jit3A, %sign3A_723 : i32
      %sign3A_725 = arith.extui %sign3A_724 : i1 to i32
      %sign3A_726 = arith.constant 0 : i32
      %sign3A_727 = arith.cmpi slt, %jit3A, %sign3A_726 : i32
      %sign3A_728 = arith.extui %sign3A_727 : i1 to i32
      %sign3A_729 = arith.subi %sign3A_725, %sign3A_728 : i32
      %ne3A = arith.cmpi ne, %sign3A_722, %sign3A_729 : i32
      %rem3A = arith.remsi %scan3A_712, %jit3A : i32
      %ne3A_730 = arith.constant 0 : i32
      %ne3A_731 = arith.cmpi ne, %rem3A, %ne3A_730 : i32
      %and3A = arith.andi %ne3A, %ne3A_731 : i1
      %sub3A = arith.constant 1 : i32
      %sub3A_732 = arith.subi %div3A, %sub3A : i32
      %select_n3A = arith.select %and3A, %sub3A_732, %div3A : i32
      %rem3A_733 = arith.constant 64 : i32
      %rem3A_734 = arith.remsi %scan3A_712, %rem3A_733 : i32
      %get3A = arith.index_cast %select_n3A : i32 to index
      %get3A_735 = arith.index_cast %rem3A_734 : i32 to index
      %get3A_736 = arith.constant 0 : index
      %get3A_737 = tpu.vector_load %arg7[%get3A, %get3A_735, %get3A_736] {strides = array<i32>} : memref<2x64x64xf32, #tpu.memory_space<vmem>>, vector<1x1x16xf32>,
      %get3A_738 = vector.shape_cast %get3A_737 : vector<1x1x16xf32> to vector<16xf32>
      %get3A_739 = arith.index_cast %select_n3A : i32 to index
      %get3A_740 = arith.index_cast %rem3A_734 : i32 to index
      %get3A_741 = arith.constant 0 : index
      %get3A_742 = tpu.vector_load %arg8[%get3A_739, %get3A_740, %get3A_741] {strides = array<i32>} : memref<2x64x64xf32, #tpu.memory_space<vmem>>, vector<1x1x16xf32>,
      %get3A_743 = vector.shape_cast %get3A_742 : vector<1x1x16xf32> to vector<16xf32>
      %get3A_744 = arith.constant 0 : i32
      %get3A_745 = arith.index_cast %get3A_744 : i32 to index
      %get3A_746 = arith.index_cast %select_n3A : i32 to index
      %get3A_747 = arith.index_cast %rem3A_734 : i32 to index
      %get3A_748 = arith.constant 0 : index
      %get3A_749 = tpu.vector_load %arg9[%get3A_745, %get3A_746, %get3A_747, %get3A_748] {strides = array<i32>} : memref<2x2x64x64xf32, #tpu.memory_space<vmem>>, vector<1x1x1x16xf32>,
      %get3A_750 = vector.shape_cast %get3A_749 : vector<1x1x1x16xf32> to vector<16xf32>
      %abs3A = math.absf %get3A_750 : vector<16xf32>
      %gt3A = arith.constant 9.99999993E-9 : f32
      %gt3A_751 = vector.broadcast %gt3A : f32 to vector<16xf32>
      %gt3A_752 = arith.cmpf ogt, %abs3A, %gt3A_751 : vector<16xf32>
      %jit3A_753 = arith.constant 0.000000e+00 : f32
      %broadcast_in_dim3A_754 = vector.broadcast %jit3A_753 : f32 to vector<16xf32>
      %select_n3A_755 = arith.select %gt3A_752, %get3A_750, %broadcast_in_dim3A_754 : vector<16xi1>, vector<16xf32>
      %mul3A_756 = arith.mulf %select_n3A_755, %get3A_738 : vector<16xf32>
      %add3A_757 = arith.addf %scan3A_713, %mul3A_756 : vector<16xf32>
      %mul3A_758 = arith.mulf %select_n3A_755, %get3A_743 : vector<16xf32>
      %add3A_759 = arith.addf %scan3A_714, %mul3A_758 : vector<16xf32>
      %get3A_760 = arith.constant 1 : i32
      %get3A_761 = arith.index_cast %get3A_760 : i32 to index
      %get3A_762 = arith.index_cast %select_n3A : i32 to index
      %get3A_763 = arith.index_cast %rem3A_734 : i32 to index
      %get3A_764 = arith.constant 0 : index
      %get3A_765 = tpu.vector_load %arg9[%get3A_761, %get3A_762, %get3A_763, %get3A_764] {strides = array<i32>} : memref<2x2x64x64xf32, #tpu.memory_space<vmem>>, vector<1x1x1x16xf32>,
      %get3A_766 = vector.shape_cast %get3A_765 : vector<1x1x1x16xf32> to vector<16xf32>
      %abs3A_767 = math.absf %get3A_766 : vector<16xf32>
      %gt3A_768 = arith.constant 9.99999993E-9 : f32
      %gt3A_769 = vector.broadcast %gt3A_768 : f32 to vector<16xf32>
      %gt3A_770 = arith.cmpf ogt, %abs3A_767, %gt3A_769 : vector<16xf32>
      %jit3A_771 = arith.constant 0.000000e+00 : f32
      %broadcast_in_dim3A_772 = vector.broadcast %jit3A_771 : f32 to vector<16xf32>
      %select_n3A_773 = arith.select %gt3A_770, %get3A_766, %broadcast_in_dim3A_772 : vector<16xi1>, vector<16xf32>
      %mul3A_774 = arith.mulf %select_n3A_773, %get3A_738 : vector<16xf32>
      %add3A_775 = arith.addf %scan3A_715, %mul3A_774 : vector<16xf32>
      %mul3A_776 = arith.mulf %select_n3A_773, %get3A_743 : vector<16xf32>
      %add3A_777 = arith.addf %scan3A_716, %mul3A_776 : vector<16xf32>
      %get3A_778 = arith.index_cast %select_n3A : i32 to index
      %get3A_779 = arith.index_cast %rem3A_734 : i32 to index
      %get3A_780 = arith.constant 16 : index
      %get3A_781 = tpu.vector_load %arg7[%get3A_778, %get3A_779, %get3A_780] {strides = array<i32>} : memref<2x64x64xf32, #tpu.memory_space<vmem>>, vector<1x1x16xf32>,
      %get3A_782 = vector.shape_cast %get3A_781 : vector<1x1x16xf32> to vector<16xf32>
      %get3A_783 = arith.index_cast %select_n3A : i32 to index
      %get3A_784 = arith.index_cast %rem3A_734 : i32 to index
      %get3A_785 = arith.constant 16 : index
      %get3A_786 = tpu.vector_load %arg8[%get3A_783, %get3A_784, %get3A_785] {strides = array<i32>} : memref<2x64x64xf32, #tpu.memory_space<vmem>>, vector<1x1x16xf32>,
      %get3A_787 = vector.shape_cast %get3A_786 : vector<1x1x16xf32> to vector<16xf32>
      %get3A_788 = arith.constant 0 : i32
      %get3A_789 = arith.index_cast %get3A_788 : i32 to index
      %get3A_790 = arith.index_cast %select_n3A : i32 to index
      %get3A_791 = arith.index_cast %rem3A_734 : i32 to index
      %get3A_792 = arith.constant 16 : index
      %get3A_793 = tpu.vector_load %arg9[%get3A_789, %get3A_790, %get3A_791, %get3A_792] {strides = array<i32>} : memref<2x2x64x64xf32, #tpu.memory_space<vmem>>, vector<1x1x1x16xf32>,
      %get3A_794 = vector.shape_cast %get3A_793 : vector<1x1x1x16xf32> to vector<16xf32>
      %abs3A_795 = math.absf %get3A_794 : vector<16xf32>
      %gt3A_796 = arith.constant 9.99999993E-9 : f32
      %gt3A_797 = vector.broadcast %gt3A_796 : f32 to vector<16xf32>
      %gt3A_798 = arith.cmpf ogt, %abs3A_795, %gt3A_797 : vector<16xf32>
      %jit3A_799 = arith.constant 0.000000e+00 : f32
      %broadcast_in_dim3A_800 = vector.broadcast %jit3A_799 : f32 to vector<16xf32>
      %select_n3A_801 = arith.select %gt3A_798, %get3A_794, %broadcast_in_dim3A_800 : vector<16xi1>, vector<16xf32>
      %mul3A_802 = arith.mulf %select_n3A_801, %get3A_782 : vector<16xf32>
      %add3A_803 = arith.addf %add3A_757, %mul3A_802 : vector<16xf32>
      %mul3A_804 = arith.mulf %select_n3A_801, %get3A_787 : vector<16xf32>
      %add3A_805 = arith.addf %add3A_759, %mul3A_804 : vector<16xf32>
      %get3A_806 = arith.constant 1 : i32
      %get3A_807 = arith.index_cast %get3A_806 : i32 to index
      %get3A_808 = arith.index_cast %select_n3A : i32 to index
      %get3A_809 = arith.index_cast %rem3A_734 : i32 to index
      %get3A_810 = arith.constant 16 : index
      %get3A_811 = tpu.vector_load %arg9[%get3A_807, %get3A_808, %get3A_809, %get3A_810] {strides = array<i32>} : memref<2x2x64x64xf32, #tpu.memory_space<vmem>>, vector<1x1x1x16xf32>,
      %get3A_812 = vector.shape_cast %get3A_811 : vector<1x1x1x16xf32> to vector<16xf32>
      %abs3A_813 = math.absf %get3A_812 : vector<16xf32>
      %gt3A_814 = arith.constant 9.99999993E-9 : f32
      %gt3A_815 = vector.broadcast %gt3A_814 : f32 to vector<16xf32>
      %gt3A_816 = arith.cmpf ogt, %abs3A_813, %gt3A_815 : vector<16xf32>
      %jit3A_817 = arith.constant 0.000000e+00 : f32
      %broadcast_in_dim3A_818 = vector.broadcast %jit3A_817 : f32 to vector<16xf32>
      %select_n3A_819 = arith.select %gt3A_816, %get3A_812, %broadcast_in_dim3A_818 : vector<16xi1>, vector<16xf32>
      %mul3A_820 = arith.mulf %select_n3A_819, %get3A_782 : vector<16xf32>
      %add3A_821 = arith.addf %add3A_775, %mul3A_820 : vector<16xf32>
      %mul3A_822 = arith.mulf %select_n3A_819, %get3A_787 : vector<16xf32>
      %add3A_823 = arith.addf %add3A_777, %mul3A_822 : vector<16xf32>
      %get3A_824 = arith.index_cast %select_n3A : i32 to index
      %get3A_825 = arith.index_cast %rem3A_734 : i32 to index
      %get3A_826 = arith.constant 32 : index
      %get3A_827 = tpu.vector_load %arg7[%get3A_824, %get3A_825, %get3A_826] {strides = array<i32>} : memref<2x64x64xf32, #tpu.memory_space<vmem>>, vector<1x1x16xf32>,
      %get3A_828 = vector.shape_cast %get3A_827 : vector<1x1x16xf32> to vector<16xf32>
      %get3A_829 = arith.index_cast %select_n3A : i32 to index
      %get3A_830 = arith.index_cast %rem3A_734 : i32 to index
      %get3A_831 = arith.constant 32 : index
      %get3A_832 = tpu.vector_load %arg8[%get3A_829, %get3A_830, %get3A_831] {strides = array<i32>} : memref<2x64x64xf32, #tpu.memory_space<vmem>>, vector<1x1x16xf32>,
      %get3A_833 = vector.shape_cast %get3A_832 : vector<1x1x16xf32> to vector<16xf32>
      %get3A_834 = arith.constant 0 : i32
      %get3A_835 = arith.index_cast %get3A_834 : i32 to index
      %get3A_836 = arith.index_cast %select_n3A : i32 to index
      %get3A_837 = arith.index_cast %rem3A_734 : i32 to index
      %get3A_838 = arith.constant 32 : index
      %get3A_839 = tpu.vector_load %arg9[%get3A_835, %get3A_836, %get3A_837, %get3A_838] {strides = array<i32>} : memref<2x2x64x64xf32, #tpu.memory_space<vmem>>, vector<1x1x1x16xf32>,
      %get3A_840 = vector.shape_cast %get3A_839 : vector<1x1x1x16xf32> to vector<16xf32>
      %abs3A_841 = math.absf %get3A_840 : vector<16xf32>
      %gt3A_842 = arith.constant 9.99999993E-9 : f32
      %gt3A_843 = vector.broadcast %gt3A_842 : f32 to vector<16xf32>
      %gt3A_844 = arith.cmpf ogt, %abs3A_841, %gt3A_843 : vector<16xf32>
      %jit3A_845 = arith.constant 0.000000e+00 : f32
      %broadcast_in_dim3A_846 = vector.broadcast %jit3A_845 : f32 to vector<16xf32>
      %select_n3A_847 = arith.select %gt3A_844, %get3A_840, %broadcast_in_dim3A_846 : vector<16xi1>, vector<16xf32>
      %mul3A_848 = arith.mulf %select_n3A_847, %get3A_828 : vector<16xf32>
      %add3A_849 = arith.addf %add3A_803, %mul3A_848 : vector<16xf32>
      %mul3A_850 = arith.mulf %select_n3A_847, %get3A_833 : vector<16xf32>
      %add3A_851 = arith.addf %add3A_805, %mul3A_850 : vector<16xf32>
      %get3A_852 = arith.constant 1 : i32
      %get3A_853 = arith.index_cast %get3A_852 : i32 to index
      %get3A_854 = arith.index_cast %select_n3A : i32 to index
      %get3A_855 = arith.index_cast %rem3A_734 : i32 to index
      %get3A_856 = arith.constant 32 : index
      %get3A_857 = tpu.vector_load %arg9[%get3A_853, %get3A_854, %get3A_855, %get3A_856] {strides = array<i32>} : memref<2x2x64x64xf32, #tpu.memory_space<vmem>>, vector<1x1x1x16xf32>,
      %get3A_858 = vector.shape_cast %get3A_857 : vector<1x1x1x16xf32> to vector<16xf32>
      %abs3A_859 = math.absf %get3A_858 : vector<16xf32>
      %gt3A_860 = arith.constant 9.99999993E-9 : f32
      %gt3A_861 = vector.broadcast %gt3A_860 : f32 to vector<16xf32>
      %gt3A_862 = arith.cmpf ogt, %abs3A_859, %gt3A_861 : vector<16xf32>
      %jit3A_863 = arith.constant 0.000000e+00 : f32
      %broadcast_in_dim3A_864 = vector.broadcast %jit3A_863 : f32 to vector<16xf32>
      %select_n3A_865 = arith.select %gt3A_862, %get3A_858, %broadcast_in_dim3A_864 : vector<16xi1>, vector<16xf32>
      %mul3A_866 = arith.mulf %select_n3A_865, %get3A_828 : vector<16xf32>
      %add3A_867 = arith.addf %add3A_821, %mul3A_866 : vector<16xf32>
      %mul3A_868 = arith.mulf %select_n3A_865, %get3A_833 : vector<16xf32>
      %add3A_869 = arith.addf %add3A_823, %mul3A_868 : vector<16xf32>
      %get3A_870 = arith.index_cast %select_n3A : i32 to index
      %get3A_871 = arith.index_cast %rem3A_734 : i32 to index
      %get3A_872 = arith.constant 48 : index
      %get3A_873 = tpu.vector_load %arg7[%get3A_870, %get3A_871, %get3A_872] {strides = array<i32>} : memref<2x64x64xf32, #tpu.memory_space<vmem>>, vector<1x1x16xf32>,
      %get3A_874 = vector.shape_cast %get3A_873 : vector<1x1x16xf32> to vector<16xf32>
      %get3A_875 = arith.index_cast %select_n3A : i32 to index
      %get3A_876 = arith.index_cast %rem3A_734 : i32 to index
      %get3A_877 = arith.constant 48 : index
      %get3A_878 = tpu.vector_load %arg8[%get3A_875, %get3A_876, %get3A_877] {strides = array<i32>} : memref<2x64x64xf32, #tpu.memory_space<vmem>>, vector<1x1x16xf32>,
      %get3A_879 = vector.shape_cast %get3A_878 : vector<1x1x16xf32> to vector<16xf32>
      %get3A_880 = arith.constant 0 : i32
      %get3A_881 = arith.index_cast %get3A_880 : i32 to index
      %get3A_882 = arith.index_cast %select_n3A : i32 to index
      %get3A_883 = arith.index_cast %rem3A_734 : i32 to index
      %get3A_884 = arith.constant 48 : index
      %get3A_885 = tpu.vector_load %arg9[%get3A_881, %get3A_882, %get3A_883, %get3A_884] {strides = array<i32>} : memref<2x2x64x64xf32, #tpu.memory_space<vmem>>, vector<1x1x1x16xf32>,
      %get3A_886 = vector.shape_cast %get3A_885 : vector<1x1x1x16xf32> to vector<16xf32>
      %abs3A_887 = math.absf %get3A_886 : vector<16xf32>
      %gt3A_888 = arith.constant 9.99999993E-9 : f32
      %gt3A_889 = vector.broadcast %gt3A_888 : f32 to vector<16xf32>
      %gt3A_890 = arith.cmpf ogt, %abs3A_887, %gt3A_889 : vector<16xf32>
      %jit3A_891 = arith.constant 0.000000e+00 : f32
      %broadcast_in_dim3A_892 = vector.broadcast %jit3A_891 : f32 to vector<16xf32>
      %select_n3A_893 = arith.select %gt3A_890, %get3A_886, %broadcast_in_dim3A_892 : vector<16xi1>, vector<16xf32>
      %mul3A_894 = arith.mulf %select_n3A_893, %get3A_874 : vector<16xf32>
      %add3A_895 = arith.addf %add3A_849, %mul3A_894 : vector<16xf32>
      %mul3A_896 = arith.mulf %select_n3A_893, %get3A_879 : vector<16xf32>
      %add3A_897 = arith.addf %add3A_851, %mul3A_896 : vector<16xf32>
      %get3A_898 = arith.constant 1 : i32
      %get3A_899 = arith.index_cast %get3A_898 : i32 to index
      %get3A_900 = arith.index_cast %select_n3A : i32 to index
      %get3A_901 = arith.index_cast %rem3A_734 : i32 to index
      %get3A_902 = arith.constant 48 : index
      %get3A_903 = tpu.vector_load %arg9[%get3A_899, %get3A_900, %get3A_901, %get3A_902] {strides = array<i32>} : memref<2x2x64x64xf32, #tpu.memory_space<vmem>>, vector<1x1x1x16xf32>,
      %get3A_904 = vector.shape_cast %get3A_903 : vector<1x1x1x16xf32> to vector<16xf32>
      %abs3A_905 = math.absf %get3A_904 : vector<16xf32>
      %gt3A_906 = arith.constant 9.99999993E-9 : f32
      %gt3A_907 = vector.broadcast %gt3A_906 : f32 to vector<16xf32>
      %gt3A_908 = arith.cmpf ogt, %abs3A_905, %gt3A_907 : vector<16xf32>
      %jit3A_909 = arith.constant 0.000000e+00 : f32
      %broadcast_in_dim3A_910 = vector.broadcast %jit3A_909 : f32 to vector<16xf32>
      %select_n3A_911 = arith.select %gt3A_908, %get3A_904, %broadcast_in_dim3A_910 : vector<16xi1>, vector<16xf32>
      %mul3A_912 = arith.mulf %select_n3A_911, %get3A_874 : vector<16xf32>
      %add3A_913 = arith.addf %add3A_867, %mul3A_912 : vector<16xf32>
      %mul3A_914 = arith.mulf %select_n3A_911, %get3A_879 : vector<16xf32>
      %add3A_915 = arith.addf %add3A_869, %mul3A_914 : vector<16xf32>
      scf.yield %add3A_895, %add3A_897, %add3A_913, %add3A_915 : vector<16xf32>, vector<16xf32>, vector<16xf32>, vector<16xf32>
    }
    %scan3A_374 = arith.constant 128 : i32
    %swap3A_375 = arith.constant 3 : i32
    %swap3A_376 = arith.index_cast %swap3A_375 : i32 to index
    %swap3A_377 = arith.constant 0 : index
    %swap3A_378 = tpu.vector_load %arg11[%swap3A_376, %swap3A_377] {strides = array<i32>} : memref<16x128xf32, #tpu.memory_space<vmem>>, vector<1x16xf32>,
    %swap3A_379 = vector.shape_cast %swap3A_378 : vector<1x16xf32> to vector<16xf32>
    %swap3A_380 = vector.shape_cast %scan3A_373#0 : vector<16xf32> to vector<1x16xf32>
    tpu.vector_store %arg11[%swap3A_376, %swap3A_377], %swap3A_380 {strides = array<i32>} : memref<16x128xf32, #tpu.memory_space<vmem>>, vector<1x16xf32>,
    %swap3A_381 = arith.constant 3 : i32
    %swap3A_382 = arith.index_cast %swap3A_381 : i32 to index
    %swap3A_383 = arith.constant 16 : index
    %swap3A_384 = tpu.vector_load %arg11[%swap3A_382, %swap3A_383] {strides = array<i32>} : memref<16x128xf32, #tpu.memory_space<vmem>>, vector<1x16xf32>,
    %swap3A_385 = vector.shape_cast %swap3A_384 : vector<1x16xf32> to vector<16xf32>
    %swap3A_386 = vector.shape_cast %scan3A_373#1 : vector<16xf32> to vector<1x16xf32>
    tpu.vector_store %arg11[%swap3A_382, %swap3A_383], %swap3A_386 {strides = array<i32>} : memref<16x128xf32, #tpu.memory_space<vmem>>, vector<1x16xf32>,
    %swap3A_387 = arith.constant 3 : i32
    %swap3A_388 = arith.index_cast %swap3A_387 : i32 to index
    %swap3A_389 = arith.constant 32 : index
    %swap3A_390 = tpu.vector_load %arg11[%swap3A_388, %swap3A_389] {strides = array<i32>} : memref<16x128xf32, #tpu.memory_space<vmem>>, vector<1x16xf32>,
    %swap3A_391 = vector.shape_cast %swap3A_390 : vector<1x16xf32> to vector<16xf32>
    %swap3A_392 = vector.shape_cast %scan3A_373#2 : vector<16xf32> to vector<1x16xf32>
    tpu.vector_store %arg11[%swap3A_388, %swap3A_389], %swap3A_392 {strides = array<i32>} : memref<16x128xf32, #tpu.memory_space<vmem>>, vector<1x16xf32>,
    %swap3A_393 = arith.constant 3 : i32
    %swap3A_394 = arith.index_cast %swap3A_393 : i32 to index
    %swap3A_395 = arith.constant 48 : index
    %swap3A_396 = tpu.vector_load %arg11[%swap3A_394, %swap3A_395] {strides = array<i32>} : memref<16x128xf32, #tpu.memory_space<vmem>>, vector<1x16xf32>,
    %swap3A_397 = vector.shape_cast %swap3A_396 : vector<1x16xf32> to vector<16xf32>
    %swap3A_398 = vector.shape_cast %scan3A_373#3 : vector<16xf32> to vector<1x16xf32>
    tpu.vector_store %arg11[%swap3A_394, %swap3A_395], %swap3A_398 {strides = array<i32>} : memref<16x128xf32, #tpu.memory_space<vmem>>, vector<1x16xf32>,
    %dma_wait3A_399 = arith.constant 0 : i32
    %dma_wait3A_400 = arith.constant 52 : i32
    %dma_wait3A_401 = arith.constant 0 : i32
    %dma_wait3A_402 = arith.constant 0 : i32
    %dma_wait3A_403 = tpu.memref_slice %arg2[%dma_wait3A_400, %dma_wait3A_399, %mul3A_2, %dma_wait3A_401, %dma_wait3A_402] : memref<64x1x64x64x64xf32, #tpu.memory_space<hbm>> -> memref<2x1x2x64x64xf32, #tpu.memory_space<hbm>>
    %dma_wait3A_404 = tpu.memref_squeeze %dma_wait3A_403 : memref<2x1x2x64x64xf32, #tpu.memory_space<hbm>> -> memref<2x2x64x64xf32, #tpu.memory_space<hbm>>
    %dma_wait3A_405 = arith.constant 52 : i32
    %dma_wait3A_406 = arith.constant 0 : i32
    %dma_wait3A_407 = arith.constant 0 : i32
    %dma_wait3A_408 = tpu.memref_slice %arg2[%dma_wait3A_405, %dma_wait3A_399, %mul3A_2, %dma_wait3A_406, %dma_wait3A_407] : memref<64x1x64x64x64xf32, #tpu.memory_space<hbm>> -> memref<2x1x2x64x64xf32, #tpu.memory_space<hbm>>
    %dma_wait3A_409 = tpu.memref_squeeze %dma_wait3A_408 : memref<2x1x2x64x64xf32, #tpu.memory_space<hbm>> -> memref<2x2x64x64xf32, #tpu.memory_space<hbm>>
    tpu.wait_dma2 semaphore(%arg13 : memref<!tpu.dma_semaphore, #tpu.memory_space<semaphore_mem>>) src(%dma_wait3A_409 : memref<2x2x64x64xf32, #tpu.memory_space<hbm>>) dst(%arg10 : memref<2x2x64x64xf32, #tpu.memory_space<vmem>>)
    %dma_start3A_410 = arith.constant 0 : i32
    %dma_start3A_411 = arith.constant 54 : i32
    %dma_start3A_412 = arith.constant 0 : i32
    %dma_start3A_413 = arith.constant 0 : i32
    %dma_start3A_414 = tpu.memref_slice %arg2[%dma_start3A_411, %dma_start3A_410, %mul3A_2, %dma_start3A_412, %dma_start3A_413] : memref<64x1x64x64x64xf32, #tpu.memory_space<hbm>> -> memref<2x1x2x64x64xf32, #tpu.memory_space<hbm>>
    %dma_start3A_415 = tpu.memref_squeeze %dma_start3A_414 : memref<2x1x2x64x64xf32, #tpu.memory_space<hbm>> -> memref<2x2x64x64xf32, #tpu.memory_space<hbm>>
    %dma_start3A_416 = arith.constant 54 : i32
    %dma_start3A_417 = arith.constant 0 : i32
    %dma_start3A_418 = arith.constant 0 : i32
    %dma_start3A_419 = tpu.memref_slice %arg2[%dma_start3A_416, %dma_start3A_410, %mul3A_2, %dma_start3A_417, %dma_start3A_418] : memref<64x1x64x64x64xf32, #tpu.memory_space<hbm>> -> memref<2x1x2x64x64xf32, #tpu.memory_space<hbm>>
    %dma_start3A_420 = tpu.memref_squeeze %dma_start3A_419 : memref<2x1x2x64x64xf32, #tpu.memory_space<hbm>> -> memref<2x2x64x64xf32, #tpu.memory_space<hbm>>
    tpu.enqueue_dma source(%dma_start3A_420 : memref<2x2x64x64xf32, #tpu.memory_space<hbm>>) target(%arg9 : memref<2x2x64x64xf32, #tpu.memory_space<vmem>>) target_semaphore(%arg12 : memref<!tpu.dma_semaphore, #tpu.memory_space<semaphore_mem>>)
    %broadcast_in_dim3A_421 = arith.constant 0.000000e+00 : f32
    %broadcast_in_dim3A_422 = vector.broadcast %broadcast_in_dim3A_421 : f32 to vector<16xf32>
    %scan3A_423 = arith.constant 0 : i32
    %scan3A_424 = arith.constant 128 : i32
    %scan3A_425 = arith.addi %scan3A_423, %scan3A_424 : i32
    %scan3A_426 = arith.constant 1 : i32
    %scan3A_427:4 = scf.for %scan3A_712 = %scan3A_423 to %scan3A_425 step %scan3A_426 iter_args(%scan3A_713 = %broadcast_in_dim3A_422, %scan3A_714 = %broadcast_in_dim3A_422, %scan3A_715 = %broadcast_in_dim3A_422, %scan3A_716 = %broadcast_in_dim3A_422) -> (vector<16xf32>, vector<16xf32>, vector<16xf32>, vector<16xf32>)  : i32 {
      %jit3A = arith.constant 64 : i32
      %div3A = arith.divsi %scan3A_712, %jit3A : i32
      %sign3A = arith.constant 0 : i32
      %sign3A_717 = arith.cmpi sgt, %scan3A_712, %sign3A : i32
      %sign3A_718 = arith.extui %sign3A_717 : i1 to i32
      %sign3A_719 = arith.constant 0 : i32
      %sign3A_720 = arith.cmpi slt, %scan3A_712, %sign3A_719 : i32
      %sign3A_721 = arith.extui %sign3A_720 : i1 to i32
      %sign3A_722 = arith.subi %sign3A_718, %sign3A_721 : i32
      %sign3A_723 = arith.constant 0 : i32
      %sign3A_724 = arith.cmpi sgt, %jit3A, %sign3A_723 : i32
      %sign3A_725 = arith.extui %sign3A_724 : i1 to i32
      %sign3A_726 = arith.constant 0 : i32
      %sign3A_727 = arith.cmpi slt, %jit3A, %sign3A_726 : i32
      %sign3A_728 = arith.extui %sign3A_727 : i1 to i32
      %sign3A_729 = arith.subi %sign3A_725, %sign3A_728 : i32
      %ne3A = arith.cmpi ne, %sign3A_722, %sign3A_729 : i32
      %rem3A = arith.remsi %scan3A_712, %jit3A : i32
      %ne3A_730 = arith.constant 0 : i32
      %ne3A_731 = arith.cmpi ne, %rem3A, %ne3A_730 : i32
      %and3A = arith.andi %ne3A, %ne3A_731 : i1
      %sub3A = arith.constant 1 : i32
      %sub3A_732 = arith.subi %div3A, %sub3A : i32
      %select_n3A = arith.select %and3A, %sub3A_732, %div3A : i32
      %rem3A_733 = arith.constant 64 : i32
      %rem3A_734 = arith.remsi %scan3A_712, %rem3A_733 : i32
      %get3A = arith.index_cast %select_n3A : i32 to index
      %get3A_735 = arith.index_cast %rem3A_734 : i32 to index
      %get3A_736 = arith.constant 0 : index
      %get3A_737 = tpu.vector_load %arg7[%get3A, %get3A_735, %get3A_736] {strides = array<i32>} : memref<2x64x64xf32, #tpu.memory_space<vmem>>, vector<1x1x16xf32>,
      %get3A_738 = vector.shape_cast %get3A_737 : vector<1x1x16xf32> to vector<16xf32>
      %get3A_739 = arith.index_cast %select_n3A : i32 to index
      %get3A_740 = arith.index_cast %rem3A_734 : i32 to index
      %get3A_741 = arith.constant 0 : index
      %get3A_742 = tpu.vector_load %arg8[%get3A_739, %get3A_740, %get3A_741] {strides = array<i32>} : memref<2x64x64xf32, #tpu.memory_space<vmem>>, vector<1x1x16xf32>,
      %get3A_743 = vector.shape_cast %get3A_742 : vector<1x1x16xf32> to vector<16xf32>
      %get3A_744 = arith.constant 0 : i32
      %get3A_745 = arith.index_cast %get3A_744 : i32 to index
      %get3A_746 = arith.index_cast %select_n3A : i32 to index
      %get3A_747 = arith.index_cast %rem3A_734 : i32 to index
      %get3A_748 = arith.constant 0 : index
      %get3A_749 = tpu.vector_load %arg10[%get3A_745, %get3A_746, %get3A_747, %get3A_748] {strides = array<i32>} : memref<2x2x64x64xf32, #tpu.memory_space<vmem>>, vector<1x1x1x16xf32>,
      %get3A_750 = vector.shape_cast %get3A_749 : vector<1x1x1x16xf32> to vector<16xf32>
      %abs3A = math.absf %get3A_750 : vector<16xf32>
      %gt3A = arith.constant 9.99999993E-9 : f32
      %gt3A_751 = vector.broadcast %gt3A : f32 to vector<16xf32>
      %gt3A_752 = arith.cmpf ogt, %abs3A, %gt3A_751 : vector<16xf32>
      %jit3A_753 = arith.constant 0.000000e+00 : f32
      %broadcast_in_dim3A_754 = vector.broadcast %jit3A_753 : f32 to vector<16xf32>
      %select_n3A_755 = arith.select %gt3A_752, %get3A_750, %broadcast_in_dim3A_754 : vector<16xi1>, vector<16xf32>
      %mul3A_756 = arith.mulf %select_n3A_755, %get3A_738 : vector<16xf32>
      %add3A_757 = arith.addf %scan3A_713, %mul3A_756 : vector<16xf32>
      %mul3A_758 = arith.mulf %select_n3A_755, %get3A_743 : vector<16xf32>
      %add3A_759 = arith.addf %scan3A_714, %mul3A_758 : vector<16xf32>
      %get3A_760 = arith.constant 1 : i32
      %get3A_761 = arith.index_cast %get3A_760 : i32 to index
      %get3A_762 = arith.index_cast %select_n3A : i32 to index
      %get3A_763 = arith.index_cast %rem3A_734 : i32 to index
      %get3A_764 = arith.constant 0 : index
      %get3A_765 = tpu.vector_load %arg10[%get3A_761, %get3A_762, %get3A_763, %get3A_764] {strides = array<i32>} : memref<2x2x64x64xf32, #tpu.memory_space<vmem>>, vector<1x1x1x16xf32>,
      %get3A_766 = vector.shape_cast %get3A_765 : vector<1x1x1x16xf32> to vector<16xf32>
      %abs3A_767 = math.absf %get3A_766 : vector<16xf32>
      %gt3A_768 = arith.constant 9.99999993E-9 : f32
      %gt3A_769 = vector.broadcast %gt3A_768 : f32 to vector<16xf32>
      %gt3A_770 = arith.cmpf ogt, %abs3A_767, %gt3A_769 : vector<16xf32>
      %jit3A_771 = arith.constant 0.000000e+00 : f32
      %broadcast_in_dim3A_772 = vector.broadcast %jit3A_771 : f32 to vector<16xf32>
      %select_n3A_773 = arith.select %gt3A_770, %get3A_766, %broadcast_in_dim3A_772 : vector<16xi1>, vector<16xf32>
      %mul3A_774 = arith.mulf %select_n3A_773, %get3A_738 : vector<16xf32>
      %add3A_775 = arith.addf %scan3A_715, %mul3A_774 : vector<16xf32>
      %mul3A_776 = arith.mulf %select_n3A_773, %get3A_743 : vector<16xf32>
      %add3A_777 = arith.addf %scan3A_716, %mul3A_776 : vector<16xf32>
      %get3A_778 = arith.index_cast %select_n3A : i32 to index
      %get3A_779 = arith.index_cast %rem3A_734 : i32 to index
      %get3A_780 = arith.constant 16 : index
      %get3A_781 = tpu.vector_load %arg7[%get3A_778, %get3A_779, %get3A_780] {strides = array<i32>} : memref<2x64x64xf32, #tpu.memory_space<vmem>>, vector<1x1x16xf32>,
      %get3A_782 = vector.shape_cast %get3A_781 : vector<1x1x16xf32> to vector<16xf32>
      %get3A_783 = arith.index_cast %select_n3A : i32 to index
      %get3A_784 = arith.index_cast %rem3A_734 : i32 to index
      %get3A_785 = arith.constant 16 : index
      %get3A_786 = tpu.vector_load %arg8[%get3A_783, %get3A_784, %get3A_785] {strides = array<i32>} : memref<2x64x64xf32, #tpu.memory_space<vmem>>, vector<1x1x16xf32>,
      %get3A_787 = vector.shape_cast %get3A_786 : vector<1x1x16xf32> to vector<16xf32>
      %get3A_788 = arith.constant 0 : i32
      %get3A_789 = arith.index_cast %get3A_788 : i32 to index
      %get3A_790 = arith.index_cast %select_n3A : i32 to index
      %get3A_791 = arith.index_cast %rem3A_734 : i32 to index
      %get3A_792 = arith.constant 16 : index
      %get3A_793 = tpu.vector_load %arg10[%get3A_789, %get3A_790, %get3A_791, %get3A_792] {strides = array<i32>} : memref<2x2x64x64xf32, #tpu.memory_space<vmem>>, vector<1x1x1x16xf32>,
      %get3A_794 = vector.shape_cast %get3A_793 : vector<1x1x1x16xf32> to vector<16xf32>
      %abs3A_795 = math.absf %get3A_794 : vector<16xf32>
      %gt3A_796 = arith.constant 9.99999993E-9 : f32
      %gt3A_797 = vector.broadcast %gt3A_796 : f32 to vector<16xf32>
      %gt3A_798 = arith.cmpf ogt, %abs3A_795, %gt3A_797 : vector<16xf32>
      %jit3A_799 = arith.constant 0.000000e+00 : f32
      %broadcast_in_dim3A_800 = vector.broadcast %jit3A_799 : f32 to vector<16xf32>
      %select_n3A_801 = arith.select %gt3A_798, %get3A_794, %broadcast_in_dim3A_800 : vector<16xi1>, vector<16xf32>
      %mul3A_802 = arith.mulf %select_n3A_801, %get3A_782 : vector<16xf32>
      %add3A_803 = arith.addf %add3A_757, %mul3A_802 : vector<16xf32>
      %mul3A_804 = arith.mulf %select_n3A_801, %get3A_787 : vector<16xf32>
      %add3A_805 = arith.addf %add3A_759, %mul3A_804 : vector<16xf32>
      %get3A_806 = arith.constant 1 : i32
      %get3A_807 = arith.index_cast %get3A_806 : i32 to index
      %get3A_808 = arith.index_cast %select_n3A : i32 to index
      %get3A_809 = arith.index_cast %rem3A_734 : i32 to index
      %get3A_810 = arith.constant 16 : index
      %get3A_811 = tpu.vector_load %arg10[%get3A_807, %get3A_808, %get3A_809, %get3A_810] {strides = array<i32>} : memref<2x2x64x64xf32, #tpu.memory_space<vmem>>, vector<1x1x1x16xf32>,
      %get3A_812 = vector.shape_cast %get3A_811 : vector<1x1x1x16xf32> to vector<16xf32>
      %abs3A_813 = math.absf %get3A_812 : vector<16xf32>
      %gt3A_814 = arith.constant 9.99999993E-9 : f32
      %gt3A_815 = vector.broadcast %gt3A_814 : f32 to vector<16xf32>
      %gt3A_816 = arith.cmpf ogt, %abs3A_813, %gt3A_815 : vector<16xf32>
      %jit3A_817 = arith.constant 0.000000e+00 : f32
      %broadcast_in_dim3A_818 = vector.broadcast %jit3A_817 : f32 to vector<16xf32>
      %select_n3A_819 = arith.select %gt3A_816, %get3A_812, %broadcast_in_dim3A_818 : vector<16xi1>, vector<16xf32>
      %mul3A_820 = arith.mulf %select_n3A_819, %get3A_782 : vector<16xf32>
      %add3A_821 = arith.addf %add3A_775, %mul3A_820 : vector<16xf32>
      %mul3A_822 = arith.mulf %select_n3A_819, %get3A_787 : vector<16xf32>
      %add3A_823 = arith.addf %add3A_777, %mul3A_822 : vector<16xf32>
      %get3A_824 = arith.index_cast %select_n3A : i32 to index
      %get3A_825 = arith.index_cast %rem3A_734 : i32 to index
      %get3A_826 = arith.constant 32 : index
      %get3A_827 = tpu.vector_load %arg7[%get3A_824, %get3A_825, %get3A_826] {strides = array<i32>} : memref<2x64x64xf32, #tpu.memory_space<vmem>>, vector<1x1x16xf32>,
      %get3A_828 = vector.shape_cast %get3A_827 : vector<1x1x16xf32> to vector<16xf32>
      %get3A_829 = arith.index_cast %select_n3A : i32 to index
      %get3A_830 = arith.index_cast %rem3A_734 : i32 to index
      %get3A_831 = arith.constant 32 : index
      %get3A_832 = tpu.vector_load %arg8[%get3A_829, %get3A_830, %get3A_831] {strides = array<i32>} : memref<2x64x64xf32, #tpu.memory_space<vmem>>, vector<1x1x16xf32>,
      %get3A_833 = vector.shape_cast %get3A_832 : vector<1x1x16xf32> to vector<16xf32>
      %get3A_834 = arith.constant 0 : i32
      %get3A_835 = arith.index_cast %get3A_834 : i32 to index
      %get3A_836 = arith.index_cast %select_n3A : i32 to index
      %get3A_837 = arith.index_cast %rem3A_734 : i32 to index
      %get3A_838 = arith.constant 32 : index
      %get3A_839 = tpu.vector_load %arg10[%get3A_835, %get3A_836, %get3A_837, %get3A_838] {strides = array<i32>} : memref<2x2x64x64xf32, #tpu.memory_space<vmem>>, vector<1x1x1x16xf32>,
      %get3A_840 = vector.shape_cast %get3A_839 : vector<1x1x1x16xf32> to vector<16xf32>
      %abs3A_841 = math.absf %get3A_840 : vector<16xf32>
      %gt3A_842 = arith.constant 9.99999993E-9 : f32
      %gt3A_843 = vector.broadcast %gt3A_842 : f32 to vector<16xf32>
      %gt3A_844 = arith.cmpf ogt, %abs3A_841, %gt3A_843 : vector<16xf32>
      %jit3A_845 = arith.constant 0.000000e+00 : f32
      %broadcast_in_dim3A_846 = vector.broadcast %jit3A_845 : f32 to vector<16xf32>
      %select_n3A_847 = arith.select %gt3A_844, %get3A_840, %broadcast_in_dim3A_846 : vector<16xi1>, vector<16xf32>
      %mul3A_848 = arith.mulf %select_n3A_847, %get3A_828 : vector<16xf32>
      %add3A_849 = arith.addf %add3A_803, %mul3A_848 : vector<16xf32>
      %mul3A_850 = arith.mulf %select_n3A_847, %get3A_833 : vector<16xf32>
      %add3A_851 = arith.addf %add3A_805, %mul3A_850 : vector<16xf32>
      %get3A_852 = arith.constant 1 : i32
      %get3A_853 = arith.index_cast %get3A_852 : i32 to index
      %get3A_854 = arith.index_cast %select_n3A : i32 to index
      %get3A_855 = arith.index_cast %rem3A_734 : i32 to index
      %get3A_856 = arith.constant 32 : index
      %get3A_857 = tpu.vector_load %arg10[%get3A_853, %get3A_854, %get3A_855, %get3A_856] {strides = array<i32>} : memref<2x2x64x64xf32, #tpu.memory_space<vmem>>, vector<1x1x1x16xf32>,
      %get3A_858 = vector.shape_cast %get3A_857 : vector<1x1x1x16xf32> to vector<16xf32>
      %abs3A_859 = math.absf %get3A_858 : vector<16xf32>
      %gt3A_860 = arith.constant 9.99999993E-9 : f32
      %gt3A_861 = vector.broadcast %gt3A_860 : f32 to vector<16xf32>
      %gt3A_862 = arith.cmpf ogt, %abs3A_859, %gt3A_861 : vector<16xf32>
      %jit3A_863 = arith.constant 0.000000e+00 : f32
      %broadcast_in_dim3A_864 = vector.broadcast %jit3A_863 : f32 to vector<16xf32>
      %select_n3A_865 = arith.select %gt3A_862, %get3A_858, %broadcast_in_dim3A_864 : vector<16xi1>, vector<16xf32>
      %mul3A_866 = arith.mulf %select_n3A_865, %get3A_828 : vector<16xf32>
      %add3A_867 = arith.addf %add3A_821, %mul3A_866 : vector<16xf32>
      %mul3A_868 = arith.mulf %select_n3A_865, %get3A_833 : vector<16xf32>
      %add3A_869 = arith.addf %add3A_823, %mul3A_868 : vector<16xf32>
      %get3A_870 = arith.index_cast %select_n3A : i32 to index
      %get3A_871 = arith.index_cast %rem3A_734 : i32 to index
      %get3A_872 = arith.constant 48 : index
      %get3A_873 = tpu.vector_load %arg7[%get3A_870, %get3A_871, %get3A_872] {strides = array<i32>} : memref<2x64x64xf32, #tpu.memory_space<vmem>>, vector<1x1x16xf32>,
      %get3A_874 = vector.shape_cast %get3A_873 : vector<1x1x16xf32> to vector<16xf32>
      %get3A_875 = arith.index_cast %select_n3A : i32 to index
      %get3A_876 = arith.index_cast %rem3A_734 : i32 to index
      %get3A_877 = arith.constant 48 : index
      %get3A_878 = tpu.vector_load %arg8[%get3A_875, %get3A_876, %get3A_877] {strides = array<i32>} : memref<2x64x64xf32, #tpu.memory_space<vmem>>, vector<1x1x16xf32>,
      %get3A_879 = vector.shape_cast %get3A_878 : vector<1x1x16xf32> to vector<16xf32>
      %get3A_880 = arith.constant 0 : i32
      %get3A_881 = arith.index_cast %get3A_880 : i32 to index
      %get3A_882 = arith.index_cast %select_n3A : i32 to index
      %get3A_883 = arith.index_cast %rem3A_734 : i32 to index
      %get3A_884 = arith.constant 48 : index
      %get3A_885 = tpu.vector_load %arg10[%get3A_881, %get3A_882, %get3A_883, %get3A_884] {strides = array<i32>} : memref<2x2x64x64xf32, #tpu.memory_space<vmem>>, vector<1x1x1x16xf32>,
      %get3A_886 = vector.shape_cast %get3A_885 : vector<1x1x1x16xf32> to vector<16xf32>
      %abs3A_887 = math.absf %get3A_886 : vector<16xf32>
      %gt3A_888 = arith.constant 9.99999993E-9 : f32
      %gt3A_889 = vector.broadcast %gt3A_888 : f32 to vector<16xf32>
      %gt3A_890 = arith.cmpf ogt, %abs3A_887, %gt3A_889 : vector<16xf32>
      %jit3A_891 = arith.constant 0.000000e+00 : f32
      %broadcast_in_dim3A_892 = vector.broadcast %jit3A_891 : f32 to vector<16xf32>
      %select_n3A_893 = arith.select %gt3A_890, %get3A_886, %broadcast_in_dim3A_892 : vector<16xi1>, vector<16xf32>
      %mul3A_894 = arith.mulf %select_n3A_893, %get3A_874 : vector<16xf32>
      %add3A_895 = arith.addf %add3A_849, %mul3A_894 : vector<16xf32>
      %mul3A_896 = arith.mulf %select_n3A_893, %get3A_879 : vector<16xf32>
      %add3A_897 = arith.addf %add3A_851, %mul3A_896 : vector<16xf32>
      %get3A_898 = arith.constant 1 : i32
      %get3A_899 = arith.index_cast %get3A_898 : i32 to index
      %get3A_900 = arith.index_cast %select_n3A : i32 to index
      %get3A_901 = arith.index_cast %rem3A_734 : i32 to index
      %get3A_902 = arith.constant 48 : index
      %get3A_903 = tpu.vector_load %arg10[%get3A_899, %get3A_900, %get3A_901, %get3A_902] {strides = array<i32>} : memref<2x2x64x64xf32, #tpu.memory_space<vmem>>, vector<1x1x1x16xf32>,
      %get3A_904 = vector.shape_cast %get3A_903 : vector<1x1x1x16xf32> to vector<16xf32>
      %abs3A_905 = math.absf %get3A_904 : vector<16xf32>
      %gt3A_906 = arith.constant 9.99999993E-9 : f32
      %gt3A_907 = vector.broadcast %gt3A_906 : f32 to vector<16xf32>
      %gt3A_908 = arith.cmpf ogt, %abs3A_905, %gt3A_907 : vector<16xf32>
      %jit3A_909 = arith.constant 0.000000e+00 : f32
      %broadcast_in_dim3A_910 = vector.broadcast %jit3A_909 : f32 to vector<16xf32>
      %select_n3A_911 = arith.select %gt3A_908, %get3A_904, %broadcast_in_dim3A_910 : vector<16xi1>, vector<16xf32>
      %mul3A_912 = arith.mulf %select_n3A_911, %get3A_874 : vector<16xf32>
      %add3A_913 = arith.addf %add3A_867, %mul3A_912 : vector<16xf32>
      %mul3A_914 = arith.mulf %select_n3A_911, %get3A_879 : vector<16xf32>
      %add3A_915 = arith.addf %add3A_869, %mul3A_914 : vector<16xf32>
      scf.yield %add3A_895, %add3A_897, %add3A_913, %add3A_915 : vector<16xf32>, vector<16xf32>, vector<16xf32>, vector<16xf32>
    }
    %scan3A_428 = arith.constant 128 : i32
    %swap3A_429 = arith.constant 3 : i32
    %swap3A_430 = arith.index_cast %swap3A_429 : i32 to index
    %swap3A_431 = arith.constant 64 : index
    %swap3A_432 = tpu.vector_load %arg11[%swap3A_430, %swap3A_431] {strides = array<i32>} : memref<16x128xf32, #tpu.memory_space<vmem>>, vector<1x16xf32>,
    %swap3A_433 = vector.shape_cast %swap3A_432 : vector<1x16xf32> to vector<16xf32>
    %swap3A_434 = vector.shape_cast %scan3A_427#0 : vector<16xf32> to vector<1x16xf32>
    tpu.vector_store %arg11[%swap3A_430, %swap3A_431], %swap3A_434 {strides = array<i32>} : memref<16x128xf32, #tpu.memory_space<vmem>>, vector<1x16xf32>,
    %swap3A_435 = arith.constant 3 : i32
    %swap3A_436 = arith.index_cast %swap3A_435 : i32 to index
    %swap3A_437 = arith.constant 80 : index
    %swap3A_438 = tpu.vector_load %arg11[%swap3A_436, %swap3A_437] {strides = array<i32>} : memref<16x128xf32, #tpu.memory_space<vmem>>, vector<1x16xf32>,
    %swap3A_439 = vector.shape_cast %swap3A_438 : vector<1x16xf32> to vector<16xf32>
    %swap3A_440 = vector.shape_cast %scan3A_427#1 : vector<16xf32> to vector<1x16xf32>
    tpu.vector_store %arg11[%swap3A_436, %swap3A_437], %swap3A_440 {strides = array<i32>} : memref<16x128xf32, #tpu.memory_space<vmem>>, vector<1x16xf32>,
    %swap3A_441 = arith.constant 3 : i32
    %swap3A_442 = arith.index_cast %swap3A_441 : i32 to index
    %swap3A_443 = arith.constant 96 : index
    %swap3A_444 = tpu.vector_load %arg11[%swap3A_442, %swap3A_443] {strides = array<i32>} : memref<16x128xf32, #tpu.memory_space<vmem>>, vector<1x16xf32>,
    %swap3A_445 = vector.shape_cast %swap3A_444 : vector<1x16xf32> to vector<16xf32>
    %swap3A_446 = vector.shape_cast %scan3A_427#2 : vector<16xf32> to vector<1x16xf32>
    tpu.vector_store %arg11[%swap3A_442, %swap3A_443], %swap3A_446 {strides = array<i32>} : memref<16x128xf32, #tpu.memory_space<vmem>>, vector<1x16xf32>,
    %swap3A_447 = arith.constant 3 : i32
    %swap3A_448 = arith.index_cast %swap3A_447 : i32 to index
    %swap3A_449 = arith.constant 112 : index
    %swap3A_450 = tpu.vector_load %arg11[%swap3A_448, %swap3A_449] {strides = array<i32>} : memref<16x128xf32, #tpu.memory_space<vmem>>, vector<1x16xf32>,
    %swap3A_451 = vector.shape_cast %swap3A_450 : vector<1x16xf32> to vector<16xf32>
    %swap3A_452 = vector.shape_cast %scan3A_427#3 : vector<16xf32> to vector<1x16xf32>
    tpu.vector_store %arg11[%swap3A_448, %swap3A_449], %swap3A_452 {strides = array<i32>} : memref<16x128xf32, #tpu.memory_space<vmem>>, vector<1x16xf32>,
    %dma_wait3A_453 = arith.constant 0 : i32
    %dma_wait3A_454 = arith.constant 54 : i32
    %dma_wait3A_455 = arith.constant 0 : i32
    %dma_wait3A_456 = arith.constant 0 : i32
    %dma_wait3A_457 = tpu.memref_slice %arg2[%dma_wait3A_454, %dma_wait3A_453, %mul3A_2, %dma_wait3A_455, %dma_wait3A_456] : memref<64x1x64x64x64xf32, #tpu.memory_space<hbm>> -> memref<2x1x2x64x64xf32, #tpu.memory_space<hbm>>
    %dma_wait3A_458 = tpu.memref_squeeze %dma_wait3A_457 : memref<2x1x2x64x64xf32, #tpu.memory_space<hbm>> -> memref<2x2x64x64xf32, #tpu.memory_space<hbm>>
    %dma_wait3A_459 = arith.constant 54 : i32
    %dma_wait3A_460 = arith.constant 0 : i32
    %dma_wait3A_461 = arith.constant 0 : i32
    %dma_wait3A_462 = tpu.memref_slice %arg2[%dma_wait3A_459, %dma_wait3A_453, %mul3A_2, %dma_wait3A_460, %dma_wait3A_461] : memref<64x1x64x64x64xf32, #tpu.memory_space<hbm>> -> memref<2x1x2x64x64xf32, #tpu.memory_space<hbm>>
    %dma_wait3A_463 = tpu.memref_squeeze %dma_wait3A_462 : memref<2x1x2x64x64xf32, #tpu.memory_space<hbm>> -> memref<2x2x64x64xf32, #tpu.memory_space<hbm>>
    tpu.wait_dma2 semaphore(%arg12 : memref<!tpu.dma_semaphore, #tpu.memory_space<semaphore_mem>>) src(%dma_wait3A_463 : memref<2x2x64x64xf32, #tpu.memory_space<hbm>>) dst(%arg9 : memref<2x2x64x64xf32, #tpu.memory_space<vmem>>)
    %dma_start3A_464 = arith.constant 0 : i32
    %dma_start3A_465 = arith.constant 56 : i32
    %dma_start3A_466 = arith.constant 0 : i32
    %dma_start3A_467 = arith.constant 0 : i32
    %dma_start3A_468 = tpu.memref_slice %arg2[%dma_start3A_465, %dma_start3A_464, %mul3A_2, %dma_start3A_466, %dma_start3A_467] : memref<64x1x64x64x64xf32, #tpu.memory_space<hbm>> -> memref<2x1x2x64x64xf32, #tpu.memory_space<hbm>>
    %dma_start3A_469 = tpu.memref_squeeze %dma_start3A_468 : memref<2x1x2x64x64xf32, #tpu.memory_space<hbm>> -> memref<2x2x64x64xf32, #tpu.memory_space<hbm>>
    %dma_start3A_470 = arith.constant 56 : i32
    %dma_start3A_471 = arith.constant 0 : i32
    %dma_start3A_472 = arith.constant 0 : i32
    %dma_start3A_473 = tpu.memref_slice %arg2[%dma_start3A_470, %dma_start3A_464, %mul3A_2, %dma_start3A_471, %dma_start3A_472] : memref<64x1x64x64x64xf32, #tpu.memory_space<hbm>> -> memref<2x1x2x64x64xf32, #tpu.memory_space<hbm>>
    %dma_start3A_474 = tpu.memref_squeeze %dma_start3A_473 : memref<2x1x2x64x64xf32, #tpu.memory_space<hbm>> -> memref<2x2x64x64xf32, #tpu.memory_space<hbm>>
    tpu.enqueue_dma source(%dma_start3A_474 : memref<2x2x64x64xf32, #tpu.memory_space<hbm>>) target(%arg10 : memref<2x2x64x64xf32, #tpu.memory_space<vmem>>) target_semaphore(%arg13 : memref<!tpu.dma_semaphore, #tpu.memory_space<semaphore_mem>>)
    %broadcast_in_dim3A_475 = arith.constant 0.000000e+00 : f32
    %broadcast_in_dim3A_476 = vector.broadcast %broadcast_in_dim3A_475 : f32 to vector<16xf32>
    %scan3A_477 = arith.constant 0 : i32
    %scan3A_478 = arith.constant 128 : i32
    %scan3A_479 = arith.addi %scan3A_477, %scan3A_478 : i32
    %scan3A_480 = arith.constant 1 : i32
    %scan3A_481:4 = scf.for %scan3A_712 = %scan3A_477 to %scan3A_479 step %scan3A_480 iter_args(%scan3A_713 = %broadcast_in_dim3A_476, %scan3A_714 = %broadcast_in_dim3A_476, %scan3A_715 = %broadcast_in_dim3A_476, %scan3A_716 = %broadcast_in_dim3A_476) -> (vector<16xf32>, vector<16xf32>, vector<16xf32>, vector<16xf32>)  : i32 {
      %jit3A = arith.constant 64 : i32
      %div3A = arith.divsi %scan3A_712, %jit3A : i32
      %sign3A = arith.constant 0 : i32
      %sign3A_717 = arith.cmpi sgt, %scan3A_712, %sign3A : i32
      %sign3A_718 = arith.extui %sign3A_717 : i1 to i32
      %sign3A_719 = arith.constant 0 : i32
      %sign3A_720 = arith.cmpi slt, %scan3A_712, %sign3A_719 : i32
      %sign3A_721 = arith.extui %sign3A_720 : i1 to i32
      %sign3A_722 = arith.subi %sign3A_718, %sign3A_721 : i32
      %sign3A_723 = arith.constant 0 : i32
      %sign3A_724 = arith.cmpi sgt, %jit3A, %sign3A_723 : i32
      %sign3A_725 = arith.extui %sign3A_724 : i1 to i32
      %sign3A_726 = arith.constant 0 : i32
      %sign3A_727 = arith.cmpi slt, %jit3A, %sign3A_726 : i32
      %sign3A_728 = arith.extui %sign3A_727 : i1 to i32
      %sign3A_729 = arith.subi %sign3A_725, %sign3A_728 : i32
      %ne3A = arith.cmpi ne, %sign3A_722, %sign3A_729 : i32
      %rem3A = arith.remsi %scan3A_712, %jit3A : i32
      %ne3A_730 = arith.constant 0 : i32
      %ne3A_731 = arith.cmpi ne, %rem3A, %ne3A_730 : i32
      %and3A = arith.andi %ne3A, %ne3A_731 : i1
      %sub3A = arith.constant 1 : i32
      %sub3A_732 = arith.subi %div3A, %sub3A : i32
      %select_n3A = arith.select %and3A, %sub3A_732, %div3A : i32
      %rem3A_733 = arith.constant 64 : i32
      %rem3A_734 = arith.remsi %scan3A_712, %rem3A_733 : i32
      %get3A = arith.index_cast %select_n3A : i32 to index
      %get3A_735 = arith.index_cast %rem3A_734 : i32 to index
      %get3A_736 = arith.constant 0 : index
      %get3A_737 = tpu.vector_load %arg7[%get3A, %get3A_735, %get3A_736] {strides = array<i32>} : memref<2x64x64xf32, #tpu.memory_space<vmem>>, vector<1x1x16xf32>,
      %get3A_738 = vector.shape_cast %get3A_737 : vector<1x1x16xf32> to vector<16xf32>
      %get3A_739 = arith.index_cast %select_n3A : i32 to index
      %get3A_740 = arith.index_cast %rem3A_734 : i32 to index
      %get3A_741 = arith.constant 0 : index
      %get3A_742 = tpu.vector_load %arg8[%get3A_739, %get3A_740, %get3A_741] {strides = array<i32>} : memref<2x64x64xf32, #tpu.memory_space<vmem>>, vector<1x1x16xf32>,
      %get3A_743 = vector.shape_cast %get3A_742 : vector<1x1x16xf32> to vector<16xf32>
      %get3A_744 = arith.constant 0 : i32
      %get3A_745 = arith.index_cast %get3A_744 : i32 to index
      %get3A_746 = arith.index_cast %select_n3A : i32 to index
      %get3A_747 = arith.index_cast %rem3A_734 : i32 to index
      %get3A_748 = arith.constant 0 : index
      %get3A_749 = tpu.vector_load %arg9[%get3A_745, %get3A_746, %get3A_747, %get3A_748] {strides = array<i32>} : memref<2x2x64x64xf32, #tpu.memory_space<vmem>>, vector<1x1x1x16xf32>,
      %get3A_750 = vector.shape_cast %get3A_749 : vector<1x1x1x16xf32> to vector<16xf32>
      %abs3A = math.absf %get3A_750 : vector<16xf32>
      %gt3A = arith.constant 9.99999993E-9 : f32
      %gt3A_751 = vector.broadcast %gt3A : f32 to vector<16xf32>
      %gt3A_752 = arith.cmpf ogt, %abs3A, %gt3A_751 : vector<16xf32>
      %jit3A_753 = arith.constant 0.000000e+00 : f32
      %broadcast_in_dim3A_754 = vector.broadcast %jit3A_753 : f32 to vector<16xf32>
      %select_n3A_755 = arith.select %gt3A_752, %get3A_750, %broadcast_in_dim3A_754 : vector<16xi1>, vector<16xf32>
      %mul3A_756 = arith.mulf %select_n3A_755, %get3A_738 : vector<16xf32>
      %add3A_757 = arith.addf %scan3A_713, %mul3A_756 : vector<16xf32>
      %mul3A_758 = arith.mulf %select_n3A_755, %get3A_743 : vector<16xf32>
      %add3A_759 = arith.addf %scan3A_714, %mul3A_758 : vector<16xf32>
      %get3A_760 = arith.constant 1 : i32
      %get3A_761 = arith.index_cast %get3A_760 : i32 to index
      %get3A_762 = arith.index_cast %select_n3A : i32 to index
      %get3A_763 = arith.index_cast %rem3A_734 : i32 to index
      %get3A_764 = arith.constant 0 : index
      %get3A_765 = tpu.vector_load %arg9[%get3A_761, %get3A_762, %get3A_763, %get3A_764] {strides = array<i32>} : memref<2x2x64x64xf32, #tpu.memory_space<vmem>>, vector<1x1x1x16xf32>,
      %get3A_766 = vector.shape_cast %get3A_765 : vector<1x1x1x16xf32> to vector<16xf32>
      %abs3A_767 = math.absf %get3A_766 : vector<16xf32>
      %gt3A_768 = arith.constant 9.99999993E-9 : f32
      %gt3A_769 = vector.broadcast %gt3A_768 : f32 to vector<16xf32>
      %gt3A_770 = arith.cmpf ogt, %abs3A_767, %gt3A_769 : vector<16xf32>
      %jit3A_771 = arith.constant 0.000000e+00 : f32
      %broadcast_in_dim3A_772 = vector.broadcast %jit3A_771 : f32 to vector<16xf32>
      %select_n3A_773 = arith.select %gt3A_770, %get3A_766, %broadcast_in_dim3A_772 : vector<16xi1>, vector<16xf32>
      %mul3A_774 = arith.mulf %select_n3A_773, %get3A_738 : vector<16xf32>
      %add3A_775 = arith.addf %scan3A_715, %mul3A_774 : vector<16xf32>
      %mul3A_776 = arith.mulf %select_n3A_773, %get3A_743 : vector<16xf32>
      %add3A_777 = arith.addf %scan3A_716, %mul3A_776 : vector<16xf32>
      %get3A_778 = arith.index_cast %select_n3A : i32 to index
      %get3A_779 = arith.index_cast %rem3A_734 : i32 to index
      %get3A_780 = arith.constant 16 : index
      %get3A_781 = tpu.vector_load %arg7[%get3A_778, %get3A_779, %get3A_780] {strides = array<i32>} : memref<2x64x64xf32, #tpu.memory_space<vmem>>, vector<1x1x16xf32>,
      %get3A_782 = vector.shape_cast %get3A_781 : vector<1x1x16xf32> to vector<16xf32>
      %get3A_783 = arith.index_cast %select_n3A : i32 to index
      %get3A_784 = arith.index_cast %rem3A_734 : i32 to index
      %get3A_785 = arith.constant 16 : index
      %get3A_786 = tpu.vector_load %arg8[%get3A_783, %get3A_784, %get3A_785] {strides = array<i32>} : memref<2x64x64xf32, #tpu.memory_space<vmem>>, vector<1x1x16xf32>,
      %get3A_787 = vector.shape_cast %get3A_786 : vector<1x1x16xf32> to vector<16xf32>
      %get3A_788 = arith.constant 0 : i32
      %get3A_789 = arith.index_cast %get3A_788 : i32 to index
      %get3A_790 = arith.index_cast %select_n3A : i32 to index
      %get3A_791 = arith.index_cast %rem3A_734 : i32 to index
      %get3A_792 = arith.constant 16 : index
      %get3A_793 = tpu.vector_load %arg9[%get3A_789, %get3A_790, %get3A_791, %get3A_792] {strides = array<i32>} : memref<2x2x64x64xf32, #tpu.memory_space<vmem>>, vector<1x1x1x16xf32>,
      %get3A_794 = vector.shape_cast %get3A_793 : vector<1x1x1x16xf32> to vector<16xf32>
      %abs3A_795 = math.absf %get3A_794 : vector<16xf32>
      %gt3A_796 = arith.constant 9.99999993E-9 : f32
      %gt3A_797 = vector.broadcast %gt3A_796 : f32 to vector<16xf32>
      %gt3A_798 = arith.cmpf ogt, %abs3A_795, %gt3A_797 : vector<16xf32>
      %jit3A_799 = arith.constant 0.000000e+00 : f32
      %broadcast_in_dim3A_800 = vector.broadcast %jit3A_799 : f32 to vector<16xf32>
      %select_n3A_801 = arith.select %gt3A_798, %get3A_794, %broadcast_in_dim3A_800 : vector<16xi1>, vector<16xf32>
      %mul3A_802 = arith.mulf %select_n3A_801, %get3A_782 : vector<16xf32>
      %add3A_803 = arith.addf %add3A_757, %mul3A_802 : vector<16xf32>
      %mul3A_804 = arith.mulf %select_n3A_801, %get3A_787 : vector<16xf32>
      %add3A_805 = arith.addf %add3A_759, %mul3A_804 : vector<16xf32>
      %get3A_806 = arith.constant 1 : i32
      %get3A_807 = arith.index_cast %get3A_806 : i32 to index
      %get3A_808 = arith.index_cast %select_n3A : i32 to index
      %get3A_809 = arith.index_cast %rem3A_734 : i32 to index
      %get3A_810 = arith.constant 16 : index
      %get3A_811 = tpu.vector_load %arg9[%get3A_807, %get3A_808, %get3A_809, %get3A_810] {strides = array<i32>} : memref<2x2x64x64xf32, #tpu.memory_space<vmem>>, vector<1x1x1x16xf32>,
      %get3A_812 = vector.shape_cast %get3A_811 : vector<1x1x1x16xf32> to vector<16xf32>
      %abs3A_813 = math.absf %get3A_812 : vector<16xf32>
      %gt3A_814 = arith.constant 9.99999993E-9 : f32
      %gt3A_815 = vector.broadcast %gt3A_814 : f32 to vector<16xf32>
      %gt3A_816 = arith.cmpf ogt, %abs3A_813, %gt3A_815 : vector<16xf32>
      %jit3A_817 = arith.constant 0.000000e+00 : f32
      %broadcast_in_dim3A_818 = vector.broadcast %jit3A_817 : f32 to vector<16xf32>
      %select_n3A_819 = arith.select %gt3A_816, %get3A_812, %broadcast_in_dim3A_818 : vector<16xi1>, vector<16xf32>
      %mul3A_820 = arith.mulf %select_n3A_819, %get3A_782 : vector<16xf32>
      %add3A_821 = arith.addf %add3A_775, %mul3A_820 : vector<16xf32>
      %mul3A_822 = arith.mulf %select_n3A_819, %get3A_787 : vector<16xf32>
      %add3A_823 = arith.addf %add3A_777, %mul3A_822 : vector<16xf32>
      %get3A_824 = arith.index_cast %select_n3A : i32 to index
      %get3A_825 = arith.index_cast %rem3A_734 : i32 to index
      %get3A_826 = arith.constant 32 : index
      %get3A_827 = tpu.vector_load %arg7[%get3A_824, %get3A_825, %get3A_826] {strides = array<i32>} : memref<2x64x64xf32, #tpu.memory_space<vmem>>, vector<1x1x16xf32>,
      %get3A_828 = vector.shape_cast %get3A_827 : vector<1x1x16xf32> to vector<16xf32>
      %get3A_829 = arith.index_cast %select_n3A : i32 to index
      %get3A_830 = arith.index_cast %rem3A_734 : i32 to index
      %get3A_831 = arith.constant 32 : index
      %get3A_832 = tpu.vector_load %arg8[%get3A_829, %get3A_830, %get3A_831] {strides = array<i32>} : memref<2x64x64xf32, #tpu.memory_space<vmem>>, vector<1x1x16xf32>,
      %get3A_833 = vector.shape_cast %get3A_832 : vector<1x1x16xf32> to vector<16xf32>
      %get3A_834 = arith.constant 0 : i32
      %get3A_835 = arith.index_cast %get3A_834 : i32 to index
      %get3A_836 = arith.index_cast %select_n3A : i32 to index
      %get3A_837 = arith.index_cast %rem3A_734 : i32 to index
      %get3A_838 = arith.constant 32 : index
      %get3A_839 = tpu.vector_load %arg9[%get3A_835, %get3A_836, %get3A_837, %get3A_838] {strides = array<i32>} : memref<2x2x64x64xf32, #tpu.memory_space<vmem>>, vector<1x1x1x16xf32>,
      %get3A_840 = vector.shape_cast %get3A_839 : vector<1x1x1x16xf32> to vector<16xf32>
      %abs3A_841 = math.absf %get3A_840 : vector<16xf32>
      %gt3A_842 = arith.constant 9.99999993E-9 : f32
      %gt3A_843 = vector.broadcast %gt3A_842 : f32 to vector<16xf32>
      %gt3A_844 = arith.cmpf ogt, %abs3A_841, %gt3A_843 : vector<16xf32>
      %jit3A_845 = arith.constant 0.000000e+00 : f32
      %broadcast_in_dim3A_846 = vector.broadcast %jit3A_845 : f32 to vector<16xf32>
      %select_n3A_847 = arith.select %gt3A_844, %get3A_840, %broadcast_in_dim3A_846 : vector<16xi1>, vector<16xf32>
      %mul3A_848 = arith.mulf %select_n3A_847, %get3A_828 : vector<16xf32>
      %add3A_849 = arith.addf %add3A_803, %mul3A_848 : vector<16xf32>
      %mul3A_850 = arith.mulf %select_n3A_847, %get3A_833 : vector<16xf32>
      %add3A_851 = arith.addf %add3A_805, %mul3A_850 : vector<16xf32>
      %get3A_852 = arith.constant 1 : i32
      %get3A_853 = arith.index_cast %get3A_852 : i32 to index
      %get3A_854 = arith.index_cast %select_n3A : i32 to index
      %get3A_855 = arith.index_cast %rem3A_734 : i32 to index
      %get3A_856 = arith.constant 32 : index
      %get3A_857 = tpu.vector_load %arg9[%get3A_853, %get3A_854, %get3A_855, %get3A_856] {strides = array<i32>} : memref<2x2x64x64xf32, #tpu.memory_space<vmem>>, vector<1x1x1x16xf32>,
      %get3A_858 = vector.shape_cast %get3A_857 : vector<1x1x1x16xf32> to vector<16xf32>
      %abs3A_859 = math.absf %get3A_858 : vector<16xf32>
      %gt3A_860 = arith.constant 9.99999993E-9 : f32
      %gt3A_861 = vector.broadcast %gt3A_860 : f32 to vector<16xf32>
      %gt3A_862 = arith.cmpf ogt, %abs3A_859, %gt3A_861 : vector<16xf32>
      %jit3A_863 = arith.constant 0.000000e+00 : f32
      %broadcast_in_dim3A_864 = vector.broadcast %jit3A_863 : f32 to vector<16xf32>
      %select_n3A_865 = arith.select %gt3A_862, %get3A_858, %broadcast_in_dim3A_864 : vector<16xi1>, vector<16xf32>
      %mul3A_866 = arith.mulf %select_n3A_865, %get3A_828 : vector<16xf32>
      %add3A_867 = arith.addf %add3A_821, %mul3A_866 : vector<16xf32>
      %mul3A_868 = arith.mulf %select_n3A_865, %get3A_833 : vector<16xf32>
      %add3A_869 = arith.addf %add3A_823, %mul3A_868 : vector<16xf32>
      %get3A_870 = arith.index_cast %select_n3A : i32 to index
      %get3A_871 = arith.index_cast %rem3A_734 : i32 to index
      %get3A_872 = arith.constant 48 : index
      %get3A_873 = tpu.vector_load %arg7[%get3A_870, %get3A_871, %get3A_872] {strides = array<i32>} : memref<2x64x64xf32, #tpu.memory_space<vmem>>, vector<1x1x16xf32>,
      %get3A_874 = vector.shape_cast %get3A_873 : vector<1x1x16xf32> to vector<16xf32>
      %get3A_875 = arith.index_cast %select_n3A : i32 to index
      %get3A_876 = arith.index_cast %rem3A_734 : i32 to index
      %get3A_877 = arith.constant 48 : index
      %get3A_878 = tpu.vector_load %arg8[%get3A_875, %get3A_876, %get3A_877] {strides = array<i32>} : memref<2x64x64xf32, #tpu.memory_space<vmem>>, vector<1x1x16xf32>,
      %get3A_879 = vector.shape_cast %get3A_878 : vector<1x1x16xf32> to vector<16xf32>
      %get3A_880 = arith.constant 0 : i32
      %get3A_881 = arith.index_cast %get3A_880 : i32 to index
      %get3A_882 = arith.index_cast %select_n3A : i32 to index
      %get3A_883 = arith.index_cast %rem3A_734 : i32 to index
      %get3A_884 = arith.constant 48 : index
      %get3A_885 = tpu.vector_load %arg9[%get3A_881, %get3A_882, %get3A_883, %get3A_884] {strides = array<i32>} : memref<2x2x64x64xf32, #tpu.memory_space<vmem>>, vector<1x1x1x16xf32>,
      %get3A_886 = vector.shape_cast %get3A_885 : vector<1x1x1x16xf32> to vector<16xf32>
      %abs3A_887 = math.absf %get3A_886 : vector<16xf32>
      %gt3A_888 = arith.constant 9.99999993E-9 : f32
      %gt3A_889 = vector.broadcast %gt3A_888 : f32 to vector<16xf32>
      %gt3A_890 = arith.cmpf ogt, %abs3A_887, %gt3A_889 : vector<16xf32>
      %jit3A_891 = arith.constant 0.000000e+00 : f32
      %broadcast_in_dim3A_892 = vector.broadcast %jit3A_891 : f32 to vector<16xf32>
      %select_n3A_893 = arith.select %gt3A_890, %get3A_886, %broadcast_in_dim3A_892 : vector<16xi1>, vector<16xf32>
      %mul3A_894 = arith.mulf %select_n3A_893, %get3A_874 : vector<16xf32>
      %add3A_895 = arith.addf %add3A_849, %mul3A_894 : vector<16xf32>
      %mul3A_896 = arith.mulf %select_n3A_893, %get3A_879 : vector<16xf32>
      %add3A_897 = arith.addf %add3A_851, %mul3A_896 : vector<16xf32>
      %get3A_898 = arith.constant 1 : i32
      %get3A_899 = arith.index_cast %get3A_898 : i32 to index
      %get3A_900 = arith.index_cast %select_n3A : i32 to index
      %get3A_901 = arith.index_cast %rem3A_734 : i32 to index
      %get3A_902 = arith.constant 48 : index
      %get3A_903 = tpu.vector_load %arg9[%get3A_899, %get3A_900, %get3A_901, %get3A_902] {strides = array<i32>} : memref<2x2x64x64xf32, #tpu.memory_space<vmem>>, vector<1x1x1x16xf32>,
      %get3A_904 = vector.shape_cast %get3A_903 : vector<1x1x1x16xf32> to vector<16xf32>
      %abs3A_905 = math.absf %get3A_904 : vector<16xf32>
      %gt3A_906 = arith.constant 9.99999993E-9 : f32
      %gt3A_907 = vector.broadcast %gt3A_906 : f32 to vector<16xf32>
      %gt3A_908 = arith.cmpf ogt, %abs3A_905, %gt3A_907 : vector<16xf32>
      %jit3A_909 = arith.constant 0.000000e+00 : f32
      %broadcast_in_dim3A_910 = vector.broadcast %jit3A_909 : f32 to vector<16xf32>
      %select_n3A_911 = arith.select %gt3A_908, %get3A_904, %broadcast_in_dim3A_910 : vector<16xi1>, vector<16xf32>
      %mul3A_912 = arith.mulf %select_n3A_911, %get3A_874 : vector<16xf32>
      %add3A_913 = arith.addf %add3A_867, %mul3A_912 : vector<16xf32>
      %mul3A_914 = arith.mulf %select_n3A_911, %get3A_879 : vector<16xf32>
      %add3A_915 = arith.addf %add3A_869, %mul3A_914 : vector<16xf32>
      scf.yield %add3A_895, %add3A_897, %add3A_913, %add3A_915 : vector<16xf32>, vector<16xf32>, vector<16xf32>, vector<16xf32>
    }
    %scan3A_482 = arith.constant 128 : i32
    %swap3A_483 = arith.constant 4 : i32
    %swap3A_484 = arith.index_cast %swap3A_483 : i32 to index
    %swap3A_485 = arith.constant 0 : index
    %swap3A_486 = tpu.vector_load %arg11[%swap3A_484, %swap3A_485] {strides = array<i32>} : memref<16x128xf32, #tpu.memory_space<vmem>>, vector<1x16xf32>,
    %swap3A_487 = vector.shape_cast %swap3A_486 : vector<1x16xf32> to vector<16xf32>
    %swap3A_488 = vector.shape_cast %scan3A_481#0 : vector<16xf32> to vector<1x16xf32>
    tpu.vector_store %arg11[%swap3A_484, %swap3A_485], %swap3A_488 {strides = array<i32>} : memref<16x128xf32, #tpu.memory_space<vmem>>, vector<1x16xf32>,
    %swap3A_489 = arith.constant 4 : i32
    %swap3A_490 = arith.index_cast %swap3A_489 : i32 to index
    %swap3A_491 = arith.constant 16 : index
    %swap3A_492 = tpu.vector_load %arg11[%swap3A_490, %swap3A_491] {strides = array<i32>} : memref<16x128xf32, #tpu.memory_space<vmem>>, vector<1x16xf32>,
    %swap3A_493 = vector.shape_cast %swap3A_492 : vector<1x16xf32> to vector<16xf32>
    %swap3A_494 = vector.shape_cast %scan3A_481#1 : vector<16xf32> to vector<1x16xf32>
    tpu.vector_store %arg11[%swap3A_490, %swap3A_491], %swap3A_494 {strides = array<i32>} : memref<16x128xf32, #tpu.memory_space<vmem>>, vector<1x16xf32>,
    %swap3A_495 = arith.constant 4 : i32
    %swap3A_496 = arith.index_cast %swap3A_495 : i32 to index
    %swap3A_497 = arith.constant 32 : index
    %swap3A_498 = tpu.vector_load %arg11[%swap3A_496, %swap3A_497] {strides = array<i32>} : memref<16x128xf32, #tpu.memory_space<vmem>>, vector<1x16xf32>,
    %swap3A_499 = vector.shape_cast %swap3A_498 : vector<1x16xf32> to vector<16xf32>
    %swap3A_500 = vector.shape_cast %scan3A_481#2 : vector<16xf32> to vector<1x16xf32>
    tpu.vector_store %arg11[%swap3A_496, %swap3A_497], %swap3A_500 {strides = array<i32>} : memref<16x128xf32, #tpu.memory_space<vmem>>, vector<1x16xf32>,
    %swap3A_501 = arith.constant 4 : i32
    %swap3A_502 = arith.index_cast %swap3A_501 : i32 to index
    %swap3A_503 = arith.constant 48 : index
    %swap3A_504 = tpu.vector_load %arg11[%swap3A_502, %swap3A_503] {strides = array<i32>} : memref<16x128xf32, #tpu.memory_space<vmem>>, vector<1x16xf32>,
    %swap3A_505 = vector.shape_cast %swap3A_504 : vector<1x16xf32> to vector<16xf32>
    %swap3A_506 = vector.shape_cast %scan3A_481#3 : vector<16xf32> to vector<1x16xf32>
    tpu.vector_store %arg11[%swap3A_502, %swap3A_503], %swap3A_506 {strides = array<i32>} : memref<16x128xf32, #tpu.memory_space<vmem>>, vector<1x16xf32>,
    %dma_wait3A_507 = arith.constant 0 : i32
    %dma_wait3A_508 = arith.constant 56 : i32
    %dma_wait3A_509 = arith.constant 0 : i32
    %dma_wait3A_510 = arith.constant 0 : i32
    %dma_wait3A_511 = tpu.memref_slice %arg2[%dma_wait3A_508, %dma_wait3A_507, %mul3A_2, %dma_wait3A_509, %dma_wait3A_510] : memref<64x1x64x64x64xf32, #tpu.memory_space<hbm>> -> memref<2x1x2x64x64xf32, #tpu.memory_space<hbm>>
    %dma_wait3A_512 = tpu.memref_squeeze %dma_wait3A_511 : memref<2x1x2x64x64xf32, #tpu.memory_space<hbm>> -> memref<2x2x64x64xf32, #tpu.memory_space<hbm>>
    %dma_wait3A_513 = arith.constant 56 : i32
    %dma_wait3A_514 = arith.constant 0 : i32
    %dma_wait3A_515 = arith.constant 0 : i32
    %dma_wait3A_516 = tpu.memref_slice %arg2[%dma_wait3A_513, %dma_wait3A_507, %mul3A_2, %dma_wait3A_514, %dma_wait3A_515] : memref<64x1x64x64x64xf32, #tpu.memory_space<hbm>> -> memref<2x1x2x64x64xf32, #tpu.memory_space<hbm>>
    %dma_wait3A_517 = tpu.memref_squeeze %dma_wait3A_516 : memref<2x1x2x64x64xf32, #tpu.memory_space<hbm>> -> memref<2x2x64x64xf32, #tpu.memory_space<hbm>>
    tpu.wait_dma2 semaphore(%arg13 : memref<!tpu.dma_semaphore, #tpu.memory_space<semaphore_mem>>) src(%dma_wait3A_517 : memref<2x2x64x64xf32, #tpu.memory_space<hbm>>) dst(%arg10 : memref<2x2x64x64xf32, #tpu.memory_space<vmem>>)
    %dma_start3A_518 = arith.constant 0 : i32
    %dma_start3A_519 = arith.constant 58 : i32
    %dma_start3A_520 = arith.constant 0 : i32
    %dma_start3A_521 = arith.constant 0 : i32
    %dma_start3A_522 = tpu.memref_slice %arg2[%dma_start3A_519, %dma_start3A_518, %mul3A_2, %dma_start3A_520, %dma_start3A_521] : memref<64x1x64x64x64xf32, #tpu.memory_space<hbm>> -> memref<2x1x2x64x64xf32, #tpu.memory_space<hbm>>
    %dma_start3A_523 = tpu.memref_squeeze %dma_start3A_522 : memref<2x1x2x64x64xf32, #tpu.memory_space<hbm>> -> memref<2x2x64x64xf32, #tpu.memory_space<hbm>>
    %dma_start3A_524 = arith.constant 58 : i32
    %dma_start3A_525 = arith.constant 0 : i32
    %dma_start3A_526 = arith.constant 0 : i32
    %dma_start3A_527 = tpu.memref_slice %arg2[%dma_start3A_524, %dma_start3A_518, %mul3A_2, %dma_start3A_525, %dma_start3A_526] : memref<64x1x64x64x64xf32, #tpu.memory_space<hbm>> -> memref<2x1x2x64x64xf32, #tpu.memory_space<hbm>>
    %dma_start3A_528 = tpu.memref_squeeze %dma_start3A_527 : memref<2x1x2x64x64xf32, #tpu.memory_space<hbm>> -> memref<2x2x64x64xf32, #tpu.memory_space<hbm>>
    tpu.enqueue_dma source(%dma_start3A_528 : memref<2x2x64x64xf32, #tpu.memory_space<hbm>>) target(%arg9 : memref<2x2x64x64xf32, #tpu.memory_space<vmem>>) target_semaphore(%arg12 : memref<!tpu.dma_semaphore, #tpu.memory_space<semaphore_mem>>)
    %broadcast_in_dim3A_529 = arith.constant 0.000000e+00 : f32
    %broadcast_in_dim3A_530 = vector.broadcast %broadcast_in_dim3A_529 : f32 to vector<16xf32>
    %scan3A_531 = arith.constant 0 : i32
    %scan3A_532 = arith.constant 128 : i32
    %scan3A_533 = arith.addi %scan3A_531, %scan3A_532 : i32
    %scan3A_534 = arith.constant 1 : i32
    %scan3A_535:4 = scf.for %scan3A_712 = %scan3A_531 to %scan3A_533 step %scan3A_534 iter_args(%scan3A_713 = %broadcast_in_dim3A_530, %scan3A_714 = %broadcast_in_dim3A_530, %scan3A_715 = %broadcast_in_dim3A_530, %scan3A_716 = %broadcast_in_dim3A_530) -> (vector<16xf32>, vector<16xf32>, vector<16xf32>, vector<16xf32>)  : i32 {
      %jit3A = arith.constant 64 : i32
      %div3A = arith.divsi %scan3A_712, %jit3A : i32
      %sign3A = arith.constant 0 : i32
      %sign3A_717 = arith.cmpi sgt, %scan3A_712, %sign3A : i32
      %sign3A_718 = arith.extui %sign3A_717 : i1 to i32
      %sign3A_719 = arith.constant 0 : i32
      %sign3A_720 = arith.cmpi slt, %scan3A_712, %sign3A_719 : i32
      %sign3A_721 = arith.extui %sign3A_720 : i1 to i32
      %sign3A_722 = arith.subi %sign3A_718, %sign3A_721 : i32
      %sign3A_723 = arith.constant 0 : i32
      %sign3A_724 = arith.cmpi sgt, %jit3A, %sign3A_723 : i32
      %sign3A_725 = arith.extui %sign3A_724 : i1 to i32
      %sign3A_726 = arith.constant 0 : i32
      %sign3A_727 = arith.cmpi slt, %jit3A, %sign3A_726 : i32
      %sign3A_728 = arith.extui %sign3A_727 : i1 to i32
      %sign3A_729 = arith.subi %sign3A_725, %sign3A_728 : i32
      %ne3A = arith.cmpi ne, %sign3A_722, %sign3A_729 : i32
      %rem3A = arith.remsi %scan3A_712, %jit3A : i32
      %ne3A_730 = arith.constant 0 : i32
      %ne3A_731 = arith.cmpi ne, %rem3A, %ne3A_730 : i32
      %and3A = arith.andi %ne3A, %ne3A_731 : i1
      %sub3A = arith.constant 1 : i32
      %sub3A_732 = arith.subi %div3A, %sub3A : i32
      %select_n3A = arith.select %and3A, %sub3A_732, %div3A : i32
      %rem3A_733 = arith.constant 64 : i32
      %rem3A_734 = arith.remsi %scan3A_712, %rem3A_733 : i32
      %get3A = arith.index_cast %select_n3A : i32 to index
      %get3A_735 = arith.index_cast %rem3A_734 : i32 to index
      %get3A_736 = arith.constant 0 : index
      %get3A_737 = tpu.vector_load %arg7[%get3A, %get3A_735, %get3A_736] {strides = array<i32>} : memref<2x64x64xf32, #tpu.memory_space<vmem>>, vector<1x1x16xf32>,
      %get3A_738 = vector.shape_cast %get3A_737 : vector<1x1x16xf32> to vector<16xf32>
      %get3A_739 = arith.index_cast %select_n3A : i32 to index
      %get3A_740 = arith.index_cast %rem3A_734 : i32 to index
      %get3A_741 = arith.constant 0 : index
      %get3A_742 = tpu.vector_load %arg8[%get3A_739, %get3A_740, %get3A_741] {strides = array<i32>} : memref<2x64x64xf32, #tpu.memory_space<vmem>>, vector<1x1x16xf32>,
      %get3A_743 = vector.shape_cast %get3A_742 : vector<1x1x16xf32> to vector<16xf32>
      %get3A_744 = arith.constant 0 : i32
      %get3A_745 = arith.index_cast %get3A_744 : i32 to index
      %get3A_746 = arith.index_cast %select_n3A : i32 to index
      %get3A_747 = arith.index_cast %rem3A_734 : i32 to index
      %get3A_748 = arith.constant 0 : index
      %get3A_749 = tpu.vector_load %arg10[%get3A_745, %get3A_746, %get3A_747, %get3A_748] {strides = array<i32>} : memref<2x2x64x64xf32, #tpu.memory_space<vmem>>, vector<1x1x1x16xf32>,
      %get3A_750 = vector.shape_cast %get3A_749 : vector<1x1x1x16xf32> to vector<16xf32>
      %abs3A = math.absf %get3A_750 : vector<16xf32>
      %gt3A = arith.constant 9.99999993E-9 : f32
      %gt3A_751 = vector.broadcast %gt3A : f32 to vector<16xf32>
      %gt3A_752 = arith.cmpf ogt, %abs3A, %gt3A_751 : vector<16xf32>
      %jit3A_753 = arith.constant 0.000000e+00 : f32
      %broadcast_in_dim3A_754 = vector.broadcast %jit3A_753 : f32 to vector<16xf32>
      %select_n3A_755 = arith.select %gt3A_752, %get3A_750, %broadcast_in_dim3A_754 : vector<16xi1>, vector<16xf32>
      %mul3A_756 = arith.mulf %select_n3A_755, %get3A_738 : vector<16xf32>
      %add3A_757 = arith.addf %scan3A_713, %mul3A_756 : vector<16xf32>
      %mul3A_758 = arith.mulf %select_n3A_755, %get3A_743 : vector<16xf32>
      %add3A_759 = arith.addf %scan3A_714, %mul3A_758 : vector<16xf32>
      %get3A_760 = arith.constant 1 : i32
      %get3A_761 = arith.index_cast %get3A_760 : i32 to index
      %get3A_762 = arith.index_cast %select_n3A : i32 to index
      %get3A_763 = arith.index_cast %rem3A_734 : i32 to index
      %get3A_764 = arith.constant 0 : index
      %get3A_765 = tpu.vector_load %arg10[%get3A_761, %get3A_762, %get3A_763, %get3A_764] {strides = array<i32>} : memref<2x2x64x64xf32, #tpu.memory_space<vmem>>, vector<1x1x1x16xf32>,
      %get3A_766 = vector.shape_cast %get3A_765 : vector<1x1x1x16xf32> to vector<16xf32>
      %abs3A_767 = math.absf %get3A_766 : vector<16xf32>
      %gt3A_768 = arith.constant 9.99999993E-9 : f32
      %gt3A_769 = vector.broadcast %gt3A_768 : f32 to vector<16xf32>
      %gt3A_770 = arith.cmpf ogt, %abs3A_767, %gt3A_769 : vector<16xf32>
      %jit3A_771 = arith.constant 0.000000e+00 : f32
      %broadcast_in_dim3A_772 = vector.broadcast %jit3A_771 : f32 to vector<16xf32>
      %select_n3A_773 = arith.select %gt3A_770, %get3A_766, %broadcast_in_dim3A_772 : vector<16xi1>, vector<16xf32>
      %mul3A_774 = arith.mulf %select_n3A_773, %get3A_738 : vector<16xf32>
      %add3A_775 = arith.addf %scan3A_715, %mul3A_774 : vector<16xf32>
      %mul3A_776 = arith.mulf %select_n3A_773, %get3A_743 : vector<16xf32>
      %add3A_777 = arith.addf %scan3A_716, %mul3A_776 : vector<16xf32>
      %get3A_778 = arith.index_cast %select_n3A : i32 to index
      %get3A_779 = arith.index_cast %rem3A_734 : i32 to index
      %get3A_780 = arith.constant 16 : index
      %get3A_781 = tpu.vector_load %arg7[%get3A_778, %get3A_779, %get3A_780] {strides = array<i32>} : memref<2x64x64xf32, #tpu.memory_space<vmem>>, vector<1x1x16xf32>,
      %get3A_782 = vector.shape_cast %get3A_781 : vector<1x1x16xf32> to vector<16xf32>
      %get3A_783 = arith.index_cast %select_n3A : i32 to index
      %get3A_784 = arith.index_cast %rem3A_734 : i32 to index
      %get3A_785 = arith.constant 16 : index
      %get3A_786 = tpu.vector_load %arg8[%get3A_783, %get3A_784, %get3A_785] {strides = array<i32>} : memref<2x64x64xf32, #tpu.memory_space<vmem>>, vector<1x1x16xf32>,
      %get3A_787 = vector.shape_cast %get3A_786 : vector<1x1x16xf32> to vector<16xf32>
      %get3A_788 = arith.constant 0 : i32
      %get3A_789 = arith.index_cast %get3A_788 : i32 to index
      %get3A_790 = arith.index_cast %select_n3A : i32 to index
      %get3A_791 = arith.index_cast %rem3A_734 : i32 to index
      %get3A_792 = arith.constant 16 : index
      %get3A_793 = tpu.vector_load %arg10[%get3A_789, %get3A_790, %get3A_791, %get3A_792] {strides = array<i32>} : memref<2x2x64x64xf32, #tpu.memory_space<vmem>>, vector<1x1x1x16xf32>,
      %get3A_794 = vector.shape_cast %get3A_793 : vector<1x1x1x16xf32> to vector<16xf32>
      %abs3A_795 = math.absf %get3A_794 : vector<16xf32>
      %gt3A_796 = arith.constant 9.99999993E-9 : f32
      %gt3A_797 = vector.broadcast %gt3A_796 : f32 to vector<16xf32>
      %gt3A_798 = arith.cmpf ogt, %abs3A_795, %gt3A_797 : vector<16xf32>
      %jit3A_799 = arith.constant 0.000000e+00 : f32
      %broadcast_in_dim3A_800 = vector.broadcast %jit3A_799 : f32 to vector<16xf32>
      %select_n3A_801 = arith.select %gt3A_798, %get3A_794, %broadcast_in_dim3A_800 : vector<16xi1>, vector<16xf32>
      %mul3A_802 = arith.mulf %select_n3A_801, %get3A_782 : vector<16xf32>
      %add3A_803 = arith.addf %add3A_757, %mul3A_802 : vector<16xf32>
      %mul3A_804 = arith.mulf %select_n3A_801, %get3A_787 : vector<16xf32>
      %add3A_805 = arith.addf %add3A_759, %mul3A_804 : vector<16xf32>
      %get3A_806 = arith.constant 1 : i32
      %get3A_807 = arith.index_cast %get3A_806 : i32 to index
      %get3A_808 = arith.index_cast %select_n3A : i32 to index
      %get3A_809 = arith.index_cast %rem3A_734 : i32 to index
      %get3A_810 = arith.constant 16 : index
      %get3A_811 = tpu.vector_load %arg10[%get3A_807, %get3A_808, %get3A_809, %get3A_810] {strides = array<i32>} : memref<2x2x64x64xf32, #tpu.memory_space<vmem>>, vector<1x1x1x16xf32>,
      %get3A_812 = vector.shape_cast %get3A_811 : vector<1x1x1x16xf32> to vector<16xf32>
      %abs3A_813 = math.absf %get3A_812 : vector<16xf32>
      %gt3A_814 = arith.constant 9.99999993E-9 : f32
      %gt3A_815 = vector.broadcast %gt3A_814 : f32 to vector<16xf32>
      %gt3A_816 = arith.cmpf ogt, %abs3A_813, %gt3A_815 : vector<16xf32>
      %jit3A_817 = arith.constant 0.000000e+00 : f32
      %broadcast_in_dim3A_818 = vector.broadcast %jit3A_817 : f32 to vector<16xf32>
      %select_n3A_819 = arith.select %gt3A_816, %get3A_812, %broadcast_in_dim3A_818 : vector<16xi1>, vector<16xf32>
      %mul3A_820 = arith.mulf %select_n3A_819, %get3A_782 : vector<16xf32>
      %add3A_821 = arith.addf %add3A_775, %mul3A_820 : vector<16xf32>
      %mul3A_822 = arith.mulf %select_n3A_819, %get3A_787 : vector<16xf32>
      %add3A_823 = arith.addf %add3A_777, %mul3A_822 : vector<16xf32>
      %get3A_824 = arith.index_cast %select_n3A : i32 to index
      %get3A_825 = arith.index_cast %rem3A_734 : i32 to index
      %get3A_826 = arith.constant 32 : index
      %get3A_827 = tpu.vector_load %arg7[%get3A_824, %get3A_825, %get3A_826] {strides = array<i32>} : memref<2x64x64xf32, #tpu.memory_space<vmem>>, vector<1x1x16xf32>,
      %get3A_828 = vector.shape_cast %get3A_827 : vector<1x1x16xf32> to vector<16xf32>
      %get3A_829 = arith.index_cast %select_n3A : i32 to index
      %get3A_830 = arith.index_cast %rem3A_734 : i32 to index
      %get3A_831 = arith.constant 32 : index
      %get3A_832 = tpu.vector_load %arg8[%get3A_829, %get3A_830, %get3A_831] {strides = array<i32>} : memref<2x64x64xf32, #tpu.memory_space<vmem>>, vector<1x1x16xf32>,
      %get3A_833 = vector.shape_cast %get3A_832 : vector<1x1x16xf32> to vector<16xf32>
      %get3A_834 = arith.constant 0 : i32
      %get3A_835 = arith.index_cast %get3A_834 : i32 to index
      %get3A_836 = arith.index_cast %select_n3A : i32 to index
      %get3A_837 = arith.index_cast %rem3A_734 : i32 to index
      %get3A_838 = arith.constant 32 : index
      %get3A_839 = tpu.vector_load %arg10[%get3A_835, %get3A_836, %get3A_837, %get3A_838] {strides = array<i32>} : memref<2x2x64x64xf32, #tpu.memory_space<vmem>>, vector<1x1x1x16xf32>,
      %get3A_840 = vector.shape_cast %get3A_839 : vector<1x1x1x16xf32> to vector<16xf32>
      %abs3A_841 = math.absf %get3A_840 : vector<16xf32>
      %gt3A_842 = arith.constant 9.99999993E-9 : f32
      %gt3A_843 = vector.broadcast %gt3A_842 : f32 to vector<16xf32>
      %gt3A_844 = arith.cmpf ogt, %abs3A_841, %gt3A_843 : vector<16xf32>
      %jit3A_845 = arith.constant 0.000000e+00 : f32
      %broadcast_in_dim3A_846 = vector.broadcast %jit3A_845 : f32 to vector<16xf32>
      %select_n3A_847 = arith.select %gt3A_844, %get3A_840, %broadcast_in_dim3A_846 : vector<16xi1>, vector<16xf32>
      %mul3A_848 = arith.mulf %select_n3A_847, %get3A_828 : vector<16xf32>
      %add3A_849 = arith.addf %add3A_803, %mul3A_848 : vector<16xf32>
      %mul3A_850 = arith.mulf %select_n3A_847, %get3A_833 : vector<16xf32>
      %add3A_851 = arith.addf %add3A_805, %mul3A_850 : vector<16xf32>
      %get3A_852 = arith.constant 1 : i32
      %get3A_853 = arith.index_cast %get3A_852 : i32 to index
      %get3A_854 = arith.index_cast %select_n3A : i32 to index
      %get3A_855 = arith.index_cast %rem3A_734 : i32 to index
      %get3A_856 = arith.constant 32 : index
      %get3A_857 = tpu.vector_load %arg10[%get3A_853, %get3A_854, %get3A_855, %get3A_856] {strides = array<i32>} : memref<2x2x64x64xf32, #tpu.memory_space<vmem>>, vector<1x1x1x16xf32>,
      %get3A_858 = vector.shape_cast %get3A_857 : vector<1x1x1x16xf32> to vector<16xf32>
      %abs3A_859 = math.absf %get3A_858 : vector<16xf32>
      %gt3A_860 = arith.constant 9.99999993E-9 : f32
      %gt3A_861 = vector.broadcast %gt3A_860 : f32 to vector<16xf32>
      %gt3A_862 = arith.cmpf ogt, %abs3A_859, %gt3A_861 : vector<16xf32>
      %jit3A_863 = arith.constant 0.000000e+00 : f32
      %broadcast_in_dim3A_864 = vector.broadcast %jit3A_863 : f32 to vector<16xf32>
      %select_n3A_865 = arith.select %gt3A_862, %get3A_858, %broadcast_in_dim3A_864 : vector<16xi1>, vector<16xf32>
      %mul3A_866 = arith.mulf %select_n3A_865, %get3A_828 : vector<16xf32>
      %add3A_867 = arith.addf %add3A_821, %mul3A_866 : vector<16xf32>
      %mul3A_868 = arith.mulf %select_n3A_865, %get3A_833 : vector<16xf32>
      %add3A_869 = arith.addf %add3A_823, %mul3A_868 : vector<16xf32>
      %get3A_870 = arith.index_cast %select_n3A : i32 to index
      %get3A_871 = arith.index_cast %rem3A_734 : i32 to index
      %get3A_872 = arith.constant 48 : index
      %get3A_873 = tpu.vector_load %arg7[%get3A_870, %get3A_871, %get3A_872] {strides = array<i32>} : memref<2x64x64xf32, #tpu.memory_space<vmem>>, vector<1x1x16xf32>,
      %get3A_874 = vector.shape_cast %get3A_873 : vector<1x1x16xf32> to vector<16xf32>
      %get3A_875 = arith.index_cast %select_n3A : i32 to index
      %get3A_876 = arith.index_cast %rem3A_734 : i32 to index
      %get3A_877 = arith.constant 48 : index
      %get3A_878 = tpu.vector_load %arg8[%get3A_875, %get3A_876, %get3A_877] {strides = array<i32>} : memref<2x64x64xf32, #tpu.memory_space<vmem>>, vector<1x1x16xf32>,
      %get3A_879 = vector.shape_cast %get3A_878 : vector<1x1x16xf32> to vector<16xf32>
      %get3A_880 = arith.constant 0 : i32
      %get3A_881 = arith.index_cast %get3A_880 : i32 to index
      %get3A_882 = arith.index_cast %select_n3A : i32 to index
      %get3A_883 = arith.index_cast %rem3A_734 : i32 to index
      %get3A_884 = arith.constant 48 : index
      %get3A_885 = tpu.vector_load %arg10[%get3A_881, %get3A_882, %get3A_883, %get3A_884] {strides = array<i32>} : memref<2x2x64x64xf32, #tpu.memory_space<vmem>>, vector<1x1x1x16xf32>,
      %get3A_886 = vector.shape_cast %get3A_885 : vector<1x1x1x16xf32> to vector<16xf32>
      %abs3A_887 = math.absf %get3A_886 : vector<16xf32>
      %gt3A_888 = arith.constant 9.99999993E-9 : f32
      %gt3A_889 = vector.broadcast %gt3A_888 : f32 to vector<16xf32>
      %gt3A_890 = arith.cmpf ogt, %abs3A_887, %gt3A_889 : vector<16xf32>
      %jit3A_891 = arith.constant 0.000000e+00 : f32
      %broadcast_in_dim3A_892 = vector.broadcast %jit3A_891 : f32 to vector<16xf32>
      %select_n3A_893 = arith.select %gt3A_890, %get3A_886, %broadcast_in_dim3A_892 : vector<16xi1>, vector<16xf32>
      %mul3A_894 = arith.mulf %select_n3A_893, %get3A_874 : vector<16xf32>
      %add3A_895 = arith.addf %add3A_849, %mul3A_894 : vector<16xf32>
      %mul3A_896 = arith.mulf %select_n3A_893, %get3A_879 : vector<16xf32>
      %add3A_897 = arith.addf %add3A_851, %mul3A_896 : vector<16xf32>
      %get3A_898 = arith.constant 1 : i32
      %get3A_899 = arith.index_cast %get3A_898 : i32 to index
      %get3A_900 = arith.index_cast %select_n3A : i32 to index
      %get3A_901 = arith.index_cast %rem3A_734 : i32 to index
      %get3A_902 = arith.constant 48 : index
      %get3A_903 = tpu.vector_load %arg10[%get3A_899, %get3A_900, %get3A_901, %get3A_902] {strides = array<i32>} : memref<2x2x64x64xf32, #tpu.memory_space<vmem>>, vector<1x1x1x16xf32>,
      %get3A_904 = vector.shape_cast %get3A_903 : vector<1x1x1x16xf32> to vector<16xf32>
      %abs3A_905 = math.absf %get3A_904 : vector<16xf32>
      %gt3A_906 = arith.constant 9.99999993E-9 : f32
      %gt3A_907 = vector.broadcast %gt3A_906 : f32 to vector<16xf32>
      %gt3A_908 = arith.cmpf ogt, %abs3A_905, %gt3A_907 : vector<16xf32>
      %jit3A_909 = arith.constant 0.000000e+00 : f32
      %broadcast_in_dim3A_910 = vector.broadcast %jit3A_909 : f32 to vector<16xf32>
      %select_n3A_911 = arith.select %gt3A_908, %get3A_904, %broadcast_in_dim3A_910 : vector<16xi1>, vector<16xf32>
      %mul3A_912 = arith.mulf %select_n3A_911, %get3A_874 : vector<16xf32>
      %add3A_913 = arith.addf %add3A_867, %mul3A_912 : vector<16xf32>
      %mul3A_914 = arith.mulf %select_n3A_911, %get3A_879 : vector<16xf32>
      %add3A_915 = arith.addf %add3A_869, %mul3A_914 : vector<16xf32>
      scf.yield %add3A_895, %add3A_897, %add3A_913, %add3A_915 : vector<16xf32>, vector<16xf32>, vector<16xf32>, vector<16xf32>
    }
    %scan3A_536 = arith.constant 128 : i32
    %swap3A_537 = arith.constant 4 : i32
    %swap3A_538 = arith.index_cast %swap3A_537 : i32 to index
    %swap3A_539 = arith.constant 64 : index
    %swap3A_540 = tpu.vector_load %arg11[%swap3A_538, %swap3A_539] {strides = array<i32>} : memref<16x128xf32, #tpu.memory_space<vmem>>, vector<1x16xf32>,
    %swap3A_541 = vector.shape_cast %swap3A_540 : vector<1x16xf32> to vector<16xf32>
    %swap3A_542 = vector.shape_cast %scan3A_535#0 : vector<16xf32> to vector<1x16xf32>
    tpu.vector_store %arg11[%swap3A_538, %swap3A_539], %swap3A_542 {strides = array<i32>} : memref<16x128xf32, #tpu.memory_space<vmem>>, vector<1x16xf32>,
    %swap3A_543 = arith.constant 4 : i32
    %swap3A_544 = arith.index_cast %swap3A_543 : i32 to index
    %swap3A_545 = arith.constant 80 : index
    %swap3A_546 = tpu.vector_load %arg11[%swap3A_544, %swap3A_545] {strides = array<i32>} : memref<16x128xf32, #tpu.memory_space<vmem>>, vector<1x16xf32>,
    %swap3A_547 = vector.shape_cast %swap3A_546 : vector<1x16xf32> to vector<16xf32>
    %swap3A_548 = vector.shape_cast %scan3A_535#1 : vector<16xf32> to vector<1x16xf32>
    tpu.vector_store %arg11[%swap3A_544, %swap3A_545], %swap3A_548 {strides = array<i32>} : memref<16x128xf32, #tpu.memory_space<vmem>>, vector<1x16xf32>,
    %swap3A_549 = arith.constant 4 : i32
    %swap3A_550 = arith.index_cast %swap3A_549 : i32 to index
    %swap3A_551 = arith.constant 96 : index
    %swap3A_552 = tpu.vector_load %arg11[%swap3A_550, %swap3A_551] {strides = array<i32>} : memref<16x128xf32, #tpu.memory_space<vmem>>, vector<1x16xf32>,
    %swap3A_553 = vector.shape_cast %swap3A_552 : vector<1x16xf32> to vector<16xf32>
    %swap3A_554 = vector.shape_cast %scan3A_535#2 : vector<16xf32> to vector<1x16xf32>
    tpu.vector_store %arg11[%swap3A_550, %swap3A_551], %swap3A_554 {strides = array<i32>} : memref<16x128xf32, #tpu.memory_space<vmem>>, vector<1x16xf32>,
    %swap3A_555 = arith.constant 4 : i32
    %swap3A_556 = arith.index_cast %swap3A_555 : i32 to index
    %swap3A_557 = arith.constant 112 : index
    %swap3A_558 = tpu.vector_load %arg11[%swap3A_556, %swap3A_557] {strides = array<i32>} : memref<16x128xf32, #tpu.memory_space<vmem>>, vector<1x16xf32>,
    %swap3A_559 = vector.shape_cast %swap3A_558 : vector<1x16xf32> to vector<16xf32>
    %swap3A_560 = vector.shape_cast %scan3A_535#3 : vector<16xf32> to vector<1x16xf32>
    tpu.vector_store %arg11[%swap3A_556, %swap3A_557], %swap3A_560 {strides = array<i32>} : memref<16x128xf32, #tpu.memory_space<vmem>>, vector<1x16xf32>,
    %dma_wait3A_561 = arith.constant 0 : i32
    %dma_wait3A_562 = arith.constant 58 : i32
    %dma_wait3A_563 = arith.constant 0 : i32
    %dma_wait3A_564 = arith.constant 0 : i32
    %dma_wait3A_565 = tpu.memref_slice %arg2[%dma_wait3A_562, %dma_wait3A_561, %mul3A_2, %dma_wait3A_563, %dma_wait3A_564] : memref<64x1x64x64x64xf32, #tpu.memory_space<hbm>> -> memref<2x1x2x64x64xf32, #tpu.memory_space<hbm>>
    %dma_wait3A_566 = tpu.memref_squeeze %dma_wait3A_565 : memref<2x1x2x64x64xf32, #tpu.memory_space<hbm>> -> memref<2x2x64x64xf32, #tpu.memory_space<hbm>>
    %dma_wait3A_567 = arith.constant 58 : i32
    %dma_wait3A_568 = arith.constant 0 : i32
    %dma_wait3A_569 = arith.constant 0 : i32
    %dma_wait3A_570 = tpu.memref_slice %arg2[%dma_wait3A_567, %dma_wait3A_561, %mul3A_2, %dma_wait3A_568, %dma_wait3A_569] : memref<64x1x64x64x64xf32, #tpu.memory_space<hbm>> -> memref<2x1x2x64x64xf32, #tpu.memory_space<hbm>>
    %dma_wait3A_571 = tpu.memref_squeeze %dma_wait3A_570 : memref<2x1x2x64x64xf32, #tpu.memory_space<hbm>> -> memref<2x2x64x64xf32, #tpu.memory_space<hbm>>
    tpu.wait_dma2 semaphore(%arg12 : memref<!tpu.dma_semaphore, #tpu.memory_space<semaphore_mem>>) src(%dma_wait3A_571 : memref<2x2x64x64xf32, #tpu.memory_space<hbm>>) dst(%arg9 : memref<2x2x64x64xf32, #tpu.memory_space<vmem>>)
    %dma_start3A_572 = arith.constant 0 : i32
    %dma_start3A_573 = arith.constant 60 : i32
    %dma_start3A_574 = arith.constant 0 : i32
    %dma_start3A_575 = arith.constant 0 : i32
    %dma_start3A_576 = tpu.memref_slice %arg2[%dma_start3A_573, %dma_start3A_572, %mul3A_2, %dma_start3A_574, %dma_start3A_575] : memref<64x1x64x64x64xf32, #tpu.memory_space<hbm>> -> memref<2x1x2x64x64xf32, #tpu.memory_space<hbm>>
    %dma_start3A_577 = tpu.memref_squeeze %dma_start3A_576 : memref<2x1x2x64x64xf32, #tpu.memory_space<hbm>> -> memref<2x2x64x64xf32, #tpu.memory_space<hbm>>
    %dma_start3A_578 = arith.constant 60 : i32
    %dma_start3A_579 = arith.constant 0 : i32
    %dma_start3A_580 = arith.constant 0 : i32
    %dma_start3A_581 = tpu.memref_slice %arg2[%dma_start3A_578, %dma_start3A_572, %mul3A_2, %dma_start3A_579, %dma_start3A_580] : memref<64x1x64x64x64xf32, #tpu.memory_space<hbm>> -> memref<2x1x2x64x64xf32, #tpu.memory_space<hbm>>
    %dma_start3A_582 = tpu.memref_squeeze %dma_start3A_581 : memref<2x1x2x64x64xf32, #tpu.memory_space<hbm>> -> memref<2x2x64x64xf32, #tpu.memory_space<hbm>>
    tpu.enqueue_dma source(%dma_start3A_582 : memref<2x2x64x64xf32, #tpu.memory_space<hbm>>) target(%arg10 : memref<2x2x64x64xf32, #tpu.memory_space<vmem>>) target_semaphore(%arg13 : memref<!tpu.dma_semaphore, #tpu.memory_space<semaphore_mem>>)
    %broadcast_in_dim3A_583 = arith.constant 0.000000e+00 : f32
    %broadcast_in_dim3A_584 = vector.broadcast %broadcast_in_dim3A_583 : f32 to vector<16xf32>
    %scan3A_585 = arith.constant 0 : i32
    %scan3A_586 = arith.constant 128 : i32
    %scan3A_587 = arith.addi %scan3A_585, %scan3A_586 : i32
    %scan3A_588 = arith.constant 1 : i32
    %scan3A_589:4 = scf.for %scan3A_712 = %scan3A_585 to %scan3A_587 step %scan3A_588 iter_args(%scan3A_713 = %broadcast_in_dim3A_584, %scan3A_714 = %broadcast_in_dim3A_584, %scan3A_715 = %broadcast_in_dim3A_584, %scan3A_716 = %broadcast_in_dim3A_584) -> (vector<16xf32>, vector<16xf32>, vector<16xf32>, vector<16xf32>)  : i32 {
      %jit3A = arith.constant 64 : i32
      %div3A = arith.divsi %scan3A_712, %jit3A : i32
      %sign3A = arith.constant 0 : i32
      %sign3A_717 = arith.cmpi sgt, %scan3A_712, %sign3A : i32
      %sign3A_718 = arith.extui %sign3A_717 : i1 to i32
      %sign3A_719 = arith.constant 0 : i32
      %sign3A_720 = arith.cmpi slt, %scan3A_712, %sign3A_719 : i32
      %sign3A_721 = arith.extui %sign3A_720 : i1 to i32
      %sign3A_722 = arith.subi %sign3A_718, %sign3A_721 : i32
      %sign3A_723 = arith.constant 0 : i32
      %sign3A_724 = arith.cmpi sgt, %jit3A, %sign3A_723 : i32
      %sign3A_725 = arith.extui %sign3A_724 : i1 to i32
      %sign3A_726 = arith.constant 0 : i32
      %sign3A_727 = arith.cmpi slt, %jit3A, %sign3A_726 : i32
      %sign3A_728 = arith.extui %sign3A_727 : i1 to i32
      %sign3A_729 = arith.subi %sign3A_725, %sign3A_728 : i32
      %ne3A = arith.cmpi ne, %sign3A_722, %sign3A_729 : i32
      %rem3A = arith.remsi %scan3A_712, %jit3A : i32
      %ne3A_730 = arith.constant 0 : i32
      %ne3A_731 = arith.cmpi ne, %rem3A, %ne3A_730 : i32
      %and3A = arith.andi %ne3A, %ne3A_731 : i1
      %sub3A = arith.constant 1 : i32
      %sub3A_732 = arith.subi %div3A, %sub3A : i32
      %select_n3A = arith.select %and3A, %sub3A_732, %div3A : i32
      %rem3A_733 = arith.constant 64 : i32
      %rem3A_734 = arith.remsi %scan3A_712, %rem3A_733 : i32
      %get3A = arith.index_cast %select_n3A : i32 to index
      %get3A_735 = arith.index_cast %rem3A_734 : i32 to index
      %get3A_736 = arith.constant 0 : index
      %get3A_737 = tpu.vector_load %arg7[%get3A, %get3A_735, %get3A_736] {strides = array<i32>} : memref<2x64x64xf32, #tpu.memory_space<vmem>>, vector<1x1x16xf32>,
      %get3A_738 = vector.shape_cast %get3A_737 : vector<1x1x16xf32> to vector<16xf32>
      %get3A_739 = arith.index_cast %select_n3A : i32 to index
      %get3A_740 = arith.index_cast %rem3A_734 : i32 to index
      %get3A_741 = arith.constant 0 : index
      %get3A_742 = tpu.vector_load %arg8[%get3A_739, %get3A_740, %get3A_741] {strides = array<i32>} : memref<2x64x64xf32, #tpu.memory_space<vmem>>, vector<1x1x16xf32>,
      %get3A_743 = vector.shape_cast %get3A_742 : vector<1x1x16xf32> to vector<16xf32>
      %get3A_744 = arith.constant 0 : i32
      %get3A_745 = arith.index_cast %get3A_744 : i32 to index
      %get3A_746 = arith.index_cast %select_n3A : i32 to index
      %get3A_747 = arith.index_cast %rem3A_734 : i32 to index
      %get3A_748 = arith.constant 0 : index
      %get3A_749 = tpu.vector_load %arg9[%get3A_745, %get3A_746, %get3A_747, %get3A_748] {strides = array<i32>} : memref<2x2x64x64xf32, #tpu.memory_space<vmem>>, vector<1x1x1x16xf32>,
      %get3A_750 = vector.shape_cast %get3A_749 : vector<1x1x1x16xf32> to vector<16xf32>
      %abs3A = math.absf %get3A_750 : vector<16xf32>
      %gt3A = arith.constant 9.99999993E-9 : f32
      %gt3A_751 = vector.broadcast %gt3A : f32 to vector<16xf32>
      %gt3A_752 = arith.cmpf ogt, %abs3A, %gt3A_751 : vector<16xf32>
      %jit3A_753 = arith.constant 0.000000e+00 : f32
      %broadcast_in_dim3A_754 = vector.broadcast %jit3A_753 : f32 to vector<16xf32>
      %select_n3A_755 = arith.select %gt3A_752, %get3A_750, %broadcast_in_dim3A_754 : vector<16xi1>, vector<16xf32>
      %mul3A_756 = arith.mulf %select_n3A_755, %get3A_738 : vector<16xf32>
      %add3A_757 = arith.addf %scan3A_713, %mul3A_756 : vector<16xf32>
      %mul3A_758 = arith.mulf %select_n3A_755, %get3A_743 : vector<16xf32>
      %add3A_759 = arith.addf %scan3A_714, %mul3A_758 : vector<16xf32>
      %get3A_760 = arith.constant 1 : i32
      %get3A_761 = arith.index_cast %get3A_760 : i32 to index
      %get3A_762 = arith.index_cast %select_n3A : i32 to index
      %get3A_763 = arith.index_cast %rem3A_734 : i32 to index
      %get3A_764 = arith.constant 0 : index
      %get3A_765 = tpu.vector_load %arg9[%get3A_761, %get3A_762, %get3A_763, %get3A_764] {strides = array<i32>} : memref<2x2x64x64xf32, #tpu.memory_space<vmem>>, vector<1x1x1x16xf32>,
      %get3A_766 = vector.shape_cast %get3A_765 : vector<1x1x1x16xf32> to vector<16xf32>
      %abs3A_767 = math.absf %get3A_766 : vector<16xf32>
      %gt3A_768 = arith.constant 9.99999993E-9 : f32
      %gt3A_769 = vector.broadcast %gt3A_768 : f32 to vector<16xf32>
      %gt3A_770 = arith.cmpf ogt, %abs3A_767, %gt3A_769 : vector<16xf32>
      %jit3A_771 = arith.constant 0.000000e+00 : f32
      %broadcast_in_dim3A_772 = vector.broadcast %jit3A_771 : f32 to vector<16xf32>
      %select_n3A_773 = arith.select %gt3A_770, %get3A_766, %broadcast_in_dim3A_772 : vector<16xi1>, vector<16xf32>
      %mul3A_774 = arith.mulf %select_n3A_773, %get3A_738 : vector<16xf32>
      %add3A_775 = arith.addf %scan3A_715, %mul3A_774 : vector<16xf32>
      %mul3A_776 = arith.mulf %select_n3A_773, %get3A_743 : vector<16xf32>
      %add3A_777 = arith.addf %scan3A_716, %mul3A_776 : vector<16xf32>
      %get3A_778 = arith.index_cast %select_n3A : i32 to index
      %get3A_779 = arith.index_cast %rem3A_734 : i32 to index
      %get3A_780 = arith.constant 16 : index
      %get3A_781 = tpu.vector_load %arg7[%get3A_778, %get3A_779, %get3A_780] {strides = array<i32>} : memref<2x64x64xf32, #tpu.memory_space<vmem>>, vector<1x1x16xf32>,
      %get3A_782 = vector.shape_cast %get3A_781 : vector<1x1x16xf32> to vector<16xf32>
      %get3A_783 = arith.index_cast %select_n3A : i32 to index
      %get3A_784 = arith.index_cast %rem3A_734 : i32 to index
      %get3A_785 = arith.constant 16 : index
      %get3A_786 = tpu.vector_load %arg8[%get3A_783, %get3A_784, %get3A_785] {strides = array<i32>} : memref<2x64x64xf32, #tpu.memory_space<vmem>>, vector<1x1x16xf32>,
      %get3A_787 = vector.shape_cast %get3A_786 : vector<1x1x16xf32> to vector<16xf32>
      %get3A_788 = arith.constant 0 : i32
      %get3A_789 = arith.index_cast %get3A_788 : i32 to index
      %get3A_790 = arith.index_cast %select_n3A : i32 to index
      %get3A_791 = arith.index_cast %rem3A_734 : i32 to index
      %get3A_792 = arith.constant 16 : index
      %get3A_793 = tpu.vector_load %arg9[%get3A_789, %get3A_790, %get3A_791, %get3A_792] {strides = array<i32>} : memref<2x2x64x64xf32, #tpu.memory_space<vmem>>, vector<1x1x1x16xf32>,
      %get3A_794 = vector.shape_cast %get3A_793 : vector<1x1x1x16xf32> to vector<16xf32>
      %abs3A_795 = math.absf %get3A_794 : vector<16xf32>
      %gt3A_796 = arith.constant 9.99999993E-9 : f32
      %gt3A_797 = vector.broadcast %gt3A_796 : f32 to vector<16xf32>
      %gt3A_798 = arith.cmpf ogt, %abs3A_795, %gt3A_797 : vector<16xf32>
      %jit3A_799 = arith.constant 0.000000e+00 : f32
      %broadcast_in_dim3A_800 = vector.broadcast %jit3A_799 : f32 to vector<16xf32>
      %select_n3A_801 = arith.select %gt3A_798, %get3A_794, %broadcast_in_dim3A_800 : vector<16xi1>, vector<16xf32>
      %mul3A_802 = arith.mulf %select_n3A_801, %get3A_782 : vector<16xf32>
      %add3A_803 = arith.addf %add3A_757, %mul3A_802 : vector<16xf32>
      %mul3A_804 = arith.mulf %select_n3A_801, %get3A_787 : vector<16xf32>
      %add3A_805 = arith.addf %add3A_759, %mul3A_804 : vector<16xf32>
      %get3A_806 = arith.constant 1 : i32
      %get3A_807 = arith.index_cast %get3A_806 : i32 to index
      %get3A_808 = arith.index_cast %select_n3A : i32 to index
      %get3A_809 = arith.index_cast %rem3A_734 : i32 to index
      %get3A_810 = arith.constant 16 : index
      %get3A_811 = tpu.vector_load %arg9[%get3A_807, %get3A_808, %get3A_809, %get3A_810] {strides = array<i32>} : memref<2x2x64x64xf32, #tpu.memory_space<vmem>>, vector<1x1x1x16xf32>,
      %get3A_812 = vector.shape_cast %get3A_811 : vector<1x1x1x16xf32> to vector<16xf32>
      %abs3A_813 = math.absf %get3A_812 : vector<16xf32>
      %gt3A_814 = arith.constant 9.99999993E-9 : f32
      %gt3A_815 = vector.broadcast %gt3A_814 : f32 to vector<16xf32>
      %gt3A_816 = arith.cmpf ogt, %abs3A_813, %gt3A_815 : vector<16xf32>
      %jit3A_817 = arith.constant 0.000000e+00 : f32
      %broadcast_in_dim3A_818 = vector.broadcast %jit3A_817 : f32 to vector<16xf32>
      %select_n3A_819 = arith.select %gt3A_816, %get3A_812, %broadcast_in_dim3A_818 : vector<16xi1>, vector<16xf32>
      %mul3A_820 = arith.mulf %select_n3A_819, %get3A_782 : vector<16xf32>
      %add3A_821 = arith.addf %add3A_775, %mul3A_820 : vector<16xf32>
      %mul3A_822 = arith.mulf %select_n3A_819, %get3A_787 : vector<16xf32>
      %add3A_823 = arith.addf %add3A_777, %mul3A_822 : vector<16xf32>
      %get3A_824 = arith.index_cast %select_n3A : i32 to index
      %get3A_825 = arith.index_cast %rem3A_734 : i32 to index
      %get3A_826 = arith.constant 32 : index
      %get3A_827 = tpu.vector_load %arg7[%get3A_824, %get3A_825, %get3A_826] {strides = array<i32>} : memref<2x64x64xf32, #tpu.memory_space<vmem>>, vector<1x1x16xf32>,
      %get3A_828 = vector.shape_cast %get3A_827 : vector<1x1x16xf32> to vector<16xf32>
      %get3A_829 = arith.index_cast %select_n3A : i32 to index
      %get3A_830 = arith.index_cast %rem3A_734 : i32 to index
      %get3A_831 = arith.constant 32 : index
      %get3A_832 = tpu.vector_load %arg8[%get3A_829, %get3A_830, %get3A_831] {strides = array<i32>} : memref<2x64x64xf32, #tpu.memory_space<vmem>>, vector<1x1x16xf32>,
      %get3A_833 = vector.shape_cast %get3A_832 : vector<1x1x16xf32> to vector<16xf32>
      %get3A_834 = arith.constant 0 : i32
      %get3A_835 = arith.index_cast %get3A_834 : i32 to index
      %get3A_836 = arith.index_cast %select_n3A : i32 to index
      %get3A_837 = arith.index_cast %rem3A_734 : i32 to index
      %get3A_838 = arith.constant 32 : index
      %get3A_839 = tpu.vector_load %arg9[%get3A_835, %get3A_836, %get3A_837, %get3A_838] {strides = array<i32>} : memref<2x2x64x64xf32, #tpu.memory_space<vmem>>, vector<1x1x1x16xf32>,
      %get3A_840 = vector.shape_cast %get3A_839 : vector<1x1x1x16xf32> to vector<16xf32>
      %abs3A_841 = math.absf %get3A_840 : vector<16xf32>
      %gt3A_842 = arith.constant 9.99999993E-9 : f32
      %gt3A_843 = vector.broadcast %gt3A_842 : f32 to vector<16xf32>
      %gt3A_844 = arith.cmpf ogt, %abs3A_841, %gt3A_843 : vector<16xf32>
      %jit3A_845 = arith.constant 0.000000e+00 : f32
      %broadcast_in_dim3A_846 = vector.broadcast %jit3A_845 : f32 to vector<16xf32>
      %select_n3A_847 = arith.select %gt3A_844, %get3A_840, %broadcast_in_dim3A_846 : vector<16xi1>, vector<16xf32>
      %mul3A_848 = arith.mulf %select_n3A_847, %get3A_828 : vector<16xf32>
      %add3A_849 = arith.addf %add3A_803, %mul3A_848 : vector<16xf32>
      %mul3A_850 = arith.mulf %select_n3A_847, %get3A_833 : vector<16xf32>
      %add3A_851 = arith.addf %add3A_805, %mul3A_850 : vector<16xf32>
      %get3A_852 = arith.constant 1 : i32
      %get3A_853 = arith.index_cast %get3A_852 : i32 to index
      %get3A_854 = arith.index_cast %select_n3A : i32 to index
      %get3A_855 = arith.index_cast %rem3A_734 : i32 to index
      %get3A_856 = arith.constant 32 : index
      %get3A_857 = tpu.vector_load %arg9[%get3A_853, %get3A_854, %get3A_855, %get3A_856] {strides = array<i32>} : memref<2x2x64x64xf32, #tpu.memory_space<vmem>>, vector<1x1x1x16xf32>,
      %get3A_858 = vector.shape_cast %get3A_857 : vector<1x1x1x16xf32> to vector<16xf32>
      %abs3A_859 = math.absf %get3A_858 : vector<16xf32>
      %gt3A_860 = arith.constant 9.99999993E-9 : f32
      %gt3A_861 = vector.broadcast %gt3A_860 : f32 to vector<16xf32>
      %gt3A_862 = arith.cmpf ogt, %abs3A_859, %gt3A_861 : vector<16xf32>
      %jit3A_863 = arith.constant 0.000000e+00 : f32
      %broadcast_in_dim3A_864 = vector.broadcast %jit3A_863 : f32 to vector<16xf32>
      %select_n3A_865 = arith.select %gt3A_862, %get3A_858, %broadcast_in_dim3A_864 : vector<16xi1>, vector<16xf32>
      %mul3A_866 = arith.mulf %select_n3A_865, %get3A_828 : vector<16xf32>
      %add3A_867 = arith.addf %add3A_821, %mul3A_866 : vector<16xf32>
      %mul3A_868 = arith.mulf %select_n3A_865, %get3A_833 : vector<16xf32>
      %add3A_869 = arith.addf %add3A_823, %mul3A_868 : vector<16xf32>
      %get3A_870 = arith.index_cast %select_n3A : i32 to index
      %get3A_871 = arith.index_cast %rem3A_734 : i32 to index
      %get3A_872 = arith.constant 48 : index
      %get3A_873 = tpu.vector_load %arg7[%get3A_870, %get3A_871, %get3A_872] {strides = array<i32>} : memref<2x64x64xf32, #tpu.memory_space<vmem>>, vector<1x1x16xf32>,
      %get3A_874 = vector.shape_cast %get3A_873 : vector<1x1x16xf32> to vector<16xf32>
      %get3A_875 = arith.index_cast %select_n3A : i32 to index
      %get3A_876 = arith.index_cast %rem3A_734 : i32 to index
      %get3A_877 = arith.constant 48 : index
      %get3A_878 = tpu.vector_load %arg8[%get3A_875, %get3A_876, %get3A_877] {strides = array<i32>} : memref<2x64x64xf32, #tpu.memory_space<vmem>>, vector<1x1x16xf32>,
      %get3A_879 = vector.shape_cast %get3A_878 : vector<1x1x16xf32> to vector<16xf32>
      %get3A_880 = arith.constant 0 : i32
      %get3A_881 = arith.index_cast %get3A_880 : i32 to index
      %get3A_882 = arith.index_cast %select_n3A : i32 to index
      %get3A_883 = arith.index_cast %rem3A_734 : i32 to index
      %get3A_884 = arith.constant 48 : index
      %get3A_885 = tpu.vector_load %arg9[%get3A_881, %get3A_882, %get3A_883, %get3A_884] {strides = array<i32>} : memref<2x2x64x64xf32, #tpu.memory_space<vmem>>, vector<1x1x1x16xf32>,
      %get3A_886 = vector.shape_cast %get3A_885 : vector<1x1x1x16xf32> to vector<16xf32>
      %abs3A_887 = math.absf %get3A_886 : vector<16xf32>
      %gt3A_888 = arith.constant 9.99999993E-9 : f32
      %gt3A_889 = vector.broadcast %gt3A_888 : f32 to vector<16xf32>
      %gt3A_890 = arith.cmpf ogt, %abs3A_887, %gt3A_889 : vector<16xf32>
      %jit3A_891 = arith.constant 0.000000e+00 : f32
      %broadcast_in_dim3A_892 = vector.broadcast %jit3A_891 : f32 to vector<16xf32>
      %select_n3A_893 = arith.select %gt3A_890, %get3A_886, %broadcast_in_dim3A_892 : vector<16xi1>, vector<16xf32>
      %mul3A_894 = arith.mulf %select_n3A_893, %get3A_874 : vector<16xf32>
      %add3A_895 = arith.addf %add3A_849, %mul3A_894 : vector<16xf32>
      %mul3A_896 = arith.mulf %select_n3A_893, %get3A_879 : vector<16xf32>
      %add3A_897 = arith.addf %add3A_851, %mul3A_896 : vector<16xf32>
      %get3A_898 = arith.constant 1 : i32
      %get3A_899 = arith.index_cast %get3A_898 : i32 to index
      %get3A_900 = arith.index_cast %select_n3A : i32 to index
      %get3A_901 = arith.index_cast %rem3A_734 : i32 to index
      %get3A_902 = arith.constant 48 : index
      %get3A_903 = tpu.vector_load %arg9[%get3A_899, %get3A_900, %get3A_901, %get3A_902] {strides = array<i32>} : memref<2x2x64x64xf32, #tpu.memory_space<vmem>>, vector<1x1x1x16xf32>,
      %get3A_904 = vector.shape_cast %get3A_903 : vector<1x1x1x16xf32> to vector<16xf32>
      %abs3A_905 = math.absf %get3A_904 : vector<16xf32>
      %gt3A_906 = arith.constant 9.99999993E-9 : f32
      %gt3A_907 = vector.broadcast %gt3A_906 : f32 to vector<16xf32>
      %gt3A_908 = arith.cmpf ogt, %abs3A_905, %gt3A_907 : vector<16xf32>
      %jit3A_909 = arith.constant 0.000000e+00 : f32
      %broadcast_in_dim3A_910 = vector.broadcast %jit3A_909 : f32 to vector<16xf32>
      %select_n3A_911 = arith.select %gt3A_908, %get3A_904, %broadcast_in_dim3A_910 : vector<16xi1>, vector<16xf32>
      %mul3A_912 = arith.mulf %select_n3A_911, %get3A_874 : vector<16xf32>
      %add3A_913 = arith.addf %add3A_867, %mul3A_912 : vector<16xf32>
      %mul3A_914 = arith.mulf %select_n3A_911, %get3A_879 : vector<16xf32>
      %add3A_915 = arith.addf %add3A_869, %mul3A_914 : vector<16xf32>
      scf.yield %add3A_895, %add3A_897, %add3A_913, %add3A_915 : vector<16xf32>, vector<16xf32>, vector<16xf32>, vector<16xf32>
    }
    %scan3A_590 = arith.constant 128 : i32
    %swap3A_591 = arith.constant 5 : i32
    %swap3A_592 = arith.index_cast %swap3A_591 : i32 to index
    %swap3A_593 = arith.constant 0 : index
    %swap3A_594 = tpu.vector_load %arg11[%swap3A_592, %swap3A_593] {strides = array<i32>} : memref<16x128xf32, #tpu.memory_space<vmem>>, vector<1x16xf32>,
    %swap3A_595 = vector.shape_cast %swap3A_594 : vector<1x16xf32> to vector<16xf32>
    %swap3A_596 = vector.shape_cast %scan3A_589#0 : vector<16xf32> to vector<1x16xf32>
    tpu.vector_store %arg11[%swap3A_592, %swap3A_593], %swap3A_596 {strides = array<i32>} : memref<16x128xf32, #tpu.memory_space<vmem>>, vector<1x16xf32>,
    %swap3A_597 = arith.constant 5 : i32
    %swap3A_598 = arith.index_cast %swap3A_597 : i32 to index
    %swap3A_599 = arith.constant 16 : index
    %swap3A_600 = tpu.vector_load %arg11[%swap3A_598, %swap3A_599] {strides = array<i32>} : memref<16x128xf32, #tpu.memory_space<vmem>>, vector<1x16xf32>,
    %swap3A_601 = vector.shape_cast %swap3A_600 : vector<1x16xf32> to vector<16xf32>
    %swap3A_602 = vector.shape_cast %scan3A_589#1 : vector<16xf32> to vector<1x16xf32>
    tpu.vector_store %arg11[%swap3A_598, %swap3A_599], %swap3A_602 {strides = array<i32>} : memref<16x128xf32, #tpu.memory_space<vmem>>, vector<1x16xf32>,
    %swap3A_603 = arith.constant 5 : i32
    %swap3A_604 = arith.index_cast %swap3A_603 : i32 to index
    %swap3A_605 = arith.constant 32 : index
    %swap3A_606 = tpu.vector_load %arg11[%swap3A_604, %swap3A_605] {strides = array<i32>} : memref<16x128xf32, #tpu.memory_space<vmem>>, vector<1x16xf32>,
    %swap3A_607 = vector.shape_cast %swap3A_606 : vector<1x16xf32> to vector<16xf32>
    %swap3A_608 = vector.shape_cast %scan3A_589#2 : vector<16xf32> to vector<1x16xf32>
    tpu.vector_store %arg11[%swap3A_604, %swap3A_605], %swap3A_608 {strides = array<i32>} : memref<16x128xf32, #tpu.memory_space<vmem>>, vector<1x16xf32>,
    %swap3A_609 = arith.constant 5 : i32
    %swap3A_610 = arith.index_cast %swap3A_609 : i32 to index
    %swap3A_611 = arith.constant 48 : index
    %swap3A_612 = tpu.vector_load %arg11[%swap3A_610, %swap3A_611] {strides = array<i32>} : memref<16x128xf32, #tpu.memory_space<vmem>>, vector<1x16xf32>,
    %swap3A_613 = vector.shape_cast %swap3A_612 : vector<1x16xf32> to vector<16xf32>
    %swap3A_614 = vector.shape_cast %scan3A_589#3 : vector<16xf32> to vector<1x16xf32>
    tpu.vector_store %arg11[%swap3A_610, %swap3A_611], %swap3A_614 {strides = array<i32>} : memref<16x128xf32, #tpu.memory_space<vmem>>, vector<1x16xf32>,
    %dma_wait3A_615 = arith.constant 0 : i32
    %dma_wait3A_616 = arith.constant 60 : i32
    %dma_wait3A_617 = arith.constant 0 : i32
    %dma_wait3A_618 = arith.constant 0 : i32
    %dma_wait3A_619 = tpu.memref_slice %arg2[%dma_wait3A_616, %dma_wait3A_615, %mul3A_2, %dma_wait3A_617, %dma_wait3A_618] : memref<64x1x64x64x64xf32, #tpu.memory_space<hbm>> -> memref<2x1x2x64x64xf32, #tpu.memory_space<hbm>>
    %dma_wait3A_620 = tpu.memref_squeeze %dma_wait3A_619 : memref<2x1x2x64x64xf32, #tpu.memory_space<hbm>> -> memref<2x2x64x64xf32, #tpu.memory_space<hbm>>
    %dma_wait3A_621 = arith.constant 60 : i32
    %dma_wait3A_622 = arith.constant 0 : i32
    %dma_wait3A_623 = arith.constant 0 : i32
    %dma_wait3A_624 = tpu.memref_slice %arg2[%dma_wait3A_621, %dma_wait3A_615, %mul3A_2, %dma_wait3A_622, %dma_wait3A_623] : memref<64x1x64x64x64xf32, #tpu.memory_space<hbm>> -> memref<2x1x2x64x64xf32, #tpu.memory_space<hbm>>
    %dma_wait3A_625 = tpu.memref_squeeze %dma_wait3A_624 : memref<2x1x2x64x64xf32, #tpu.memory_space<hbm>> -> memref<2x2x64x64xf32, #tpu.memory_space<hbm>>
    tpu.wait_dma2 semaphore(%arg13 : memref<!tpu.dma_semaphore, #tpu.memory_space<semaphore_mem>>) src(%dma_wait3A_625 : memref<2x2x64x64xf32, #tpu.memory_space<hbm>>) dst(%arg10 : memref<2x2x64x64xf32, #tpu.memory_space<vmem>>)
    %dma_start3A_626 = arith.constant 0 : i32
    %dma_start3A_627 = arith.constant 62 : i32
    %dma_start3A_628 = arith.constant 0 : i32
    %dma_start3A_629 = arith.constant 0 : i32
    %dma_start3A_630 = tpu.memref_slice %arg2[%dma_start3A_627, %dma_start3A_626, %mul3A_2, %dma_start3A_628, %dma_start3A_629] : memref<64x1x64x64x64xf32, #tpu.memory_space<hbm>> -> memref<2x1x2x64x64xf32, #tpu.memory_space<hbm>>
    %dma_start3A_631 = tpu.memref_squeeze %dma_start3A_630 : memref<2x1x2x64x64xf32, #tpu.memory_space<hbm>> -> memref<2x2x64x64xf32, #tpu.memory_space<hbm>>
    %dma_start3A_632 = arith.constant 62 : i32
    %dma_start3A_633 = arith.constant 0 : i32
    %dma_start3A_634 = arith.constant 0 : i32
    %dma_start3A_635 = tpu.memref_slice %arg2[%dma_start3A_632, %dma_start3A_626, %mul3A_2, %dma_start3A_633, %dma_start3A_634] : memref<64x1x64x64x64xf32, #tpu.memory_space<hbm>> -> memref<2x1x2x64x64xf32, #tpu.memory_space<hbm>>
    %dma_start3A_636 = tpu.memref_squeeze %dma_start3A_635 : memref<2x1x2x64x64xf32, #tpu.memory_space<hbm>> -> memref<2x2x64x64xf32, #tpu.memory_space<hbm>>
    tpu.enqueue_dma source(%dma_start3A_636 : memref<2x2x64x64xf32, #tpu.memory_space<hbm>>) target(%arg9 : memref<2x2x64x64xf32, #tpu.memory_space<vmem>>) target_semaphore(%arg12 : memref<!tpu.dma_semaphore, #tpu.memory_space<semaphore_mem>>)
    %broadcast_in_dim3A_637 = arith.constant 0.000000e+00 : f32
    %broadcast_in_dim3A_638 = vector.broadcast %broadcast_in_dim3A_637 : f32 to vector<16xf32>
    %scan3A_639 = arith.constant 0 : i32
    %scan3A_640 = arith.constant 128 : i32
    %scan3A_641 = arith.addi %scan3A_639, %scan3A_640 : i32
    %scan3A_642 = arith.constant 1 : i32
    %scan3A_643:4 = scf.for %scan3A_712 = %scan3A_639 to %scan3A_641 step %scan3A_642 iter_args(%scan3A_713 = %broadcast_in_dim3A_638, %scan3A_714 = %broadcast_in_dim3A_638, %scan3A_715 = %broadcast_in_dim3A_638, %scan3A_716 = %broadcast_in_dim3A_638) -> (vector<16xf32>, vector<16xf32>, vector<16xf32>, vector<16xf32>)  : i32 {
      %jit3A = arith.constant 64 : i32
      %div3A = arith.divsi %scan3A_712, %jit3A : i32
      %sign3A = arith.constant 0 : i32
      %sign3A_717 = arith.cmpi sgt, %scan3A_712, %sign3A : i32
      %sign3A_718 = arith.extui %sign3A_717 : i1 to i32
      %sign3A_719 = arith.constant 0 : i32
      %sign3A_720 = arith.cmpi slt, %scan3A_712, %sign3A_719 : i32
      %sign3A_721 = arith.extui %sign3A_720 : i1 to i32
      %sign3A_722 = arith.subi %sign3A_718, %sign3A_721 : i32
      %sign3A_723 = arith.constant 0 : i32
      %sign3A_724 = arith.cmpi sgt, %jit3A, %sign3A_723 : i32
      %sign3A_725 = arith.extui %sign3A_724 : i1 to i32
      %sign3A_726 = arith.constant 0 : i32
      %sign3A_727 = arith.cmpi slt, %jit3A, %sign3A_726 : i32
      %sign3A_728 = arith.extui %sign3A_727 : i1 to i32
      %sign3A_729 = arith.subi %sign3A_725, %sign3A_728 : i32
      %ne3A = arith.cmpi ne, %sign3A_722, %sign3A_729 : i32
      %rem3A = arith.remsi %scan3A_712, %jit3A : i32
      %ne3A_730 = arith.constant 0 : i32
      %ne3A_731 = arith.cmpi ne, %rem3A, %ne3A_730 : i32
      %and3A = arith.andi %ne3A, %ne3A_731 : i1
      %sub3A = arith.constant 1 : i32
      %sub3A_732 = arith.subi %div3A, %sub3A : i32
      %select_n3A = arith.select %and3A, %sub3A_732, %div3A : i32
      %rem3A_733 = arith.constant 64 : i32
      %rem3A_734 = arith.remsi %scan3A_712, %rem3A_733 : i32
      %get3A = arith.index_cast %select_n3A : i32 to index
      %get3A_735 = arith.index_cast %rem3A_734 : i32 to index
      %get3A_736 = arith.constant 0 : index
      %get3A_737 = tpu.vector_load %arg7[%get3A, %get3A_735, %get3A_736] {strides = array<i32>} : memref<2x64x64xf32, #tpu.memory_space<vmem>>, vector<1x1x16xf32>,
      %get3A_738 = vector.shape_cast %get3A_737 : vector<1x1x16xf32> to vector<16xf32>
      %get3A_739 = arith.index_cast %select_n3A : i32 to index
      %get3A_740 = arith.index_cast %rem3A_734 : i32 to index
      %get3A_741 = arith.constant 0 : index
      %get3A_742 = tpu.vector_load %arg8[%get3A_739, %get3A_740, %get3A_741] {strides = array<i32>} : memref<2x64x64xf32, #tpu.memory_space<vmem>>, vector<1x1x16xf32>,
      %get3A_743 = vector.shape_cast %get3A_742 : vector<1x1x16xf32> to vector<16xf32>
      %get3A_744 = arith.constant 0 : i32
      %get3A_745 = arith.index_cast %get3A_744 : i32 to index
      %get3A_746 = arith.index_cast %select_n3A : i32 to index
      %get3A_747 = arith.index_cast %rem3A_734 : i32 to index
      %get3A_748 = arith.constant 0 : index
      %get3A_749 = tpu.vector_load %arg10[%get3A_745, %get3A_746, %get3A_747, %get3A_748] {strides = array<i32>} : memref<2x2x64x64xf32, #tpu.memory_space<vmem>>, vector<1x1x1x16xf32>,
      %get3A_750 = vector.shape_cast %get3A_749 : vector<1x1x1x16xf32> to vector<16xf32>
      %abs3A = math.absf %get3A_750 : vector<16xf32>
      %gt3A = arith.constant 9.99999993E-9 : f32
      %gt3A_751 = vector.broadcast %gt3A : f32 to vector<16xf32>
      %gt3A_752 = arith.cmpf ogt, %abs3A, %gt3A_751 : vector<16xf32>
      %jit3A_753 = arith.constant 0.000000e+00 : f32
      %broadcast_in_dim3A_754 = vector.broadcast %jit3A_753 : f32 to vector<16xf32>
      %select_n3A_755 = arith.select %gt3A_752, %get3A_750, %broadcast_in_dim3A_754 : vector<16xi1>, vector<16xf32>
      %mul3A_756 = arith.mulf %select_n3A_755, %get3A_738 : vector<16xf32>
      %add3A_757 = arith.addf %scan3A_713, %mul3A_756 : vector<16xf32>
      %mul3A_758 = arith.mulf %select_n3A_755, %get3A_743 : vector<16xf32>
      %add3A_759 = arith.addf %scan3A_714, %mul3A_758 : vector<16xf32>
      %get3A_760 = arith.constant 1 : i32
      %get3A_761 = arith.index_cast %get3A_760 : i32 to index
      %get3A_762 = arith.index_cast %select_n3A : i32 to index
      %get3A_763 = arith.index_cast %rem3A_734 : i32 to index
      %get3A_764 = arith.constant 0 : index
      %get3A_765 = tpu.vector_load %arg10[%get3A_761, %get3A_762, %get3A_763, %get3A_764] {strides = array<i32>} : memref<2x2x64x64xf32, #tpu.memory_space<vmem>>, vector<1x1x1x16xf32>,
      %get3A_766 = vector.shape_cast %get3A_765 : vector<1x1x1x16xf32> to vector<16xf32>
      %abs3A_767 = math.absf %get3A_766 : vector<16xf32>
      %gt3A_768 = arith.constant 9.99999993E-9 : f32
      %gt3A_769 = vector.broadcast %gt3A_768 : f32 to vector<16xf32>
      %gt3A_770 = arith.cmpf ogt, %abs3A_767, %gt3A_769 : vector<16xf32>
      %jit3A_771 = arith.constant 0.000000e+00 : f32
      %broadcast_in_dim3A_772 = vector.broadcast %jit3A_771 : f32 to vector<16xf32>
      %select_n3A_773 = arith.select %gt3A_770, %get3A_766, %broadcast_in_dim3A_772 : vector<16xi1>, vector<16xf32>
      %mul3A_774 = arith.mulf %select_n3A_773, %get3A_738 : vector<16xf32>
      %add3A_775 = arith.addf %scan3A_715, %mul3A_774 : vector<16xf32>
      %mul3A_776 = arith.mulf %select_n3A_773, %get3A_743 : vector<16xf32>
      %add3A_777 = arith.addf %scan3A_716, %mul3A_776 : vector<16xf32>
      %get3A_778 = arith.index_cast %select_n3A : i32 to index
      %get3A_779 = arith.index_cast %rem3A_734 : i32 to index
      %get3A_780 = arith.constant 16 : index
      %get3A_781 = tpu.vector_load %arg7[%get3A_778, %get3A_779, %get3A_780] {strides = array<i32>} : memref<2x64x64xf32, #tpu.memory_space<vmem>>, vector<1x1x16xf32>,
      %get3A_782 = vector.shape_cast %get3A_781 : vector<1x1x16xf32> to vector<16xf32>
      %get3A_783 = arith.index_cast %select_n3A : i32 to index
      %get3A_784 = arith.index_cast %rem3A_734 : i32 to index
      %get3A_785 = arith.constant 16 : index
      %get3A_786 = tpu.vector_load %arg8[%get3A_783, %get3A_784, %get3A_785] {strides = array<i32>} : memref<2x64x64xf32, #tpu.memory_space<vmem>>, vector<1x1x16xf32>,
      %get3A_787 = vector.shape_cast %get3A_786 : vector<1x1x16xf32> to vector<16xf32>
      %get3A_788 = arith.constant 0 : i32
      %get3A_789 = arith.index_cast %get3A_788 : i32 to index
      %get3A_790 = arith.index_cast %select_n3A : i32 to index
      %get3A_791 = arith.index_cast %rem3A_734 : i32 to index
      %get3A_792 = arith.constant 16 : index
      %get3A_793 = tpu.vector_load %arg10[%get3A_789, %get3A_790, %get3A_791, %get3A_792] {strides = array<i32>} : memref<2x2x64x64xf32, #tpu.memory_space<vmem>>, vector<1x1x1x16xf32>,
      %get3A_794 = vector.shape_cast %get3A_793 : vector<1x1x1x16xf32> to vector<16xf32>
      %abs3A_795 = math.absf %get3A_794 : vector<16xf32>
      %gt3A_796 = arith.constant 9.99999993E-9 : f32
      %gt3A_797 = vector.broadcast %gt3A_796 : f32 to vector<16xf32>
      %gt3A_798 = arith.cmpf ogt, %abs3A_795, %gt3A_797 : vector<16xf32>
      %jit3A_799 = arith.constant 0.000000e+00 : f32
      %broadcast_in_dim3A_800 = vector.broadcast %jit3A_799 : f32 to vector<16xf32>
      %select_n3A_801 = arith.select %gt3A_798, %get3A_794, %broadcast_in_dim3A_800 : vector<16xi1>, vector<16xf32>
      %mul3A_802 = arith.mulf %select_n3A_801, %get3A_782 : vector<16xf32>
      %add3A_803 = arith.addf %add3A_757, %mul3A_802 : vector<16xf32>
      %mul3A_804 = arith.mulf %select_n3A_801, %get3A_787 : vector<16xf32>
      %add3A_805 = arith.addf %add3A_759, %mul3A_804 : vector<16xf32>
      %get3A_806 = arith.constant 1 : i32
      %get3A_807 = arith.index_cast %get3A_806 : i32 to index
      %get3A_808 = arith.index_cast %select_n3A : i32 to index
      %get3A_809 = arith.index_cast %rem3A_734 : i32 to index
      %get3A_810 = arith.constant 16 : index
      %get3A_811 = tpu.vector_load %arg10[%get3A_807, %get3A_808, %get3A_809, %get3A_810] {strides = array<i32>} : memref<2x2x64x64xf32, #tpu.memory_space<vmem>>, vector<1x1x1x16xf32>,
      %get3A_812 = vector.shape_cast %get3A_811 : vector<1x1x1x16xf32> to vector<16xf32>
      %abs3A_813 = math.absf %get3A_812 : vector<16xf32>
      %gt3A_814 = arith.constant 9.99999993E-9 : f32
      %gt3A_815 = vector.broadcast %gt3A_814 : f32 to vector<16xf32>
      %gt3A_816 = arith.cmpf ogt, %abs3A_813, %gt3A_815 : vector<16xf32>
      %jit3A_817 = arith.constant 0.000000e+00 : f32
      %broadcast_in_dim3A_818 = vector.broadcast %jit3A_817 : f32 to vector<16xf32>
      %select_n3A_819 = arith.select %gt3A_816, %get3A_812, %broadcast_in_dim3A_818 : vector<16xi1>, vector<16xf32>
      %mul3A_820 = arith.mulf %select_n3A_819, %get3A_782 : vector<16xf32>
      %add3A_821 = arith.addf %add3A_775, %mul3A_820 : vector<16xf32>
      %mul3A_822 = arith.mulf %select_n3A_819, %get3A_787 : vector<16xf32>
      %add3A_823 = arith.addf %add3A_777, %mul3A_822 : vector<16xf32>
      %get3A_824 = arith.index_cast %select_n3A : i32 to index
      %get3A_825 = arith.index_cast %rem3A_734 : i32 to index
      %get3A_826 = arith.constant 32 : index
      %get3A_827 = tpu.vector_load %arg7[%get3A_824, %get3A_825, %get3A_826] {strides = array<i32>} : memref<2x64x64xf32, #tpu.memory_space<vmem>>, vector<1x1x16xf32>,
      %get3A_828 = vector.shape_cast %get3A_827 : vector<1x1x16xf32> to vector<16xf32>
      %get3A_829 = arith.index_cast %select_n3A : i32 to index
      %get3A_830 = arith.index_cast %rem3A_734 : i32 to index
      %get3A_831 = arith.constant 32 : index
      %get3A_832 = tpu.vector_load %arg8[%get3A_829, %get3A_830, %get3A_831] {strides = array<i32>} : memref<2x64x64xf32, #tpu.memory_space<vmem>>, vector<1x1x16xf32>,
      %get3A_833 = vector.shape_cast %get3A_832 : vector<1x1x16xf32> to vector<16xf32>
      %get3A_834 = arith.constant 0 : i32
      %get3A_835 = arith.index_cast %get3A_834 : i32 to index
      %get3A_836 = arith.index_cast %select_n3A : i32 to index
      %get3A_837 = arith.index_cast %rem3A_734 : i32 to index
      %get3A_838 = arith.constant 32 : index
      %get3A_839 = tpu.vector_load %arg10[%get3A_835, %get3A_836, %get3A_837, %get3A_838] {strides = array<i32>} : memref<2x2x64x64xf32, #tpu.memory_space<vmem>>, vector<1x1x1x16xf32>,
      %get3A_840 = vector.shape_cast %get3A_839 : vector<1x1x1x16xf32> to vector<16xf32>
      %abs3A_841 = math.absf %get3A_840 : vector<16xf32>
      %gt3A_842 = arith.constant 9.99999993E-9 : f32
      %gt3A_843 = vector.broadcast %gt3A_842 : f32 to vector<16xf32>
      %gt3A_844 = arith.cmpf ogt, %abs3A_841, %gt3A_843 : vector<16xf32>
      %jit3A_845 = arith.constant 0.000000e+00 : f32
      %broadcast_in_dim3A_846 = vector.broadcast %jit3A_845 : f32 to vector<16xf32>
      %select_n3A_847 = arith.select %gt3A_844, %get3A_840, %broadcast_in_dim3A_846 : vector<16xi1>, vector<16xf32>
      %mul3A_848 = arith.mulf %select_n3A_847, %get3A_828 : vector<16xf32>
      %add3A_849 = arith.addf %add3A_803, %mul3A_848 : vector<16xf32>
      %mul3A_850 = arith.mulf %select_n3A_847, %get3A_833 : vector<16xf32>
      %add3A_851 = arith.addf %add3A_805, %mul3A_850 : vector<16xf32>
      %get3A_852 = arith.constant 1 : i32
      %get3A_853 = arith.index_cast %get3A_852 : i32 to index
      %get3A_854 = arith.index_cast %select_n3A : i32 to index
      %get3A_855 = arith.index_cast %rem3A_734 : i32 to index
      %get3A_856 = arith.constant 32 : index
      %get3A_857 = tpu.vector_load %arg10[%get3A_853, %get3A_854, %get3A_855, %get3A_856] {strides = array<i32>} : memref<2x2x64x64xf32, #tpu.memory_space<vmem>>, vector<1x1x1x16xf32>,
      %get3A_858 = vector.shape_cast %get3A_857 : vector<1x1x1x16xf32> to vector<16xf32>
      %abs3A_859 = math.absf %get3A_858 : vector<16xf32>
      %gt3A_860 = arith.constant 9.99999993E-9 : f32
      %gt3A_861 = vector.broadcast %gt3A_860 : f32 to vector<16xf32>
      %gt3A_862 = arith.cmpf ogt, %abs3A_859, %gt3A_861 : vector<16xf32>
      %jit3A_863 = arith.constant 0.000000e+00 : f32
      %broadcast_in_dim3A_864 = vector.broadcast %jit3A_863 : f32 to vector<16xf32>
      %select_n3A_865 = arith.select %gt3A_862, %get3A_858, %broadcast_in_dim3A_864 : vector<16xi1>, vector<16xf32>
      %mul3A_866 = arith.mulf %select_n3A_865, %get3A_828 : vector<16xf32>
      %add3A_867 = arith.addf %add3A_821, %mul3A_866 : vector<16xf32>
      %mul3A_868 = arith.mulf %select_n3A_865, %get3A_833 : vector<16xf32>
      %add3A_869 = arith.addf %add3A_823, %mul3A_868 : vector<16xf32>
      %get3A_870 = arith.index_cast %select_n3A : i32 to index
      %get3A_871 = arith.index_cast %rem3A_734 : i32 to index
      %get3A_872 = arith.constant 48 : index
      %get3A_873 = tpu.vector_load %arg7[%get3A_870, %get3A_871, %get3A_872] {strides = array<i32>} : memref<2x64x64xf32, #tpu.memory_space<vmem>>, vector<1x1x16xf32>,
      %get3A_874 = vector.shape_cast %get3A_873 : vector<1x1x16xf32> to vector<16xf32>
      %get3A_875 = arith.index_cast %select_n3A : i32 to index
      %get3A_876 = arith.index_cast %rem3A_734 : i32 to index
      %get3A_877 = arith.constant 48 : index
      %get3A_878 = tpu.vector_load %arg8[%get3A_875, %get3A_876, %get3A_877] {strides = array<i32>} : memref<2x64x64xf32, #tpu.memory_space<vmem>>, vector<1x1x16xf32>,
      %get3A_879 = vector.shape_cast %get3A_878 : vector<1x1x16xf32> to vector<16xf32>
      %get3A_880 = arith.constant 0 : i32
      %get3A_881 = arith.index_cast %get3A_880 : i32 to index
      %get3A_882 = arith.index_cast %select_n3A : i32 to index
      %get3A_883 = arith.index_cast %rem3A_734 : i32 to index
      %get3A_884 = arith.constant 48 : index
      %get3A_885 = tpu.vector_load %arg10[%get3A_881, %get3A_882, %get3A_883, %get3A_884] {strides = array<i32>} : memref<2x2x64x64xf32, #tpu.memory_space<vmem>>, vector<1x1x1x16xf32>,
      %get3A_886 = vector.shape_cast %get3A_885 : vector<1x1x1x16xf32> to vector<16xf32>
      %abs3A_887 = math.absf %get3A_886 : vector<16xf32>
      %gt3A_888 = arith.constant 9.99999993E-9 : f32
      %gt3A_889 = vector.broadcast %gt3A_888 : f32 to vector<16xf32>
      %gt3A_890 = arith.cmpf ogt, %abs3A_887, %gt3A_889 : vector<16xf32>
      %jit3A_891 = arith.constant 0.000000e+00 : f32
      %broadcast_in_dim3A_892 = vector.broadcast %jit3A_891 : f32 to vector<16xf32>
      %select_n3A_893 = arith.select %gt3A_890, %get3A_886, %broadcast_in_dim3A_892 : vector<16xi1>, vector<16xf32>
      %mul3A_894 = arith.mulf %select_n3A_893, %get3A_874 : vector<16xf32>
      %add3A_895 = arith.addf %add3A_849, %mul3A_894 : vector<16xf32>
      %mul3A_896 = arith.mulf %select_n3A_893, %get3A_879 : vector<16xf32>
      %add3A_897 = arith.addf %add3A_851, %mul3A_896 : vector<16xf32>
      %get3A_898 = arith.constant 1 : i32
      %get3A_899 = arith.index_cast %get3A_898 : i32 to index
      %get3A_900 = arith.index_cast %select_n3A : i32 to index
      %get3A_901 = arith.index_cast %rem3A_734 : i32 to index
      %get3A_902 = arith.constant 48 : index
      %get3A_903 = tpu.vector_load %arg10[%get3A_899, %get3A_900, %get3A_901, %get3A_902] {strides = array<i32>} : memref<2x2x64x64xf32, #tpu.memory_space<vmem>>, vector<1x1x1x16xf32>,
      %get3A_904 = vector.shape_cast %get3A_903 : vector<1x1x1x16xf32> to vector<16xf32>
      %abs3A_905 = math.absf %get3A_904 : vector<16xf32>
      %gt3A_906 = arith.constant 9.99999993E-9 : f32
      %gt3A_907 = vector.broadcast %gt3A_906 : f32 to vector<16xf32>
      %gt3A_908 = arith.cmpf ogt, %abs3A_905, %gt3A_907 : vector<16xf32>
      %jit3A_909 = arith.constant 0.000000e+00 : f32
      %broadcast_in_dim3A_910 = vector.broadcast %jit3A_909 : f32 to vector<16xf32>
      %select_n3A_911 = arith.select %gt3A_908, %get3A_904, %broadcast_in_dim3A_910 : vector<16xi1>, vector<16xf32>
      %mul3A_912 = arith.mulf %select_n3A_911, %get3A_874 : vector<16xf32>
      %add3A_913 = arith.addf %add3A_867, %mul3A_912 : vector<16xf32>
      %mul3A_914 = arith.mulf %select_n3A_911, %get3A_879 : vector<16xf32>
      %add3A_915 = arith.addf %add3A_869, %mul3A_914 : vector<16xf32>
      scf.yield %add3A_895, %add3A_897, %add3A_913, %add3A_915 : vector<16xf32>, vector<16xf32>, vector<16xf32>, vector<16xf32>
    }
    %scan3A_644 = arith.constant 128 : i32
    %swap3A_645 = arith.constant 5 : i32
    %swap3A_646 = arith.index_cast %swap3A_645 : i32 to index
    %swap3A_647 = arith.constant 64 : index
    %swap3A_648 = tpu.vector_load %arg11[%swap3A_646, %swap3A_647] {strides = array<i32>} : memref<16x128xf32, #tpu.memory_space<vmem>>, vector<1x16xf32>,
    %swap3A_649 = vector.shape_cast %swap3A_648 : vector<1x16xf32> to vector<16xf32>
    %swap3A_650 = vector.shape_cast %scan3A_643#0 : vector<16xf32> to vector<1x16xf32>
    tpu.vector_store %arg11[%swap3A_646, %swap3A_647], %swap3A_650 {strides = array<i32>} : memref<16x128xf32, #tpu.memory_space<vmem>>, vector<1x16xf32>,
    %swap3A_651 = arith.constant 5 : i32
    %swap3A_652 = arith.index_cast %swap3A_651 : i32 to index
    %swap3A_653 = arith.constant 80 : index
    %swap3A_654 = tpu.vector_load %arg11[%swap3A_652, %swap3A_653] {strides = array<i32>} : memref<16x128xf32, #tpu.memory_space<vmem>>, vector<1x16xf32>,
    %swap3A_655 = vector.shape_cast %swap3A_654 : vector<1x16xf32> to vector<16xf32>
    %swap3A_656 = vector.shape_cast %scan3A_643#1 : vector<16xf32> to vector<1x16xf32>
    tpu.vector_store %arg11[%swap3A_652, %swap3A_653], %swap3A_656 {strides = array<i32>} : memref<16x128xf32, #tpu.memory_space<vmem>>, vector<1x16xf32>,
    %swap3A_657 = arith.constant 5 : i32
    %swap3A_658 = arith.index_cast %swap3A_657 : i32 to index
    %swap3A_659 = arith.constant 96 : index
    %swap3A_660 = tpu.vector_load %arg11[%swap3A_658, %swap3A_659] {strides = array<i32>} : memref<16x128xf32, #tpu.memory_space<vmem>>, vector<1x16xf32>,
    %swap3A_661 = vector.shape_cast %swap3A_660 : vector<1x16xf32> to vector<16xf32>
    %swap3A_662 = vector.shape_cast %scan3A_643#2 : vector<16xf32> to vector<1x16xf32>
    tpu.vector_store %arg11[%swap3A_658, %swap3A_659], %swap3A_662 {strides = array<i32>} : memref<16x128xf32, #tpu.memory_space<vmem>>, vector<1x16xf32>,
    %swap3A_663 = arith.constant 5 : i32
    %swap3A_664 = arith.index_cast %swap3A_663 : i32 to index
    %swap3A_665 = arith.constant 112 : index
    %swap3A_666 = tpu.vector_load %arg11[%swap3A_664, %swap3A_665] {strides = array<i32>} : memref<16x128xf32, #tpu.memory_space<vmem>>, vector<1x16xf32>,
    %swap3A_667 = vector.shape_cast %swap3A_666 : vector<1x16xf32> to vector<16xf32>
    %swap3A_668 = vector.shape_cast %scan3A_643#3 : vector<16xf32> to vector<1x16xf32>
    tpu.vector_store %arg11[%swap3A_664, %swap3A_665], %swap3A_668 {strides = array<i32>} : memref<16x128xf32, #tpu.memory_space<vmem>>, vector<1x16xf32>,
    %dma_wait3A_669 = arith.constant 0 : i32
    %dma_wait3A_670 = arith.constant 62 : i32
    %dma_wait3A_671 = arith.constant 0 : i32
    %dma_wait3A_672 = arith.constant 0 : i32
    %dma_wait3A_673 = tpu.memref_slice %arg2[%dma_wait3A_670, %dma_wait3A_669, %mul3A_2, %dma_wait3A_671, %dma_wait3A_672] : memref<64x1x64x64x64xf32, #tpu.memory_space<hbm>> -> memref<2x1x2x64x64xf32, #tpu.memory_space<hbm>>
    %dma_wait3A_674 = tpu.memref_squeeze %dma_wait3A_673 : memref<2x1x2x64x64xf32, #tpu.memory_space<hbm>> -> memref<2x2x64x64xf32, #tpu.memory_space<hbm>>
    %dma_wait3A_675 = arith.constant 62 : i32
    %dma_wait3A_676 = arith.constant 0 : i32
    %dma_wait3A_677 = arith.constant 0 : i32
    %dma_wait3A_678 = tpu.memref_slice %arg2[%dma_wait3A_675, %dma_wait3A_669, %mul3A_2, %dma_wait3A_676, %dma_wait3A_677] : memref<64x1x64x64x64xf32, #tpu.memory_space<hbm>> -> memref<2x1x2x64x64xf32, #tpu.memory_space<hbm>>
    %dma_wait3A_679 = tpu.memref_squeeze %dma_wait3A_678 : memref<2x1x2x64x64xf32, #tpu.memory_space<hbm>> -> memref<2x2x64x64xf32, #tpu.memory_space<hbm>>
    tpu.wait_dma2 semaphore(%arg12 : memref<!tpu.dma_semaphore, #tpu.memory_space<semaphore_mem>>) src(%dma_wait3A_679 : memref<2x2x64x64xf32, #tpu.memory_space<hbm>>) dst(%arg9 : memref<2x2x64x64xf32, #tpu.memory_space<vmem>>)
    %broadcast_in_dim3A_680 = arith.constant 0.000000e+00 : f32
    %broadcast_in_dim3A_681 = vector.broadcast %broadcast_in_dim3A_680 : f32 to vector<16xf32>
    %scan3A_682 = arith.constant 0 : i32
    %scan3A_683 = arith.constant 128 : i32
    %scan3A_684 = arith.addi %scan3A_682, %scan3A_683 : i32
    %scan3A_685 = arith.constant 1 : i32
    %scan3A_686:4 = scf.for %scan3A_712 = %scan3A_682 to %scan3A_684 step %scan3A_685 iter_args(%scan3A_713 = %broadcast_in_dim3A_681, %scan3A_714 = %broadcast_in_dim3A_681, %scan3A_715 = %broadcast_in_dim3A_681, %scan3A_716 = %broadcast_in_dim3A_681) -> (vector<16xf32>, vector<16xf32>, vector<16xf32>, vector<16xf32>)  : i32 {
      %jit3A = arith.constant 64 : i32
      %div3A = arith.divsi %scan3A_712, %jit3A : i32
      %sign3A = arith.constant 0 : i32
      %sign3A_717 = arith.cmpi sgt, %scan3A_712, %sign3A : i32
      %sign3A_718 = arith.extui %sign3A_717 : i1 to i32
      %sign3A_719 = arith.constant 0 : i32
      %sign3A_720 = arith.cmpi slt, %scan3A_712, %sign3A_719 : i32
      %sign3A_721 = arith.extui %sign3A_720 : i1 to i32
      %sign3A_722 = arith.subi %sign3A_718, %sign3A_721 : i32
      %sign3A_723 = arith.constant 0 : i32
      %sign3A_724 = arith.cmpi sgt, %jit3A, %sign3A_723 : i32
      %sign3A_725 = arith.extui %sign3A_724 : i1 to i32
      %sign3A_726 = arith.constant 0 : i32
      %sign3A_727 = arith.cmpi slt, %jit3A, %sign3A_726 : i32
      %sign3A_728 = arith.extui %sign3A_727 : i1 to i32
      %sign3A_729 = arith.subi %sign3A_725, %sign3A_728 : i32
      %ne3A = arith.cmpi ne, %sign3A_722, %sign3A_729 : i32
      %rem3A = arith.remsi %scan3A_712, %jit3A : i32
      %ne3A_730 = arith.constant 0 : i32
      %ne3A_731 = arith.cmpi ne, %rem3A, %ne3A_730 : i32
      %and3A = arith.andi %ne3A, %ne3A_731 : i1
      %sub3A = arith.constant 1 : i32
      %sub3A_732 = arith.subi %div3A, %sub3A : i32
      %select_n3A = arith.select %and3A, %sub3A_732, %div3A : i32
      %rem3A_733 = arith.constant 64 : i32
      %rem3A_734 = arith.remsi %scan3A_712, %rem3A_733 : i32
      %get3A = arith.index_cast %select_n3A : i32 to index
      %get3A_735 = arith.index_cast %rem3A_734 : i32 to index
      %get3A_736 = arith.constant 0 : index
      %get3A_737 = tpu.vector_load %arg7[%get3A, %get3A_735, %get3A_736] {strides = array<i32>} : memref<2x64x64xf32, #tpu.memory_space<vmem>>, vector<1x1x16xf32>,
      %get3A_738 = vector.shape_cast %get3A_737 : vector<1x1x16xf32> to vector<16xf32>
      %get3A_739 = arith.index_cast %select_n3A : i32 to index
      %get3A_740 = arith.index_cast %rem3A_734 : i32 to index
      %get3A_741 = arith.constant 0 : index
      %get3A_742 = tpu.vector_load %arg8[%get3A_739, %get3A_740, %get3A_741] {strides = array<i32>} : memref<2x64x64xf32, #tpu.memory_space<vmem>>, vector<1x1x16xf32>,
      %get3A_743 = vector.shape_cast %get3A_742 : vector<1x1x16xf32> to vector<16xf32>
      %get3A_744 = arith.constant 0 : i32
      %get3A_745 = arith.index_cast %get3A_744 : i32 to index
      %get3A_746 = arith.index_cast %select_n3A : i32 to index
      %get3A_747 = arith.index_cast %rem3A_734 : i32 to index
      %get3A_748 = arith.constant 0 : index
      %get3A_749 = tpu.vector_load %arg9[%get3A_745, %get3A_746, %get3A_747, %get3A_748] {strides = array<i32>} : memref<2x2x64x64xf32, #tpu.memory_space<vmem>>, vector<1x1x1x16xf32>,
      %get3A_750 = vector.shape_cast %get3A_749 : vector<1x1x1x16xf32> to vector<16xf32>
      %abs3A = math.absf %get3A_750 : vector<16xf32>
      %gt3A = arith.constant 9.99999993E-9 : f32
      %gt3A_751 = vector.broadcast %gt3A : f32 to vector<16xf32>
      %gt3A_752 = arith.cmpf ogt, %abs3A, %gt3A_751 : vector<16xf32>
      %jit3A_753 = arith.constant 0.000000e+00 : f32
      %broadcast_in_dim3A_754 = vector.broadcast %jit3A_753 : f32 to vector<16xf32>
      %select_n3A_755 = arith.select %gt3A_752, %get3A_750, %broadcast_in_dim3A_754 : vector<16xi1>, vector<16xf32>
      %mul3A_756 = arith.mulf %select_n3A_755, %get3A_738 : vector<16xf32>
      %add3A_757 = arith.addf %scan3A_713, %mul3A_756 : vector<16xf32>
      %mul3A_758 = arith.mulf %select_n3A_755, %get3A_743 : vector<16xf32>
      %add3A_759 = arith.addf %scan3A_714, %mul3A_758 : vector<16xf32>
      %get3A_760 = arith.constant 1 : i32
      %get3A_761 = arith.index_cast %get3A_760 : i32 to index
      %get3A_762 = arith.index_cast %select_n3A : i32 to index
      %get3A_763 = arith.index_cast %rem3A_734 : i32 to index
      %get3A_764 = arith.constant 0 : index
      %get3A_765 = tpu.vector_load %arg9[%get3A_761, %get3A_762, %get3A_763, %get3A_764] {strides = array<i32>} : memref<2x2x64x64xf32, #tpu.memory_space<vmem>>, vector<1x1x1x16xf32>,
      %get3A_766 = vector.shape_cast %get3A_765 : vector<1x1x1x16xf32> to vector<16xf32>
      %abs3A_767 = math.absf %get3A_766 : vector<16xf32>
      %gt3A_768 = arith.constant 9.99999993E-9 : f32
      %gt3A_769 = vector.broadcast %gt3A_768 : f32 to vector<16xf32>
      %gt3A_770 = arith.cmpf ogt, %abs3A_767, %gt3A_769 : vector<16xf32>
      %jit3A_771 = arith.constant 0.000000e+00 : f32
      %broadcast_in_dim3A_772 = vector.broadcast %jit3A_771 : f32 to vector<16xf32>
      %select_n3A_773 = arith.select %gt3A_770, %get3A_766, %broadcast_in_dim3A_772 : vector<16xi1>, vector<16xf32>
      %mul3A_774 = arith.mulf %select_n3A_773, %get3A_738 : vector<16xf32>
      %add3A_775 = arith.addf %scan3A_715, %mul3A_774 : vector<16xf32>
      %mul3A_776 = arith.mulf %select_n3A_773, %get3A_743 : vector<16xf32>
      %add3A_777 = arith.addf %scan3A_716, %mul3A_776 : vector<16xf32>
      %get3A_778 = arith.index_cast %select_n3A : i32 to index
      %get3A_779 = arith.index_cast %rem3A_734 : i32 to index
      %get3A_780 = arith.constant 16 : index
      %get3A_781 = tpu.vector_load %arg7[%get3A_778, %get3A_779, %get3A_780] {strides = array<i32>} : memref<2x64x64xf32, #tpu.memory_space<vmem>>, vector<1x1x16xf32>,
      %get3A_782 = vector.shape_cast %get3A_781 : vector<1x1x16xf32> to vector<16xf32>
      %get3A_783 = arith.index_cast %select_n3A : i32 to index
      %get3A_784 = arith.index_cast %rem3A_734 : i32 to index
      %get3A_785 = arith.constant 16 : index
      %get3A_786 = tpu.vector_load %arg8[%get3A_783, %get3A_784, %get3A_785] {strides = array<i32>} : memref<2x64x64xf32, #tpu.memory_space<vmem>>, vector<1x1x16xf32>,
      %get3A_787 = vector.shape_cast %get3A_786 : vector<1x1x16xf32> to vector<16xf32>
      %get3A_788 = arith.constant 0 : i32
      %get3A_789 = arith.index_cast %get3A_788 : i32 to index
      %get3A_790 = arith.index_cast %select_n3A : i32 to index
      %get3A_791 = arith.index_cast %rem3A_734 : i32 to index
      %get3A_792 = arith.constant 16 : index
      %get3A_793 = tpu.vector_load %arg9[%get3A_789, %get3A_790, %get3A_791, %get3A_792] {strides = array<i32>} : memref<2x2x64x64xf32, #tpu.memory_space<vmem>>, vector<1x1x1x16xf32>,
      %get3A_794 = vector.shape_cast %get3A_793 : vector<1x1x1x16xf32> to vector<16xf32>
      %abs3A_795 = math.absf %get3A_794 : vector<16xf32>
      %gt3A_796 = arith.constant 9.99999993E-9 : f32
      %gt3A_797 = vector.broadcast %gt3A_796 : f32 to vector<16xf32>
      %gt3A_798 = arith.cmpf ogt, %abs3A_795, %gt3A_797 : vector<16xf32>
      %jit3A_799 = arith.constant 0.000000e+00 : f32
      %broadcast_in_dim3A_800 = vector.broadcast %jit3A_799 : f32 to vector<16xf32>
      %select_n3A_801 = arith.select %gt3A_798, %get3A_794, %broadcast_in_dim3A_800 : vector<16xi1>, vector<16xf32>
      %mul3A_802 = arith.mulf %select_n3A_801, %get3A_782 : vector<16xf32>
      %add3A_803 = arith.addf %add3A_757, %mul3A_802 : vector<16xf32>
      %mul3A_804 = arith.mulf %select_n3A_801, %get3A_787 : vector<16xf32>
      %add3A_805 = arith.addf %add3A_759, %mul3A_804 : vector<16xf32>
      %get3A_806 = arith.constant 1 : i32
      %get3A_807 = arith.index_cast %get3A_806 : i32 to index
      %get3A_808 = arith.index_cast %select_n3A : i32 to index
      %get3A_809 = arith.index_cast %rem3A_734 : i32 to index
      %get3A_810 = arith.constant 16 : index
      %get3A_811 = tpu.vector_load %arg9[%get3A_807, %get3A_808, %get3A_809, %get3A_810] {strides = array<i32>} : memref<2x2x64x64xf32, #tpu.memory_space<vmem>>, vector<1x1x1x16xf32>,
      %get3A_812 = vector.shape_cast %get3A_811 : vector<1x1x1x16xf32> to vector<16xf32>
      %abs3A_813 = math.absf %get3A_812 : vector<16xf32>
      %gt3A_814 = arith.constant 9.99999993E-9 : f32
      %gt3A_815 = vector.broadcast %gt3A_814 : f32 to vector<16xf32>
      %gt3A_816 = arith.cmpf ogt, %abs3A_813, %gt3A_815 : vector<16xf32>
      %jit3A_817 = arith.constant 0.000000e+00 : f32
      %broadcast_in_dim3A_818 = vector.broadcast %jit3A_817 : f32 to vector<16xf32>
      %select_n3A_819 = arith.select %gt3A_816, %get3A_812, %broadcast_in_dim3A_818 : vector<16xi1>, vector<16xf32>
      %mul3A_820 = arith.mulf %select_n3A_819, %get3A_782 : vector<16xf32>
      %add3A_821 = arith.addf %add3A_775, %mul3A_820 : vector<16xf32>
      %mul3A_822 = arith.mulf %select_n3A_819, %get3A_787 : vector<16xf32>
      %add3A_823 = arith.addf %add3A_777, %mul3A_822 : vector<16xf32>
      %get3A_824 = arith.index_cast %select_n3A : i32 to index
      %get3A_825 = arith.index_cast %rem3A_734 : i32 to index
      %get3A_826 = arith.constant 32 : index
      %get3A_827 = tpu.vector_load %arg7[%get3A_824, %get3A_825, %get3A_826] {strides = array<i32>} : memref<2x64x64xf32, #tpu.memory_space<vmem>>, vector<1x1x16xf32>,
      %get3A_828 = vector.shape_cast %get3A_827 : vector<1x1x16xf32> to vector<16xf32>
      %get3A_829 = arith.index_cast %select_n3A : i32 to index
      %get3A_830 = arith.index_cast %rem3A_734 : i32 to index
      %get3A_831 = arith.constant 32 : index
      %get3A_832 = tpu.vector_load %arg8[%get3A_829, %get3A_830, %get3A_831] {strides = array<i32>} : memref<2x64x64xf32, #tpu.memory_space<vmem>>, vector<1x1x16xf32>,
      %get3A_833 = vector.shape_cast %get3A_832 : vector<1x1x16xf32> to vector<16xf32>
      %get3A_834 = arith.constant 0 : i32
      %get3A_835 = arith.index_cast %get3A_834 : i32 to index
      %get3A_836 = arith.index_cast %select_n3A : i32 to index
      %get3A_837 = arith.index_cast %rem3A_734 : i32 to index
      %get3A_838 = arith.constant 32 : index
      %get3A_839 = tpu.vector_load %arg9[%get3A_835, %get3A_836, %get3A_837, %get3A_838] {strides = array<i32>} : memref<2x2x64x64xf32, #tpu.memory_space<vmem>>, vector<1x1x1x16xf32>,
      %get3A_840 = vector.shape_cast %get3A_839 : vector<1x1x1x16xf32> to vector<16xf32>
      %abs3A_841 = math.absf %get3A_840 : vector<16xf32>
      %gt3A_842 = arith.constant 9.99999993E-9 : f32
      %gt3A_843 = vector.broadcast %gt3A_842 : f32 to vector<16xf32>
      %gt3A_844 = arith.cmpf ogt, %abs3A_841, %gt3A_843 : vector<16xf32>
      %jit3A_845 = arith.constant 0.000000e+00 : f32
      %broadcast_in_dim3A_846 = vector.broadcast %jit3A_845 : f32 to vector<16xf32>
      %select_n3A_847 = arith.select %gt3A_844, %get3A_840, %broadcast_in_dim3A_846 : vector<16xi1>, vector<16xf32>
      %mul3A_848 = arith.mulf %select_n3A_847, %get3A_828 : vector<16xf32>
      %add3A_849 = arith.addf %add3A_803, %mul3A_848 : vector<16xf32>
      %mul3A_850 = arith.mulf %select_n3A_847, %get3A_833 : vector<16xf32>
      %add3A_851 = arith.addf %add3A_805, %mul3A_850 : vector<16xf32>
      %get3A_852 = arith.constant 1 : i32
      %get3A_853 = arith.index_cast %get3A_852 : i32 to index
      %get3A_854 = arith.index_cast %select_n3A : i32 to index
      %get3A_855 = arith.index_cast %rem3A_734 : i32 to index
      %get3A_856 = arith.constant 32 : index
      %get3A_857 = tpu.vector_load %arg9[%get3A_853, %get3A_854, %get3A_855, %get3A_856] {strides = array<i32>} : memref<2x2x64x64xf32, #tpu.memory_space<vmem>>, vector<1x1x1x16xf32>,
      %get3A_858 = vector.shape_cast %get3A_857 : vector<1x1x1x16xf32> to vector<16xf32>
      %abs3A_859 = math.absf %get3A_858 : vector<16xf32>
      %gt3A_860 = arith.constant 9.99999993E-9 : f32
      %gt3A_861 = vector.broadcast %gt3A_860 : f32 to vector<16xf32>
      %gt3A_862 = arith.cmpf ogt, %abs3A_859, %gt3A_861 : vector<16xf32>
      %jit3A_863 = arith.constant 0.000000e+00 : f32
      %broadcast_in_dim3A_864 = vector.broadcast %jit3A_863 : f32 to vector<16xf32>
      %select_n3A_865 = arith.select %gt3A_862, %get3A_858, %broadcast_in_dim3A_864 : vector<16xi1>, vector<16xf32>
      %mul3A_866 = arith.mulf %select_n3A_865, %get3A_828 : vector<16xf32>
      %add3A_867 = arith.addf %add3A_821, %mul3A_866 : vector<16xf32>
      %mul3A_868 = arith.mulf %select_n3A_865, %get3A_833 : vector<16xf32>
      %add3A_869 = arith.addf %add3A_823, %mul3A_868 : vector<16xf32>
      %get3A_870 = arith.index_cast %select_n3A : i32 to index
      %get3A_871 = arith.index_cast %rem3A_734 : i32 to index
      %get3A_872 = arith.constant 48 : index
      %get3A_873 = tpu.vector_load %arg7[%get3A_870, %get3A_871, %get3A_872] {strides = array<i32>} : memref<2x64x64xf32, #tpu.memory_space<vmem>>, vector<1x1x16xf32>,
      %get3A_874 = vector.shape_cast %get3A_873 : vector<1x1x16xf32> to vector<16xf32>
      %get3A_875 = arith.index_cast %select_n3A : i32 to index
      %get3A_876 = arith.index_cast %rem3A_734 : i32 to index
      %get3A_877 = arith.constant 48 : index
      %get3A_878 = tpu.vector_load %arg8[%get3A_875, %get3A_876, %get3A_877] {strides = array<i32>} : memref<2x64x64xf32, #tpu.memory_space<vmem>>, vector<1x1x16xf32>,
      %get3A_879 = vector.shape_cast %get3A_878 : vector<1x1x16xf32> to vector<16xf32>
      %get3A_880 = arith.constant 0 : i32
      %get3A_881 = arith.index_cast %get3A_880 : i32 to index
      %get3A_882 = arith.index_cast %select_n3A : i32 to index
      %get3A_883 = arith.index_cast %rem3A_734 : i32 to index
      %get3A_884 = arith.constant 48 : index
      %get3A_885 = tpu.vector_load %arg9[%get3A_881, %get3A_882, %get3A_883, %get3A_884] {strides = array<i32>} : memref<2x2x64x64xf32, #tpu.memory_space<vmem>>, vector<1x1x1x16xf32>,
      %get3A_886 = vector.shape_cast %get3A_885 : vector<1x1x1x16xf32> to vector<16xf32>
      %abs3A_887 = math.absf %get3A_886 : vector<16xf32>
      %gt3A_888 = arith.constant 9.99999993E-9 : f32
      %gt3A_889 = vector.broadcast %gt3A_888 : f32 to vector<16xf32>
      %gt3A_890 = arith.cmpf ogt, %abs3A_887, %gt3A_889 : vector<16xf32>
      %jit3A_891 = arith.constant 0.000000e+00 : f32
      %broadcast_in_dim3A_892 = vector.broadcast %jit3A_891 : f32 to vector<16xf32>
      %select_n3A_893 = arith.select %gt3A_890, %get3A_886, %broadcast_in_dim3A_892 : vector<16xi1>, vector<16xf32>
      %mul3A_894 = arith.mulf %select_n3A_893, %get3A_874 : vector<16xf32>
      %add3A_895 = arith.addf %add3A_849, %mul3A_894 : vector<16xf32>
      %mul3A_896 = arith.mulf %select_n3A_893, %get3A_879 : vector<16xf32>
      %add3A_897 = arith.addf %add3A_851, %mul3A_896 : vector<16xf32>
      %get3A_898 = arith.constant 1 : i32
      %get3A_899 = arith.index_cast %get3A_898 : i32 to index
      %get3A_900 = arith.index_cast %select_n3A : i32 to index
      %get3A_901 = arith.index_cast %rem3A_734 : i32 to index
      %get3A_902 = arith.constant 48 : index
      %get3A_903 = tpu.vector_load %arg9[%get3A_899, %get3A_900, %get3A_901, %get3A_902] {strides = array<i32>} : memref<2x2x64x64xf32, #tpu.memory_space<vmem>>, vector<1x1x1x16xf32>,
      %get3A_904 = vector.shape_cast %get3A_903 : vector<1x1x1x16xf32> to vector<16xf32>
      %abs3A_905 = math.absf %get3A_904 : vector<16xf32>
      %gt3A_906 = arith.constant 9.99999993E-9 : f32
      %gt3A_907 = vector.broadcast %gt3A_906 : f32 to vector<16xf32>
      %gt3A_908 = arith.cmpf ogt, %abs3A_905, %gt3A_907 : vector<16xf32>
      %jit3A_909 = arith.constant 0.000000e+00 : f32
      %broadcast_in_dim3A_910 = vector.broadcast %jit3A_909 : f32 to vector<16xf32>
      %select_n3A_911 = arith.select %gt3A_908, %get3A_904, %broadcast_in_dim3A_910 : vector<16xi1>, vector<16xf32>
      %mul3A_912 = arith.mulf %select_n3A_911, %get3A_874 : vector<16xf32>
      %add3A_913 = arith.addf %add3A_867, %mul3A_912 : vector<16xf32>
      %mul3A_914 = arith.mulf %select_n3A_911, %get3A_879 : vector<16xf32>
      %add3A_915 = arith.addf %add3A_869, %mul3A_914 : vector<16xf32>
      scf.yield %add3A_895, %add3A_897, %add3A_913, %add3A_915 : vector<16xf32>, vector<16xf32>, vector<16xf32>, vector<16xf32>
    }
    %scan3A_687 = arith.constant 128 : i32
    %swap3A_688 = arith.constant 6 : i32
    %swap3A_689 = arith.index_cast %swap3A_688 : i32 to index
    %swap3A_690 = arith.constant 0 : index
    %swap3A_691 = tpu.vector_load %arg11[%swap3A_689, %swap3A_690] {strides = array<i32>} : memref<16x128xf32, #tpu.memory_space<vmem>>, vector<1x16xf32>,
    %swap3A_692 = vector.shape_cast %swap3A_691 : vector<1x16xf32> to vector<16xf32>
    %swap3A_693 = vector.shape_cast %scan3A_686#0 : vector<16xf32> to vector<1x16xf32>
    tpu.vector_store %arg11[%swap3A_689, %swap3A_690], %swap3A_693 {strides = array<i32>} : memref<16x128xf32, #tpu.memory_space<vmem>>, vector<1x16xf32>,
    %swap3A_694 = arith.constant 6 : i32
    %swap3A_695 = arith.index_cast %swap3A_694 : i32 to index
    %swap3A_696 = arith.constant 16 : index
    %swap3A_697 = tpu.vector_load %arg11[%swap3A_695, %swap3A_696] {strides = array<i32>} : memref<16x128xf32, #tpu.memory_space<vmem>>, vector<1x16xf32>,
    %swap3A_698 = vector.shape_cast %swap3A_697 : vector<1x16xf32> to vector<16xf32>
    %swap3A_699 = vector.shape_cast %scan3A_686#1 : vector<16xf32> to vector<1x16xf32>
    tpu.vector_store %arg11[%swap3A_695, %swap3A_696], %swap3A_699 {strides = array<i32>} : memref<16x128xf32, #tpu.memory_space<vmem>>, vector<1x16xf32>,
    %swap3A_700 = arith.constant 6 : i32
    %swap3A_701 = arith.index_cast %swap3A_700 : i32 to index
    %swap3A_702 = arith.constant 32 : index
    %swap3A_703 = tpu.vector_load %arg11[%swap3A_701, %swap3A_702] {strides = array<i32>} : memref<16x128xf32, #tpu.memory_space<vmem>>, vector<1x16xf32>,
    %swap3A_704 = vector.shape_cast %swap3A_703 : vector<1x16xf32> to vector<16xf32>
    %swap3A_705 = vector.shape_cast %scan3A_686#2 : vector<16xf32> to vector<1x16xf32>
    tpu.vector_store %arg11[%swap3A_701, %swap3A_702], %swap3A_705 {strides = array<i32>} : memref<16x128xf32, #tpu.memory_space<vmem>>, vector<1x16xf32>,
    %swap3A_706 = arith.constant 6 : i32
    %swap3A_707 = arith.index_cast %swap3A_706 : i32 to index
    %swap3A_708 = arith.constant 48 : index
    %swap3A_709 = tpu.vector_load %arg11[%swap3A_707, %swap3A_708] {strides = array<i32>} : memref<16x128xf32, #tpu.memory_space<vmem>>, vector<1x16xf32>,
    %swap3A_710 = vector.shape_cast %swap3A_709 : vector<1x16xf32> to vector<16xf32>
    %swap3A_711 = vector.shape_cast %scan3A_686#3 : vector<16xf32> to vector<1x16xf32>
    tpu.vector_store %arg11[%swap3A_707, %swap3A_708], %swap3A_711 {strides = array<i32>} : memref<16x128xf32, #tpu.memory_space<vmem>>, vector<1x16xf32>,
    "tpu.region"() ({
      %run_scoped3A_712 = tpu.sem_alloc : memref<!tpu.dma_semaphore, #tpu.memory_space<semaphore_mem>>
      %dma_start3A_713 = arith.constant 0 : i32
      %dma_start3A_714 = arith.constant 0 : i32
      %dma_start3A_715 = tpu.memref_slice %arg5[%add3A, %dma_start3A_713, %dma_start3A_714] : memref<32x16x128xf32, #tpu.memory_space<hbm>> -> memref<1x16x128xf32, #tpu.memory_space<hbm>>
      %dma_start3A_716 = tpu.memref_squeeze %dma_start3A_715 : memref<1x16x128xf32, #tpu.memory_space<hbm>> -> memref<16x128xf32, #tpu.memory_space<hbm>>
      %dma_start3A_717 = arith.constant 0 : i32
      %dma_start3A_718 = arith.constant 0 : i32
      %dma_start3A_719 = tpu.memref_slice %arg5[%add3A, %dma_start3A_717, %dma_start3A_718] : memref<32x16x128xf32, #tpu.memory_space<hbm>> -> memref<1x16x128xf32, #tpu.memory_space<hbm>>
      %dma_start3A_720 = tpu.memref_squeeze %dma_start3A_719 : memref<1x16x128xf32, #tpu.memory_space<hbm>> -> memref<16x128xf32, #tpu.memory_space<hbm>>
      tpu.enqueue_dma source(%arg11 : memref<16x128xf32, #tpu.memory_space<vmem>>) target(%dma_start3A_720 : memref<16x128xf32, #tpu.memory_space<hbm>>) target_semaphore(%run_scoped3A_712 : memref<!tpu.dma_semaphore, #tpu.memory_space<semaphore_mem>>)
      %dma_wait3A_721 = arith.constant 0 : i32
      %dma_wait3A_722 = arith.constant 0 : i32
      %dma_wait3A_723 = tpu.memref_slice %arg5[%add3A, %dma_wait3A_721, %dma_wait3A_722] : memref<32x16x128xf32, #tpu.memory_space<hbm>> -> memref<1x16x128xf32, #tpu.memory_space<hbm>>
      %dma_wait3A_724 = tpu.memref_squeeze %dma_wait3A_723 : memref<1x16x128xf32, #tpu.memory_space<hbm>> -> memref<16x128xf32, #tpu.memory_space<hbm>>
      %dma_wait3A_725 = arith.constant 0 : i32
      %dma_wait3A_726 = arith.constant 0 : i32
      %dma_wait3A_727 = tpu.memref_slice %arg5[%add3A, %dma_wait3A_725, %dma_wait3A_726] : memref<32x16x128xf32, #tpu.memory_space<hbm>> -> memref<1x16x128xf32, #tpu.memory_space<hbm>>
      %dma_wait3A_728 = tpu.memref_squeeze %dma_wait3A_727 : memref<1x16x128xf32, #tpu.memory_space<hbm>> -> memref<16x128xf32, #tpu.memory_space<hbm>>
      tpu.wait_dma2 semaphore(%run_scoped3A_712 : memref<!tpu.dma_semaphore, #tpu.memory_space<semaphore_mem>>) src(%arg11 : memref<16x128xf32, #tpu.memory_space<vmem>>) dst(%dma_wait3A_728 : memref<16x128xf32, #tpu.memory_space<hbm>>)
      tpu.yield
    }) : () -> ()
    return
  }
}

module attributes {stable_mosaic.version = 14 : i64} {
  func.func @_combine_body(%arg0: memref<32x16x128xf32, #tpu.memory_space<vmem>>, %arg1: memref<1x128xf32, #tpu.memory_space<vmem>>, %arg2: memref<1x128xf32, #tpu.memory_space<vmem>>) attributes {dimension_semantics = [], scalar_prefetch = 0 : i64, scratch_operands = 0 : i64, tpu.core_type = #tpu.core_type<tc>} {
    %get3A = arith.constant 0 : index
    %get3A_0 = arith.constant 0 : index
    %get3A_1 = arith.constant 0 : index
    %get3A_2 = vector.load %arg0[%get3A, %get3A_0, %get3A_1] : memref<32x16x128xf32, #tpu.memory_space<vmem>>, vector<32x16x128xf32>
    %reduce_sum3A = arith.constant dense<0.000000e+00> : vector<16x128xf32>
    %reduce_sum3A_3 = vector.multi_reduction <add>, %get3A_2, %reduce_sum3A [0] : vector<32x16x128xf32> to vector<16x128xf32>
    %reshape3A = vector.shape_cast %reduce_sum3A_3 : vector<16x128xf32> to vector<128x16xf32>
    %reduce_sum3A_4 = arith.constant dense<0.000000e+00> : vector<128xf32>
    %reduce_sum3A_5 = vector.multi_reduction <add>, %reshape3A, %reduce_sum3A_4 [1] : vector<128x16xf32> to vector<128xf32>
    %broadcast_in_dim3A = vector.shape_cast %reduce_sum3A_5 : vector<128xf32> to vector<1x128xf32>
    %get3A_6 = arith.constant 0 : index
    %get3A_7 = arith.constant 0 : index
    %get3A_8 = vector.load %arg1[%get3A_6, %get3A_7] : memref<1x128xf32, #tpu.memory_space<vmem>>, vector<1x128xf32>
    %add3A = arith.addf %broadcast_in_dim3A, %get3A_8 : vector<1x128xf32>
    %swap3A = arith.constant 0 : index
    %swap3A_9 = arith.constant 0 : index
    %swap3A_10 = vector.load %arg2[%swap3A, %swap3A_9] : memref<1x128xf32, #tpu.memory_space<vmem>>, vector<1x128xf32>
    tpu.vector_store %arg2[%swap3A, %swap3A_9], %add3A {strides = array<i32>} : memref<1x128xf32, #tpu.memory_space<vmem>>, vector<1x128xf32>,
    return
  }
}

module attributes {stable_mosaic.version = 14 : i64} {
  func.func @_tc_body(%arg0: i32, %arg1: memref<38x1x8x64x64xf32, #tpu.memory_space<vmem>>, %arg2: memref<1x1x8x64x64xf32, #tpu.memory_space<vmem>>, %arg3: memref<2x1x8x64x64xf32, #tpu.memory_space<vmem>>, %arg4: memref<1x2xf32, #tpu.memory_space<vmem>>, %arg5: memref<38x2xf32, #tpu.memory_space<vmem>>) attributes {dimension_semantics = [#tpu.dimension_semantics<arbitrary>], iteration_bounds = array<i64: 8>, scalar_prefetch = 0 : i64, scratch_operands = 0 : i64, tpu.core_type = #tpu.core_type<tc>, window_params = [{transform_indices = @transform_0, window_bounds = array<i64: 38, 1, 8, 64, 64>}, {transform_indices = @transform_1, window_bounds = array<i64: 1, 1, 8, 64, 64>}, {transform_indices = @transform_2, window_bounds = array<i64: 2, 1, 8, 64, 64>}, {pipeline_mode = #tpu.pipeline_mode<synchronous>, transform_indices = @transform_3, window_bounds = array<i64: 1, 2>}, {pipeline_mode = #tpu.pipeline_mode<synchronous>, transform_indices = @transform_4, window_bounds = array<i64: 38, 2>}]} {
    %get3A = arith.constant 0 : index
    %get3A_0 = arith.constant 0 : index
    %get3A_1 = arith.constant 0 : index
    %get3A_2 = arith.constant 0 : index
    %get3A_3 = arith.constant 0 : index
    %get3A_4 = vector.load %arg1[%get3A, %get3A_0, %get3A_1, %get3A_2, %get3A_3] : memref<38x1x8x64x64xf32, #tpu.memory_space<vmem>>, vector<38x1x8x64x64xf32>
    %abs3A = math.absf %get3A_4 : vector<38x1x8x64x64xf32>
    %gt3A = arith.constant 9.99999993E-9 : f32
    %gt3A_5 = vector.broadcast %gt3A : f32 to vector<38x1x8x64x64xf32>
    %gt3A_6 = arith.cmpf ogt, %abs3A, %gt3A_5 : vector<38x1x8x64x64xf32>
    %jit3A = arith.constant 0.000000e+00 : f32
    %broadcast_in_dim3A = vector.broadcast %jit3A : f32 to vector<38x1x8x64x64xf32>
    %select_n3A = arith.select %gt3A_6, %get3A_4, %broadcast_in_dim3A : vector<38x1x8x64x64xi1>, vector<38x1x8x64x64xf32>
    %get3A_7 = arith.constant 0 : index
    %get3A_8 = arith.constant 0 : index
    %get3A_9 = arith.constant 0 : index
    %get3A_10 = arith.constant 0 : index
    %get3A_11 = arith.constant 0 : index
    %get3A_12 = vector.load %arg2[%get3A_7, %get3A_8, %get3A_9, %get3A_10, %get3A_11] : memref<1x1x8x64x64xf32, #tpu.memory_space<vmem>>, vector<1x1x8x64x64xf32>
    %mul3A = vector.broadcast %get3A_12 : vector<1x1x8x64x64xf32> to vector<38x1x8x64x64xf32>
    %mul3A_13 = arith.mulf %select_n3A, %mul3A : vector<38x1x8x64x64xf32>
    %get3A_14 = arith.constant 0 : index
    %get3A_15 = arith.constant 0 : index
    %get3A_16 = arith.constant 0 : index
    %get3A_17 = arith.constant 0 : index
    %get3A_18 = arith.constant 0 : index
    %get3A_19 = vector.load %arg3[%get3A_14, %get3A_15, %get3A_16, %get3A_17, %get3A_18] : memref<2x1x8x64x64xf32, #tpu.memory_space<vmem>>, vector<1x1x8x64x64xf32>
    %mul3A_20 = vector.broadcast %get3A_19 : vector<1x1x8x64x64xf32> to vector<38x1x8x64x64xf32>
    %mul3A_21 = arith.mulf %mul3A_13, %mul3A_20 : vector<38x1x8x64x64xf32>
    %reduce_sum3A = arith.constant dense<0.000000e+00> : vector<38xf32>
    %reduce_sum3A_22 = vector.multi_reduction <add>, %mul3A_21, %reduce_sum3A [1, 2, 3, 4] : vector<38x1x8x64x64xf32> to vector<38xf32>
    %get3A_23 = arith.constant 1 : index
    %get3A_24 = arith.constant 0 : index
    %get3A_25 = arith.constant 0 : index
    %get3A_26 = arith.constant 0 : index
    %get3A_27 = arith.constant 0 : index
    %get3A_28 = vector.load %arg3[%get3A_23, %get3A_24, %get3A_25, %get3A_26, %get3A_27] : memref<2x1x8x64x64xf32, #tpu.memory_space<vmem>>, vector<1x1x8x64x64xf32>
    %mul3A_29 = vector.broadcast %get3A_28 : vector<1x1x8x64x64xf32> to vector<38x1x8x64x64xf32>
    %mul3A_30 = arith.mulf %mul3A_13, %mul3A_29 : vector<38x1x8x64x64xf32>
    %reduce_sum3A_31 = arith.constant dense<0.000000e+00> : vector<38xf32>
    %reduce_sum3A_32 = vector.multi_reduction <add>, %mul3A_30, %reduce_sum3A_31 [1, 2, 3, 4] : vector<38x1x8x64x64xf32> to vector<38xf32>
    %broadcast_in_dim3A_33 = vector.shape_cast %reduce_sum3A_22 : vector<38xf32> to vector<38x1xf32>
    %broadcast_in_dim3A_34 = vector.shape_cast %reduce_sum3A_32 : vector<38xf32> to vector<38x1xf32>
    %concatenate3A = tpu.concatenate %broadcast_in_dim3A_33, %broadcast_in_dim3A_34 in 1 : vector<38x1xf32>, vector<38x1xf32> -> vector<38x2xf32>
    %eq3A = arith.constant 0 : i32
    %eq3A_35 = arith.cmpi eq, %arg0, %eq3A : i32
    %convert_element_type3A = arith.extui %eq3A_35 : i1 to i32
    %cond3A = arith.constant 0 : i32
    %cond3A_36 = arith.cmpi ne, %convert_element_type3A, %cond3A : i32
    scf.if %cond3A_36 {
      %get3A_41 = arith.constant 0 : index
      %get3A_42 = arith.constant 0 : index
      %get3A_43 = vector.load %arg4[%get3A_41, %get3A_42] : memref<1x2xf32, #tpu.memory_space<vmem>>, vector<1x2xf32>
      %add3A = vector.broadcast %get3A_43 : vector<1x2xf32> to vector<38x2xf32>
      %add3A_44 = arith.addf %concatenate3A, %add3A : vector<38x2xf32>
      %swap3A = arith.constant 0 : index
      %swap3A_45 = arith.constant 0 : index
      %swap3A_46 = vector.load %arg5[%swap3A, %swap3A_45] : memref<38x2xf32, #tpu.memory_space<vmem>>, vector<38x2xf32>
      tpu.vector_store %arg5[%swap3A, %swap3A_45], %add3A_44 {strides = array<i32>} : memref<38x2xf32, #tpu.memory_space<vmem>>, vector<38x2xf32>,
    } else {
    }
    %ne3A = arith.constant 0 : i32
    %ne3A_37 = arith.cmpi ne, %arg0, %ne3A : i32
    %convert_element_type3A_38 = arith.extui %ne3A_37 : i1 to i32
    %cond3A_39 = arith.constant 0 : i32
    %cond3A_40 = arith.cmpi ne, %convert_element_type3A_38, %cond3A_39 : i32
    scf.if %cond3A_40 {
      %get3A_41 = arith.constant 0 : index
      %get3A_42 = arith.constant 0 : index
      %get3A_43 = vector.load %arg5[%get3A_41, %get3A_42] : memref<38x2xf32, #tpu.memory_space<vmem>>, vector<38x2xf32>
      %add3A = arith.addf %get3A_43, %concatenate3A : vector<38x2xf32>
      %swap3A = arith.constant 0 : index
      %swap3A_44 = arith.constant 0 : index
      %swap3A_45 = vector.load %arg5[%swap3A, %swap3A_44] : memref<38x2xf32, #tpu.memory_space<vmem>>, vector<38x2xf32>
      tpu.vector_store %arg5[%swap3A, %swap3A_44], %add3A {strides = array<i32>} : memref<38x2xf32, #tpu.memory_space<vmem>>, vector<38x2xf32>,
    } else {
    }
    return
  }
  func.func @transform_0(%arg0: i32) -> (i32, i32, i32, i32, i32) {
    %c0_i32 = arith.constant 0 : i32
    %c0_i32_0 = arith.constant 0 : i32
    %c0_i32_1 = arith.constant 0 : i32
    %c0_i32_2 = arith.constant 0 : i32
    %c0_i32_3 = arith.constant 0 : i32
    return %c0_i32, %c0_i32_0, %arg0, %c0_i32_1, %c0_i32_2 : i32, i32, i32, i32, i32
  }
  func.func @transform_1(%arg0: i32) -> (i32, i32, i32, i32, i32) {
    %c0_i32 = arith.constant 0 : i32
    %c0_i32_0 = arith.constant 0 : i32
    %c0_i32_1 = arith.constant 0 : i32
    %c0_i32_2 = arith.constant 0 : i32
    %c0_i32_3 = arith.constant 0 : i32
    return %c0_i32, %c0_i32_0, %arg0, %c0_i32_1, %c0_i32_2 : i32, i32, i32, i32, i32
  }
  func.func @transform_2(%arg0: i32) -> (i32, i32, i32, i32, i32) {
    %c0_i32 = arith.constant 0 : i32
    %c0_i32_0 = arith.constant 0 : i32
    %c0_i32_1 = arith.constant 0 : i32
    %c0_i32_2 = arith.constant 0 : i32
    %c0_i32_3 = arith.constant 0 : i32
    return %c0_i32, %c0_i32_0, %arg0, %c0_i32_1, %c0_i32_2 : i32, i32, i32, i32, i32
  }
  func.func @transform_3(%arg0: i32) -> (i32, i32) {
    %c0_i32 = arith.constant 0 : i32
    %c0_i32_0 = arith.constant 0 : i32
    %c0_i32_1 = arith.constant 0 : i32
    return %c0_i32, %c0_i32_0 : i32, i32
  }
  func.func @transform_4(%arg0: i32) -> (i32, i32) {
    %c0_i32 = arith.constant 0 : i32
    %c0_i32_0 = arith.constant 0 : i32
    %c0_i32_1 = arith.constant 0 : i32
    return %c0_i32, %c0_i32_0 : i32, i32
  }
}

</mosaic_0001>

<sc_bundles>
// kernel: kernel.5.cloned.1.call-start
scs
__scs_entry_jumppad:
0x0: {  	(pc) =	sbr.rel $0x88, $3  }
0x1: {  	(tag) =	ssettag $0x0;
	lr =	simm.s32 $0x1  }
0x2: {  	[smem:$0x3F9D] =	sst lr;
	_ =	strace $0xD0000000  }
0x3: {  	_ = 	snop  }
0x4: {  	_ = 	snop  }
0x5: {  	_ = 	snop  }
0x6: {  	_ = 	snop  }
0x7: {  	_ = 	snop  }
__scs_overlays_trampoline_lowered:
0x8: {  	[smem:$0x3FAC] =	sst s0  }
0x9: {  	[smem:$0x3FAD] =	sst s1  }
0xa: {  	[smem:$0x3FAE] =	sst s2  }
0xb: {  	[smem:$0x3FAF] =	sst s3  }
0xc: {  	[smem:$0x3FB0] =	sst s4  }
0xd: {  	[smem:$0x3FB1] =	sst s5  }
0xe: {  	[smem:$0x3FB2] =	sst s6  }
0xf: {  	[smem:$0x3FB3] =	sst s7  }
0x10: {  	[smem:$0x3FB4] =	sst s8  }
0x11: {  	[smem:$0x3FB5] =	sst s9;
	s0 =	simm.s32 @!p0 $0x0  }
0x12: {  	s1 =	sld [smem:$0x3F9B];
	s0 =	simm.s32 @p0 $0x1  }
0x13: {  	[smem:$0x3FB6] =	sst s0;
	s0 =	simm.s32 @!p1 $0x0  }
0x14: {  	s2 =	sld [smem:$0x3F9A];
	s0 =	simm.s32 @p1 $0x1  }
0x15: {  	[smem:$0x3FB7] =	sst s0;
	s0 =	simm.s32 @!p2 $0x0  }
0x16: {  	s3 =	sld [smem:$0x3FDB];
	s0 =	simm.s32 @p2 $0x1  }
0x17: {  	s4 =	simm.s32 $0x1BF5;
	[smem:$0x3FB9] =	sst s0  }
0x18: {  	s0 =	sld [smem:$0x3F9C];
	_ =	swait.ge [sflag:s4], $0x0  }
0x19: {  	s7 =	sld [smem:$0x3F9D]  }
0x1a: {  	s8 =	sadd.s32 $0xFFFFE003, lr  }
0x1b: {  	s9 =	sadd.s32 $0xFFFFFEF7, lr;
	s5 =	simm.s32 $0xFFFFFFFF;
	p2 =	slt.u32 s8, $0xFFFFF086  }
0x1c: {  	p1 =	slt.u32 s9, $0xF7A;
	s5 =	simm.s32 @!p2 $0x0  }
0x1d: {  	s5 =	simm.s32 @p1 $0x1;
	p0 =	seq.s32 s7, s2  }
0x1e: {  	s7 =	smul.u32 @!p0 $0xF7A, s2;
	p2 =	seq.s32 @!p0 s5, $0x0  }
0x1f: {  	s9 =	smul.u32 $0xF7A, s1;
	s8 =	simm.s32 @!p0 $0x1BF5;
	p2 =	por !p2, p0  }
0x20: {  	[sflag:s8] =	ssyncset.s32 @!p0 $0xFFFFF086;
	s6 =	sadd.s32 @!p0 s3, s7;
	s7 =	simm.s32 @!p0 $0x108  }
0x21: {  	s3 =	sadd.s32 s3, s9;
	s6 =	sadd.s32 @!p0 $0x88, s6;
	s7 =	simm.s32 @p2 $0x1082  }
0x22: {  	[simem:s7], [sflag:s8] =	dma.local @!p0 [hbm:s6], $0xF7A  }
0x23: {  	s9 =	sor.u32 $0xD0000000, s2;
	s6 =	simm.s32 $0x108;
	_ =	swait.ge @!p0 [sflag:s8], $0x0  }
0x24: {  	s3 =	sadd.s32 $0x88, s3;
	s6 =	simm.s32 @!p1 $0x1082;
	[sflag:s4] =	ssyncset.s32 $0xFFFFF086  }
0x25: {  	[simem:s6], [sflag:s4] =	dma.local [hbm:s3], $0xF7A  }
0x26: {  	[smem:$0x3F9D] =	sst s1;
	(tag) =	ssettag s2;
	_ =	strace s9  }
0x27: {  	s1 =	sld [smem:$0x3FAD]  }
0x28: {  	s2 =	sld [smem:$0x3FAE]  }
0x29: {  	s4 =	sld [smem:$0x3FB0]  }
0x2a: {  	p0 =	seq.s32 s5, $0x0;
	s5 =	sld [smem:$0x3FB1]  }
0x2b: {  	s6 =	sld [smem:$0x3FB2]  }
0x2c: {  	s7 =	sld [smem:$0x3FB3]  }
0x2d: {  	s3 =	simm.s32 $0x108;
	s8 =	sld [smem:$0x3FB4]  }
0x2e: {  	s3 =	simm.s32 @!p0 $0x1082;
	s9 =	sld [smem:$0x3FB5]  }
0x2f: {  	lr =	sadd.s32 s0, s3;
	s0 =	sld [smem:$0x3FAC]  }
0x30: {  	s3 =	sld [smem:$0x3FAF]  }
0x31: {  	[smem:$0x3FB8] =	sst s10  }
0x32: {  	s10 =	sld [smem:$0x3FB6];
	_ =	sdelay $0x3  }
0x33: {  	p0 =	seq.s32 s10, $0x1;
	s10 =	sld [smem:$0x3FB8];
	_ =	sdelay $0x3  }
0x34: {  	[smem:$0x3FB8] =	sst s10  }
0x35: {  	s10 =	sld [smem:$0x3FB7];
	_ =	sdelay $0x3  }
0x36: {  	p1 =	seq.s32 s10, $0x1;
	s10 =	sld [smem:$0x3FB8];
	_ =	sdelay $0x3  }
0x37: {  	[smem:$0x3FB8] =	sst s10  }
0x38: {  	s10 =	sld [smem:$0x3FB9]  }
0x39: {  	_ = 	snop;
	(pc) =	sbr.ind lr, $3  }
0x3a: {  	_ = 	snop  }
0x3b: {  	_ = 	snop  }
0x3c: {  	p2 =	seq.s32 s10, $0x1;
	s10 =	sld [smem:$0x3FB8]  }
0x3d: {  	_ =	shalt  }
0x3e: {  	_ =	shalt  }
0x3f: {  	_ =	shalt  }
0x40: {  	_ =	shalt  }
0x41: {  	_ =	shalt  }
0x42: {  	_ =	shalt  }
0x43: {  	_ =	shalt  }
0x44: {  	_ =	shalt  }
0x45: {  	_ =	shalt  }
0x46: {  	_ =	shalt  }
0x47: {  	_ =	shalt  }
0x48: {  	_ =	shalt  }
0x49: {  	_ =	shalt  }
0x4a: {  	_ =	shalt  }
0x4b: {  	_ =	shalt  }
0x4c: {  	_ =	shalt  }
0x4d: {  	_ =	shalt  }
0x4e: {  	_ =	shalt  }
0x4f: {  	_ =	shalt  }
0x50: {  	_ =	shalt  }
0x51: {  	_ =	shalt  }
0x52: {  	_ =	shalt  }
0x53: {  	_ =	shalt  }
0x54: {  	_ =	shalt  }
0x55: {  	_ =	shalt  }
0x56: {  	_ =	shalt  }
0x57: {  	_ =	shalt  }
0x58: {  	_ =	shalt  }
0x59: {  	_ =	shalt  }
0x5a: {  	_ =	shalt  }
0x5b: {  	_ =	shalt  }
0x5c: {  	_ =	shalt  }
0x5d: {  	_ =	shalt  }
0x5e: {  	_ =	shalt  }
0x5f: {  	_ =	shalt  }
0x60: {  	_ =	shalt  }
0x61: {  	_ =	shalt  }
0x62: {  	_ =	shalt  }
0x63: {  	_ =	shalt  }
0x64: {  	_ =	shalt  }
0x65: {  	_ =	shalt  }
0x66: {  	_ =	shalt  }
0x67: {  	_ =	shalt  }
0x68: {  	_ =	shalt  }
0x69: {  	_ =	shalt  }
0x6a: {  	_ =	shalt  }
0x6b: {  	_ =	shalt  }
0x6c: {  	_ =	shalt  }
0x6d: {  	_ =	shalt  }
0x6e: {  	_ =	shalt  }
0x6f: {  	_ =	shalt  }
0x70: {  	_ =	shalt  }
0x71: {  	_ =	shalt  }
0x72: {  	_ =	shalt  }
0x73: {  	_ =	shalt  }
0x74: {  	_ =	shalt  }
0x75: {  	_ =	shalt  }
0x76: {  	_ =	shalt  }
0x77: {  	_ =	shalt  }
0x78: {  	_ =	shalt  }
0x79: {  	_ =	shalt  }
0x7a: {  	_ =	shalt  }
0x7b: {  	_ =	shalt  }
0x7c: {  	_ =	shalt  }
0x7d: {  	_ =	shalt  }
0x7e: {  	_ =	shalt  }
0x7f: {  	_ =	shalt  }
0x80: {  	_ =	shalt  }
0x81: {  	_ =	shalt  }
0x82: {  	_ =	shalt  }
0x83: {  	_ =	shalt  }
0x84: {  	_ =	shalt  }
0x85: {  	_ =	shalt  }
0x86: {  	_ =	shalt  }
0x87: {  	_ =	shalt  }
.Lfunc_end0:
.L_simem_size_0:
called_computation_lowered:
.L_overlay_start_0:
0x88: {  	s2 =	sld [smem:$0x3FD9]  }
0x89: {  	s3 =	sld [smem:$0x3FFE];
	_ =	sdelay $0x1  }
0x8a: {  	s1 =	srdreg.scid  }
0x8b: {  	s0 =	sand.u32 $0x1, s1  }
0x8c: {  	s17 =	sshll.u32 s0, $0xA;
	s2 =	sadd.s32 s3, s2  }
0x8d: {  	s2 =	sadd.s32 s2, s17  }
0x8e: {  	[smem:$0x3FC4] =	sst s2  }
0x8f: {  	_ = 	snop  }
0x90: {  	s2 =	sld [smem:$0x3FC9]  }
0x91: {  	s18 =	sld [smem:$0x3FC8]  }
0x92: {  	s4 =	sld [smem:$0x3FC7];
	(tm) =	ssettm $0x1  }
0x93: {  	s5 =	sld [smem:$0x3FFB];
	_ =	sdelay $0x3  }
0x94: {  	_ =	strace s5  }
0x95: {  	s5 =	sld [smem:$0x3FFC];
	_ =	sdelay $0x3  }
0x96: {  	_ =	strace s5  }
0x97: {  	s5 =	sld [smem:$0x3FFD];
	_ =	sdelay $0x3  }
0x98: {  	_ =	strace s5  }
0x99: {  	_ =	strace $0x8FFFFFFF  }
0x9a: {  	s19 =	sld [smem:$0x3FDB];
	_ =	sdelay $0x1  }
0x9b: {  	s6 =	simm.s32 $_scs_section_size  }
0x9c: {  	s7 =	simm.s32 $_size__tile_overlayer_lowered;
	s8 =	simm.s32 $_tile_overlayer_lowered  }
0x9d: {  	s22 =	simm.s32 $0x1BFF;
	s21 =	sshll.u32 s8, $0x1;
	s5 =	sadd.s32 s6, s19  }
0x9e: {  	s9 =	simm.s32 $0x0;
	s20 =	sshll.u32 s7, $0x1;
	s7 =	sadd.s32 s21, s5  }
0x9f: {  	[timem:s9], [sflag:s22] =	dma.local [hbm:s7], s20  }
0xa0: {  	_ =	swait.ge [sflag:s22], s20  }
0xa1: {  	s6 =	ssub.s32 $0x0, s20;
	[sflag:s22] =	ssyncset.done $0x0  }
0xa2: {  	[sflag:s22] =	ssyncadd.s32 s6;
	_ =	sdelay $0x1  }
0xa3: {  	s23 =	simm.s32 $0x1B8B  }
0xa4: {  	_ =	swait.ge [sflag:s23], $0x1  }
0xa5: {  	[sflag:s23] =	ssyncset.done $0x0  }
0xa6: {  	s25 =	simm.s32 $0x1B8E;
	s24 =	sld [smem:$0x3FFE];
	[sflag:s23] =	ssyncadd.s32 $0xFFFFFFFF  }
0xa7: {  	s26 =	simm.s32 $execute0_lowered;
	[smem:$0x3FD2] =	sst s25  }
0xa8: {  	s7 =	sshll.u32 s26, $0x1;
	_ =	strace $0x80000046;
	[dreg:$0x1] =	wrdreg $0xFFFFFFFF  }
0xa9: {  	s28 =	simm.s32 $_size_execute0_lowered;
	s5 =	sadd.s32 s5, s7;
	[dreg:$0x0] =	wrdreg $0x0  }
0xaa: {  	s7 =	sshll.u32 s28, $0x1;
	[dreg:$0x2] =	wrdreg s5  }
0xab: {  	[dreg:$0x3] =	wrdreg s7  }
0xac: {  	[dreg:$0x4] =	wrdreg $0xC0  }
0xad: {  	_ =	task [dreg:s9], $0x5FFFF  }
0xae: {  	[dreg:$0x1] =	wrdreg $0xFFFFFFFF  }
0xaf: {  	[dreg:$0x0] =	wrdreg $0x60  }
0xb0: {  	[dreg:$0x2] =	wrdreg s2  }
0xb1: {  	[dreg:$0x3] =	wrdreg s18  }
0xb2: {  	[dreg:$0x4] =	wrdreg s4  }
0xb3: {  	[dreg:$0x5] =	wrdreg s24  }
0xb4: {  	[dreg:$0x6] =	wrdreg $0x9  }
0xb5: {  	_ =	task.clear_ibuf [dreg:s9], $0x7FFFF;
	_ =	strace $0x90000046  }
0xb6: {  	s29 =	simm.s32 $0x9;
	_ =	strace $0x80000048  }
0xb7: {  	_ =	swait.ge [sflag:s29], $0x1  }
0xb8: {  	[sflag:s29] =	ssyncadd.s32 $0xFFFFFFFF  }
0xb9: {  	_ =	strace $0x90000048  }
0xba: {  	_ =	sfence  }
0xbb: {  	s30 =	sld [smem:$0x0];
	_ =	sdelay $0x2  }
0xbc: {  	s31 =	sshll.u32 s1, $0xD;
	s1 =	sshrl.u32 s1, $0x2  }
0xbd: {  	s3 =	sand.u32 $0x4000, s31;
	s1 =	sadd.s32 s1, s30  }
0xbe: {  	s0 =	sor.u32 s3, s0;
	s1 =	sshll.u32 s1, $0x11  }
0xbf: {  	s0 =	sor.u32 s1, s0  }
0xc0: {  	s0 =	sadd.s32 $0x8F2B, s0  }
0xc1: {  	[sflag:s0] =	ssyncadd.remote.s32 $0x1  }
0xc2: {  	_ =	sfence.sel $0xFFFF  }
0xc3: {  	[dreg:$0x0] =	wrdreg $0xFFFFFFFF;
	(pc) =	sbr.abs _section_cstart, $3  }
0xc4: {  	[dreg:$0x1] =	wrdreg $0xFFFFFFFF  }
0xc5: {  	_ =	task.clear_ibuf [dreg:s9], $0x2FFFF;
	_ =	strace $0x9FFFFFFF  }
0xc6: {  	(tm) =	ssettm $0x7FFFFFFF  }
0xc7: {  	_ =	shalt  }
tec
execute0_lowered:
.L_overlay_start_1:
0x0: {  	(tag) =	ssettag $0x1  }
0x1: {  	s0 =	rddreg [dreg:$0x0]  }
0x2: {  	s1 =	rddreg [dreg:$0x1]  }
0x3: {  	s3 =	rddreg [dreg:$0x2]  }
0x4: {  	s4 =	rddreg [dreg:$0x3]  }
0x5: {  	s5 =	srdreg.scid;
	s6 =	stileid.u32;
	s2 =	simm.s32 $0x0  }
0x6: {  	s21 =	simm.s32 $0x3;
	s22 =	simm.s32 $0x4000;
	s24 =	simm.s32 $0x80000  }
0x7: {  	s25 =	simm.s32 $0xC000;
	s26 =	simm.s32 $0x1;
	s28 =	simm.s32 $0x14000  }
0x8: {  	s29 =	simm.s32 $0x2;
	s5 =	sand.u32 $0x1, s5;
	s6 =	sshll.u32 s6, $0x1  }
0x9: {  	s31 =	simm.s32 $0x0;
	[smem:$0x7FF] =	sst s2;
	s6 =	sor.u32 s5, s6  }
0xa: {  	_ =	strace $0x80000047;
	s5 =	ssub.s32 $0x2, s5;
	s7 =	sshll.u32 s6, $0x8  }
0xb: {  	s30 =	sshrl.u32 s5, $0x1;
	s6 =	sshll.u32 s6, $0xB;
	s4 =	sadd.s32 s7, s4  }
0xc: {  	s20 =	ssub.s32 s5, s30;
	s3 =	sadd.s32 s3, s6;
	s1 =	sadd.s32 s1, s6  }
0xd: {  	s0 =	sadd.s32 s6, s0;
	[dreg:$0x5] =	wrdreg s1;
	s5 =	sadd.s32 $0x10000, s3  }
0xe: {  	s6 =	sadd.s32 $0x260000, s0;
	s7 =	sadd.s32 $0x280000, s0;
	s8 =	sadd.s32 $0x2A0000, s0  }
0xf: {  	s9 =	sadd.s32 $0x2C0000, s0;
	s10 =	sadd.s32 $0x2E0000, s0;
	s11 =	sadd.s32 $0x300000, s0  }
0x10: {  	s12 =	sadd.s32 $0x320000, s0;
	s13 =	sadd.s32 $0x340000, s0;
	s14 =	sadd.s32 $0x360000, s0  }
0x11: {  	s15 =	sadd.s32 $0x380000, s0;
	s16 =	sadd.s32 $0x3A0000, s0;
	s17 =	sadd.s32 $0x3C0000, s0  }
0x12: {  	s18 =	sadd.s32 $0x3E0000, s0;
	s19 =	sadd.s32 $0x800, s4;
	s20 =	smax.u32 s20, $0x1  }
.LBB2_1:
0x13: {  	s0 =	rddreg [dreg:$0x5]  }
0x14: {  	[tilespmem:s2], [sflag:$0x3] =	stream.linear.gather [hbm4b:s0+s2], $0x4000, $0x38;
	[tilespmem:$0x1C800] =	vst v63  }
0x15: {  	_ =	swait.ge [sflag:s21], $0x4000  }
0x16: {  	[sflag:s21] =	ssyncset.done $0x0  }
0x17: {  	[sflag:s21] =	ssyncadd.s32 $0xFFFFC000  }
0x18: {  	[tilespmem:s22], [sflag:$0x3] =	stream.linear.gather [hbm4b:s3+s2], $0x4000, $0x38;
	[tilespmem:$0x1C800] =	vst v63  }
0x19: {  	_ =	swait.ge [sflag:s21], $0x4000  }
0x1a: {  	[sflag:s21] =	ssyncset.done $0x0  }
0x1b: {  	s23 =	simm.s32 $0x8000;
	[sflag:s21] =	ssyncadd.s32 $0xFFFFC000  }
0x1c: {  	[tilespmem:s23], [sflag:$0x3] =	stream.linear.gather [hbm4b:s5+s2], $0x4000, $0x38;
	[tilespmem:$0x1C800] =	vst v63  }
0x1d: {  	_ =	swait.ge [sflag:s21], $0x4000  }
0x1e: {  	[sflag:s21] =	ssyncset.done $0x0  }
0x1f: {  	s0 =	simm.s32 $0x80;
	[sflag:s21] =	ssyncadd.s32 $0xFFFFC000  }
0x20: {  	s1 =	simm.s32 $0x4080;
	v0 =	vld [tilespmem:s0+$0xFFFFFF80]  }
0x21: {  	v1 =	vld [tilespmem:s1+$0xFFFFFF80];
	_ =	sdelay $0x4  }
0x22: {  	v1 =	vmul.f32 v1, v0;
	_ =	sdelay $0x1  }
0x23: {  	s23 =	simm.s32 $0x8080;
	[tilespmem:s1+$0xFFFFFF80] =	vst v1  }
0x24: {  	v1 =	vld [tilespmem:s23+$0xFFFFFF80];
	_ =	sdelay $0x4  }
0x25: {  	v0 =	vmul.f32 v1, v0;
	_ =	sdelay $0x1  }
0x26: {  	[tilespmem:s23+$0xFFFFFF80] =	vst v0  }
0x27: {  	v0 =	vld [tilespmem:s0+$0xFFFFFF90]  }
0x28: {  	v1 =	vld [tilespmem:s1+$0xFFFFFF90];
	_ =	sdelay $0x4  }
0x29: {  	v1 =	vmul.f32 v1, v0;
	_ =	sdelay $0x1  }
0x2a: {  	[tilespmem:s1+$0xFFFFFF90] =	vst v1  }
0x2b: {  	v1 =	vld [tilespmem:s23+$0xFFFFFF90];
	_ =	sdelay $0x4  }
0x2c: {  	v0 =	vmul.f32 v1, v0;
	_ =	sdelay $0x1  }
0x2d: {  	[tilespmem:s23+$0xFFFFFF90] =	vst v0  }
0x2e: {  	v0 =	vld [tilespmem:s0+$0xFFFFFFA0]  }
0x2f: {  	v1 =	vld [tilespmem:s1+$0xFFFFFFA0];
	_ =	sdelay $0x4  }
0x30: {  	v1 =	vmul.f32 v1, v0;
	_ =	sdelay $0x1  }
0x31: {  	[tilespmem:s1+$0xFFFFFFA0] =	vst v1  }
0x32: {  	v1 =	vld [tilespmem:s23+$0xFFFFFFA0];
	_ =	sdelay $0x4  }
0x33: {  	v0 =	vmul.f32 v1, v0;
	_ =	sdelay $0x1  }
0x34: {  	[tilespmem:s23+$0xFFFFFFA0] =	vst v0  }
0x35: {  	v0 =	vld [tilespmem:s0+$0xFFFFFFB0]  }
0x36: {  	v1 =	vld [tilespmem:s1+$0xFFFFFFB0];
	_ =	sdelay $0x4  }
0x37: {  	v1 =	vmul.f32 v1, v0;
	_ =	sdelay $0x1  }
0x38: {  	[tilespmem:s1+$0xFFFFFFB0] =	vst v1  }
0x39: {  	v1 =	vld [tilespmem:s23+$0xFFFFFFB0];
	_ =	sdelay $0x4  }
0x3a: {  	v0 =	vmul.f32 v1, v0;
	_ =	sdelay $0x1  }
0x3b: {  	[tilespmem:s23+$0xFFFFFFB0] =	vst v0  }
0x3c: {  	v0 =	vld [tilespmem:s0+$0x0]  }
0x3d: {  	v1 =	vld [tilespmem:s1+$0x0];
	_ =	sdelay $0x4  }
0x3e: {  	v1 =	vmul.f32 v1, v0;
	_ =	sdelay $0x1  }
0x3f: {  	[tilespmem:s1+$0x0] =	vst v1  }
0x40: {  	v1 =	vld [tilespmem:s23+$0x0];
	_ =	sdelay $0x4  }
0x41: {  	v0 =	vmul.f32 v1, v0;
	_ =	sdelay $0x1  }
0x42: {  	[tilespmem:s23+$0x0] =	vst v0  }
0x43: {  	v0 =	vld [tilespmem:s0+$0x10]  }
0x44: {  	v1 =	vld [tilespmem:s1+$0x10];
	_ =	sdelay $0x4  }
0x45: {  	v1 =	vmul.f32 v1, v0;
	_ =	sdelay $0x1  }
0x46: {  	[tilespmem:s1+$0x10] =	vst v1  }
0x47: {  	v1 =	vld [tilespmem:s23+$0x10];
	_ =	sdelay $0x4  }
0x48: {  	v0 =	vmul.f32 v1, v0;
	_ =	sdelay $0x1  }
0x49: {  	[tilespmem:s23+$0x10] =	vst v0  }
0x4a: {  	v0 =	vld [tilespmem:s0+$0x20]  }
0x4b: {  	v1 =	vld [tilespmem:s1+$0x20];
	_ =	sdelay $0x4  }
0x4c: {  	v1 =	vmul.f32 v1, v0;
	_ =	sdelay $0x1  }
0x4d: {  	[tilespmem:s1+$0x20] =	vst v1  }
0x4e: {  	v1 =	vld [tilespmem:s23+$0x20];
	_ =	sdelay $0x4  }
0x4f: {  	v0 =	vmul.f32 v1, v0;
	_ =	sdelay $0x1  }
0x50: {  	[tilespmem:s23+$0x20] =	vst v0  }
0x51: {  	v0 =	vld [tilespmem:s0+$0x30]  }
0x52: {  	v1 =	vld [tilespmem:s1+$0x30];
	_ =	sdelay $0x4  }
0x53: {  	v1 =	vmul.f32 v1, v0;
	_ =	sdelay $0x1  }
0x54: {  	s30 =	simm.s32 $0x0;
	s4 =	simm.s32 $0x8180;
	[tilespmem:s1+$0x30] =	vst v1  }
.LBB2_2:
0x55: {  	s30 =	sadd.s32 $0x2, s30;
	v1 =	vld [tilespmem:s23+$0x30];
	s0 =	sadd.s32 $0x100, s0;
	s1 =	sadd.s32 $0x100, s1  }
0x56: {  	p0 =	slt.u32 s30, $0x7E;
	_ =	sdelay $0x3  }
0x57: {  	v0 =	vmul.f32 v1, v0;
	_ =	sdelay $0x1  }
0x58: {  	[tilespmem:s23+$0x30] =	vst v0;
	s23 =	smov.u32 s4  }
0x59: {  	v0 =	vld [tilespmem:s0+$0xFFFFFF80]  }
0x5a: {  	v1 =	vld [tilespmem:s1+$0xFFFFFF80];
	_ =	sdelay $0x4  }
0x5b: {  	v1 =	vmul.f32 v1, v0;
	_ =	sdelay $0x1  }
0x5c: {  	[tilespmem:s1+$0xFFFFFF80] =	vst v1  }
0x5d: {  	v1 =	vld [tilespmem:s4+$0xFFFFFF80];
	_ =	sdelay $0x4  }
0x5e: {  	v0 =	vmul.f32 v1, v0;
	_ =	sdelay $0x1  }
0x5f: {  	[tilespmem:s4+$0xFFFFFF80] =	vst v0  }
0x60: {  	v0 =	vld [tilespmem:s0+$0xFFFFFF90]  }
0x61: {  	v1 =	vld [tilespmem:s1+$0xFFFFFF90];
	_ =	sdelay $0x4  }
0x62: {  	v1 =	vmul.f32 v1, v0;
	_ =	sdelay $0x1  }
0x63: {  	[tilespmem:s1+$0xFFFFFF90] =	vst v1  }
0x64: {  	v1 =	vld [tilespmem:s4+$0xFFFFFF90];
	_ =	sdelay $0x4  }
0x65: {  	v0 =	vmul.f32 v1, v0;
	_ =	sdelay $0x1  }
0x66: {  	[tilespmem:s4+$0xFFFFFF90] =	vst v0  }
0x67: {  	v0 =	vld [tilespmem:s0+$0xFFFFFFA0]  }
0x68: {  	v1 =	vld [tilespmem:s1+$0xFFFFFFA0];
	_ =	sdelay $0x4  }
0x69: {  	v1 =	vmul.f32 v1, v0;
	_ =	sdelay $0x1  }
0x6a: {  	[tilespmem:s1+$0xFFFFFFA0] =	vst v1  }
0x6b: {  	v1 =	vld [tilespmem:s4+$0xFFFFFFA0];
	_ =	sdelay $0x4  }
0x6c: {  	v0 =	vmul.f32 v1, v0;
	_ =	sdelay $0x1  }
0x6d: {  	[tilespmem:s4+$0xFFFFFFA0] =	vst v0  }
0x6e: {  	v0 =	vld [tilespmem:s0+$0xFFFFFFB0]  }
0x6f: {  	v1 =	vld [tilespmem:s1+$0xFFFFFFB0];
	_ =	sdelay $0x4  }
0x70: {  	v1 =	vmul.f32 v1, v0;
	_ =	sdelay $0x1  }
0x71: {  	[tilespmem:s1+$0xFFFFFFB0] =	vst v1  }
0x72: {  	v1 =	vld [tilespmem:s4+$0xFFFFFFB0];
	_ =	sdelay $0x4  }
0x73: {  	v0 =	vmul.f32 v1, v0;
	_ =	sdelay $0x1  }
0x74: {  	[tilespmem:s4+$0xFFFFFFB0] =	vst v0  }
0x75: {  	v0 =	vld [tilespmem:s0+$0x0]  }
0x76: {  	v1 =	vld [tilespmem:s1+$0x0];
	_ =	sdelay $0x4  }
0x77: {  	v1 =	vmul.f32 v1, v0;
	_ =	sdelay $0x1  }
0x78: {  	[tilespmem:s1+$0x0] =	vst v1  }
0x79: {  	v1 =	vld [tilespmem:s4+$0x0];
	_ =	sdelay $0x4  }
0x7a: {  	v0 =	vmul.f32 v1, v0;
	_ =	sdelay $0x1  }
0x7b: {  	[tilespmem:s4+$0x0] =	vst v0  }
0x7c: {  	v0 =	vld [tilespmem:s0+$0x10]  }
0x7d: {  	v1 =	vld [tilespmem:s1+$0x10];
	_ =	sdelay $0x4  }
0x7e: {  	v1 =	vmul.f32 v1, v0;
	_ =	sdelay $0x1  }
0x7f: {  	[tilespmem:s1+$0x10] =	vst v1  }
0x80: {  	v1 =	vld [tilespmem:s4+$0x10];
	_ =	sdelay $0x4  }
0x81: {  	v0 =	vmul.f32 v1, v0;
	_ =	sdelay $0x1  }
0x82: {  	[tilespmem:s4+$0x10] =	vst v0  }
0x83: {  	v0 =	vld [tilespmem:s0+$0x20]  }
0x84: {  	v1 =	vld [tilespmem:s1+$0x20];
	_ =	sdelay $0x4  }
0x85: {  	v1 =	vmul.f32 v1, v0;
	_ =	sdelay $0x1  }
0x86: {  	[tilespmem:s1+$0x20] =	vst v1  }
0x87: {  	v1 =	vld [tilespmem:s4+$0x20];
	_ =	sdelay $0x4  }
0x88: {  	v0 =	vmul.f32 v1, v0;
	_ =	sdelay $0x1  }
0x89: {  	[tilespmem:s4+$0x20] =	vst v0  }
0x8a: {  	v0 =	vld [tilespmem:s0+$0x30]  }
0x8b: {  	v1 =	vld [tilespmem:s1+$0x30];
	_ =	sdelay $0x2  }
.Ltmp0:
0x8c: {  	(pc) =	sbr.rel @p0 .LBB2_2-.Ltmp0, $3  }
0x8d: {  	_ = 	snop  }
0x8e: {  	v1 =	vmul.f32 v1, v0;
	_ =	sdelay $0x1  }
0x8f: {  	s4 =	sadd.s32 $0x100, s4;
	[tilespmem:s1+$0x30] =	vst v1  }
0x90: {  	v1 =	vld [tilespmem:s23+$0x30];
	_ =	sdelay $0x4  }
0x91: {  	v0 =	vmul.f32 v1, v0;
	_ =	sdelay $0x1  }
0x92: {  	[tilespmem:s23+$0x30] =	vst v0  }
0x93: {  	[tilespmem:s25], [sflag:$0x1] =	stream.strided.gather [hbm4b:s6+s22], $0x8000, s24, s22, $0x38;
	[tilespmem:$0x1C800] =	vst v63  }
0x94: {  	_ =	swait.ge [sflag:s26], $0x8000  }
0x95: {  	[sflag:s26] =	ssyncset.done $0x0  }
0x96: {  	s0 =	simm.s32 $0x0;
	[sflag:s26] =	ssyncadd.s32 $0xFFFF8000  }
0x97: {  	[tilespmem:s28], [sflag:$0x2] =	stream.strided.gather [hbm4b:s7+s22], $0x8000, s24, s22, $0x38;
	[tilespmem:$0x1C800] =	vst v63  }
0x98: {  	v5 =	vld [tilespmem:s0+$0xC030]  }
0x99: {  	v6 =	vld [tilespmem:s0+$0x10030]  }
0x9a: {  	v11 =	vld [tilespmem:s0+$0xC020]  }
0x9b: {  	v10 =	vld [tilespmem:s0+$0x10020]  }
0x9c: {  	v8 =	vld [tilespmem:s0+$0xC010]  }
0x9d: {  	v2 =	vld [tilespmem:s0+$0x10010]  }
0x9e: {  	v13 =	vld [tilespmem:s0+$0xC000]  }
0x9f: {  	v0 =	vld [tilespmem:s0+$0x4030]  }
0xa0: {  	v9 =	vld [tilespmem:s0+$0x10000]  }
0xa1: {  	v7 =	vimm.f32 $0.0e+00;
	v15 =	vimm.f32 $0.0e+00;
	v1 =	vld [tilespmem:s0+$0x8030]  }
0xa2: {  	v14 =	vimm.f32 $0.0e+00;
	v12 =	vimm.f32 $0.0e+00;
	v3 =	vld [tilespmem:s0+$0x4020];
	v21 =	vand.u32 $0x7FFFFFFF, v5  }
0xa3: {  	v4 =	vld [tilespmem:s0+$0x8020];
	v17 =	vand.u32 $0x7FFFFFFF, v11;
	v18 =	vand.u32 $0x7FFFFFFF, v10;
	v22 =	vand.u32 $0x7FFFFFFF, v6  }
0xa4: {  	s1 =	simm.s32 $0x200;
	v16 =	vld [tilespmem:s0+$0x4010];
	v19 =	vand.u32 $0x7FFFFFFF, v13;
	v23 =	vand.u32 $0x7FFFFFFF, v8;
	v20 =	vand.u32 $0x7FFFFFFF, v2  }
.LBB2_4:
0xa5: {  	p0 =	sne.s32 s1, $0xFE00;
	v24 =	vand.u32 $0x7FFFFFFF, v9;
	v25 =	vld [tilespmem:s0+$0x8010];
	vm0 =	vgt.f32 v21, $9.999999930e-09;
	vm1 =	vgt.f32 v22, $9.999999930e-09  }
0xa6: {  	vm2 =	vgt.f32 v23, $9.999999930e-09;
	vm3 =	vgt.f32 v17, $9.999999930e-09;
	vm4 =	vgt.f32 v18, $9.999999930e-09;
	v21 =	vld [tilespmem:s0+$0x4000]  }
0xa7: {  	vm5 =	vgt.f32 v19, $9.999999930e-09;
	vm7 =	vgt.f32 v20, $9.999999930e-09;
	vm6 =	vgt.f32 v24, $9.999999930e-09;
	v17 =	vld [tilespmem:s0+$0x8000]  }
0xa8: {  	v11 =	vnsel vm3, $0x0, v11;
	v5 =	vnsel vm0, $0x0, v5;
	v18 =	vnsel vm1, $0x0, v6  }
0xa9: {  	v19 =	vnsel vm4, $0x0, v10;
	v20 =	vmul.f32 v5, v0;
	v22 =	vmul.f32 v5, v1  }
0xaa: {  	s0 =	sshra.s32 s1, $0x2;
	v5 =	vnsel vm2, $0x0, v8;
	v23 =	vmul.f32 v11, v3;
	v24 =	vmul.f32 v11, v4  }
0xab: {  	v6 =	vnsel vm5, $0x0, v13;
	v13 =	vmul.f32 v5, v16;
	v27 =	vmul.f32 v5, v25;
	v26 =	vld [tilespmem:s0+$0x4030]  }
0xac: {  	v9 =	vnsel vm6, $0x0, v9;
	v8 =	vmul.f32 v6, v21;
	v5 =	vld [tilespmem:s0+$0xC030];
	v10 =	vmul.f32 v6, v17  }
0xad: {  	v2 =	vnsel vm7, $0x0, v2;
	v21 =	vmul.f32 v9, v21;
	v9 =	vmul.f32 v9, v17;
	v6 =	vld [tilespmem:s0+$0x10030]  }
0xae: {  	v16 =	vmul.f32 v2, v16;
	v7 =	vadd.f32 v8, v7;
	v11 =	vld [tilespmem:s0+$0xC020];
	v15 =	vadd.f32 v10, v15  }
0xaf: {  	v14 =	vadd.f32 v21, v14;
	v9 =	vadd.f32 v9, v12;
	v12 =	vmul.f32 v2, v25;
	v10 =	vld [tilespmem:s0+$0x10020]  }
0xb0: {  	v3 =	vmul.f32 v19, v3;
	v7 =	vadd.f32 v13, v7;
	v8 =	vld [tilespmem:s0+$0xC010];
	v15 =	vadd.f32 v27, v15  }
0xb1: {  	v4 =	vmul.f32 v19, v4;
	v14 =	vadd.f32 v16, v14;
	v12 =	vadd.f32 v12, v9;
	v2 =	vld [tilespmem:s0+$0x10010]  }
0xb2: {  	v16 =	vmul.f32 v18, v0;
	v0 =	vmovc v26;
	v7 =	vadd.f32 v23, v7;
	v13 =	vld [tilespmem:s0+$0xC000];
	v15 =	vadd.f32 v24, v15  }
.Ltmp1:
0xb3: {  	v14 =	vadd.f32 v3, v14;
	v4 =	vadd.f32 v4, v12;
	v12 =	vmul.f32 v18, v1;
	v9 =	vld [tilespmem:s0+$0x10000];
	(pc) =	sbr.rel @p0 .LBB2_4-.Ltmp1, $4  }
0xb4: {  	v7 =	vadd.f32 v20, v7;
	v1 =	vld [tilespmem:s0+$0x8030];
	v15 =	vadd.f32 v22, v15  }
0xb5: {  	v21 =	vand.u32 $0x7FFFFFFF, v5;
	v14 =	vadd.f32 v16, v14;
	v12 =	vadd.f32 v12, v4;
	v3 =	vld [tilespmem:s0+$0x4020]  }
0xb6: {  	v17 =	vand.u32 $0x7FFFFFFF, v11;
	v18 =	vand.u32 $0x7FFFFFFF, v10;
	v22 =	vand.u32 $0x7FFFFFFF, v6;
	v4 =	vld [tilespmem:s0+$0x8020]  }
0xb7: {  	s1 =	sadd.s32 $0x200, s1;
	v23 =	vand.u32 $0x7FFFFFFF, v8;
	v20 =	vand.u32 $0x7FFFFFFF, v2;
	v19 =	vand.u32 $0x7FFFFFFF, v13;
	v16 =	vld [tilespmem:s0+$0x4010]  }
0xb8: {  	v24 =	vand.u32 $0x7FFFFFFF, v9;
	vm0 =	vgt.f32 v21, $9.999999930e-09  }
0xb9: {  	vm1 =	vgt.f32 v22, $9.999999930e-09;
	v21 =	vld [tilespmem:s0+$0x4000];
	vm2 =	vgt.f32 v23, $9.999999930e-09;
	vm3 =	vgt.f32 v17, $9.999999930e-09  }
0xba: {  	vm4 =	vgt.f32 v18, $9.999999930e-09;
	v17 =	vld [tilespmem:s0+$0x8000];
	vm5 =	vgt.f32 v19, $9.999999930e-09;
	vm7 =	vgt.f32 v20, $9.999999930e-09  }
0xbb: {  	vm6 =	vgt.f32 v24, $9.999999930e-09;
	v11 =	vnsel vm3, $0x0, v11;
	v5 =	vnsel vm0, $0x0, v5  }
0xbc: {  	v18 =	vld [tilespmem:s0+$0x8010];
	v6 =	vnsel vm1, $0x0, v6;
	v10 =	vnsel vm4, $0x0, v10;
	v13 =	vnsel vm5, $0x0, v13  }
0xbd: {  	v8 =	vnsel vm2, $0x0, v8;
	v19 =	vmul.f32 v5, v0;
	v5 =	vmul.f32 v5, v1  }
0xbe: {  	v2 =	vnsel vm7, $0x0, v2;
	v20 =	vmul.f32 v11, v3;
	v22 =	vmul.f32 v13, v21  }
0xbf: {  	v9 =	vnsel vm6, $0x0, v9;
	v11 =	vmul.f32 v11, v4;
	v13 =	vmul.f32 v13, v17  }
0xc0: {  	v23 =	vmul.f32 v8, v16;
	v21 =	vmul.f32 v9, v21;
	v7 =	vadd.f32 v22, v7  }
0xc1: {  	v8 =	vmul.f32 v8, v18;
	v9 =	vmul.f32 v9, v17;
	v13 =	vadd.f32 v13, v15  }
0xc2: {  	v15 =	vmul.f32 v2, v16;
	v14 =	vadd.f32 v21, v14;
	v7 =	vadd.f32 v23, v7  }
0xc3: {  	v9 =	vadd.f32 v9, v12;
	v2 =	vmul.f32 v2, v18;
	v8 =	vadd.f32 v8, v13  }
0xc4: {  	v3 =	vmul.f32 v10, v3;
	v12 =	vadd.f32 v15, v14;
	v7 =	vadd.f32 v20, v7  }
0xc5: {  	v4 =	vmul.f32 v10, v4;
	v2 =	vadd.f32 v2, v9;
	v8 =	vadd.f32 v11, v8  }
0xc6: {  	v0 =	vmul.f32 v6, v0;
	v3 =	vadd.f32 v3, v12;
	v7 =	vadd.f32 v19, v7  }
0xc7: {  	v1 =	vmul.f32 v6, v1;
	v2 =	vadd.f32 v4, v2;
	v4 =	vadd.f32 v5, v8  }
0xc8: {  	v0 =	vadd.f32 v0, v3;
	[tilespmem:$0x1C000] =	vst v7  }
0xc9: {  	v1 =	vadd.f32 v1, v2;
	[tilespmem:$0x1C010] =	vst v4  }
0xca: {  	[tilespmem:$0x1C020] =	vst v0  }
0xcb: {  	[tilespmem:$0x1C030] =	vst v1  }
0xcc: {  	_ =	swait.ge [sflag:s29], $0x8000  }
0xcd: {  	[sflag:s29] =	ssyncset.done $0x0  }
0xce: {  	s0 =	simm.s32 $0x0;
	[sflag:s29] =	ssyncadd.s32 $0xFFFF8000  }
0xcf: {  	[tilespmem:s25], [sflag:$0x1] =	stream.strided.gather [hbm4b:s8+s22], $0x8000, s24, s22, $0x38;
	[tilespmem:$0x1C800] =	vst v63  }
0xd0: {  	v5 =	vld [tilespmem:s0+$0x14030]  }
0xd1: {  	v6 =	vld [tilespmem:s0+$0x18030]  }
0xd2: {  	v11 =	vld [tilespmem:s0+$0x14020]  }
0xd3: {  	v10 =	vld [tilespmem:s0+$0x18020]  }
0xd4: {  	v8 =	vld [tilespmem:s0+$0x14010]  }
0xd5: {  	v2 =	vld [tilespmem:s0+$0x18010]  }
0xd6: {  	v13 =	vld [tilespmem:s0+$0x14000]  }
0xd7: {  	v0 =	vld [tilespmem:s0+$0x4030]  }
0xd8: {  	v9 =	vld [tilespmem:s0+$0x18000]  }
0xd9: {  	v15 =	vimm.f32 $0.0e+00;
	v14 =	vimm.f32 $0.0e+00;
	v1 =	vld [tilespmem:s0+$0x8030]  }
0xda: {  	v12 =	vimm.f32 $0.0e+00;
	v7 =	vimm.f32 $0.0e+00;
	v3 =	vld [tilespmem:s0+$0x4020];
	v21 =	vand.u32 $0x7FFFFFFF, v5  }
0xdb: {  	v4 =	vld [tilespmem:s0+$0x8020];
	v17 =	vand.u32 $0x7FFFFFFF, v11;
	v18 =	vand.u32 $0x7FFFFFFF, v10;
	v22 =	vand.u32 $0x7FFFFFFF, v6  }
0xdc: {  	s1 =	simm.s32 $0x200;
	v16 =	vld [tilespmem:s0+$0x4010];
	v19 =	vand.u32 $0x7FFFFFFF, v13;
	v23 =	vand.u32 $0x7FFFFFFF, v8;
	v20 =	vand.u32 $0x7FFFFFFF, v2  }
.LBB2_6:
0xdd: {  	p0 =	sne.s32 s1, $0xFE00;
	v24 =	vand.u32 $0x7FFFFFFF, v9;
	v25 =	vld [tilespmem:s0+$0x8010];
	vm0 =	vgt.f32 v21, $9.999999930e-09;
	vm1 =	vgt.f32 v22, $9.999999930e-09  }
0xde: {  	vm2 =	vgt.f32 v23, $9.999999930e-09;
	vm3 =	vgt.f32 v17, $9.999999930e-09;
	vm4 =	vgt.f32 v18, $9.999999930e-09;
	v21 =	vld [tilespmem:s0+$0x4000]  }
0xdf: {  	vm5 =	vgt.f32 v19, $9.999999930e-09;
	vm7 =	vgt.f32 v20, $9.999999930e-09;
	vm6 =	vgt.f32 v24, $9.999999930e-09;
	v17 =	vld [tilespmem:s0+$0x8000]  }
0xe0: {  	v11 =	vnsel vm3, $0x0, v11;
	v5 =	vnsel vm0, $0x0, v5;
	v18 =	vnsel vm1, $0x0, v6  }
0xe1: {  	v19 =	vnsel vm4, $0x0, v10;
	v20 =	vmul.f32 v5, v0;
	v22 =	vmul.f32 v5, v1  }
0xe2: {  	s0 =	sshra.s32 s1, $0x2;
	v5 =	vnsel vm2, $0x0, v8;
	v23 =	vmul.f32 v11, v3;
	v24 =	vmul.f32 v11, v4  }
0xe3: {  	v6 =	vnsel vm5, $0x0, v13;
	v13 =	vmul.f32 v5, v16;
	v27 =	vmul.f32 v5, v25;
	v26 =	vld [tilespmem:s0+$0x4030]  }
0xe4: {  	v9 =	vnsel vm6, $0x0, v9;
	v8 =	vmul.f32 v6, v21;
	v5 =	vld [tilespmem:s0+$0x14030];
	v10 =	vmul.f32 v6, v17  }
0xe5: {  	v2 =	vnsel vm7, $0x0, v2;
	v21 =	vmul.f32 v9, v21;
	v9 =	vmul.f32 v9, v17;
	v6 =	vld [tilespmem:s0+$0x18030]  }
0xe6: {  	v16 =	vmul.f32 v2, v16;
	v7 =	vadd.f32 v8, v7;
	v11 =	vld [tilespmem:s0+$0x14020];
	v15 =	vadd.f32 v10, v15  }
0xe7: {  	v14 =	vadd.f32 v21, v14;
	v9 =	vadd.f32 v9, v12;
	v12 =	vmul.f32 v2, v25;
	v10 =	vld [tilespmem:s0+$0x18020]  }
0xe8: {  	v3 =	vmul.f32 v19, v3;
	v7 =	vadd.f32 v13, v7;
	v8 =	vld [tilespmem:s0+$0x14010];
	v15 =	vadd.f32 v27, v15  }
0xe9: {  	v4 =	vmul.f32 v19, v4;
	v14 =	vadd.f32 v16, v14;
	v12 =	vadd.f32 v12, v9;
	v2 =	vld [tilespmem:s0+$0x18010]  }
0xea: {  	v16 =	vmul.f32 v18, v0;
	v0 =	vmovc v26;
	v7 =	vadd.f32 v23, v7;
	v13 =	vld [tilespmem:s0+$0x14000];
	v15 =	vadd.f32 v24, v15  }
.Ltmp2:
0xeb: {  	v14 =	vadd.f32 v3, v14;
	v4 =	vadd.f32 v4, v12;
	v12 =	vmul.f32 v18, v1;
	v9 =	vld [tilespmem:s0+$0x18000];
	(pc) =	sbr.rel @p0 .LBB2_6-.Ltmp2, $4  }
0xec: {  	v7 =	vadd.f32 v20, v7;
	v1 =	vld [tilespmem:s0+$0x8030];
	v15 =	vadd.f32 v22, v15  }
0xed: {  	v21 =	vand.u32 $0x7FFFFFFF, v5;
	v14 =	vadd.f32 v16, v14;
	v12 =	vadd.f32 v12, v4;
	v3 =	vld [tilespmem:s0+$0x4020]  }
0xee: {  	v17 =	vand.u32 $0x7FFFFFFF, v11;
	v18 =	vand.u32 $0x7FFFFFFF, v10;
	v22 =	vand.u32 $0x7FFFFFFF, v6;
	v4 =	vld [tilespmem:s0+$0x8020]  }
0xef: {  	s1 =	sadd.s32 $0x200, s1;
	v23 =	vand.u32 $0x7FFFFFFF, v8;
	v20 =	vand.u32 $0x7FFFFFFF, v2;
	v19 =	vand.u32 $0x7FFFFFFF, v13;
	v16 =	vld [tilespmem:s0+$0x4010]  }
0xf0: {  	v24 =	vand.u32 $0x7FFFFFFF, v9;
	vm0 =	vgt.f32 v21, $9.999999930e-09  }
0xf1: {  	vm1 =	vgt.f32 v22, $9.999999930e-09;
	v21 =	vld [tilespmem:s0+$0x4000];
	vm2 =	vgt.f32 v23, $9.999999930e-09;
	vm3 =	vgt.f32 v17, $9.999999930e-09  }
0xf2: {  	vm4 =	vgt.f32 v18, $9.999999930e-09;
	v17 =	vld [tilespmem:s0+$0x8000];
	vm5 =	vgt.f32 v19, $9.999999930e-09;
	vm7 =	vgt.f32 v20, $9.999999930e-09  }
0xf3: {  	vm6 =	vgt.f32 v24, $9.999999930e-09;
	v11 =	vnsel vm3, $0x0, v11;
	v5 =	vnsel vm0, $0x0, v5  }
0xf4: {  	v18 =	vld [tilespmem:s0+$0x8010];
	v6 =	vnsel vm1, $0x0, v6;
	v10 =	vnsel vm4, $0x0, v10;
	v13 =	vnsel vm5, $0x0, v13  }
0xf5: {  	v8 =	vnsel vm2, $0x0, v8;
	v19 =	vmul.f32 v5, v0;
	v5 =	vmul.f32 v5, v1  }
0xf6: {  	v2 =	vnsel vm7, $0x0, v2;
	v20 =	vmul.f32 v11, v3;
	v22 =	vmul.f32 v13, v21  }
0xf7: {  	v9 =	vnsel vm6, $0x0, v9;
	v11 =	vmul.f32 v11, v4;
	v13 =	vmul.f32 v13, v17  }
0xf8: {  	v23 =	vmul.f32 v8, v16;
	v21 =	vmul.f32 v9, v21;
	v7 =	vadd.f32 v22, v7  }
0xf9: {  	v8 =	vmul.f32 v8, v18;
	v9 =	vmul.f32 v9, v17;
	v13 =	vadd.f32 v13, v15  }
0xfa: {  	v15 =	vmul.f32 v2, v16;
	v14 =	vadd.f32 v21, v14;
	v7 =	vadd.f32 v23, v7  }
0xfb: {  	v9 =	vadd.f32 v9, v12;
	v2 =	vmul.f32 v2, v18;
	v8 =	vadd.f32 v8, v13  }
0xfc: {  	v3 =	vmul.f32 v10, v3;
	v12 =	vadd.f32 v15, v14;
	v7 =	vadd.f32 v20, v7  }
0xfd: {  	v4 =	vmul.f32 v10, v4;
	v2 =	vadd.f32 v2, v9;
	v8 =	vadd.f32 v11, v8  }
0xfe: {  	v0 =	vmul.f32 v6, v0;
	v3 =	vadd.f32 v3, v12;
	v7 =	vadd.f32 v19, v7  }
0xff: {  	v1 =	vmul.f32 v6, v1;
	v2 =	vadd.f32 v4, v2;
	v4 =	vadd.f32 v5, v8  }
0x100: {  	v0 =	vadd.f32 v0, v3;
	[tilespmem:$0x1C040] =	vst v7  }
0x101: {  	v1 =	vadd.f32 v1, v2;
	[tilespmem:$0x1C050] =	vst v4  }
0x102: {  	[tilespmem:$0x1C060] =	vst v0  }
0x103: {  	[tilespmem:$0x1C070] =	vst v1  }
0x104: {  	_ =	swait.ge [sflag:s26], $0x8000  }
0x105: {  	[sflag:s26] =	ssyncset.done $0x0  }
0x106: {  	s0 =	simm.s32 $0x0;
	[sflag:s26] =	ssyncadd.s32 $0xFFFF8000  }
0x107: {  	[tilespmem:s28], [sflag:$0x2] =	stream.strided.gather [hbm4b:s9+s22], $0x8000, s24, s22, $0x38;
	[tilespmem:$0x1C800] =	vst v63  }
0x108: {  	v5 =	vld [tilespmem:s0+$0xC030]  }
0x109: {  	v6 =	vld [tilespmem:s0+$0x10030]  }
0x10a: {  	v11 =	vld [tilespmem:s0+$0xC020]  }
0x10b: {  	v10 =	vld [tilespmem:s0+$0x10020]  }
0x10c: {  	v8 =	vld [tilespmem:s0+$0xC010]  }
0x10d: {  	v2 =	vld [tilespmem:s0+$0x10010]  }
0x10e: {  	v13 =	vld [tilespmem:s0+$0xC000]  }
0x10f: {  	v0 =	vld [tilespmem:s0+$0x4030]  }
0x110: {  	v9 =	vld [tilespmem:s0+$0x10000]  }
0x111: {  	v15 =	vimm.f32 $0.0e+00;
	v14 =	vimm.f32 $0.0e+00;
	v1 =	vld [tilespmem:s0+$0x8030]  }
0x112: {  	v12 =	vimm.f32 $0.0e+00;
	v7 =	vimm.f32 $0.0e+00;
	v3 =	vld [tilespmem:s0+$0x4020];
	v21 =	vand.u32 $0x7FFFFFFF, v5  }
0x113: {  	v4 =	vld [tilespmem:s0+$0x8020];
	v17 =	vand.u32 $0x7FFFFFFF, v11;
	v18 =	vand.u32 $0x7FFFFFFF, v10;
	v22 =	vand.u32 $0x7FFFFFFF, v6  }
0x114: {  	s1 =	simm.s32 $0x200;
	v16 =	vld [tilespmem:s0+$0x4010];
	v19 =	vand.u32 $0x7FFFFFFF, v13;
	v23 =	vand.u32 $0x7FFFFFFF, v8;
	v20 =	vand.u32 $0x7FFFFFFF, v2  }
.LBB2_8:
0x115: {  	p0 =	sne.s32 s1, $0xFE00;
	v24 =	vand.u32 $0x7FFFFFFF, v9;
	v25 =	vld [tilespmem:s0+$0x8010];
	vm0 =	vgt.f32 v21, $9.999999930e-09;
	vm1 =	vgt.f32 v22, $9.999999930e-09  }
0x116: {  	vm2 =	vgt.f32 v23, $9.999999930e-09;
	vm3 =	vgt.f32 v17, $9.999999930e-09;
	vm4 =	vgt.f32 v18, $9.999999930e-09;
	v21 =	vld [tilespmem:s0+$0x4000]  }
0x117: {  	vm5 =	vgt.f32 v19, $9.999999930e-09;
	vm7 =	vgt.f32 v20, $9.999999930e-09;
	vm6 =	vgt.f32 v24, $9.999999930e-09;
	v17 =	vld [tilespmem:s0+$0x8000]  }
0x118: {  	v11 =	vnsel vm3, $0x0, v11;
	v5 =	vnsel vm0, $0x0, v5;
	v18 =	vnsel vm1, $0x0, v6  }
0x119: {  	v19 =	vnsel vm4, $0x0, v10;
	v20 =	vmul.f32 v5, v0;
	v22 =	vmul.f32 v5, v1  }
0x11a: {  	s0 =	sshra.s32 s1, $0x2;
	v5 =	vnsel vm2, $0x0, v8;
	v23 =	vmul.f32 v11, v3;
	v24 =	vmul.f32 v11, v4  }
0x11b: {  	v6 =	vnsel vm5, $0x0, v13;
	v13 =	vmul.f32 v5, v16;
	v27 =	vmul.f32 v5, v25;
	v26 =	vld [tilespmem:s0+$0x4030]  }
0x11c: {  	v9 =	vnsel vm6, $0x0, v9;
	v8 =	vmul.f32 v6, v21;
	v5 =	vld [tilespmem:s0+$0xC030];
	v10 =	vmul.f32 v6, v17  }
0x11d: {  	v2 =	vnsel vm7, $0x0, v2;
	v21 =	vmul.f32 v9, v21;
	v9 =	vmul.f32 v9, v17;
	v6 =	vld [tilespmem:s0+$0x10030]  }
0x11e: {  	v16 =	vmul.f32 v2, v16;
	v7 =	vadd.f32 v8, v7;
	v11 =	vld [tilespmem:s0+$0xC020];
	v15 =	vadd.f32 v10, v15  }
0x11f: {  	v14 =	vadd.f32 v21, v14;
	v9 =	vadd.f32 v9, v12;
	v12 =	vmul.f32 v2, v25;
	v10 =	vld [tilespmem:s0+$0x10020]  }
0x120: {  	v3 =	vmul.f32 v19, v3;
	v7 =	vadd.f32 v13, v7;
	v8 =	vld [tilespmem:s0+$0xC010];
	v15 =	vadd.f32 v27, v15  }
0x121: {  	v4 =	vmul.f32 v19, v4;
	v14 =	vadd.f32 v16, v14;
	v12 =	vadd.f32 v12, v9;
	v2 =	vld [tilespmem:s0+$0x10010]  }
0x122: {  	v16 =	vmul.f32 v18, v0;
	v0 =	vmovc v26;
	v7 =	vadd.f32 v23, v7;
	v13 =	vld [tilespmem:s0+$0xC000];
	v15 =	vadd.f32 v24, v15  }
.Ltmp3:
0x123: {  	v14 =	vadd.f32 v3, v14;
	v4 =	vadd.f32 v4, v12;
	v12 =	vmul.f32 v18, v1;
	v9 =	vld [tilespmem:s0+$0x10000];
	(pc) =	sbr.rel @p0 .LBB2_8-.Ltmp3, $4  }
0x124: {  	v7 =	vadd.f32 v20, v7;
	v1 =	vld [tilespmem:s0+$0x8030];
	v15 =	vadd.f32 v22, v15  }
0x125: {  	v21 =	vand.u32 $0x7FFFFFFF, v5;
	v14 =	vadd.f32 v16, v14;
	v12 =	vadd.f32 v12, v4;
	v3 =	vld [tilespmem:s0+$0x4020]  }
0x126: {  	v17 =	vand.u32 $0x7FFFFFFF, v11;
	v18 =	vand.u32 $0x7FFFFFFF, v10;
	v22 =	vand.u32 $0x7FFFFFFF, v6;
	v4 =	vld [tilespmem:s0+$0x8020]  }
0x127: {  	s1 =	sadd.s32 $0x200, s1;
	v23 =	vand.u32 $0x7FFFFFFF, v8;
	v20 =	vand.u32 $0x7FFFFFFF, v2;
	v19 =	vand.u32 $0x7FFFFFFF, v13;
	v16 =	vld [tilespmem:s0+$0x4010]  }
0x128: {  	v24 =	vand.u32 $0x7FFFFFFF, v9;
	vm0 =	vgt.f32 v21, $9.999999930e-09  }
0x129: {  	vm1 =	vgt.f32 v22, $9.999999930e-09;
	v21 =	vld [tilespmem:s0+$0x4000];
	vm2 =	vgt.f32 v23, $9.999999930e-09;
	vm3 =	vgt.f32 v17, $9.999999930e-09  }
0x12a: {  	vm4 =	vgt.f32 v18, $9.999999930e-09;
	v17 =	vld [tilespmem:s0+$0x8000];
	vm5 =	vgt.f32 v19, $9.999999930e-09;
	vm7 =	vgt.f32 v20, $9.999999930e-09  }
0x12b: {  	vm6 =	vgt.f32 v24, $9.999999930e-09;
	v11 =	vnsel vm3, $0x0, v11;
	v5 =	vnsel vm0, $0x0, v5  }
0x12c: {  	v18 =	vld [tilespmem:s0+$0x8010];
	v6 =	vnsel vm1, $0x0, v6;
	v10 =	vnsel vm4, $0x0, v10;
	v13 =	vnsel vm5, $0x0, v13  }
0x12d: {  	v8 =	vnsel vm2, $0x0, v8;
	v19 =	vmul.f32 v5, v0;
	v5 =	vmul.f32 v5, v1  }
0x12e: {  	v2 =	vnsel vm7, $0x0, v2;
	v20 =	vmul.f32 v11, v3;
	v22 =	vmul.f32 v13, v21  }
0x12f: {  	v9 =	vnsel vm6, $0x0, v9;
	v11 =	vmul.f32 v11, v4;
	v13 =	vmul.f32 v13, v17  }
0x130: {  	v23 =	vmul.f32 v8, v16;
	v21 =	vmul.f32 v9, v21;
	v7 =	vadd.f32 v22, v7  }
0x131: {  	v8 =	vmul.f32 v8, v18;
	v9 =	vmul.f32 v9, v17;
	v13 =	vadd.f32 v13, v15  }
0x132: {  	v15 =	vmul.f32 v2, v16;
	v14 =	vadd.f32 v21, v14;
	v7 =	vadd.f32 v23, v7  }
0x133: {  	v9 =	vadd.f32 v9, v12;
	v2 =	vmul.f32 v2, v18;
	v8 =	vadd.f32 v8, v13  }
0x134: {  	v3 =	vmul.f32 v10, v3;
	v12 =	vadd.f32 v15, v14;
	v7 =	vadd.f32 v20, v7  }
0x135: {  	v4 =	vmul.f32 v10, v4;
	v2 =	vadd.f32 v2, v9;
	v8 =	vadd.f32 v11, v8  }
0x136: {  	v0 =	vmul.f32 v6, v0;
	v3 =	vadd.f32 v3, v12;
	v7 =	vadd.f32 v19, v7  }
0x137: {  	v1 =	vmul.f32 v6, v1;
	v2 =	vadd.f32 v4, v2;
	v4 =	vadd.f32 v5, v8  }
0x138: {  	v0 =	vadd.f32 v0, v3;
	[tilespmem:$0x1C080] =	vst v7  }
0x139: {  	v1 =	vadd.f32 v1, v2;
	[tilespmem:$0x1C090] =	vst v4  }
0x13a: {  	[tilespmem:$0x1C0A0] =	vst v0  }
0x13b: {  	[tilespmem:$0x1C0B0] =	vst v1  }
0x13c: {  	_ =	swait.ge [sflag:s29], $0x8000  }
0x13d: {  	[sflag:s29] =	ssyncset.done $0x0  }
0x13e: {  	s0 =	simm.s32 $0x0;
	[sflag:s29] =	ssyncadd.s32 $0xFFFF8000  }
0x13f: {  	[tilespmem:s25], [sflag:$0x1] =	stream.strided.gather [hbm4b:s10+s22], $0x8000, s24, s22, $0x38;
	[tilespmem:$0x1C800] =	vst v63  }
0x140: {  	v5 =	vld [tilespmem:s0+$0x14030]  }
0x141: {  	v6 =	vld [tilespmem:s0+$0x18030]  }
0x142: {  	v11 =	vld [tilespmem:s0+$0x14020]  }
0x143: {  	v10 =	vld [tilespmem:s0+$0x18020]  }
0x144: {  	v8 =	vld [tilespmem:s0+$0x14010]  }
0x145: {  	v2 =	vld [tilespmem:s0+$0x18010]  }
0x146: {  	v13 =	vld [tilespmem:s0+$0x14000]  }
0x147: {  	v0 =	vld [tilespmem:s0+$0x4030]  }
0x148: {  	v9 =	vld [tilespmem:s0+$0x18000]  }
0x149: {  	v15 =	vimm.f32 $0.0e+00;
	v14 =	vimm.f32 $0.0e+00;
	v1 =	vld [tilespmem:s0+$0x8030]  }
0x14a: {  	v12 =	vimm.f32 $0.0e+00;
	v7 =	vimm.f32 $0.0e+00;
	v3 =	vld [tilespmem:s0+$0x4020];
	v21 =	vand.u32 $0x7FFFFFFF, v5  }
0x14b: {  	v4 =	vld [tilespmem:s0+$0x8020];
	v17 =	vand.u32 $0x7FFFFFFF, v11;
	v18 =	vand.u32 $0x7FFFFFFF, v10;
	v22 =	vand.u32 $0x7FFFFFFF, v6  }
0x14c: {  	s1 =	simm.s32 $0x200;
	v16 =	vld [tilespmem:s0+$0x4010];
	v19 =	vand.u32 $0x7FFFFFFF, v13;
	v23 =	vand.u32 $0x7FFFFFFF, v8;
	v20 =	vand.u32 $0x7FFFFFFF, v2  }
.LBB2_10:
0x14d: {  	p0 =	sne.s32 s1, $0xFE00;
	v24 =	vand.u32 $0x7FFFFFFF, v9;
	v25 =	vld [tilespmem:s0+$0x8010];
	vm0 =	vgt.f32 v21, $9.999999930e-09;
	vm1 =	vgt.f32 v22, $9.999999930e-09  }
0x14e: {  	vm2 =	vgt.f32 v23, $9.999999930e-09;
	vm3 =	vgt.f32 v17, $9.999999930e-09;
	vm4 =	vgt.f32 v18, $9.999999930e-09;
	v21 =	vld [tilespmem:s0+$0x4000]  }
0x14f: {  	vm5 =	vgt.f32 v19, $9.999999930e-09;
	vm7 =	vgt.f32 v20, $9.999999930e-09;
	vm6 =	vgt.f32 v24, $9.999999930e-09;
	v17 =	vld [tilespmem:s0+$0x8000]  }
0x150: {  	v11 =	vnsel vm3, $0x0, v11;
	v5 =	vnsel vm0, $0x0, v5;
	v18 =	vnsel vm1, $0x0, v6  }
0x151: {  	v19 =	vnsel vm4, $0x0, v10;
	v20 =	vmul.f32 v5, v0;
	v22 =	vmul.f32 v5, v1  }
0x152: {  	s0 =	sshra.s32 s1, $0x2;
	v5 =	vnsel vm2, $0x0, v8;
	v23 =	vmul.f32 v11, v3;
	v24 =	vmul.f32 v11, v4  }
0x153: {  	v6 =	vnsel vm5, $0x0, v13;
	v13 =	vmul.f32 v5, v16;
	v27 =	vmul.f32 v5, v25;
	v26 =	vld [tilespmem:s0+$0x4030]  }
0x154: {  	v9 =	vnsel vm6, $0x0, v9;
	v8 =	vmul.f32 v6, v21;
	v5 =	vld [tilespmem:s0+$0x14030];
	v10 =	vmul.f32 v6, v17  }
0x155: {  	v2 =	vnsel vm7, $0x0, v2;
	v21 =	vmul.f32 v9, v21;
	v9 =	vmul.f32 v9, v17;
	v6 =	vld [tilespmem:s0+$0x18030]  }
0x156: {  	v16 =	vmul.f32 v2, v16;
	v7 =	vadd.f32 v8, v7;
	v11 =	vld [tilespmem:s0+$0x14020];
	v15 =	vadd.f32 v10, v15  }
0x157: {  	v14 =	vadd.f32 v21, v14;
	v9 =	vadd.f32 v9, v12;
	v12 =	vmul.f32 v2, v25;
	v10 =	vld [tilespmem:s0+$0x18020]  }
0x158: {  	v3 =	vmul.f32 v19, v3;
	v7 =	vadd.f32 v13, v7;
	v8 =	vld [tilespmem:s0+$0x14010];
	v15 =	vadd.f32 v27, v15  }
0x159: {  	v4 =	vmul.f32 v19, v4;
	v14 =	vadd.f32 v16, v14;
	v12 =	vadd.f32 v12, v9;
	v2 =	vld [tilespmem:s0+$0x18010]  }
0x15a: {  	v16 =	vmul.f32 v18, v0;
	v0 =	vmovc v26;
	v7 =	vadd.f32 v23, v7;
	v13 =	vld [tilespmem:s0+$0x14000];
	v15 =	vadd.f32 v24, v15  }
.Ltmp4:
0x15b: {  	v14 =	vadd.f32 v3, v14;
	v4 =	vadd.f32 v4, v12;
	v12 =	vmul.f32 v18, v1;
	v9 =	vld [tilespmem:s0+$0x18000];
	(pc) =	sbr.rel @p0 .LBB2_10-.Ltmp4, $4  }
0x15c: {  	v7 =	vadd.f32 v20, v7;
	v1 =	vld [tilespmem:s0+$0x8030];
	v15 =	vadd.f32 v22, v15  }
0x15d: {  	v21 =	vand.u32 $0x7FFFFFFF, v5;
	v14 =	vadd.f32 v16, v14;
	v12 =	vadd.f32 v12, v4;
	v3 =	vld [tilespmem:s0+$0x4020]  }
0x15e: {  	v17 =	vand.u32 $0x7FFFFFFF, v11;
	v18 =	vand.u32 $0x7FFFFFFF, v10;
	v22 =	vand.u32 $0x7FFFFFFF, v6;
	v4 =	vld [tilespmem:s0+$0x8020]  }
0x15f: {  	s1 =	sadd.s32 $0x200, s1;
	v23 =	vand.u32 $0x7FFFFFFF, v8;
	v20 =	vand.u32 $0x7FFFFFFF, v2;
	v19 =	vand.u32 $0x7FFFFFFF, v13;
	v16 =	vld [tilespmem:s0+$0x4010]  }
0x160: {  	v24 =	vand.u32 $0x7FFFFFFF, v9;
	vm0 =	vgt.f32 v21, $9.999999930e-09  }
0x161: {  	vm1 =	vgt.f32 v22, $9.999999930e-09;
	v21 =	vld [tilespmem:s0+$0x4000];
	vm2 =	vgt.f32 v23, $9.999999930e-09;
	vm3 =	vgt.f32 v17, $9.999999930e-09  }
0x162: {  	vm4 =	vgt.f32 v18, $9.999999930e-09;
	v17 =	vld [tilespmem:s0+$0x8000];
	vm5 =	vgt.f32 v19, $9.999999930e-09;
	vm7 =	vgt.f32 v20, $9.999999930e-09  }
0x163: {  	vm6 =	vgt.f32 v24, $9.999999930e-09;
	v11 =	vnsel vm3, $0x0, v11;
	v5 =	vnsel vm0, $0x0, v5  }
0x164: {  	v18 =	vld [tilespmem:s0+$0x8010];
	v6 =	vnsel vm1, $0x0, v6;
	v10 =	vnsel vm4, $0x0, v10;
	v13 =	vnsel vm5, $0x0, v13  }
0x165: {  	v8 =	vnsel vm2, $0x0, v8;
	v19 =	vmul.f32 v5, v0;
	v5 =	vmul.f32 v5, v1  }
0x166: {  	v2 =	vnsel vm7, $0x0, v2;
	v20 =	vmul.f32 v11, v3;
	v22 =	vmul.f32 v13, v21  }
0x167: {  	v9 =	vnsel vm6, $0x0, v9;
	v11 =	vmul.f32 v11, v4;
	v13 =	vmul.f32 v13, v17  }
0x168: {  	v23 =	vmul.f32 v8, v16;
	v21 =	vmul.f32 v9, v21;
	v7 =	vadd.f32 v22, v7  }
0x169: {  	v8 =	vmul.f32 v8, v18;
	v9 =	vmul.f32 v9, v17;
	v13 =	vadd.f32 v13, v15  }
0x16a: {  	v15 =	vmul.f32 v2, v16;
	v14 =	vadd.f32 v21, v14;
	v7 =	vadd.f32 v23, v7  }
0x16b: {  	v9 =	vadd.f32 v9, v12;
	v2 =	vmul.f32 v2, v18;
	v8 =	vadd.f32 v8, v13  }
0x16c: {  	v3 =	vmul.f32 v10, v3;
	v12 =	vadd.f32 v15, v14;
	v7 =	vadd.f32 v20, v7  }
0x16d: {  	v4 =	vmul.f32 v10, v4;
	v2 =	vadd.f32 v2, v9;
	v8 =	vadd.f32 v11, v8  }
0x16e: {  	v0 =	vmul.f32 v6, v0;
	v3 =	vadd.f32 v3, v12;
	v7 =	vadd.f32 v19, v7  }
0x16f: {  	v1 =	vmul.f32 v6, v1;
	v2 =	vadd.f32 v4, v2;
	v4 =	vadd.f32 v5, v8  }
0x170: {  	v0 =	vadd.f32 v0, v3;
	[tilespmem:$0x1C0C0] =	vst v7  }
0x171: {  	v1 =	vadd.f32 v1, v2;
	[tilespmem:$0x1C0D0] =	vst v4  }
0x172: {  	[tilespmem:$0x1C0E0] =	vst v0  }
0x173: {  	[tilespmem:$0x1C0F0] =	vst v1  }
0x174: {  	_ =	swait.ge [sflag:s26], $0x8000  }
0x175: {  	[sflag:s26] =	ssyncset.done $0x0  }
0x176: {  	s0 =	simm.s32 $0x0;
	[sflag:s26] =	ssyncadd.s32 $0xFFFF8000  }
0x177: {  	[tilespmem:s28], [sflag:$0x2] =	stream.strided.gather [hbm4b:s11+s22], $0x8000, s24, s22, $0x38;
	[tilespmem:$0x1C800] =	vst v63  }
0x178: {  	v5 =	vld [tilespmem:s0+$0xC030]  }
0x179: {  	v6 =	vld [tilespmem:s0+$0x10030]  }
0x17a: {  	v11 =	vld [tilespmem:s0+$0xC020]  }
0x17b: {  	v10 =	vld [tilespmem:s0+$0x10020]  }
0x17c: {  	v8 =	vld [tilespmem:s0+$0xC010]  }
0x17d: {  	v2 =	vld [tilespmem:s0+$0x10010]  }
0x17e: {  	v13 =	vld [tilespmem:s0+$0xC000]  }
0x17f: {  	v0 =	vld [tilespmem:s0+$0x4030]  }
0x180: {  	v9 =	vld [tilespmem:s0+$0x10000]  }
0x181: {  	v15 =	vimm.f32 $0.0e+00;
	v14 =	vimm.f32 $0.0e+00;
	v1 =	vld [tilespmem:s0+$0x8030]  }
0x182: {  	v12 =	vimm.f32 $0.0e+00;
	v7 =	vimm.f32 $0.0e+00;
	v3 =	vld [tilespmem:s0+$0x4020];
	v21 =	vand.u32 $0x7FFFFFFF, v5  }
0x183: {  	v4 =	vld [tilespmem:s0+$0x8020];
	v17 =	vand.u32 $0x7FFFFFFF, v11;
	v18 =	vand.u32 $0x7FFFFFFF, v10;
	v22 =	vand.u32 $0x7FFFFFFF, v6  }
0x184: {  	s1 =	simm.s32 $0x200;
	v16 =	vld [tilespmem:s0+$0x4010];
	v19 =	vand.u32 $0x7FFFFFFF, v13;
	v23 =	vand.u32 $0x7FFFFFFF, v8;
	v20 =	vand.u32 $0x7FFFFFFF, v2  }
.LBB2_12:
0x185: {  	p0 =	sne.s32 s1, $0xFE00;
	v24 =	vand.u32 $0x7FFFFFFF, v9;
	v25 =	vld [tilespmem:s0+$0x8010];
	vm0 =	vgt.f32 v21, $9.999999930e-09;
	vm1 =	vgt.f32 v22, $9.999999930e-09  }
0x186: {  	vm2 =	vgt.f32 v23, $9.999999930e-09;
	vm3 =	vgt.f32 v17, $9.999999930e-09;
	vm4 =	vgt.f32 v18, $9.999999930e-09;
	v21 =	vld [tilespmem:s0+$0x4000]  }
0x187: {  	vm5 =	vgt.f32 v19, $9.999999930e-09;
	vm7 =	vgt.f32 v20, $9.999999930e-09;
	vm6 =	vgt.f32 v24, $9.999999930e-09;
	v17 =	vld [tilespmem:s0+$0x8000]  }
0x188: {  	v11 =	vnsel vm3, $0x0, v11;
	v5 =	vnsel vm0, $0x0, v5;
	v18 =	vnsel vm1, $0x0, v6  }
0x189: {  	v19 =	vnsel vm4, $0x0, v10;
	v20 =	vmul.f32 v5, v0;
	v22 =	vmul.f32 v5, v1  }
0x18a: {  	s0 =	sshra.s32 s1, $0x2;
	v5 =	vnsel vm2, $0x0, v8;
	v23 =	vmul.f32 v11, v3;
	v24 =	vmul.f32 v11, v4  }
0x18b: {  	v6 =	vnsel vm5, $0x0, v13;
	v13 =	vmul.f32 v5, v16;
	v27 =	vmul.f32 v5, v25;
	v26 =	vld [tilespmem:s0+$0x4030]  }
0x18c: {  	v9 =	vnsel vm6, $0x0, v9;
	v8 =	vmul.f32 v6, v21;
	v5 =	vld [tilespmem:s0+$0xC030];
	v10 =	vmul.f32 v6, v17  }
0x18d: {  	v2 =	vnsel vm7, $0x0, v2;
	v21 =	vmul.f32 v9, v21;
	v9 =	vmul.f32 v9, v17;
	v6 =	vld [tilespmem:s0+$0x10030]  }
0x18e: {  	v16 =	vmul.f32 v2, v16;
	v7 =	vadd.f32 v8, v7;
	v11 =	vld [tilespmem:s0+$0xC020];
	v15 =	vadd.f32 v10, v15  }
0x18f: {  	v14 =	vadd.f32 v21, v14;
	v9 =	vadd.f32 v9, v12;
	v12 =	vmul.f32 v2, v25;
	v10 =	vld [tilespmem:s0+$0x10020]  }
0x190: {  	v3 =	vmul.f32 v19, v3;
	v7 =	vadd.f32 v13, v7;
	v8 =	vld [tilespmem:s0+$0xC010];
	v15 =	vadd.f32 v27, v15  }
0x191: {  	v4 =	vmul.f32 v19, v4;
	v14 =	vadd.f32 v16, v14;
	v12 =	vadd.f32 v12, v9;
	v2 =	vld [tilespmem:s0+$0x10010]  }
0x192: {  	v16 =	vmul.f32 v18, v0;
	v0 =	vmovc v26;
	v7 =	vadd.f32 v23, v7;
	v13 =	vld [tilespmem:s0+$0xC000];
	v15 =	vadd.f32 v24, v15  }
.Ltmp5:
0x193: {  	v14 =	vadd.f32 v3, v14;
	v4 =	vadd.f32 v4, v12;
	v12 =	vmul.f32 v18, v1;
	v9 =	vld [tilespmem:s0+$0x10000];
	(pc) =	sbr.rel @p0 .LBB2_12-.Ltmp5, $4  }
0x194: {  	v7 =	vadd.f32 v20, v7;
	v1 =	vld [tilespmem:s0+$0x8030];
	v15 =	vadd.f32 v22, v15  }
0x195: {  	v21 =	vand.u32 $0x7FFFFFFF, v5;
	v14 =	vadd.f32 v16, v14;
	v12 =	vadd.f32 v12, v4;
	v3 =	vld [tilespmem:s0+$0x4020]  }
0x196: {  	v17 =	vand.u32 $0x7FFFFFFF, v11;
	v18 =	vand.u32 $0x7FFFFFFF, v10;
	v22 =	vand.u32 $0x7FFFFFFF, v6;
	v4 =	vld [tilespmem:s0+$0x8020]  }
0x197: {  	s1 =	sadd.s32 $0x200, s1;
	v23 =	vand.u32 $0x7FFFFFFF, v8;
	v20 =	vand.u32 $0x7FFFFFFF, v2;
	v19 =	vand.u32 $0x7FFFFFFF, v13;
	v16 =	vld [tilespmem:s0+$0x4010]  }
0x198: {  	v24 =	vand.u32 $0x7FFFFFFF, v9;
	vm0 =	vgt.f32 v21, $9.999999930e-09  }
0x199: {  	vm1 =	vgt.f32 v22, $9.999999930e-09;
	v21 =	vld [tilespmem:s0+$0x4000];
	vm2 =	vgt.f32 v23, $9.999999930e-09;
	vm3 =	vgt.f32 v17, $9.999999930e-09  }
0x19a: {  	vm4 =	vgt.f32 v18, $9.999999930e-09;
	v17 =	vld [tilespmem:s0+$0x8000];
	vm5 =	vgt.f32 v19, $9.999999930e-09;
	vm7 =	vgt.f32 v20, $9.999999930e-09  }
0x19b: {  	vm6 =	vgt.f32 v24, $9.999999930e-09;
	v11 =	vnsel vm3, $0x0, v11;
	v5 =	vnsel vm0, $0x0, v5  }
0x19c: {  	v18 =	vld [tilespmem:s0+$0x8010];
	v6 =	vnsel vm1, $0x0, v6;
	v10 =	vnsel vm4, $0x0, v10;
	v13 =	vnsel vm5, $0x0, v13  }
0x19d: {  	v8 =	vnsel vm2, $0x0, v8;
	v19 =	vmul.f32 v5, v0;
	v5 =	vmul.f32 v5, v1  }
0x19e: {  	v2 =	vnsel vm7, $0x0, v2;
	v20 =	vmul.f32 v11, v3;
	v22 =	vmul.f32 v13, v21  }
0x19f: {  	v9 =	vnsel vm6, $0x0, v9;
	v11 =	vmul.f32 v11, v4;
	v13 =	vmul.f32 v13, v17  }
0x1a0: {  	v23 =	vmul.f32 v8, v16;
	v21 =	vmul.f32 v9, v21;
	v7 =	vadd.f32 v22, v7  }
0x1a1: {  	v8 =	vmul.f32 v8, v18;
	v9 =	vmul.f32 v9, v17;
	v13 =	vadd.f32 v13, v15  }
0x1a2: {  	v15 =	vmul.f32 v2, v16;
	v14 =	vadd.f32 v21, v14;
	v7 =	vadd.f32 v23, v7  }
0x1a3: {  	v9 =	vadd.f32 v9, v12;
	v2 =	vmul.f32 v2, v18;
	v8 =	vadd.f32 v8, v13  }
0x1a4: {  	v3 =	vmul.f32 v10, v3;
	v12 =	vadd.f32 v15, v14;
	v7 =	vadd.f32 v20, v7  }
0x1a5: {  	v4 =	vmul.f32 v10, v4;
	v2 =	vadd.f32 v2, v9;
	v8 =	vadd.f32 v11, v8  }
0x1a6: {  	v0 =	vmul.f32 v6, v0;
	v3 =	vadd.f32 v3, v12;
	v7 =	vadd.f32 v19, v7  }
0x1a7: {  	v1 =	vmul.f32 v6, v1;
	v2 =	vadd.f32 v4, v2;
	v4 =	vadd.f32 v5, v8  }
0x1a8: {  	v0 =	vadd.f32 v0, v3;
	[tilespmem:$0x1C100] =	vst v7  }
0x1a9: {  	v1 =	vadd.f32 v1, v2;
	[tilespmem:$0x1C110] =	vst v4  }
0x1aa: {  	[tilespmem:$0x1C120] =	vst v0  }
0x1ab: {  	[tilespmem:$0x1C130] =	vst v1  }
0x1ac: {  	_ =	swait.ge [sflag:s29], $0x8000  }
0x1ad: {  	[sflag:s29] =	ssyncset.done $0x0  }
0x1ae: {  	s0 =	simm.s32 $0x0;
	[sflag:s29] =	ssyncadd.s32 $0xFFFF8000  }
0x1af: {  	[tilespmem:s25], [sflag:$0x1] =	stream.strided.gather [hbm4b:s12+s22], $0x8000, s24, s22, $0x38;
	[tilespmem:$0x1C800] =	vst v63  }
0x1b0: {  	v5 =	vld [tilespmem:s0+$0x14030]  }
0x1b1: {  	v6 =	vld [tilespmem:s0+$0x18030]  }
0x1b2: {  	v11 =	vld [tilespmem:s0+$0x14020]  }
0x1b3: {  	v10 =	vld [tilespmem:s0+$0x18020]  }
0x1b4: {  	v8 =	vld [tilespmem:s0+$0x14010]  }
0x1b5: {  	v2 =	vld [tilespmem:s0+$0x18010]  }
0x1b6: {  	v13 =	vld [tilespmem:s0+$0x14000]  }
0x1b7: {  	v0 =	vld [tilespmem:s0+$0x4030]  }
0x1b8: {  	v9 =	vld [tilespmem:s0+$0x18000]  }
0x1b9: {  	v15 =	vimm.f32 $0.0e+00;
	v14 =	vimm.f32 $0.0e+00;
	v1 =	vld [tilespmem:s0+$0x8030]  }
0x1ba: {  	v12 =	vimm.f32 $0.0e+00;
	v7 =	vimm.f32 $0.0e+00;
	v3 =	vld [tilespmem:s0+$0x4020];
	v21 =	vand.u32 $0x7FFFFFFF, v5  }
0x1bb: {  	v4 =	vld [tilespmem:s0+$0x8020];
	v17 =	vand.u32 $0x7FFFFFFF, v11;
	v18 =	vand.u32 $0x7FFFFFFF, v10;
	v22 =	vand.u32 $0x7FFFFFFF, v6  }
0x1bc: {  	s1 =	simm.s32 $0x200;
	v16 =	vld [tilespmem:s0+$0x4010];
	v19 =	vand.u32 $0x7FFFFFFF, v13;
	v23 =	vand.u32 $0x7FFFFFFF, v8;
	v20 =	vand.u32 $0x7FFFFFFF, v2  }
.LBB2_14:
0x1bd: {  	p0 =	sne.s32 s1, $0xFE00;
	v24 =	vand.u32 $0x7FFFFFFF, v9;
	v25 =	vld [tilespmem:s0+$0x8010];
	vm0 =	vgt.f32 v21, $9.999999930e-09;
	vm1 =	vgt.f32 v22, $9.999999930e-09  }
0x1be: {  	vm2 =	vgt.f32 v23, $9.999999930e-09;
	vm3 =	vgt.f32 v17, $9.999999930e-09;
	vm4 =	vgt.f32 v18, $9.999999930e-09;
	v21 =	vld [tilespmem:s0+$0x4000]  }
0x1bf: {  	vm5 =	vgt.f32 v19, $9.999999930e-09;
	vm7 =	vgt.f32 v20, $9.999999930e-09;
	vm6 =	vgt.f32 v24, $9.999999930e-09;
	v17 =	vld [tilespmem:s0+$0x8000]  }
0x1c0: {  	v11 =	vnsel vm3, $0x0, v11;
	v5 =	vnsel vm0, $0x0, v5;
	v18 =	vnsel vm1, $0x0, v6  }
0x1c1: {  	v19 =	vnsel vm4, $0x0, v10;
	v20 =	vmul.f32 v5, v0;
	v22 =	vmul.f32 v5, v1  }
0x1c2: {  	s0 =	sshra.s32 s1, $0x2;
	v5 =	vnsel vm2, $0x0, v8;
	v23 =	vmul.f32 v11, v3;
	v24 =	vmul.f32 v11, v4  }
0x1c3: {  	v6 =	vnsel vm5, $0x0, v13;
	v13 =	vmul.f32 v5, v16;
	v27 =	vmul.f32 v5, v25;
	v26 =	vld [tilespmem:s0+$0x4030]  }
0x1c4: {  	v9 =	vnsel vm6, $0x0, v9;
	v8 =	vmul.f32 v6, v21;
	v5 =	vld [tilespmem:s0+$0x14030];
	v10 =	vmul.f32 v6, v17  }
0x1c5: {  	v2 =	vnsel vm7, $0x0, v2;
	v21 =	vmul.f32 v9, v21;
	v9 =	vmul.f32 v9, v17;
	v6 =	vld [tilespmem:s0+$0x18030]  }
0x1c6: {  	v16 =	vmul.f32 v2, v16;
	v7 =	vadd.f32 v8, v7;
	v11 =	vld [tilespmem:s0+$0x14020];
	v15 =	vadd.f32 v10, v15  }
0x1c7: {  	v14 =	vadd.f32 v21, v14;
	v9 =	vadd.f32 v9, v12;
	v12 =	vmul.f32 v2, v25;
	v10 =	vld [tilespmem:s0+$0x18020]  }
0x1c8: {  	v3 =	vmul.f32 v19, v3;
	v7 =	vadd.f32 v13, v7;
	v8 =	vld [tilespmem:s0+$0x14010];
	v15 =	vadd.f32 v27, v15  }
0x1c9: {  	v4 =	vmul.f32 v19, v4;
	v14 =	vadd.f32 v16, v14;
	v12 =	vadd.f32 v12, v9;
	v2 =	vld [tilespmem:s0+$0x18010]  }
0x1ca: {  	v16 =	vmul.f32 v18, v0;
	v0 =	vmovc v26;
	v7 =	vadd.f32 v23, v7;
	v13 =	vld [tilespmem:s0+$0x14000];
	v15 =	vadd.f32 v24, v15  }
.Ltmp6:
0x1cb: {  	v14 =	vadd.f32 v3, v14;
	v4 =	vadd.f32 v4, v12;
	v12 =	vmul.f32 v18, v1;
	v9 =	vld [tilespmem:s0+$0x18000];
	(pc) =	sbr.rel @p0 .LBB2_14-.Ltmp6, $4  }
0x1cc: {  	v7 =	vadd.f32 v20, v7;
	v1 =	vld [tilespmem:s0+$0x8030];
	v15 =	vadd.f32 v22, v15  }
0x1cd: {  	v21 =	vand.u32 $0x7FFFFFFF, v5;
	v14 =	vadd.f32 v16, v14;
	v12 =	vadd.f32 v12, v4;
	v3 =	vld [tilespmem:s0+$0x4020]  }
0x1ce: {  	v17 =	vand.u32 $0x7FFFFFFF, v11;
	v18 =	vand.u32 $0x7FFFFFFF, v10;
	v22 =	vand.u32 $0x7FFFFFFF, v6;
	v4 =	vld [tilespmem:s0+$0x8020]  }
0x1cf: {  	s1 =	sadd.s32 $0x200, s1;
	v23 =	vand.u32 $0x7FFFFFFF, v8;
	v20 =	vand.u32 $0x7FFFFFFF, v2;
	v19 =	vand.u32 $0x7FFFFFFF, v13;
	v16 =	vld [tilespmem:s0+$0x4010]  }
0x1d0: {  	v24 =	vand.u32 $0x7FFFFFFF, v9;
	vm0 =	vgt.f32 v21, $9.999999930e-09  }
0x1d1: {  	vm1 =	vgt.f32 v22, $9.999999930e-09;
	v21 =	vld [tilespmem:s0+$0x4000];
	vm2 =	vgt.f32 v23, $9.999999930e-09;
	vm3 =	vgt.f32 v17, $9.999999930e-09  }
0x1d2: {  	vm4 =	vgt.f32 v18, $9.999999930e-09;
	v17 =	vld [tilespmem:s0+$0x8000];
	vm5 =	vgt.f32 v19, $9.999999930e-09;
	vm7 =	vgt.f32 v20, $9.999999930e-09  }
0x1d3: {  	vm6 =	vgt.f32 v24, $9.999999930e-09;
	v11 =	vnsel vm3, $0x0, v11;
	v5 =	vnsel vm0, $0x0, v5  }
0x1d4: {  	v18 =	vld [tilespmem:s0+$0x8010];
	v6 =	vnsel vm1, $0x0, v6;
	v10 =	vnsel vm4, $0x0, v10;
	v13 =	vnsel vm5, $0x0, v13  }
0x1d5: {  	v8 =	vnsel vm2, $0x0, v8;
	v19 =	vmul.f32 v5, v0;
	v5 =	vmul.f32 v5, v1  }
0x1d6: {  	v2 =	vnsel vm7, $0x0, v2;
	v20 =	vmul.f32 v11, v3;
	v22 =	vmul.f32 v13, v21  }
0x1d7: {  	v9 =	vnsel vm6, $0x0, v9;
	v11 =	vmul.f32 v11, v4;
	v13 =	vmul.f32 v13, v17  }
0x1d8: {  	v23 =	vmul.f32 v8, v16;
	v21 =	vmul.f32 v9, v21;
	v7 =	vadd.f32 v22, v7  }
0x1d9: {  	v8 =	vmul.f32 v8, v18;
	v9 =	vmul.f32 v9, v17;
	v13 =	vadd.f32 v13, v15  }
0x1da: {  	v15 =	vmul.f32 v2, v16;
	v14 =	vadd.f32 v21, v14;
	v7 =	vadd.f32 v23, v7  }
0x1db: {  	v9 =	vadd.f32 v9, v12;
	v2 =	vmul.f32 v2, v18;
	v8 =	vadd.f32 v8, v13  }
0x1dc: {  	v3 =	vmul.f32 v10, v3;
	v12 =	vadd.f32 v15, v14;
	v7 =	vadd.f32 v20, v7  }
0x1dd: {  	v4 =	vmul.f32 v10, v4;
	v2 =	vadd.f32 v2, v9;
	v8 =	vadd.f32 v11, v8  }
0x1de: {  	v0 =	vmul.f32 v6, v0;
	v3 =	vadd.f32 v3, v12;
	v7 =	vadd.f32 v19, v7  }
0x1df: {  	v1 =	vmul.f32 v6, v1;
	v2 =	vadd.f32 v4, v2;
	v4 =	vadd.f32 v5, v8  }
0x1e0: {  	v0 =	vadd.f32 v0, v3;
	[tilespmem:$0x1C140] =	vst v7  }
0x1e1: {  	v1 =	vadd.f32 v1, v2;
	[tilespmem:$0x1C150] =	vst v4  }
0x1e2: {  	[tilespmem:$0x1C160] =	vst v0  }
0x1e3: {  	[tilespmem:$0x1C170] =	vst v1  }
0x1e4: {  	_ =	swait.ge [sflag:s26], $0x8000  }
0x1e5: {  	[sflag:s26] =	ssyncset.done $0x0  }
0x1e6: {  	s0 =	simm.s32 $0x0;
	[sflag:s26] =	ssyncadd.s32 $0xFFFF8000  }
0x1e7: {  	[tilespmem:s28], [sflag:$0x2] =	stream.strided.gather [hbm4b:s13+s22], $0x8000, s24, s22, $0x38;
	[tilespmem:$0x1C800] =	vst v63  }
0x1e8: {  	v5 =	vld [tilespmem:s0+$0xC030]  }
0x1e9: {  	v6 =	vld [tilespmem:s0+$0x10030]  }
0x1ea: {  	v11 =	vld [tilespmem:s0+$0xC020]  }
0x1eb: {  	v10 =	vld [tilespmem:s0+$0x10020]  }
0x1ec: {  	v8 =	vld [tilespmem:s0+$0xC010]  }
0x1ed: {  	v2 =	vld [tilespmem:s0+$0x10010]  }
0x1ee: {  	v13 =	vld [tilespmem:s0+$0xC000]  }
0x1ef: {  	v0 =	vld [tilespmem:s0+$0x4030]  }
0x1f0: {  	v9 =	vld [tilespmem:s0+$0x10000]  }
0x1f1: {  	v15 =	vimm.f32 $0.0e+00;
	v14 =	vimm.f32 $0.0e+00;
	v1 =	vld [tilespmem:s0+$0x8030]  }
0x1f2: {  	v12 =	vimm.f32 $0.0e+00;
	v7 =	vimm.f32 $0.0e+00;
	v3 =	vld [tilespmem:s0+$0x4020];
	v21 =	vand.u32 $0x7FFFFFFF, v5  }
0x1f3: {  	v4 =	vld [tilespmem:s0+$0x8020];
	v17 =	vand.u32 $0x7FFFFFFF, v11;
	v18 =	vand.u32 $0x7FFFFFFF, v10;
	v22 =	vand.u32 $0x7FFFFFFF, v6  }
0x1f4: {  	s1 =	simm.s32 $0x200;
	v16 =	vld [tilespmem:s0+$0x4010];
	v19 =	vand.u32 $0x7FFFFFFF, v13;
	v23 =	vand.u32 $0x7FFFFFFF, v8;
	v20 =	vand.u32 $0x7FFFFFFF, v2  }
.LBB2_16:
0x1f5: {  	p0 =	sne.s32 s1, $0xFE00;
	v24 =	vand.u32 $0x7FFFFFFF, v9;
	v25 =	vld [tilespmem:s0+$0x8010];
	vm0 =	vgt.f32 v21, $9.999999930e-09;
	vm1 =	vgt.f32 v22, $9.999999930e-09  }
0x1f6: {  	vm2 =	vgt.f32 v23, $9.999999930e-09;
	vm3 =	vgt.f32 v17, $9.999999930e-09;
	vm4 =	vgt.f32 v18, $9.999999930e-09;
	v21 =	vld [tilespmem:s0+$0x4000]  }
0x1f7: {  	vm5 =	vgt.f32 v19, $9.999999930e-09;
	vm7 =	vgt.f32 v20, $9.999999930e-09;
	vm6 =	vgt.f32 v24, $9.999999930e-09;
	v17 =	vld [tilespmem:s0+$0x8000]  }
0x1f8: {  	v11 =	vnsel vm3, $0x0, v11;
	v5 =	vnsel vm0, $0x0, v5;
	v18 =	vnsel vm1, $0x0, v6  }
0x1f9: {  	v19 =	vnsel vm4, $0x0, v10;
	v20 =	vmul.f32 v5, v0;
	v22 =	vmul.f32 v5, v1  }
0x1fa: {  	s0 =	sshra.s32 s1, $0x2;
	v5 =	vnsel vm2, $0x0, v8;
	v23 =	vmul.f32 v11, v3;
	v24 =	vmul.f32 v11, v4  }
0x1fb: {  	v6 =	vnsel vm5, $0x0, v13;
	v13 =	vmul.f32 v5, v16;
	v27 =	vmul.f32 v5, v25;
	v26 =	vld [tilespmem:s0+$0x4030]  }
0x1fc: {  	v9 =	vnsel vm6, $0x0, v9;
	v8 =	vmul.f32 v6, v21;
	v5 =	vld [tilespmem:s0+$0xC030];
	v10 =	vmul.f32 v6, v17  }
0x1fd: {  	v2 =	vnsel vm7, $0x0, v2;
	v21 =	vmul.f32 v9, v21;
	v9 =	vmul.f32 v9, v17;
	v6 =	vld [tilespmem:s0+$0x10030]  }
0x1fe: {  	v16 =	vmul.f32 v2, v16;
	v7 =	vadd.f32 v8, v7;
	v11 =	vld [tilespmem:s0+$0xC020];
	v15 =	vadd.f32 v10, v15  }
0x1ff: {  	v14 =	vadd.f32 v21, v14;
	v9 =	vadd.f32 v9, v12;
	v12 =	vmul.f32 v2, v25;
	v10 =	vld [tilespmem:s0+$0x10020]  }
0x200: {  	v3 =	vmul.f32 v19, v3;
	v7 =	vadd.f32 v13, v7;
	v8 =	vld [tilespmem:s0+$0xC010];
	v15 =	vadd.f32 v27, v15  }
0x201: {  	v4 =	vmul.f32 v19, v4;
	v14 =	vadd.f32 v16, v14;
	v12 =	vadd.f32 v12, v9;
	v2 =	vld [tilespmem:s0+$0x10010]  }
0x202: {  	v16 =	vmul.f32 v18, v0;
	v0 =	vmovc v26;
	v7 =	vadd.f32 v23, v7;
	v13 =	vld [tilespmem:s0+$0xC000];
	v15 =	vadd.f32 v24, v15  }
.Ltmp7:
0x203: {  	v14 =	vadd.f32 v3, v14;
	v4 =	vadd.f32 v4, v12;
	v12 =	vmul.f32 v18, v1;
	v9 =	vld [tilespmem:s0+$0x10000];
	(pc) =	sbr.rel @p0 .LBB2_16-.Ltmp7, $4  }
0x204: {  	v7 =	vadd.f32 v20, v7;
	v1 =	vld [tilespmem:s0+$0x8030];
	v15 =	vadd.f32 v22, v15  }
0x205: {  	v21 =	vand.u32 $0x7FFFFFFF, v5;
	v14 =	vadd.f32 v16, v14;
	v12 =	vadd.f32 v12, v4;
	v3 =	vld [tilespmem:s0+$0x4020]  }
0x206: {  	v17 =	vand.u32 $0x7FFFFFFF, v11;
	v18 =	vand.u32 $0x7FFFFFFF, v10;
	v22 =	vand.u32 $0x7FFFFFFF, v6;
	v4 =	vld [tilespmem:s0+$0x8020]  }
0x207: {  	s1 =	sadd.s32 $0x200, s1;
	v23 =	vand.u32 $0x7FFFFFFF, v8;
	v20 =	vand.u32 $0x7FFFFFFF, v2;
	v19 =	vand.u32 $0x7FFFFFFF, v13;
	v16 =	vld [tilespmem:s0+$0x4010]  }
0x208: {  	v24 =	vand.u32 $0x7FFFFFFF, v9;
	vm0 =	vgt.f32 v21, $9.999999930e-09  }
0x209: {  	vm1 =	vgt.f32 v22, $9.999999930e-09;
	v21 =	vld [tilespmem:s0+$0x4000];
	vm2 =	vgt.f32 v23, $9.999999930e-09;
	vm3 =	vgt.f32 v17, $9.999999930e-09  }
0x20a: {  	vm4 =	vgt.f32 v18, $9.999999930e-09;
	v17 =	vld [tilespmem:s0+$0x8000];
	vm5 =	vgt.f32 v19, $9.999999930e-09;
	vm7 =	vgt.f32 v20, $9.999999930e-09  }
0x20b: {  	vm6 =	vgt.f32 v24, $9.999999930e-09;
	v11 =	vnsel vm3, $0x0, v11;
	v5 =	vnsel vm0, $0x0, v5  }
0x20c: {  	v18 =	vld [tilespmem:s0+$0x8010];
	v6 =	vnsel vm1, $0x0, v6;
	v10 =	vnsel vm4, $0x0, v10;
	v13 =	vnsel vm5, $0x0, v13  }
0x20d: {  	v8 =	vnsel vm2, $0x0, v8;
	v19 =	vmul.f32 v5, v0;
	v5 =	vmul.f32 v5, v1  }
0x20e: {  	v2 =	vnsel vm7, $0x0, v2;
	v20 =	vmul.f32 v11, v3;
	v22 =	vmul.f32 v13, v21  }
0x20f: {  	v9 =	vnsel vm6, $0x0, v9;
	v11 =	vmul.f32 v11, v4;
	v13 =	vmul.f32 v13, v17  }
0x210: {  	v23 =	vmul.f32 v8, v16;
	v21 =	vmul.f32 v9, v21;
	v7 =	vadd.f32 v22, v7  }
0x211: {  	v8 =	vmul.f32 v8, v18;
	v9 =	vmul.f32 v9, v17;
	v13 =	vadd.f32 v13, v15  }
0x212: {  	v15 =	vmul.f32 v2, v16;
	v14 =	vadd.f32 v21, v14;
	v7 =	vadd.f32 v23, v7  }
0x213: {  	v9 =	vadd.f32 v9, v12;
	v2 =	vmul.f32 v2, v18;
	v8 =	vadd.f32 v8, v13  }
0x214: {  	v3 =	vmul.f32 v10, v3;
	v12 =	vadd.f32 v15, v14;
	v7 =	vadd.f32 v20, v7  }
0x215: {  	v4 =	vmul.f32 v10, v4;
	v2 =	vadd.f32 v2, v9;
	v8 =	vadd.f32 v11, v8  }
0x216: {  	v0 =	vmul.f32 v6, v0;
	v3 =	vadd.f32 v3, v12;
	v7 =	vadd.f32 v19, v7  }
0x217: {  	v1 =	vmul.f32 v6, v1;
	v2 =	vadd.f32 v4, v2;
	v4 =	vadd.f32 v5, v8  }
0x218: {  	v0 =	vadd.f32 v0, v3;
	[tilespmem:$0x1C180] =	vst v7  }
0x219: {  	v1 =	vadd.f32 v1, v2;
	[tilespmem:$0x1C190] =	vst v4  }
0x21a: {  	[tilespmem:$0x1C1A0] =	vst v0  }
0x21b: {  	[tilespmem:$0x1C1B0] =	vst v1  }
0x21c: {  	_ =	swait.ge [sflag:s29], $0x8000  }
0x21d: {  	[sflag:s29] =	ssyncset.done $0x0  }
0x21e: {  	s0 =	simm.s32 $0x0;
	[sflag:s29] =	ssyncadd.s32 $0xFFFF8000  }
0x21f: {  	[tilespmem:s25], [sflag:$0x1] =	stream.strided.gather [hbm4b:s14+s22], $0x8000, s24, s22, $0x38;
	[tilespmem:$0x1C800] =	vst v63  }
0x220: {  	v5 =	vld [tilespmem:s0+$0x14030]  }
0x221: {  	v6 =	vld [tilespmem:s0+$0x18030]  }
0x222: {  	v11 =	vld [tilespmem:s0+$0x14020]  }
0x223: {  	v10 =	vld [tilespmem:s0+$0x18020]  }
0x224: {  	v8 =	vld [tilespmem:s0+$0x14010]  }
0x225: {  	v2 =	vld [tilespmem:s0+$0x18010]  }
0x226: {  	v13 =	vld [tilespmem:s0+$0x14000]  }
0x227: {  	v0 =	vld [tilespmem:s0+$0x4030]  }
0x228: {  	v9 =	vld [tilespmem:s0+$0x18000]  }
0x229: {  	v15 =	vimm.f32 $0.0e+00;
	v14 =	vimm.f32 $0.0e+00;
	v1 =	vld [tilespmem:s0+$0x8030]  }
0x22a: {  	v12 =	vimm.f32 $0.0e+00;
	v7 =	vimm.f32 $0.0e+00;
	v3 =	vld [tilespmem:s0+$0x4020];
	v21 =	vand.u32 $0x7FFFFFFF, v5  }
0x22b: {  	v4 =	vld [tilespmem:s0+$0x8020];
	v17 =	vand.u32 $0x7FFFFFFF, v11;
	v18 =	vand.u32 $0x7FFFFFFF, v10;
	v22 =	vand.u32 $0x7FFFFFFF, v6  }
0x22c: {  	s1 =	simm.s32 $0x200;
	v16 =	vld [tilespmem:s0+$0x4010];
	v19 =	vand.u32 $0x7FFFFFFF, v13;
	v23 =	vand.u32 $0x7FFFFFFF, v8;
	v20 =	vand.u32 $0x7FFFFFFF, v2  }
.LBB2_18:
0x22d: {  	p0 =	sne.s32 s1, $0xFE00;
	v24 =	vand.u32 $0x7FFFFFFF, v9;
	v25 =	vld [tilespmem:s0+$0x8010];
	vm0 =	vgt.f32 v21, $9.999999930e-09;
	vm1 =	vgt.f32 v22, $9.999999930e-09  }
0x22e: {  	vm2 =	vgt.f32 v23, $9.999999930e-09;
	vm3 =	vgt.f32 v17, $9.999999930e-09;
	vm4 =	vgt.f32 v18, $9.999999930e-09;
	v21 =	vld [tilespmem:s0+$0x4000]  }
0x22f: {  	vm5 =	vgt.f32 v19, $9.999999930e-09;
	vm7 =	vgt.f32 v20, $9.999999930e-09;
	vm6 =	vgt.f32 v24, $9.999999930e-09;
	v17 =	vld [tilespmem:s0+$0x8000]  }
0x230: {  	v11 =	vnsel vm3, $0x0, v11;
	v5 =	vnsel vm0, $0x0, v5;
	v18 =	vnsel vm1, $0x0, v6  }
0x231: {  	v19 =	vnsel vm4, $0x0, v10;
	v20 =	vmul.f32 v5, v0;
	v22 =	vmul.f32 v5, v1  }
0x232: {  	s0 =	sshra.s32 s1, $0x2;
	v5 =	vnsel vm2, $0x0, v8;
	v23 =	vmul.f32 v11, v3;
	v24 =	vmul.f32 v11, v4  }
0x233: {  	v6 =	vnsel vm5, $0x0, v13;
	v13 =	vmul.f32 v5, v16;
	v27 =	vmul.f32 v5, v25;
	v26 =	vld [tilespmem:s0+$0x4030]  }
0x234: {  	v9 =	vnsel vm6, $0x0, v9;
	v8 =	vmul.f32 v6, v21;
	v5 =	vld [tilespmem:s0+$0x14030];
	v10 =	vmul.f32 v6, v17  }
0x235: {  	v2 =	vnsel vm7, $0x0, v2;
	v21 =	vmul.f32 v9, v21;
	v9 =	vmul.f32 v9, v17;
	v6 =	vld [tilespmem:s0+$0x18030]  }
0x236: {  	v16 =	vmul.f32 v2, v16;
	v7 =	vadd.f32 v8, v7;
	v11 =	vld [tilespmem:s0+$0x14020];
	v15 =	vadd.f32 v10, v15  }
0x237: {  	v14 =	vadd.f32 v21, v14;
	v9 =	vadd.f32 v9, v12;
	v12 =	vmul.f32 v2, v25;
	v10 =	vld [tilespmem:s0+$0x18020]  }
0x238: {  	v3 =	vmul.f32 v19, v3;
	v7 =	vadd.f32 v13, v7;
	v8 =	vld [tilespmem:s0+$0x14010];
	v15 =	vadd.f32 v27, v15  }
0x239: {  	v4 =	vmul.f32 v19, v4;
	v14 =	vadd.f32 v16, v14;
	v12 =	vadd.f32 v12, v9;
	v2 =	vld [tilespmem:s0+$0x18010]  }
0x23a: {  	v16 =	vmul.f32 v18, v0;
	v0 =	vmovc v26;
	v7 =	vadd.f32 v23, v7;
	v13 =	vld [tilespmem:s0+$0x14000];
	v15 =	vadd.f32 v24, v15  }
.Ltmp8:
0x23b: {  	v14 =	vadd.f32 v3, v14;
	v4 =	vadd.f32 v4, v12;
	v12 =	vmul.f32 v18, v1;
	v9 =	vld [tilespmem:s0+$0x18000];
	(pc) =	sbr.rel @p0 .LBB2_18-.Ltmp8, $4  }
0x23c: {  	v7 =	vadd.f32 v20, v7;
	v1 =	vld [tilespmem:s0+$0x8030];
	v15 =	vadd.f32 v22, v15  }
0x23d: {  	v21 =	vand.u32 $0x7FFFFFFF, v5;
	v14 =	vadd.f32 v16, v14;
	v12 =	vadd.f32 v12, v4;
	v3 =	vld [tilespmem:s0+$0x4020]  }
0x23e: {  	v17 =	vand.u32 $0x7FFFFFFF, v11;
	v18 =	vand.u32 $0x7FFFFFFF, v10;
	v22 =	vand.u32 $0x7FFFFFFF, v6;
	v4 =	vld [tilespmem:s0+$0x8020]  }
0x23f: {  	s1 =	sadd.s32 $0x200, s1;
	v23 =	vand.u32 $0x7FFFFFFF, v8;
	v20 =	vand.u32 $0x7FFFFFFF, v2;
	v19 =	vand.u32 $0x7FFFFFFF, v13;
	v16 =	vld [tilespmem:s0+$0x4010]  }
0x240: {  	v24 =	vand.u32 $0x7FFFFFFF, v9;
	vm0 =	vgt.f32 v21, $9.999999930e-09  }
0x241: {  	vm1 =	vgt.f32 v22, $9.999999930e-09;
	v21 =	vld [tilespmem:s0+$0x4000];
	vm2 =	vgt.f32 v23, $9.999999930e-09;
	vm3 =	vgt.f32 v17, $9.999999930e-09  }
0x242: {  	vm4 =	vgt.f32 v18, $9.999999930e-09;
	v17 =	vld [tilespmem:s0+$0x8000];
	vm5 =	vgt.f32 v19, $9.999999930e-09;
	vm7 =	vgt.f32 v20, $9.999999930e-09  }
0x243: {  	vm6 =	vgt.f32 v24, $9.999999930e-09;
	v11 =	vnsel vm3, $0x0, v11;
	v5 =	vnsel vm0, $0x0, v5  }
0x244: {  	v18 =	vld [tilespmem:s0+$0x8010];
	v6 =	vnsel vm1, $0x0, v6;
	v10 =	vnsel vm4, $0x0, v10;
	v13 =	vnsel vm5, $0x0, v13  }
0x245: {  	v8 =	vnsel vm2, $0x0, v8;
	v19 =	vmul.f32 v5, v0;
	v5 =	vmul.f32 v5, v1  }
0x246: {  	v2 =	vnsel vm7, $0x0, v2;
	v20 =	vmul.f32 v11, v3;
	v22 =	vmul.f32 v13, v21  }
0x247: {  	v9 =	vnsel vm6, $0x0, v9;
	v11 =	vmul.f32 v11, v4;
	v13 =	vmul.f32 v13, v17  }
0x248: {  	v23 =	vmul.f32 v8, v16;
	v21 =	vmul.f32 v9, v21;
	v7 =	vadd.f32 v22, v7  }
0x249: {  	v8 =	vmul.f32 v8, v18;
	v9 =	vmul.f32 v9, v17;
	v13 =	vadd.f32 v13, v15  }
0x24a: {  	v15 =	vmul.f32 v2, v16;
	v14 =	vadd.f32 v21, v14;
	v7 =	vadd.f32 v23, v7  }
0x24b: {  	v9 =	vadd.f32 v9, v12;
	v2 =	vmul.f32 v2, v18;
	v8 =	vadd.f32 v8, v13  }
0x24c: {  	v3 =	vmul.f32 v10, v3;
	v12 =	vadd.f32 v15, v14;
	v7 =	vadd.f32 v20, v7  }
0x24d: {  	v4 =	vmul.f32 v10, v4;
	v2 =	vadd.f32 v2, v9;
	v8 =	vadd.f32 v11, v8  }
0x24e: {  	v0 =	vmul.f32 v6, v0;
	v3 =	vadd.f32 v3, v12;
	v7 =	vadd.f32 v19, v7  }
0x24f: {  	v1 =	vmul.f32 v6, v1;
	v2 =	vadd.f32 v4, v2;
	v4 =	vadd.f32 v5, v8  }
0x250: {  	v0 =	vadd.f32 v0, v3;
	[tilespmem:$0x1C1C0] =	vst v7  }
0x251: {  	v1 =	vadd.f32 v1, v2;
	[tilespmem:$0x1C1D0] =	vst v4  }
0x252: {  	[tilespmem:$0x1C1E0] =	vst v0  }
0x253: {  	[tilespmem:$0x1C1F0] =	vst v1  }
0x254: {  	_ =	swait.ge [sflag:s26], $0x8000  }
0x255: {  	[sflag:s26] =	ssyncset.done $0x0  }
0x256: {  	s0 =	simm.s32 $0x0;
	[sflag:s26] =	ssyncadd.s32 $0xFFFF8000  }
0x257: {  	[tilespmem:s28], [sflag:$0x2] =	stream.strided.gather [hbm4b:s15+s22], $0x8000, s24, s22, $0x38;
	[tilespmem:$0x1C800] =	vst v63  }
0x258: {  	v5 =	vld [tilespmem:s0+$0xC030]  }
0x259: {  	v6 =	vld [tilespmem:s0+$0x10030]  }
0x25a: {  	v11 =	vld [tilespmem:s0+$0xC020]  }
0x25b: {  	v10 =	vld [tilespmem:s0+$0x10020]  }
0x25c: {  	v8 =	vld [tilespmem:s0+$0xC010]  }
0x25d: {  	v2 =	vld [tilespmem:s0+$0x10010]  }
0x25e: {  	v13 =	vld [tilespmem:s0+$0xC000]  }
0x25f: {  	v0 =	vld [tilespmem:s0+$0x4030]  }
0x260: {  	v9 =	vld [tilespmem:s0+$0x10000]  }
0x261: {  	v15 =	vimm.f32 $0.0e+00;
	v14 =	vimm.f32 $0.0e+00;
	v1 =	vld [tilespmem:s0+$0x8030]  }
0x262: {  	v12 =	vimm.f32 $0.0e+00;
	v7 =	vimm.f32 $0.0e+00;
	v3 =	vld [tilespmem:s0+$0x4020];
	v21 =	vand.u32 $0x7FFFFFFF, v5  }
0x263: {  	v4 =	vld [tilespmem:s0+$0x8020];
	v17 =	vand.u32 $0x7FFFFFFF, v11;
	v18 =	vand.u32 $0x7FFFFFFF, v10;
	v22 =	vand.u32 $0x7FFFFFFF, v6  }
0x264: {  	s1 =	simm.s32 $0x200;
	v16 =	vld [tilespmem:s0+$0x4010];
	v19 =	vand.u32 $0x7FFFFFFF, v13;
	v23 =	vand.u32 $0x7FFFFFFF, v8;
	v20 =	vand.u32 $0x7FFFFFFF, v2  }
.LBB2_20:
0x265: {  	p0 =	sne.s32 s1, $0xFE00;
	v24 =	vand.u32 $0x7FFFFFFF, v9;
	v25 =	vld [tilespmem:s0+$0x8010];
	vm0 =	vgt.f32 v21, $9.999999930e-09;
	vm1 =	vgt.f32 v22, $9.999999930e-09  }
0x266: {  	vm2 =	vgt.f32 v23, $9.999999930e-09;
	vm3 =	vgt.f32 v17, $9.999999930e-09;
	vm4 =	vgt.f32 v18, $9.999999930e-09;
	v21 =	vld [tilespmem:s0+$0x4000]  }
0x267: {  	vm5 =	vgt.f32 v19, $9.999999930e-09;
	vm7 =	vgt.f32 v20, $9.999999930e-09;
	vm6 =	vgt.f32 v24, $9.999999930e-09;
	v17 =	vld [tilespmem:s0+$0x8000]  }
0x268: {  	v11 =	vnsel vm3, $0x0, v11;
	v5 =	vnsel vm0, $0x0, v5;
	v18 =	vnsel vm1, $0x0, v6  }
0x269: {  	v19 =	vnsel vm4, $0x0, v10;
	v20 =	vmul.f32 v5, v0;
	v22 =	vmul.f32 v5, v1  }
0x26a: {  	s0 =	sshra.s32 s1, $0x2;
	v5 =	vnsel vm2, $0x0, v8;
	v23 =	vmul.f32 v11, v3;
	v24 =	vmul.f32 v11, v4  }
0x26b: {  	v6 =	vnsel vm5, $0x0, v13;
	v13 =	vmul.f32 v5, v16;
	v27 =	vmul.f32 v5, v25;
	v26 =	vld [tilespmem:s0+$0x4030]  }
0x26c: {  	v9 =	vnsel vm6, $0x0, v9;
	v8 =	vmul.f32 v6, v21;
	v5 =	vld [tilespmem:s0+$0xC030];
	v10 =	vmul.f32 v6, v17  }
0x26d: {  	v2 =	vnsel vm7, $0x0, v2;
	v21 =	vmul.f32 v9, v21;
	v9 =	vmul.f32 v9, v17;
	v6 =	vld [tilespmem:s0+$0x10030]  }
0x26e: {  	v16 =	vmul.f32 v2, v16;
	v7 =	vadd.f32 v8, v7;
	v11 =	vld [tilespmem:s0+$0xC020];
	v15 =	vadd.f32 v10, v15  }
0x26f: {  	v14 =	vadd.f32 v21, v14;
	v9 =	vadd.f32 v9, v12;
	v12 =	vmul.f32 v2, v25;
	v10 =	vld [tilespmem:s0+$0x10020]  }
0x270: {  	v3 =	vmul.f32 v19, v3;
	v7 =	vadd.f32 v13, v7;
	v8 =	vld [tilespmem:s0+$0xC010];
	v15 =	vadd.f32 v27, v15  }
0x271: {  	v4 =	vmul.f32 v19, v4;
	v14 =	vadd.f32 v16, v14;
	v12 =	vadd.f32 v12, v9;
	v2 =	vld [tilespmem:s0+$0x10010]  }
0x272: {  	v16 =	vmul.f32 v18, v0;
	v0 =	vmovc v26;
	v7 =	vadd.f32 v23, v7;
	v13 =	vld [tilespmem:s0+$0xC000];
	v15 =	vadd.f32 v24, v15  }
.Ltmp9:
0x273: {  	v14 =	vadd.f32 v3, v14;
	v4 =	vadd.f32 v4, v12;
	v12 =	vmul.f32 v18, v1;
	v9 =	vld [tilespmem:s0+$0x10000];
	(pc) =	sbr.rel @p0 .LBB2_20-.Ltmp9, $4  }
0x274: {  	v7 =	vadd.f32 v20, v7;
	v1 =	vld [tilespmem:s0+$0x8030];
	v15 =	vadd.f32 v22, v15  }
0x275: {  	v21 =	vand.u32 $0x7FFFFFFF, v5;
	v14 =	vadd.f32 v16, v14;
	v12 =	vadd.f32 v12, v4;
	v3 =	vld [tilespmem:s0+$0x4020]  }
0x276: {  	v17 =	vand.u32 $0x7FFFFFFF, v11;
	v18 =	vand.u32 $0x7FFFFFFF, v10;
	v22 =	vand.u32 $0x7FFFFFFF, v6;
	v4 =	vld [tilespmem:s0+$0x8020]  }
0x277: {  	s1 =	sadd.s32 $0x200, s1;
	v23 =	vand.u32 $0x7FFFFFFF, v8;
	v20 =	vand.u32 $0x7FFFFFFF, v2;
	v19 =	vand.u32 $0x7FFFFFFF, v13;
	v16 =	vld [tilespmem:s0+$0x4010]  }
0x278: {  	v24 =	vand.u32 $0x7FFFFFFF, v9;
	vm0 =	vgt.f32 v21, $9.999999930e-09  }
0x279: {  	vm1 =	vgt.f32 v22, $9.999999930e-09;
	v21 =	vld [tilespmem:s0+$0x4000];
	vm2 =	vgt.f32 v23, $9.999999930e-09;
	vm3 =	vgt.f32 v17, $9.999999930e-09  }
0x27a: {  	vm4 =	vgt.f32 v18, $9.999999930e-09;
	v17 =	vld [tilespmem:s0+$0x8000];
	vm5 =	vgt.f32 v19, $9.999999930e-09;
	vm7 =	vgt.f32 v20, $9.999999930e-09  }
0x27b: {  	vm6 =	vgt.f32 v24, $9.999999930e-09;
	v11 =	vnsel vm3, $0x0, v11;
	v5 =	vnsel vm0, $0x0, v5  }
0x27c: {  	v18 =	vld [tilespmem:s0+$0x8010];
	v6 =	vnsel vm1, $0x0, v6;
	v10 =	vnsel vm4, $0x0, v10;
	v13 =	vnsel vm5, $0x0, v13  }
0x27d: {  	v8 =	vnsel vm2, $0x0, v8;
	v19 =	vmul.f32 v5, v0;
	v5 =	vmul.f32 v5, v1  }
0x27e: {  	v2 =	vnsel vm7, $0x0, v2;
	v20 =	vmul.f32 v11, v3;
	v22 =	vmul.f32 v13, v21  }
0x27f: {  	v9 =	vnsel vm6, $0x0, v9;
	v11 =	vmul.f32 v11, v4;
	v13 =	vmul.f32 v13, v17  }
0x280: {  	v23 =	vmul.f32 v8, v16;
	v21 =	vmul.f32 v9, v21;
	v7 =	vadd.f32 v22, v7  }
0x281: {  	v8 =	vmul.f32 v8, v18;
	v9 =	vmul.f32 v9, v17;
	v13 =	vadd.f32 v13, v15  }
0x282: {  	v15 =	vmul.f32 v2, v16;
	v14 =	vadd.f32 v21, v14;
	v7 =	vadd.f32 v23, v7  }
0x283: {  	v9 =	vadd.f32 v9, v12;
	v2 =	vmul.f32 v2, v18;
	v8 =	vadd.f32 v8, v13  }
0x284: {  	v3 =	vmul.f32 v10, v3;
	v12 =	vadd.f32 v15, v14;
	v7 =	vadd.f32 v20, v7  }
0x285: {  	v4 =	vmul.f32 v10, v4;
	v2 =	vadd.f32 v2, v9;
	v8 =	vadd.f32 v11, v8  }
0x286: {  	v0 =	vmul.f32 v6, v0;
	v3 =	vadd.f32 v3, v12;
	v7 =	vadd.f32 v19, v7  }
0x287: {  	v1 =	vmul.f32 v6, v1;
	v2 =	vadd.f32 v4, v2;
	v4 =	vadd.f32 v5, v8  }
0x288: {  	v0 =	vadd.f32 v0, v3;
	[tilespmem:$0x1C200] =	vst v7  }
0x289: {  	v1 =	vadd.f32 v1, v2;
	[tilespmem:$0x1C210] =	vst v4  }
0x28a: {  	[tilespmem:$0x1C220] =	vst v0  }
0x28b: {  	[tilespmem:$0x1C230] =	vst v1  }
0x28c: {  	_ =	swait.ge [sflag:s29], $0x8000  }
0x28d: {  	[sflag:s29] =	ssyncset.done $0x0  }
0x28e: {  	s0 =	simm.s32 $0x0;
	[sflag:s29] =	ssyncadd.s32 $0xFFFF8000  }
0x28f: {  	[tilespmem:s25], [sflag:$0x1] =	stream.strided.gather [hbm4b:s16+s22], $0x8000, s24, s22, $0x38;
	[tilespmem:$0x1C800] =	vst v63  }
0x290: {  	v5 =	vld [tilespmem:s0+$0x14030]  }
0x291: {  	v6 =	vld [tilespmem:s0+$0x18030]  }
0x292: {  	v11 =	vld [tilespmem:s0+$0x14020]  }
0x293: {  	v10 =	vld [tilespmem:s0+$0x18020]  }
0x294: {  	v8 =	vld [tilespmem:s0+$0x14010]  }
0x295: {  	v2 =	vld [tilespmem:s0+$0x18010]  }
0x296: {  	v13 =	vld [tilespmem:s0+$0x14000]  }
0x297: {  	v0 =	vld [tilespmem:s0+$0x4030]  }
0x298: {  	v9 =	vld [tilespmem:s0+$0x18000]  }
0x299: {  	v15 =	vimm.f32 $0.0e+00;
	v14 =	vimm.f32 $0.0e+00;
	v1 =	vld [tilespmem:s0+$0x8030]  }
0x29a: {  	v12 =	vimm.f32 $0.0e+00;
	v7 =	vimm.f32 $0.0e+00;
	v3 =	vld [tilespmem:s0+$0x4020];
	v21 =	vand.u32 $0x7FFFFFFF, v5  }
0x29b: {  	v4 =	vld [tilespmem:s0+$0x8020];
	v17 =	vand.u32 $0x7FFFFFFF, v11;
	v18 =	vand.u32 $0x7FFFFFFF, v10;
	v22 =	vand.u32 $0x7FFFFFFF, v6  }
0x29c: {  	s1 =	simm.s32 $0x200;
	v16 =	vld [tilespmem:s0+$0x4010];
	v19 =	vand.u32 $0x7FFFFFFF, v13;
	v23 =	vand.u32 $0x7FFFFFFF, v8;
	v20 =	vand.u32 $0x7FFFFFFF, v2  }
.LBB2_22:
0x29d: {  	p0 =	sne.s32 s1, $0xFE00;
	v24 =	vand.u32 $0x7FFFFFFF, v9;
	v25 =	vld [tilespmem:s0+$0x8010];
	vm0 =	vgt.f32 v21, $9.999999930e-09;
	vm1 =	vgt.f32 v22, $9.999999930e-09  }
0x29e: {  	vm2 =	vgt.f32 v23, $9.999999930e-09;
	vm3 =	vgt.f32 v17, $9.999999930e-09;
	vm4 =	vgt.f32 v18, $9.999999930e-09;
	v21 =	vld [tilespmem:s0+$0x4000]  }
0x29f: {  	vm5 =	vgt.f32 v19, $9.999999930e-09;
	vm7 =	vgt.f32 v20, $9.999999930e-09;
	vm6 =	vgt.f32 v24, $9.999999930e-09;
	v17 =	vld [tilespmem:s0+$0x8000]  }
0x2a0: {  	v11 =	vnsel vm3, $0x0, v11;
	v5 =	vnsel vm0, $0x0, v5;
	v18 =	vnsel vm1, $0x0, v6  }
0x2a1: {  	v19 =	vnsel vm4, $0x0, v10;
	v20 =	vmul.f32 v5, v0;
	v22 =	vmul.f32 v5, v1  }
0x2a2: {  	s0 =	sshra.s32 s1, $0x2;
	v5 =	vnsel vm2, $0x0, v8;
	v23 =	vmul.f32 v11, v3;
	v24 =	vmul.f32 v11, v4  }
0x2a3: {  	v6 =	vnsel vm5, $0x0, v13;
	v13 =	vmul.f32 v5, v16;
	v27 =	vmul.f32 v5, v25;
	v26 =	vld [tilespmem:s0+$0x4030]  }
0x2a4: {  	v9 =	vnsel vm6, $0x0, v9;
	v8 =	vmul.f32 v6, v21;
	v5 =	vld [tilespmem:s0+$0x14030];
	v10 =	vmul.f32 v6, v17  }
0x2a5: {  	v2 =	vnsel vm7, $0x0, v2;
	v21 =	vmul.f32 v9, v21;
	v9 =	vmul.f32 v9, v17;
	v6 =	vld [tilespmem:s0+$0x18030]  }
0x2a6: {  	v16 =	vmul.f32 v2, v16;
	v7 =	vadd.f32 v8, v7;
	v11 =	vld [tilespmem:s0+$0x14020];
	v15 =	vadd.f32 v10, v15  }
0x2a7: {  	v14 =	vadd.f32 v21, v14;
	v9 =	vadd.f32 v9, v12;
	v12 =	vmul.f32 v2, v25;
	v10 =	vld [tilespmem:s0+$0x18020]  }
0x2a8: {  	v3 =	vmul.f32 v19, v3;
	v7 =	vadd.f32 v13, v7;
	v8 =	vld [tilespmem:s0+$0x14010];
	v15 =	vadd.f32 v27, v15  }
0x2a9: {  	v4 =	vmul.f32 v19, v4;
	v14 =	vadd.f32 v16, v14;
	v12 =	vadd.f32 v12, v9;
	v2 =	vld [tilespmem:s0+$0x18010]  }
0x2aa: {  	v16 =	vmul.f32 v18, v0;
	v0 =	vmovc v26;
	v7 =	vadd.f32 v23, v7;
	v13 =	vld [tilespmem:s0+$0x14000];
	v15 =	vadd.f32 v24, v15  }
.Ltmp10:
0x2ab: {  	v14 =	vadd.f32 v3, v14;
	v4 =	vadd.f32 v4, v12;
	v12 =	vmul.f32 v18, v1;
	v9 =	vld [tilespmem:s0+$0x18000];
	(pc) =	sbr.rel @p0 .LBB2_22-.Ltmp10, $4  }
0x2ac: {  	v7 =	vadd.f32 v20, v7;
	v1 =	vld [tilespmem:s0+$0x8030];
	v15 =	vadd.f32 v22, v15  }
0x2ad: {  	v21 =	vand.u32 $0x7FFFFFFF, v5;
	v14 =	vadd.f32 v16, v14;
	v12 =	vadd.f32 v12, v4;
	v3 =	vld [tilespmem:s0+$0x4020]  }
0x2ae: {  	v17 =	vand.u32 $0x7FFFFFFF, v11;
	v18 =	vand.u32 $0x7FFFFFFF, v10;
	v22 =	vand.u32 $0x7FFFFFFF, v6;
	v4 =	vld [tilespmem:s0+$0x8020]  }
0x2af: {  	s1 =	sadd.s32 $0x200, s1;
	v23 =	vand.u32 $0x7FFFFFFF, v8;
	v20 =	vand.u32 $0x7FFFFFFF, v2;
	v19 =	vand.u32 $0x7FFFFFFF, v13;
	v16 =	vld [tilespmem:s0+$0x4010]  }
0x2b0: {  	v24 =	vand.u32 $0x7FFFFFFF, v9;
	vm0 =	vgt.f32 v21, $9.999999930e-09  }
0x2b1: {  	vm1 =	vgt.f32 v22, $9.999999930e-09;
	v21 =	vld [tilespmem:s0+$0x4000];
	vm2 =	vgt.f32 v23, $9.999999930e-09;
	vm3 =	vgt.f32 v17, $9.999999930e-09  }
0x2b2: {  	vm4 =	vgt.f32 v18, $9.999999930e-09;
	v17 =	vld [tilespmem:s0+$0x8000];
	vm5 =	vgt.f32 v19, $9.999999930e-09;
	vm7 =	vgt.f32 v20, $9.999999930e-09  }
0x2b3: {  	vm6 =	vgt.f32 v24, $9.999999930e-09;
	v11 =	vnsel vm3, $0x0, v11;
	v5 =	vnsel vm0, $0x0, v5  }
0x2b4: {  	v18 =	vld [tilespmem:s0+$0x8010];
	v6 =	vnsel vm1, $0x0, v6;
	v10 =	vnsel vm4, $0x0, v10;
	v13 =	vnsel vm5, $0x0, v13  }
0x2b5: {  	v8 =	vnsel vm2, $0x0, v8;
	v19 =	vmul.f32 v5, v0;
	v5 =	vmul.f32 v5, v1  }
0x2b6: {  	v2 =	vnsel vm7, $0x0, v2;
	v20 =	vmul.f32 v11, v3;
	v22 =	vmul.f32 v13, v21  }
0x2b7: {  	v9 =	vnsel vm6, $0x0, v9;
	v11 =	vmul.f32 v11, v4;
	v13 =	vmul.f32 v13, v17  }
0x2b8: {  	v23 =	vmul.f32 v8, v16;
	v21 =	vmul.f32 v9, v21;
	v7 =	vadd.f32 v22, v7  }
0x2b9: {  	v8 =	vmul.f32 v8, v18;
	v9 =	vmul.f32 v9, v17;
	v13 =	vadd.f32 v13, v15  }
0x2ba: {  	v15 =	vmul.f32 v2, v16;
	v14 =	vadd.f32 v21, v14;
	v7 =	vadd.f32 v23, v7  }
0x2bb: {  	v9 =	vadd.f32 v9, v12;
	v2 =	vmul.f32 v2, v18;
	v8 =	vadd.f32 v8, v13  }
0x2bc: {  	v3 =	vmul.f32 v10, v3;
	v12 =	vadd.f32 v15, v14;
	v7 =	vadd.f32 v20, v7  }
0x2bd: {  	v4 =	vmul.f32 v10, v4;
	v2 =	vadd.f32 v2, v9;
	v8 =	vadd.f32 v11, v8  }
0x2be: {  	v0 =	vmul.f32 v6, v0;
	v3 =	vadd.f32 v3, v12;
	v7 =	vadd.f32 v19, v7  }
0x2bf: {  	v1 =	vmul.f32 v6, v1;
	v2 =	vadd.f32 v4, v2;
	v4 =	vadd.f32 v5, v8  }
0x2c0: {  	v0 =	vadd.f32 v0, v3;
	[tilespmem:$0x1C240] =	vst v7  }
0x2c1: {  	v1 =	vadd.f32 v1, v2;
	[tilespmem:$0x1C250] =	vst v4  }
0x2c2: {  	[tilespmem:$0x1C260] =	vst v0  }
0x2c3: {  	[tilespmem:$0x1C270] =	vst v1  }
0x2c4: {  	_ =	swait.ge [sflag:s26], $0x8000  }
0x2c5: {  	[sflag:s26] =	ssyncset.done $0x0  }
0x2c6: {  	s0 =	simm.s32 $0x0;
	[sflag:s26] =	ssyncadd.s32 $0xFFFF8000  }
0x2c7: {  	[tilespmem:s28], [sflag:$0x2] =	stream.strided.gather [hbm4b:s17+s22], $0x8000, s24, s22, $0x38;
	[tilespmem:$0x1C800] =	vst v63  }
0x2c8: {  	v5 =	vld [tilespmem:s0+$0xC030]  }
0x2c9: {  	v6 =	vld [tilespmem:s0+$0x10030]  }
0x2ca: {  	v11 =	vld [tilespmem:s0+$0xC020]  }
0x2cb: {  	v10 =	vld [tilespmem:s0+$0x10020]  }
0x2cc: {  	v8 =	vld [tilespmem:s0+$0xC010]  }
0x2cd: {  	v2 =	vld [tilespmem:s0+$0x10010]  }
0x2ce: {  	v13 =	vld [tilespmem:s0+$0xC000]  }
0x2cf: {  	v0 =	vld [tilespmem:s0+$0x4030]  }
0x2d0: {  	v9 =	vld [tilespmem:s0+$0x10000]  }
0x2d1: {  	v15 =	vimm.f32 $0.0e+00;
	v14 =	vimm.f32 $0.0e+00;
	v1 =	vld [tilespmem:s0+$0x8030]  }
0x2d2: {  	v12 =	vimm.f32 $0.0e+00;
	v7 =	vimm.f32 $0.0e+00;
	v3 =	vld [tilespmem:s0+$0x4020];
	v21 =	vand.u32 $0x7FFFFFFF, v5  }
0x2d3: {  	v4 =	vld [tilespmem:s0+$0x8020];
	v17 =	vand.u32 $0x7FFFFFFF, v11;
	v18 =	vand.u32 $0x7FFFFFFF, v10;
	v22 =	vand.u32 $0x7FFFFFFF, v6  }
0x2d4: {  	s1 =	simm.s32 $0x200;
	v16 =	vld [tilespmem:s0+$0x4010];
	v19 =	vand.u32 $0x7FFFFFFF, v13;
	v23 =	vand.u32 $0x7FFFFFFF, v8;
	v20 =	vand.u32 $0x7FFFFFFF, v2  }
.LBB2_24:
0x2d5: {  	p0 =	sne.s32 s1, $0xFE00;
	v24 =	vand.u32 $0x7FFFFFFF, v9;
	v25 =	vld [tilespmem:s0+$0x8010];
	vm0 =	vgt.f32 v21, $9.999999930e-09;
	vm1 =	vgt.f32 v22, $9.999999930e-09  }
0x2d6: {  	vm2 =	vgt.f32 v23, $9.999999930e-09;
	vm3 =	vgt.f32 v17, $9.999999930e-09;
	vm4 =	vgt.f32 v18, $9.999999930e-09;
	v21 =	vld [tilespmem:s0+$0x4000]  }
0x2d7: {  	vm5 =	vgt.f32 v19, $9.999999930e-09;
	vm7 =	vgt.f32 v20, $9.999999930e-09;
	vm6 =	vgt.f32 v24, $9.999999930e-09;
	v17 =	vld [tilespmem:s0+$0x8000]  }
0x2d8: {  	v11 =	vnsel vm3, $0x0, v11;
	v5 =	vnsel vm0, $0x0, v5;
	v18 =	vnsel vm1, $0x0, v6  }
0x2d9: {  	v19 =	vnsel vm4, $0x0, v10;
	v20 =	vmul.f32 v5, v0;
	v22 =	vmul.f32 v5, v1  }
0x2da: {  	s0 =	sshra.s32 s1, $0x2;
	v5 =	vnsel vm2, $0x0, v8;
	v23 =	vmul.f32 v11, v3;
	v24 =	vmul.f32 v11, v4  }
0x2db: {  	v6 =	vnsel vm5, $0x0, v13;
	v13 =	vmul.f32 v5, v16;
	v27 =	vmul.f32 v5, v25;
	v26 =	vld [tilespmem:s0+$0x4030]  }
0x2dc: {  	v9 =	vnsel vm6, $0x0, v9;
	v8 =	vmul.f32 v6, v21;
	v5 =	vld [tilespmem:s0+$0xC030];
	v10 =	vmul.f32 v6, v17  }
0x2dd: {  	v2 =	vnsel vm7, $0x0, v2;
	v21 =	vmul.f32 v9, v21;
	v9 =	vmul.f32 v9, v17;
	v6 =	vld [tilespmem:s0+$0x10030]  }
0x2de: {  	v16 =	vmul.f32 v2, v16;
	v7 =	vadd.f32 v8, v7;
	v11 =	vld [tilespmem:s0+$0xC020];
	v15 =	vadd.f32 v10, v15  }
0x2df: {  	v14 =	vadd.f32 v21, v14;
	v9 =	vadd.f32 v9, v12;
	v12 =	vmul.f32 v2, v25;
	v10 =	vld [tilespmem:s0+$0x10020]  }
0x2e0: {  	v3 =	vmul.f32 v19, v3;
	v7 =	vadd.f32 v13, v7;
	v8 =	vld [tilespmem:s0+$0xC010];
	v15 =	vadd.f32 v27, v15  }
0x2e1: {  	v4 =	vmul.f32 v19, v4;
	v14 =	vadd.f32 v16, v14;
	v12 =	vadd.f32 v12, v9;
	v2 =	vld [tilespmem:s0+$0x10010]  }
0x2e2: {  	v16 =	vmul.f32 v18, v0;
	v0 =	vmovc v26;
	v7 =	vadd.f32 v23, v7;
	v13 =	vld [tilespmem:s0+$0xC000];
	v15 =	vadd.f32 v24, v15  }
.Ltmp11:
0x2e3: {  	v14 =	vadd.f32 v3, v14;
	v4 =	vadd.f32 v4, v12;
	v12 =	vmul.f32 v18, v1;
	v9 =	vld [tilespmem:s0+$0x10000];
	(pc) =	sbr.rel @p0 .LBB2_24-.Ltmp11, $4  }
0x2e4: {  	v7 =	vadd.f32 v20, v7;
	v1 =	vld [tilespmem:s0+$0x8030];
	v15 =	vadd.f32 v22, v15  }
0x2e5: {  	v21 =	vand.u32 $0x7FFFFFFF, v5;
	v14 =	vadd.f32 v16, v14;
	v12 =	vadd.f32 v12, v4;
	v3 =	vld [tilespmem:s0+$0x4020]  }
0x2e6: {  	v17 =	vand.u32 $0x7FFFFFFF, v11;
	v18 =	vand.u32 $0x7FFFFFFF, v10;
	v22 =	vand.u32 $0x7FFFFFFF, v6;
	v4 =	vld [tilespmem:s0+$0x8020]  }
0x2e7: {  	s1 =	sadd.s32 $0x200, s1;
	v23 =	vand.u32 $0x7FFFFFFF, v8;
	v20 =	vand.u32 $0x7FFFFFFF, v2;
	v19 =	vand.u32 $0x7FFFFFFF, v13;
	v16 =	vld [tilespmem:s0+$0x4010]  }
0x2e8: {  	v24 =	vand.u32 $0x7FFFFFFF, v9;
	vm0 =	vgt.f32 v21, $9.999999930e-09  }
0x2e9: {  	vm1 =	vgt.f32 v22, $9.999999930e-09;
	v21 =	vld [tilespmem:s0+$0x4000];
	vm2 =	vgt.f32 v23, $9.999999930e-09;
	vm3 =	vgt.f32 v17, $9.999999930e-09  }
0x2ea: {  	vm4 =	vgt.f32 v18, $9.999999930e-09;
	v17 =	vld [tilespmem:s0+$0x8000];
	vm5 =	vgt.f32 v19, $9.999999930e-09;
	vm7 =	vgt.f32 v20, $9.999999930e-09  }
0x2eb: {  	vm6 =	vgt.f32 v24, $9.999999930e-09;
	v11 =	vnsel vm3, $0x0, v11;
	v5 =	vnsel vm0, $0x0, v5  }
0x2ec: {  	v18 =	vld [tilespmem:s0+$0x8010];
	v6 =	vnsel vm1, $0x0, v6;
	v10 =	vnsel vm4, $0x0, v10;
	v13 =	vnsel vm5, $0x0, v13  }
0x2ed: {  	v8 =	vnsel vm2, $0x0, v8;
	v19 =	vmul.f32 v5, v0;
	v5 =	vmul.f32 v5, v1  }
0x2ee: {  	v2 =	vnsel vm7, $0x0, v2;
	v20 =	vmul.f32 v11, v3;
	v22 =	vmul.f32 v13, v21  }
0x2ef: {  	v9 =	vnsel vm6, $0x0, v9;
	v11 =	vmul.f32 v11, v4;
	v13 =	vmul.f32 v13, v17  }
0x2f0: {  	v23 =	vmul.f32 v8, v16;
	v21 =	vmul.f32 v9, v21;
	v7 =	vadd.f32 v22, v7  }
0x2f1: {  	v8 =	vmul.f32 v8, v18;
	v9 =	vmul.f32 v9, v17;
	v13 =	vadd.f32 v13, v15  }
0x2f2: {  	v15 =	vmul.f32 v2, v16;
	v14 =	vadd.f32 v21, v14;
	v7 =	vadd.f32 v23, v7  }
0x2f3: {  	v9 =	vadd.f32 v9, v12;
	v2 =	vmul.f32 v2, v18;
	v8 =	vadd.f32 v8, v13  }
0x2f4: {  	v3 =	vmul.f32 v10, v3;
	v12 =	vadd.f32 v15, v14;
	v7 =	vadd.f32 v20, v7  }
0x2f5: {  	v4 =	vmul.f32 v10, v4;
	v2 =	vadd.f32 v2, v9;
	v8 =	vadd.f32 v11, v8  }
0x2f6: {  	v0 =	vmul.f32 v6, v0;
	v3 =	vadd.f32 v3, v12;
	v7 =	vadd.f32 v19, v7  }
0x2f7: {  	v1 =	vmul.f32 v6, v1;
	v2 =	vadd.f32 v4, v2;
	v4 =	vadd.f32 v5, v8  }
0x2f8: {  	v0 =	vadd.f32 v0, v3;
	[tilespmem:$0x1C280] =	vst v7  }
0x2f9: {  	v1 =	vadd.f32 v1, v2;
	[tilespmem:$0x1C290] =	vst v4  }
0x2fa: {  	[tilespmem:$0x1C2A0] =	vst v0  }
0x2fb: {  	[tilespmem:$0x1C2B0] =	vst v1  }
0x2fc: {  	_ =	swait.ge [sflag:s29], $0x8000  }
0x2fd: {  	[sflag:s29] =	ssyncset.done $0x0  }
0x2fe: {  	s0 =	simm.s32 $0x0;
	[sflag:s29] =	ssyncadd.s32 $0xFFFF8000  }
0x2ff: {  	[tilespmem:s25], [sflag:$0x1] =	stream.strided.gather [hbm4b:s18+s22], $0x8000, s24, s22, $0x38;
	[tilespmem:$0x1C800] =	vst v63  }
0x300: {  	v5 =	vld [tilespmem:s0+$0x14030]  }
0x301: {  	v6 =	vld [tilespmem:s0+$0x18030]  }
0x302: {  	v11 =	vld [tilespmem:s0+$0x14020]  }
0x303: {  	v10 =	vld [tilespmem:s0+$0x18020]  }
0x304: {  	v8 =	vld [tilespmem:s0+$0x14010]  }
0x305: {  	v2 =	vld [tilespmem:s0+$0x18010]  }
0x306: {  	v13 =	vld [tilespmem:s0+$0x14000]  }
0x307: {  	v0 =	vld [tilespmem:s0+$0x4030]  }
0x308: {  	v9 =	vld [tilespmem:s0+$0x18000]  }
0x309: {  	v15 =	vimm.f32 $0.0e+00;
	v14 =	vimm.f32 $0.0e+00;
	v1 =	vld [tilespmem:s0+$0x8030]  }
0x30a: {  	v12 =	vimm.f32 $0.0e+00;
	v7 =	vimm.f32 $0.0e+00;
	v3 =	vld [tilespmem:s0+$0x4020];
	v21 =	vand.u32 $0x7FFFFFFF, v5  }
0x30b: {  	v4 =	vld [tilespmem:s0+$0x8020];
	v17 =	vand.u32 $0x7FFFFFFF, v11;
	v18 =	vand.u32 $0x7FFFFFFF, v10;
	v22 =	vand.u32 $0x7FFFFFFF, v6  }
0x30c: {  	s1 =	simm.s32 $0x200;
	v16 =	vld [tilespmem:s0+$0x4010];
	v19 =	vand.u32 $0x7FFFFFFF, v13;
	v23 =	vand.u32 $0x7FFFFFFF, v8;
	v20 =	vand.u32 $0x7FFFFFFF, v2  }
.LBB2_26:
0x30d: {  	p0 =	sne.s32 s1, $0xFE00;
	v24 =	vand.u32 $0x7FFFFFFF, v9;
	v25 =	vld [tilespmem:s0+$0x8010];
	vm0 =	vgt.f32 v21, $9.999999930e-09;
	vm1 =	vgt.f32 v22, $9.999999930e-09  }
0x30e: {  	vm2 =	vgt.f32 v23, $9.999999930e-09;
	vm3 =	vgt.f32 v17, $9.999999930e-09;
	vm4 =	vgt.f32 v18, $9.999999930e-09;
	v21 =	vld [tilespmem:s0+$0x4000]  }
0x30f: {  	vm5 =	vgt.f32 v19, $9.999999930e-09;
	vm7 =	vgt.f32 v20, $9.999999930e-09;
	vm6 =	vgt.f32 v24, $9.999999930e-09;
	v17 =	vld [tilespmem:s0+$0x8000]  }
0x310: {  	v11 =	vnsel vm3, $0x0, v11;
	v5 =	vnsel vm0, $0x0, v5;
	v18 =	vnsel vm1, $0x0, v6  }
0x311: {  	v19 =	vnsel vm4, $0x0, v10;
	v20 =	vmul.f32 v5, v0;
	v22 =	vmul.f32 v5, v1  }
0x312: {  	s0 =	sshra.s32 s1, $0x2;
	v5 =	vnsel vm2, $0x0, v8;
	v23 =	vmul.f32 v11, v3;
	v24 =	vmul.f32 v11, v4  }
0x313: {  	v6 =	vnsel vm5, $0x0, v13;
	v13 =	vmul.f32 v5, v16;
	v27 =	vmul.f32 v5, v25;
	v26 =	vld [tilespmem:s0+$0x4030]  }
0x314: {  	v9 =	vnsel vm6, $0x0, v9;
	v8 =	vmul.f32 v6, v21;
	v5 =	vld [tilespmem:s0+$0x14030];
	v10 =	vmul.f32 v6, v17  }
0x315: {  	v2 =	vnsel vm7, $0x0, v2;
	v21 =	vmul.f32 v9, v21;
	v9 =	vmul.f32 v9, v17;
	v6 =	vld [tilespmem:s0+$0x18030]  }
0x316: {  	v16 =	vmul.f32 v2, v16;
	v7 =	vadd.f32 v8, v7;
	v11 =	vld [tilespmem:s0+$0x14020];
	v15 =	vadd.f32 v10, v15  }
0x317: {  	v14 =	vadd.f32 v21, v14;
	v9 =	vadd.f32 v9, v12;
	v12 =	vmul.f32 v2, v25;
	v10 =	vld [tilespmem:s0+$0x18020]  }
0x318: {  	v3 =	vmul.f32 v19, v3;
	v7 =	vadd.f32 v13, v7;
	v8 =	vld [tilespmem:s0+$0x14010];
	v15 =	vadd.f32 v27, v15  }
0x319: {  	v4 =	vmul.f32 v19, v4;
	v14 =	vadd.f32 v16, v14;
	v12 =	vadd.f32 v12, v9;
	v2 =	vld [tilespmem:s0+$0x18010]  }
0x31a: {  	v16 =	vmul.f32 v18, v0;
	v0 =	vmovc v26;
	v7 =	vadd.f32 v23, v7;
	v13 =	vld [tilespmem:s0+$0x14000];
	v15 =	vadd.f32 v24, v15  }
.Ltmp12:
0x31b: {  	v14 =	vadd.f32 v3, v14;
	v4 =	vadd.f32 v4, v12;
	v12 =	vmul.f32 v18, v1;
	v9 =	vld [tilespmem:s0+$0x18000];
	(pc) =	sbr.rel @p0 .LBB2_26-.Ltmp12, $4  }
0x31c: {  	v7 =	vadd.f32 v20, v7;
	v1 =	vld [tilespmem:s0+$0x8030];
	v15 =	vadd.f32 v22, v15  }
0x31d: {  	v21 =	vand.u32 $0x7FFFFFFF, v5;
	v14 =	vadd.f32 v16, v14;
	v12 =	vadd.f32 v12, v4;
	v3 =	vld [tilespmem:s0+$0x4020]  }
0x31e: {  	v17 =	vand.u32 $0x7FFFFFFF, v11;
	v18 =	vand.u32 $0x7FFFFFFF, v10;
	v22 =	vand.u32 $0x7FFFFFFF, v6;
	v4 =	vld [tilespmem:s0+$0x8020]  }
0x31f: {  	s1 =	sadd.s32 $0x200, s1;
	v23 =	vand.u32 $0x7FFFFFFF, v8;
	v20 =	vand.u32 $0x7FFFFFFF, v2;
	v19 =	vand.u32 $0x7FFFFFFF, v13;
	v16 =	vld [tilespmem:s0+$0x4010]  }
0x320: {  	v24 =	vand.u32 $0x7FFFFFFF, v9;
	vm0 =	vgt.f32 v21, $9.999999930e-09  }
0x321: {  	vm1 =	vgt.f32 v22, $9.999999930e-09;
	v21 =	vld [tilespmem:s0+$0x4000];
	vm2 =	vgt.f32 v23, $9.999999930e-09;
	vm3 =	vgt.f32 v17, $9.999999930e-09  }
0x322: {  	vm4 =	vgt.f32 v18, $9.999999930e-09;
	v17 =	vld [tilespmem:s0+$0x8000];
	vm5 =	vgt.f32 v19, $9.999999930e-09;
	vm7 =	vgt.f32 v20, $9.999999930e-09  }
0x323: {  	vm6 =	vgt.f32 v24, $9.999999930e-09;
	v11 =	vnsel vm3, $0x0, v11;
	v5 =	vnsel vm0, $0x0, v5  }
0x324: {  	v18 =	vld [tilespmem:s0+$0x8010];
	v6 =	vnsel vm1, $0x0, v6;
	v10 =	vnsel vm4, $0x0, v10;
	v13 =	vnsel vm5, $0x0, v13  }
0x325: {  	v8 =	vnsel vm2, $0x0, v8;
	v19 =	vmul.f32 v5, v0;
	v5 =	vmul.f32 v5, v1  }
0x326: {  	v2 =	vnsel vm7, $0x0, v2;
	v20 =	vmul.f32 v11, v3;
	v22 =	vmul.f32 v13, v21  }
0x327: {  	v9 =	vnsel vm6, $0x0, v9;
	v11 =	vmul.f32 v11, v4;
	v13 =	vmul.f32 v13, v17  }
0x328: {  	v23 =	vmul.f32 v8, v16;
	v21 =	vmul.f32 v9, v21;
	v7 =	vadd.f32 v22, v7  }
0x329: {  	v8 =	vmul.f32 v8, v18;
	v9 =	vmul.f32 v9, v17;
	v13 =	vadd.f32 v13, v15  }
0x32a: {  	v15 =	vmul.f32 v2, v16;
	v14 =	vadd.f32 v21, v14;
	v7 =	vadd.f32 v23, v7  }
0x32b: {  	v9 =	vadd.f32 v9, v12;
	v2 =	vmul.f32 v2, v18;
	v8 =	vadd.f32 v8, v13  }
0x32c: {  	v3 =	vmul.f32 v10, v3;
	v12 =	vadd.f32 v15, v14;
	v7 =	vadd.f32 v20, v7  }
0x32d: {  	v4 =	vmul.f32 v10, v4;
	v2 =	vadd.f32 v2, v9;
	v8 =	vadd.f32 v11, v8  }
0x32e: {  	v0 =	vmul.f32 v6, v0;
	v3 =	vadd.f32 v3, v12;
	v7 =	vadd.f32 v19, v7  }
0x32f: {  	v1 =	vmul.f32 v6, v1;
	v2 =	vadd.f32 v4, v2;
	v4 =	vadd.f32 v5, v8  }
0x330: {  	v0 =	vadd.f32 v0, v3;
	[tilespmem:$0x1C2C0] =	vst v7  }
0x331: {  	v1 =	vadd.f32 v1, v2;
	[tilespmem:$0x1C2D0] =	vst v4  }
0x332: {  	[tilespmem:$0x1C2E0] =	vst v0  }
0x333: {  	[tilespmem:$0x1C2F0] =	vst v1  }
0x334: {  	_ =	swait.ge [sflag:s26], $0x8000  }
0x335: {  	[sflag:s26] =	ssyncset.done $0x0  }
0x336: {  	s0 =	simm.s32 $0x0;
	[sflag:s26] =	ssyncadd.s32 $0xFFFF8000  }
0x337: {  	v5 =	vld [tilespmem:s0+$0xC030]  }
0x338: {  	v6 =	vld [tilespmem:s0+$0x10030]  }
0x339: {  	v11 =	vld [tilespmem:s0+$0xC020]  }
0x33a: {  	v10 =	vld [tilespmem:s0+$0x10020]  }
0x33b: {  	v8 =	vld [tilespmem:s0+$0xC010]  }
0x33c: {  	v2 =	vld [tilespmem:s0+$0x10010]  }
0x33d: {  	v13 =	vld [tilespmem:s0+$0xC000]  }
0x33e: {  	v0 =	vld [tilespmem:s0+$0x4030]  }
0x33f: {  	v9 =	vld [tilespmem:s0+$0x10000]  }
0x340: {  	v15 =	vimm.f32 $0.0e+00;
	v14 =	vimm.f32 $0.0e+00;
	v1 =	vld [tilespmem:s0+$0x8030]  }
0x341: {  	v12 =	vimm.f32 $0.0e+00;
	v7 =	vimm.f32 $0.0e+00;
	v3 =	vld [tilespmem:s0+$0x4020];
	v21 =	vand.u32 $0x7FFFFFFF, v5  }
0x342: {  	v4 =	vld [tilespmem:s0+$0x8020];
	v17 =	vand.u32 $0x7FFFFFFF, v11;
	v18 =	vand.u32 $0x7FFFFFFF, v10;
	v22 =	vand.u32 $0x7FFFFFFF, v6  }
0x343: {  	s1 =	simm.s32 $0x200;
	v16 =	vld [tilespmem:s0+$0x4010];
	v19 =	vand.u32 $0x7FFFFFFF, v13;
	v23 =	vand.u32 $0x7FFFFFFF, v8;
	v20 =	vand.u32 $0x7FFFFFFF, v2  }
.LBB2_28:
0x344: {  	p0 =	sne.s32 s1, $0xFE00;
	v24 =	vand.u32 $0x7FFFFFFF, v9;
	v25 =	vld [tilespmem:s0+$0x8010];
	vm0 =	vgt.f32 v21, $9.999999930e-09;
	vm1 =	vgt.f32 v22, $9.999999930e-09  }
0x345: {  	vm2 =	vgt.f32 v23, $9.999999930e-09;
	vm3 =	vgt.f32 v17, $9.999999930e-09;
	vm4 =	vgt.f32 v18, $9.999999930e-09;
	v21 =	vld [tilespmem:s0+$0x4000]  }
0x346: {  	vm5 =	vgt.f32 v19, $9.999999930e-09;
	vm7 =	vgt.f32 v20, $9.999999930e-09;
	vm6 =	vgt.f32 v24, $9.999999930e-09;
	v17 =	vld [tilespmem:s0+$0x8000]  }
0x347: {  	v11 =	vnsel vm3, $0x0, v11;
	v5 =	vnsel vm0, $0x0, v5;
	v18 =	vnsel vm1, $0x0, v6  }
0x348: {  	v19 =	vnsel vm4, $0x0, v10;
	v20 =	vmul.f32 v5, v0;
	v22 =	vmul.f32 v5, v1  }
0x349: {  	s0 =	sshra.s32 s1, $0x2;
	v5 =	vnsel vm2, $0x0, v8;
	v23 =	vmul.f32 v11, v3;
	v24 =	vmul.f32 v11, v4  }
0x34a: {  	v6 =	vnsel vm5, $0x0, v13;
	v13 =	vmul.f32 v5, v16;
	v27 =	vmul.f32 v5, v25;
	v26 =	vld [tilespmem:s0+$0x4030]  }
0x34b: {  	v9 =	vnsel vm6, $0x0, v9;
	v8 =	vmul.f32 v6, v21;
	v5 =	vld [tilespmem:s0+$0xC030];
	v10 =	vmul.f32 v6, v17  }
0x34c: {  	v2 =	vnsel vm7, $0x0, v2;
	v21 =	vmul.f32 v9, v21;
	v9 =	vmul.f32 v9, v17;
	v6 =	vld [tilespmem:s0+$0x10030]  }
0x34d: {  	v16 =	vmul.f32 v2, v16;
	v7 =	vadd.f32 v8, v7;
	v11 =	vld [tilespmem:s0+$0xC020];
	v15 =	vadd.f32 v10, v15  }
0x34e: {  	v14 =	vadd.f32 v21, v14;
	v9 =	vadd.f32 v9, v12;
	v12 =	vmul.f32 v2, v25;
	v10 =	vld [tilespmem:s0+$0x10020]  }
0x34f: {  	v3 =	vmul.f32 v19, v3;
	v7 =	vadd.f32 v13, v7;
	v8 =	vld [tilespmem:s0+$0xC010];
	v15 =	vadd.f32 v27, v15  }
0x350: {  	v4 =	vmul.f32 v19, v4;
	v14 =	vadd.f32 v16, v14;
	v12 =	vadd.f32 v12, v9;
	v2 =	vld [tilespmem:s0+$0x10010]  }
0x351: {  	v16 =	vmul.f32 v18, v0;
	v0 =	vmovc v26;
	v7 =	vadd.f32 v23, v7;
	v13 =	vld [tilespmem:s0+$0xC000];
	v15 =	vadd.f32 v24, v15  }
.Ltmp13:
0x352: {  	v14 =	vadd.f32 v3, v14;
	v4 =	vadd.f32 v4, v12;
	v12 =	vmul.f32 v18, v1;
	v9 =	vld [tilespmem:s0+$0x10000];
	(pc) =	sbr.rel @p0 .LBB2_28-.Ltmp13, $4  }
0x353: {  	v7 =	vadd.f32 v20, v7;
	v1 =	vld [tilespmem:s0+$0x8030];
	v15 =	vadd.f32 v22, v15  }
0x354: {  	v21 =	vand.u32 $0x7FFFFFFF, v5;
	v14 =	vadd.f32 v16, v14;
	v12 =	vadd.f32 v12, v4;
	v3 =	vld [tilespmem:s0+$0x4020]  }
0x355: {  	v17 =	vand.u32 $0x7FFFFFFF, v11;
	v18 =	vand.u32 $0x7FFFFFFF, v10;
	v22 =	vand.u32 $0x7FFFFFFF, v6;
	v4 =	vld [tilespmem:s0+$0x8020]  }
0x356: {  	s1 =	sadd.s32 $0x200, s1;
	v23 =	vand.u32 $0x7FFFFFFF, v8;
	v20 =	vand.u32 $0x7FFFFFFF, v2;
	v19 =	vand.u32 $0x7FFFFFFF, v13;
	v16 =	vld [tilespmem:s0+$0x4010]  }
0x357: {  	v24 =	vand.u32 $0x7FFFFFFF, v9;
	vm0 =	vgt.f32 v21, $9.999999930e-09  }
0x358: {  	vm1 =	vgt.f32 v22, $9.999999930e-09;
	v49 =	vld [tilespmem:s0+$0x4000];
	vm2 =	vgt.f32 v23, $9.999999930e-09;
	vm3 =	vgt.f32 v17, $9.999999930e-09  }
0x359: {  	vm4 =	vgt.f32 v18, $9.999999930e-09;
	v50 =	vld [tilespmem:s0+$0x8000];
	vm5 =	vgt.f32 v19, $9.999999930e-09;
	vm7 =	vgt.f32 v20, $9.999999930e-09  }
0x35a: {  	vm6 =	vgt.f32 v24, $9.999999930e-09;
	v11 =	vnsel vm3, $0x0, v11;
	v5 =	vnsel vm0, $0x0, v5  }
0x35b: {  	v51 =	vld [tilespmem:s0+$0x8010];
	v6 =	vnsel vm1, $0x0, v6;
	v10 =	vnsel vm4, $0x0, v10;
	v13 =	vnsel vm5, $0x0, v13  }
0x35c: {  	v8 =	vnsel vm2, $0x0, v8;
	v52 =	vmul.f32 v5, v0;
	v5 =	vmul.f32 v5, v1  }
0x35d: {  	v2 =	vnsel vm7, $0x0, v2;
	v53 =	vmul.f32 v11, v3;
	v54 =	vmul.f32 v13, v49  }
0x35e: {  	v56 =	vnsel vm6, $0x0, v9;
	v11 =	vmul.f32 v11, v4;
	v13 =	vmul.f32 v13, v50  }
0x35f: {  	v55 =	vmul.f32 v8, v16;
	v21 =	vmul.f32 v56, v49;
	v7 =	vadd.f32 v54, v7  }
0x360: {  	v8 =	vmul.f32 v8, v51;
	v9 =	vmul.f32 v56, v50;
	v13 =	vadd.f32 v13, v15  }
0x361: {  	v57 =	vmul.f32 v2, v16;
	v14 =	vadd.f32 v21, v14;
	v7 =	vadd.f32 v55, v7  }
0x362: {  	v2 =	vmul.f32 v2, v51;
	v9 =	vadd.f32 v9, v12;
	v8 =	vadd.f32 v8, v13  }
0x363: {  	v58 =	vmul.f32 v10, v3;
	v59 =	vadd.f32 v57, v14;
	v7 =	vadd.f32 v53, v7  }
0x364: {  	v60 =	vmul.f32 v10, v4;
	v2 =	vadd.f32 v2, v9;
	v8 =	vadd.f32 v11, v8  }
0x365: {  	v61 =	vmul.f32 v6, v0;
	v3 =	vadd.f32 v58, v59;
	v7 =	vadd.f32 v52, v7  }
0x366: {  	v62 =	vmul.f32 v6, v1;
	v2 =	vadd.f32 v60, v2;
	v63 =	vadd.f32 v5, v8  }
0x367: {  	v0 =	vadd.f32 v61, v3;
	[tilespmem:$0x1C300] =	vst v7  }
0x368: {  	s31 =	sadd.s32 $0x1, s31;
	v1 =	vadd.f32 v62, v2;
	[tilespmem:$0x1C310] =	vst v63  }
0x369: {  	p0 =	sne.s32 s31, s20;
	[tilespmem:$0x1C320] =	vst v0  }
.Ltmp14:
0x36a: {  	s30 =	simm.s32 $0x1C000;
	[tilespmem:$0x1C330] =	vst v1;
	(pc) =	sbr.rel @p0 .LBB2_1-.Ltmp14, $4  }
0x36b: {  	[hbm4b:s19+s2] =	stream.linear.scatter [tilespmem:s30], [sflag:$0x3], $0x800, $0x38;
	[tilespmem:$0x1C800] =	vst v63  }
0x36c: {  	_ =	swait.ge [sflag:s21], $0x800  }
0x36d: {  	[sflag:s21] =	ssyncset.done $0x0  }
0x36e: {  	[sflag:s21] =	ssyncadd.s32 $0xFFFFF800  }
0x36f: {  	_ =	sfence.sel $0x180000  }
0x370: {  	[bflag:$0x0] =	sbarrier.arrive $0xFFFF  }
0x371: {  	_ =	strace $0x90000047  }
0x372: {  	s0 =	stileid.u32;
	[bflag:$0x2] =	sbarrier.arrive $0xFFFF  }
0x373: {  	p0 =	sne.s32 s0, $0x0;
	s0 =	rddreg [dreg:$0x4]  }
0x374: {  	s0 =	sadd.s32 @!p0 $0x100000, s0  }
0x375: {  	[sflag:s0] =	ssyncadd.tile.s32 @!p0 $0x1;
	_ =	shalt  }
.Lfunc_end2:
_tile_overlayer_lowered:
.L_overlay_start_2:
0x376: {  	(tag) =	ssettag $0x2  }
0x377: {  	s0 =	rddreg [dreg:$0x0];
	s2 =	stileid.u32  }
0x378: {  	s1 =	rddreg [dreg:$0x1];
	p0 =	sne.s32 s2, $0x0  }
0x379: {  	s3 =	rddreg [dreg:$0x2];
	[bflag:$0x3] =	sbarrier.arrive $0xFFFF;
	s2 =	simm.s32 @!p0 $0x1C03  }
0x37a: {  	[timem:s3], [sflag:s2] =	dma.local @!p0 [hbm:s0], s1  }
0x37b: {  	s0 =	simm.s32 @!p0 $0x3  }
0x37c: {  	_ =	swait.ge @!p0 [sflag:s0], s1  }
0x37d: {  	s1 =	ssub.s32 @!p0 $0x0, s1;
	[sflag:s0] =	ssyncset.done @!p0 $0x0  }
0x37e: {  	[sflag:s0] =	ssyncadd.s32 @!p0 s1  }
0x37f: {  	[bflag:$0x3] =	sbarrier.arrive $0xFFFF  }
0x380: {  	_ =	shalt  }

</sc_bundles>
